<compile_context>
chip_gen: v7x
topology: tpu7x:2x2x1
jax: 0.10.2.dev20260603
libtpu: 0.0.44.dev20260713+nightly
codegen_flags: <defaults>
</compile_context>

<pallas_src>
import functools

import jax
import jax.numpy as jnp
from jax import lax
from jax.experimental import pallas as pl
from jax.experimental.pallas import tpu as pltpu
from jax.experimental.pallas import tpu_sc as plsc

N = 10000
E = 320000
D = 128
NC, NS = 2, 16
NW = NC * NS
EPT = E // NW
K = 80
NCHUNK = EPT // K
RB = 640


def _row_start(s):
    return pl.multiple_of(jnp.minimum(s * RB, N - RB), 8)

_mesh = plsc.VectorSubcoreMesh(
    core_axis_name="c", subcore_axis_name="s", num_cores=NC, num_subcores=NS
)


def _zeros16():
    return jnp.zeros((16,), jnp.float32)


@functools.partial(
    pl.kernel,
    out_type=jax.ShapeDtypeStruct((4 * N,), jnp.float32),
    mesh=_mesh,
    scratch_types=[
        pltpu.VMEM((NCHUNK, K), jnp.int32),
        pltpu.VMEM((NCHUNK, K), jnp.int32),
        pltpu.VMEM((K,), jnp.float32),
        pltpu.VMEM((RB,), jnp.float32),
        pltpu.VMEM((N,), jnp.float32),
        pltpu.VMEM_SHARED((N,), jnp.float32),
        pltpu.VMEM_SHARED((N,), jnp.float32),
        pltpu.SemaphoreType.DMA,
        pltpu.SemaphoreType.DMA,
    ],
)
def _sc_counts(ii_hbm, out_hbm, i0_v, i1_v, ones_v, zb_v, stage_v,
               c0_sh, c1_sh, csem0, csem1):
    c = lax.axis_index("c")
    s = lax.axis_index("s")
    wid = c * NS + s

    for j in range(K // 16):
        ones_v[pl.ds(j * 16, 16)] = jnp.ones((16,), jnp.float32)

    @pl.loop(0, RB // 16)
    def _zf(i):
        zb_v[pl.ds(i * 16, 16)] = _zeros16()

    start = _row_start(s)
    pltpu.sync_copy(zb_v, c0_sh.at[pl.ds(start, RB)])
    pltpu.sync_copy(zb_v, c1_sh.at[pl.ds(start, RB)])
    pltpu.sync_copy(ii_hbm.at[0, wid], i0_v)
    pltpu.sync_copy(ii_hbm.at[1, wid], i1_v)

    plsc.subcore_barrier()

    @pl.loop(0, NCHUNK)
    def _body(g):
        pltpu.async_copy(ones_v, c0_sh.at[i0_v.at[g]], csem0, add=True)
        pltpu.async_copy(ones_v, c1_sh.at[i1_v.at[g]], csem1, add=True)

    pltpu.make_async_copy(out_hbm.at[pl.ds(0, N)], stage_v, csem0).wait()
    pltpu.make_async_copy(out_hbm.at[pl.ds(0, N)], stage_v, csem1).wait()

    plsc.subcore_barrier()

    @pl.when(s == 0)
    def _drain():
        pltpu.sync_copy(c0_sh, stage_v)
        pltpu.sync_copy(stage_v, out_hbm.at[pl.ds((2 * c) * N, N)])
        pltpu.sync_copy(c1_sh, stage_v)
        pltpu.sync_copy(stage_v, out_hbm.at[pl.ds((2 * c + 1) * N, N)])


def _make_seg(gr, sr):
    @functools.partial(
        pl.kernel,
        out_type=jax.ShapeDtypeStruct((2 * N, D), jnp.float32),
        mesh=_mesh,
        scratch_types=[
            pltpu.VMEM((NCHUNK, K), jnp.int32),
            pltpu.VMEM((K,), jnp.int32),
            pltpu.VMEM((K,), jnp.int32),
            pltpu.VMEM((K, D), jnp.float32),
            pltpu.VMEM((K, D), jnp.float32),
            pltpu.VMEM_SHARED((N, D), jnp.float32),
            pltpu.SemaphoreType.DMA,
            pltpu.SemaphoreType.DMA,
            pltpu.SemaphoreType.DMA,
            pltpu.SemaphoreType.DMA,
        ],
    )
    def seg(table_hbm, ii_hbm, out_hbm, si_v, gi0_v, gi1_v,
            rows0_v, rows1_v, acc_sh, sem0, sem1, isem0, isem1):
        c = lax.axis_index("c")
        s = lax.axis_index("s")
        wid = c * NS + s

        @pl.loop(0, K)
        def _zf(i):
            for j in range(D // 16):
                rows1_v[i, pl.ds(j * 16, 16)] = _zeros16()

        start = _row_start(s)
        for t in range(8):
            pltpu.async_copy(rows1_v, acc_sh.at[pl.ds(start + t * K, K)], isem1)

        pltpu.sync_copy(ii_hbm.at[sr, wid], si_v)
        pltpu.sync_copy(ii_hbm.at[gr, wid, 0], gi0_v)
        pltpu.sync_copy(ii_hbm.at[gr, wid, 1], gi1_v)
        pltpu.async_copy(table_hbm.at[gi0_v], rows0_v, sem0)

        for t in range(8):
            pltpu.make_async_copy(rows1_v, acc_sh.at[pl.ds(start, K)], isem1).wait()
        pltpu.async_copy(table_hbm.at[gi1_v], rows1_v, sem1)

        plsc.subcore_barrier()

        @pl.loop(0, NCHUNK - 1, step=2)
        def _body(g):
            pltpu.make_async_copy(table_hbm.at[gi0_v], rows0_v, sem0).wait()
            pltpu.async_copy(ii_hbm.at[gr, wid, g + 2], gi0_v, isem0)
            pltpu.sync_copy(rows0_v, acc_sh.at[si_v.at[g]], add=True)
            pltpu.make_async_copy(ii_hbm.at[gr, wid, 0], gi0_v, isem0).wait()
            pltpu.async_copy(table_hbm.at[gi0_v], rows0_v, sem0)
            pltpu.make_async_copy(table_hbm.at[gi1_v], rows1_v, sem1).wait()

            @pl.when(g + 3 < NCHUNK)
            def _pf():
                pltpu.async_copy(ii_hbm.at[gr, wid, g + 3], gi1_v, isem1)

            pltpu.sync_copy(rows1_v, acc_sh.at[si_v.at[g + 1]], add=True)

            @pl.when(g + 3 < NCHUNK)
            def _g3():
                pltpu.make_async_copy(ii_hbm.at[gr, wid, 0], gi1_v, isem1).wait()
                pltpu.async_copy(table_hbm.at[gi1_v], rows1_v, sem1)

        pltpu.make_async_copy(table_hbm.at[gi0_v], rows0_v, sem0).wait()
        pltpu.sync_copy(rows0_v, acc_sh.at[si_v.at[NCHUNK - 1]], add=True)

        plsc.subcore_barrier()
        pltpu.sync_copy(
            acc_sh.at[pl.ds(start, RB)],
            out_hbm.at[pl.ds(c * N + start, RB)],
        )

    return seg


_seg_a = _make_seg(0, 1)
_seg_b = _make_seg(1, 0)


BLK = 1000


def _mm_body(x_ref, w_ref, o_ref):
    o_ref[...] = jnp.dot(x_ref[...], w_ref[...], preferred_element_type=jnp.float32)


def _tc_mm(x, w):
    return pl.pallas_call(
        _mm_body,
        grid=(N // BLK,),
        in_specs=[
            pl.BlockSpec((BLK, D), lambda i: (i, 0)),
            pl.BlockSpec((D, D), lambda i: (0, 0)),
        ],
        out_specs=pl.BlockSpec((BLK, D), lambda i: (i, 0)),
        out_shape=jax.ShapeDtypeStruct((N, D), jnp.float32),
    )(x, w)


def _recips_body(c_ref, o_ref):
    tot = c_ref[0:1, :] + c_ref[1:2, :]
    o_ref[...] = jnp.where(tot > 0, 1.0 / tot, 0.0)


def _tc_recips(cnts):
    return pl.pallas_call(
        _recips_body,
        out_shape=jax.ShapeDtypeStruct((1, 2 * N), jnp.float32),
    )(cnts)


def _comb_e_body(p0_ref, p1_ref, r_ref, o_ref):
    o_ref[...] = (p0_ref[...] + p1_ref[...]) * r_ref[...]


_P0 = pl.BlockSpec((BLK, D), lambda i: (i, 0))
_P1 = pl.BlockSpec((BLK, D), lambda i: (N // BLK + i, 0))


def _tc_comb_e(p, r):
    return pl.pallas_call(
        _comb_e_body,
        grid=(N // BLK,),
        in_specs=[
            _P0,
            _P1,
            pl.BlockSpec((BLK, 1), lambda i: (i, 0)),
        ],
        out_specs=pl.BlockSpec((BLK, D), lambda i: (i, 0)),
        out_shape=jax.ShapeDtypeStruct((N, D), jnp.float32),
    )(p, p, r)


def _hmm_body(q0_ref, q1_ref, r_ref, b_ref, w_ref, o_ref):
    h = (q0_ref[...] + q1_ref[...]) * r_ref[...] + b_ref[...]
    h = jnp.where(h > 0, h, jnp.exp(h) - 1.0)
    o_ref[...] = jnp.dot(h, w_ref[...], preferred_element_type=jnp.float32)


def _tc_hmm(q, r, b, w):
    return pl.pallas_call(
        _hmm_body,
        grid=(N // BLK,),
        in_specs=[
            _P0,
            _P1,
            pl.BlockSpec((BLK, 1), lambda i: (i, 0)),
            pl.BlockSpec((1, D), lambda i: (0, 0)),
            pl.BlockSpec((D, D), lambda i: (0, 0)),
        ],
        out_specs=pl.BlockSpec((BLK, D), lambda i: (i, 0)),
        out_shape=jax.ShapeDtypeStruct((N, D), jnp.float32),
    )(q, q, r, b, w)


def _fin_body(q0_ref, q1_ref, r_ref, b_ref, o_ref):
    o_ref[...] = (q0_ref[...] + q1_ref[...]) * r_ref[...] + b_ref[...]


def _tc_final(q, r, b):
    return pl.pallas_call(
        _fin_body,
        grid=(N // BLK,),
        in_specs=[
            _P0,
            _P1,
            pl.BlockSpec((BLK, 1), lambda i: (i, 0)),
            pl.BlockSpec((1, D), lambda i: (0, 0)),
        ],
        out_specs=pl.BlockSpec((BLK, D), lambda i: (i, 0)),
        out_shape=jax.ShapeDtypeStruct((N, D), jnp.float32),
    )(q, q, r, b)


def kernel(x, hyperedge_index, W1, b1, W2, b2):
    ii = hyperedge_index.reshape(2, NW, NCHUNK, K)

    cnts = _sc_counts(ii).reshape(2, 2 * N)
    recips = _tc_recips(cnts).reshape(2, N)
    rD = recips[0].reshape(N, 1)
    rB = recips[1].reshape(N, 1)

    b1r = b1.reshape(1, D)
    b2r = b2.reshape(1, D)

    xw1 = _tc_mm(x, W1)
    p1 = _seg_a(xw1, ii)
    e1 = _tc_comb_e(p1, rB)
    q1 = _seg_b(e1, ii)
    xw2 = _tc_hmm(q1, rD, b1r, W2)
    p2 = _seg_a(xw2, ii)
    e2 = _tc_comb_e(p2, rB)
    q2 = _seg_b(e2, ii)
    out = _tc_final(q2, rD, b2r)
    return (out, e2)

# --- scband reference (transcript-rebuilt; emitter-appended) ---
"""Pipeline reference for scband-hcha-67619965108619 (READ-ONLY COPY).

The authoritative reference and input builder live on the scoring server;
editing this copy changes nothing except your own understanding.
"""

import jax, jax.numpy as jnp
import numpy as np


def _hconv(x, idx0, idx1, W, b, N, M):
    # HypergraphConv forward (symdegnorm=False, use_attention=False, heads=1)
    E = idx0.shape[0]
    xw = x @ W
    hyperedge_weight = jnp.ones((M,), dtype=x.dtype)
    D = jax.ops.segment_sum(hyperedge_weight[idx1], idx0, num_segments=N)
    D = jnp.where(D > 0, 1.0 / D, 0.0)
    B = jax.ops.segment_sum(jnp.ones((E,), dtype=x.dtype), idx1, num_segments=M)
    B = jnp.where(B > 0, 1.0 / B, 0.0)
    # flow source_to_target: aggregate node messages into hyperedges
    edge_embed = jax.ops.segment_sum(B[idx1][:, None] * xw[idx0], idx1, num_segments=M)
    # flow target_to_source: aggregate hyperedge embeddings back to nodes
    out = jax.ops.segment_sum(D[idx0][:, None] * edge_embed[idx1], idx0, num_segments=N)
    out = out + b
    return out, edge_embed


def setup_inputs(seed: int = 0):
    key = jax.random.key(seed)
    k1, k2, k3, k4, k5, k6 = jax.random.split(key, 6)
    N, E, d_in, d_hid, d_out = 10000, 320000, 128, 128, 128
    x = jax.random.normal(k1, (N, d_in), dtype=jnp.float32)
    hyperedge_index = jax.random.randint(k2, (2, E), 0, N, dtype=jnp.int32)
    g1 = float(np.sqrt(6.0 / (d_in + d_hid)))
    g2 = float(np.sqrt(6.0 / (d_hid + d_out)))
    W1 = jax.random.uniform(k3, (d_in, d_hid), dtype=jnp.float32, minval=-g1, maxval=g1)
    b1 = jnp.zeros((d_hid,), dtype=jnp.float32)
    W2 = jax.random.uniform(k4, (d_hid, d_out), dtype=jnp.float32, minval=-g2, maxval=g2)
    b2 = jnp.zeros((d_out,), dtype=jnp.float32)
    return {"x": x, "hyperedge_index": hyperedge_index, "W1": W1, "b1": b1, "W2": W2, "b2": b2}


def reference(x, hyperedge_index, W1, b1, W2, b2):
    idx0 = hyperedge_index[0]
    idx1 = hyperedge_index[1]
    N = x.shape[0]
    M = x.shape[0]
    # layer 1 + ELU (dropout p=0.0 -> identity)
    h, e1 = _hconv(x, idx0, idx1, W1, b1, N, M)
    h = jax.nn.elu(h)
    # layer 2
    out, e2 = _hconv(h, idx0, idx1, W2, b2, N, M)
    return (out, e2)

if __name__ == "__main__":
    import jax
    _d = setup_inputs()
    print(jax.jit(kernel)(*tuple(_d.values())))

</pallas_src>

<mosaic_0001>
#map = affine_map<(d0, d1) -> (0, 0, 0, 0)>
#map1 = affine_map<(d0, d1) -> (0)>
module attributes {stable_mosaic.version = 14 : i64} {
  func.func @_sc_counts(%arg0: i32, %arg1: i32, %arg2: memref<2x32x125x80xi32, #tpu.memory_space<hbm>>, %arg3: memref<40000xf32, #tpu.memory_space<hbm>>, %arg4: memref<125x80xi32, #tpu.memory_space<vmem>>, %arg5: memref<125x80xi32, #tpu.memory_space<vmem>>, %arg6: memref<80xf32, #tpu.memory_space<vmem>>, %arg7: memref<640xf32, #tpu.memory_space<vmem>>, %arg8: memref<10000xf32, #tpu.memory_space<vmem>>, %arg9: memref<10000xf32, #tpu.memory_space<vmem_shared>>, %arg10: memref<10000xf32, #tpu.memory_space<vmem_shared>>, %arg11: memref<!tpu.dma_semaphore, #tpu.memory_space<semaphore_mem>>, %arg12: memref<!tpu.dma_semaphore, #tpu.memory_space<semaphore_mem>>) attributes {dimension_semantics = [#tpu.dimension_semantics<core_parallel>, #tpu.dimension_semantics<subcore_parallel>], iteration_bounds = array<i64: 2, 16>, scalar_prefetch = 0 : i64, scratch_operands = 9 : i64, tpu.core_type = #tpu.core_type<sc_vector_subcore>, window_params = [{transform_indices = #map}, {transform_indices = #map1}]} {
    %mul3A = arith.constant 16 : i32
    %mul3A_0 = arith.muli %arg0, %mul3A : i32
    %add3A = arith.addi %mul3A_0, %arg1 : i32
    %broadcast_in_dim3A = arith.constant 1.000000e+00 : f32
    %broadcast_in_dim3A_1 = vector.broadcast %broadcast_in_dim3A : f32 to vector<16xf32>
    %swap3A = arith.constant 0 : index
    %swap3A_2 = tpu.vector_load %arg6[%swap3A] {strides = array<i32>} : memref<80xf32, #tpu.memory_space<vmem>>, vector<16xf32>,
    %swap3A_3 = vector.shape_cast %swap3A_2 : vector<16xf32> to vector<16xf32>
    %swap3A_4 = vector.shape_cast %broadcast_in_dim3A_1 : vector<16xf32> to vector<16xf32>
    tpu.vector_store %arg6[%swap3A], %swap3A_4 {strides = array<i32>} : memref<80xf32, #tpu.memory_space<vmem>>, vector<16xf32>,
    %broadcast_in_dim3A_5 = arith.constant 1.000000e+00 : f32
    %broadcast_in_dim3A_6 = vector.broadcast %broadcast_in_dim3A_5 : f32 to vector<16xf32>
    %swap3A_7 = arith.constant 16 : index
    %swap3A_8 = tpu.vector_load %arg6[%swap3A_7] {strides = array<i32>} : memref<80xf32, #tpu.memory_space<vmem>>, vector<16xf32>,
    %swap3A_9 = vector.shape_cast %swap3A_8 : vector<16xf32> to vector<16xf32>
    %swap3A_10 = vector.shape_cast %broadcast_in_dim3A_6 : vector<16xf32> to vector<16xf32>
    tpu.vector_store %arg6[%swap3A_7], %swap3A_10 {strides = array<i32>} : memref<80xf32, #tpu.memory_space<vmem>>, vector<16xf32>,
    %broadcast_in_dim3A_11 = arith.constant 1.000000e+00 : f32
    %broadcast_in_dim3A_12 = vector.broadcast %broadcast_in_dim3A_11 : f32 to vector<16xf32>
    %swap3A_13 = arith.constant 32 : index
    %swap3A_14 = tpu.vector_load %arg6[%swap3A_13] {strides = array<i32>} : memref<80xf32, #tpu.memory_space<vmem>>, vector<16xf32>,
    %swap3A_15 = vector.shape_cast %swap3A_14 : vector<16xf32> to vector<16xf32>
    %swap3A_16 = vector.shape_cast %broadcast_in_dim3A_12 : vector<16xf32> to vector<16xf32>
    tpu.vector_store %arg6[%swap3A_13], %swap3A_16 {strides = array<i32>} : memref<80xf32, #tpu.memory_space<vmem>>, vector<16xf32>,
    %broadcast_in_dim3A_17 = arith.constant 1.000000e+00 : f32
    %broadcast_in_dim3A_18 = vector.broadcast %broadcast_in_dim3A_17 : f32 to vector<16xf32>
    %swap3A_19 = arith.constant 48 : index
    %swap3A_20 = tpu.vector_load %arg6[%swap3A_19] {strides = array<i32>} : memref<80xf32, #tpu.memory_space<vmem>>, vector<16xf32>,
    %swap3A_21 = vector.shape_cast %swap3A_20 : vector<16xf32> to vector<16xf32>
    %swap3A_22 = vector.shape_cast %broadcast_in_dim3A_18 : vector<16xf32> to vector<16xf32>
    tpu.vector_store %arg6[%swap3A_19], %swap3A_22 {strides = array<i32>} : memref<80xf32, #tpu.memory_space<vmem>>, vector<16xf32>,
    %broadcast_in_dim3A_23 = arith.constant 1.000000e+00 : f32
    %broadcast_in_dim3A_24 = vector.broadcast %broadcast_in_dim3A_23 : f32 to vector<16xf32>
    %swap3A_25 = arith.constant 64 : index
    %swap3A_26 = tpu.vector_load %arg6[%swap3A_25] {strides = array<i32>} : memref<80xf32, #tpu.memory_space<vmem>>, vector<16xf32>,
    %swap3A_27 = vector.shape_cast %swap3A_26 : vector<16xf32> to vector<16xf32>
    %swap3A_28 = vector.shape_cast %broadcast_in_dim3A_24 : vector<16xf32> to vector<16xf32>
    tpu.vector_store %arg6[%swap3A_25], %swap3A_28 {strides = array<i32>} : memref<80xf32, #tpu.memory_space<vmem>>, vector<16xf32>,
    %scan3A = arith.constant 0 : i32
    %scan3A_29 = arith.constant 40 : i32
    %scan3A_30 = arith.addi %scan3A, %scan3A_29 : i32
    %scan3A_31 = arith.constant 1 : i32
    scf.for %scan3A_52 = %scan3A to %scan3A_30 step %scan3A_31  : i32 {
      %mul3A_53 = arith.constant 1 : i32
      %mul3A_54 = arith.muli %scan3A_52, %mul3A_53 : i32
      %add3A_55 = arith.constant 0 : i32
      %add3A_56 = arith.addi %add3A_55, %mul3A_54 : i32
      %broadcast_in_dim3A_57 = arith.constant 0.000000e+00 : f32
      %broadcast_in_dim3A_58 = vector.broadcast %broadcast_in_dim3A_57 : f32 to vector<16xf32>
      %mul3A_59 = arith.constant 16 : i32
      %mul3A_60 = arith.muli %add3A_56, %mul3A_59 : i32
      %swap3A_61 = arith.index_cast %mul3A_60 : i32 to index
      %swap3A_62 = tpu.vector_load %arg7[%swap3A_61] {strides = array<i32>} : memref<640xf32, #tpu.memory_space<vmem>>, vector<16xf32>,
      %swap3A_63 = vector.shape_cast %swap3A_62 : vector<16xf32> to vector<16xf32>
      %swap3A_64 = vector.shape_cast %broadcast_in_dim3A_58 : vector<16xf32> to vector<16xf32>
      tpu.vector_store %arg7[%swap3A_61], %swap3A_64 {strides = array<i32>} : memref<640xf32, #tpu.memory_space<vmem>>, vector<16xf32>,
    }
    %scan3A_32 = arith.constant 40 : i32
    %mul3A_33 = arith.constant 640 : i32
    %mul3A_34 = arith.muli %arg1, %mul3A_33 : i32
    %min3A = arith.constant 9360 : i32
    %min3A_35 = arith.minsi %mul3A_34, %min3A : i32
    %multiple_of3A = tpu.assume_multiple %min3A_35, 8 : i32
    "tpu.region"() ({
      %run_scoped3A_52 = tpu.sem_alloc : memref<!tpu.dma_semaphore, #tpu.memory_space<semaphore_mem>>
      %dma_start3A = tpu.memref_slice %arg9[%multiple_of3A] : memref<10000xf32, #tpu.memory_space<vmem_shared>> -> memref<640xf32, #tpu.memory_space<vmem_shared>>
      %dma_start3A_53 = tpu.memref_slice %arg9[%multiple_of3A] : memref<10000xf32, #tpu.memory_space<vmem_shared>> -> memref<640xf32, #tpu.memory_space<vmem_shared>>
      tpu.enqueue_dma source(%arg7 : memref<640xf32, #tpu.memory_space<vmem>>) target(%dma_start3A_53 : memref<640xf32, #tpu.memory_space<vmem_shared>>) target_semaphore(%run_scoped3A_52 : memref<!tpu.dma_semaphore, #tpu.memory_space<semaphore_mem>>)
      %dma_wait3A_54 = tpu.memref_slice %arg9[%multiple_of3A] : memref<10000xf32, #tpu.memory_space<vmem_shared>> -> memref<640xf32, #tpu.memory_space<vmem_shared>>
      %dma_wait3A_55 = tpu.memref_slice %arg9[%multiple_of3A] : memref<10000xf32, #tpu.memory_space<vmem_shared>> -> memref<640xf32, #tpu.memory_space<vmem_shared>>
      tpu.wait_dma2 semaphore(%run_scoped3A_52 : memref<!tpu.dma_semaphore, #tpu.memory_space<semaphore_mem>>) src(%arg7 : memref<640xf32, #tpu.memory_space<vmem>>) dst(%dma_wait3A_55 : memref<640xf32, #tpu.memory_space<vmem_shared>>)
      tpu.yield
    }) : () -> ()
    "tpu.region"() ({
      %run_scoped3A_52 = tpu.sem_alloc : memref<!tpu.dma_semaphore, #tpu.memory_space<semaphore_mem>>
      %dma_start3A = tpu.memref_slice %arg10[%multiple_of3A] : memref<10000xf32, #tpu.memory_space<vmem_shared>> -> memref<640xf32, #tpu.memory_space<vmem_shared>>
      %dma_start3A_53 = tpu.memref_slice %arg10[%multiple_of3A] : memref<10000xf32, #tpu.memory_space<vmem_shared>> -> memref<640xf32, #tpu.memory_space<vmem_shared>>
      tpu.enqueue_dma source(%arg7 : memref<640xf32, #tpu.memory_space<vmem>>) target(%dma_start3A_53 : memref<640xf32, #tpu.memory_space<vmem_shared>>) target_semaphore(%run_scoped3A_52 : memref<!tpu.dma_semaphore, #tpu.memory_space<semaphore_mem>>)
      %dma_wait3A_54 = tpu.memref_slice %arg10[%multiple_of3A] : memref<10000xf32, #tpu.memory_space<vmem_shared>> -> memref<640xf32, #tpu.memory_space<vmem_shared>>
      %dma_wait3A_55 = tpu.memref_slice %arg10[%multiple_of3A] : memref<10000xf32, #tpu.memory_space<vmem_shared>> -> memref<640xf32, #tpu.memory_space<vmem_shared>>
      tpu.wait_dma2 semaphore(%run_scoped3A_52 : memref<!tpu.dma_semaphore, #tpu.memory_space<semaphore_mem>>) src(%arg7 : memref<640xf32, #tpu.memory_space<vmem>>) dst(%dma_wait3A_55 : memref<640xf32, #tpu.memory_space<vmem_shared>>)
      tpu.yield
    }) : () -> ()
    %run_scoped3A = arith.constant 0 : i32
    "tpu.region"() ({
      %run_scoped3A_52 = tpu.sem_alloc : memref<!tpu.dma_semaphore, #tpu.memory_space<semaphore_mem>>
      %dma_start3A = arith.constant 0 : i32
      %dma_start3A_53 = arith.constant 0 : i32
      %dma_start3A_54 = tpu.memref_slice %arg2[%run_scoped3A, %add3A, %dma_start3A, %dma_start3A_53] : memref<2x32x125x80xi32, #tpu.memory_space<hbm>> -> memref<1x1x125x80xi32, #tpu.memory_space<hbm>>
      %dma_start3A_55 = tpu.memref_squeeze %dma_start3A_54 : memref<1x1x125x80xi32, #tpu.memory_space<hbm>> -> memref<125x80xi32, #tpu.memory_space<hbm>>
      %dma_start3A_56 = arith.constant 0 : i32
      %dma_start3A_57 = arith.constant 0 : i32
      %dma_start3A_58 = tpu.memref_slice %arg2[%run_scoped3A, %add3A, %dma_start3A_56, %dma_start3A_57] : memref<2x32x125x80xi32, #tpu.memory_space<hbm>> -> memref<1x1x125x80xi32, #tpu.memory_space<hbm>>
      %dma_start3A_59 = tpu.memref_squeeze %dma_start3A_58 : memref<1x1x125x80xi32, #tpu.memory_space<hbm>> -> memref<125x80xi32, #tpu.memory_space<hbm>>
      tpu.enqueue_dma source(%dma_start3A_59 : memref<125x80xi32, #tpu.memory_space<hbm>>) target(%arg4 : memref<125x80xi32, #tpu.memory_space<vmem>>) target_semaphore(%run_scoped3A_52 : memref<!tpu.dma_semaphore, #tpu.memory_space<semaphore_mem>>)
      %dma_wait3A_60 = arith.constant 0 : i32
      %dma_wait3A_61 = arith.constant 0 : i32
      %dma_wait3A_62 = tpu.memref_slice %arg2[%run_scoped3A, %add3A, %dma_wait3A_60, %dma_wait3A_61] : memref<2x32x125x80xi32, #tpu.memory_space<hbm>> -> memref<1x1x125x80xi32, #tpu.memory_space<hbm>>
      %dma_wait3A_63 = tpu.memref_squeeze %dma_wait3A_62 : memref<1x1x125x80xi32, #tpu.memory_space<hbm>> -> memref<125x80xi32, #tpu.memory_space<hbm>>
      %dma_wait3A_64 = arith.constant 0 : i32
      %dma_wait3A_65 = arith.constant 0 : i32
      %dma_wait3A_66 = tpu.memref_slice %arg2[%run_scoped3A, %add3A, %dma_wait3A_64, %dma_wait3A_65] : memref<2x32x125x80xi32, #tpu.memory_space<hbm>> -> memref<1x1x125x80xi32, #tpu.memory_space<hbm>>
      %dma_wait3A_67 = tpu.memref_squeeze %dma_wait3A_66 : memref<1x1x125x80xi32, #tpu.memory_space<hbm>> -> memref<125x80xi32, #tpu.memory_space<hbm>>
      tpu.wait_dma2 semaphore(%run_scoped3A_52 : memref<!tpu.dma_semaphore, #tpu.memory_space<semaphore_mem>>) src(%dma_wait3A_67 : memref<125x80xi32, #tpu.memory_space<hbm>>) dst(%arg4 : memref<125x80xi32, #tpu.memory_space<vmem>>)
      tpu.yield
    }) : () -> ()
    %run_scoped3A_36 = arith.constant 1 : i32
    "tpu.region"() ({
      %run_scoped3A_52 = tpu.sem_alloc : memref<!tpu.dma_semaphore, #tpu.memory_space<semaphore_mem>>
      %dma_start3A = arith.constant 0 : i32
      %dma_start3A_53 = arith.constant 0 : i32
      %dma_start3A_54 = tpu.memref_slice %arg2[%run_scoped3A_36, %add3A, %dma_start3A, %dma_start3A_53] : memref<2x32x125x80xi32, #tpu.memory_space<hbm>> -> memref<1x1x125x80xi32, #tpu.memory_space<hbm>>
      %dma_start3A_55 = tpu.memref_squeeze %dma_start3A_54 : memref<1x1x125x80xi32, #tpu.memory_space<hbm>> -> memref<125x80xi32, #tpu.memory_space<hbm>>
      %dma_start3A_56 = arith.constant 0 : i32
      %dma_start3A_57 = arith.constant 0 : i32
      %dma_start3A_58 = tpu.memref_slice %arg2[%run_scoped3A_36, %add3A, %dma_start3A_56, %dma_start3A_57] : memref<2x32x125x80xi32, #tpu.memory_space<hbm>> -> memref<1x1x125x80xi32, #tpu.memory_space<hbm>>
      %dma_start3A_59 = tpu.memref_squeeze %dma_start3A_58 : memref<1x1x125x80xi32, #tpu.memory_space<hbm>> -> memref<125x80xi32, #tpu.memory_space<hbm>>
      tpu.enqueue_dma source(%dma_start3A_59 : memref<125x80xi32, #tpu.memory_space<hbm>>) target(%arg5 : memref<125x80xi32, #tpu.memory_space<vmem>>) target_semaphore(%run_scoped3A_52 : memref<!tpu.dma_semaphore, #tpu.memory_space<semaphore_mem>>)
      %dma_wait3A_60 = arith.constant 0 : i32
      %dma_wait3A_61 = arith.constant 0 : i32
      %dma_wait3A_62 = tpu.memref_slice %arg2[%run_scoped3A_36, %add3A, %dma_wait3A_60, %dma_wait3A_61] : memref<2x32x125x80xi32, #tpu.memory_space<hbm>> -> memref<1x1x125x80xi32, #tpu.memory_space<hbm>>
      %dma_wait3A_63 = tpu.memref_squeeze %dma_wait3A_62 : memref<1x1x125x80xi32, #tpu.memory_space<hbm>> -> memref<125x80xi32, #tpu.memory_space<hbm>>
      %dma_wait3A_64 = arith.constant 0 : i32
      %dma_wait3A_65 = arith.constant 0 : i32
      %dma_wait3A_66 = tpu.memref_slice %arg2[%run_scoped3A_36, %add3A, %dma_wait3A_64, %dma_wait3A_65] : memref<2x32x125x80xi32, #tpu.memory_space<hbm>> -> memref<1x1x125x80xi32, #tpu.memory_space<hbm>>
      %dma_wait3A_67 = tpu.memref_squeeze %dma_wait3A_66 : memref<1x1x125x80xi32, #tpu.memory_space<hbm>> -> memref<125x80xi32, #tpu.memory_space<hbm>>
      tpu.wait_dma2 semaphore(%run_scoped3A_52 : memref<!tpu.dma_semaphore, #tpu.memory_space<semaphore_mem>>) src(%dma_wait3A_67 : memref<125x80xi32, #tpu.memory_space<hbm>>) dst(%arg5 : memref<125x80xi32, #tpu.memory_space<vmem>>)
      tpu.yield
    }) : () -> ()
    %barrier3A = arith.constant 0 : index
    tpu.barrier barrier_id(%barrier3A)
    %scan3A_37 = arith.constant 0 : i32
    %scan3A_38 = arith.constant 125 : i32
    %scan3A_39 = arith.addi %scan3A_37, %scan3A_38 : i32
    %scan3A_40 = arith.constant 1 : i32
    scf.for %scan3A_52 = %scan3A_37 to %scan3A_39 step %scan3A_40  : i32 {
      %mul3A_53 = arith.constant 1 : i32
      %mul3A_54 = arith.muli %scan3A_52, %mul3A_53 : i32
      %add3A_55 = arith.constant 0 : i32
      %add3A_56 = arith.addi %add3A_55, %mul3A_54 : i32
      %dma_start3A = arith.constant 0 : i32
      %dma_start3A_57 = tpu.memref_slice %arg4[%add3A_56, %dma_start3A] : memref<125x80xi32, #tpu.memory_space<vmem>> -> memref<1x80xi32, #tpu.memory_space<vmem>>
      %dma_start3A_58 = tpu.memref_squeeze %dma_start3A_57 : memref<1x80xi32, #tpu.memory_space<vmem>> -> memref<80xi32, #tpu.memory_space<vmem>>
      %dma_start3A_59 = arith.constant 0 : i32
      %dma_start3A_60 = tpu.memref_slice %arg9[%dma_start3A_59] : memref<10000xf32, #tpu.memory_space<vmem_shared>> -> memref<10000xf32, #tpu.memory_space<vmem_shared>>
      tpu.enqueue_indirect_dma source(%arg6 : memref<80xf32, #tpu.memory_space<vmem>>) target(%dma_start3A_60 : memref<10000xf32, #tpu.memory_space<vmem_shared>>) offsets(%dma_start3A_58 : memref<80xi32, #tpu.memory_space<vmem>>) semaphore(%arg11 : memref<!tpu.dma_semaphore, #tpu.memory_space<semaphore_mem>>) {add = true}
      %dma_start3A_61 = arith.constant 0 : i32
      %dma_start3A_62 = tpu.memref_slice %arg5[%add3A_56, %dma_start3A_61] : memref<125x80xi32, #tpu.memory_space<vmem>> -> memref<1x80xi32, #tpu.memory_space<vmem>>
      %dma_start3A_63 = tpu.memref_squeeze %dma_start3A_62 : memref<1x80xi32, #tpu.memory_space<vmem>> -> memref<80xi32, #tpu.memory_space<vmem>>
      %dma_start3A_64 = arith.constant 0 : i32
      %dma_start3A_65 = tpu.memref_slice %arg10[%dma_start3A_64] : memref<10000xf32, #tpu.memory_space<vmem_shared>> -> memref<10000xf32, #tpu.memory_space<vmem_shared>>
      tpu.enqueue_indirect_dma source(%arg6 : memref<80xf32, #tpu.memory_space<vmem>>) target(%dma_start3A_65 : memref<10000xf32, #tpu.memory_space<vmem_shared>>) offsets(%dma_start3A_63 : memref<80xi32, #tpu.memory_space<vmem>>) semaphore(%arg12 : memref<!tpu.dma_semaphore, #tpu.memory_space<semaphore_mem>>) {add = true}
    }
    %scan3A_41 = arith.constant 125 : i32
    %dma_wait3A = arith.constant 0 : i32
    %dma_wait3A_42 = tpu.memref_slice %arg3[%dma_wait3A] : memref<40000xf32, #tpu.memory_space<hbm>> -> memref<10000xf32, #tpu.memory_space<hbm>>
    %dma_wait3A_43 = arith.constant 0 : i32
    %dma_wait3A_44 = tpu.memref_slice %arg3[%dma_wait3A_43] : memref<40000xf32, #tpu.memory_space<hbm>> -> memref<10000xf32, #tpu.memory_space<hbm>>
    tpu.wait_dma2 semaphore(%arg11 : memref<!tpu.dma_semaphore, #tpu.memory_space<semaphore_mem>>) src(%dma_wait3A_44 : memref<10000xf32, #tpu.memory_space<hbm>>) dst(%arg8 : memref<10000xf32, #tpu.memory_space<vmem>>)
    %dma_wait3A_45 = arith.constant 0 : i32
    %dma_wait3A_46 = tpu.memref_slice %arg3[%dma_wait3A_45] : memref<40000xf32, #tpu.memory_space<hbm>> -> memref<10000xf32, #tpu.memory_space<hbm>>
    %dma_wait3A_47 = arith.constant 0 : i32
    %dma_wait3A_48 = tpu.memref_slice %arg3[%dma_wait3A_47] : memref<40000xf32, #tpu.memory_space<hbm>> -> memref<10000xf32, #tpu.memory_space<hbm>>
    tpu.wait_dma2 semaphore(%arg12 : memref<!tpu.dma_semaphore, #tpu.memory_space<semaphore_mem>>) src(%dma_wait3A_48 : memref<10000xf32, #tpu.memory_space<hbm>>) dst(%arg8 : memref<10000xf32, #tpu.memory_space<vmem>>)
    %barrier3A_49 = arith.constant 0 : index
    tpu.barrier barrier_id(%barrier3A_49)
    %eq3A = arith.constant 0 : i32
    %eq3A_50 = arith.cmpi eq, %arg1, %eq3A : i32
    %convert_element_type3A = arith.extui %eq3A_50 : i1 to i32
    %cond3A = arith.constant 0 : i32
    %cond3A_51 = arith.cmpi ne, %convert_element_type3A, %cond3A : i32
    scf.if %cond3A_51 {
      "tpu.region"() ({
        %run_scoped3A_62 = tpu.sem_alloc : memref<!tpu.dma_semaphore, #tpu.memory_space<semaphore_mem>>
        tpu.enqueue_dma source(%arg9 : memref<10000xf32, #tpu.memory_space<vmem_shared>>) target(%arg8 : memref<10000xf32, #tpu.memory_space<vmem>>) target_semaphore(%run_scoped3A_62 : memref<!tpu.dma_semaphore, #tpu.memory_space<semaphore_mem>>)
        tpu.wait_dma2 semaphore(%run_scoped3A_62 : memref<!tpu.dma_semaphore, #tpu.memory_space<semaphore_mem>>) src(%arg9 : memref<10000xf32, #tpu.memory_space<vmem_shared>>) dst(%arg8 : memref<10000xf32, #tpu.memory_space<vmem>>)
        tpu.yield
      }) : () -> ()
      %mul3A_52 = arith.constant 2 : i32
      %mul3A_53 = arith.muli %mul3A_52, %arg0 : i32
      %mul3A_54 = arith.constant 10000 : i32
      %mul3A_55 = arith.muli %mul3A_53, %mul3A_54 : i32
      "tpu.region"() ({
        %run_scoped3A_62 = tpu.sem_alloc : memref<!tpu.dma_semaphore, #tpu.memory_space<semaphore_mem>>
        %dma_start3A = tpu.memref_slice %arg3[%mul3A_55] : memref<40000xf32, #tpu.memory_space<hbm>> -> memref<10000xf32, #tpu.memory_space<hbm>>
        %dma_start3A_63 = tpu.memref_slice %arg3[%mul3A_55] : memref<40000xf32, #tpu.memory_space<hbm>> -> memref<10000xf32, #tpu.memory_space<hbm>>
        tpu.enqueue_dma source(%arg8 : memref<10000xf32, #tpu.memory_space<vmem>>) target(%dma_start3A_63 : memref<10000xf32, #tpu.memory_space<hbm>>) target_semaphore(%run_scoped3A_62 : memref<!tpu.dma_semaphore, #tpu.memory_space<semaphore_mem>>)
        %dma_wait3A_64 = tpu.memref_slice %arg3[%mul3A_55] : memref<40000xf32, #tpu.memory_space<hbm>> -> memref<10000xf32, #tpu.memory_space<hbm>>
        %dma_wait3A_65 = tpu.memref_slice %arg3[%mul3A_55] : memref<40000xf32, #tpu.memory_space<hbm>> -> memref<10000xf32, #tpu.memory_space<hbm>>
        tpu.wait_dma2 semaphore(%run_scoped3A_62 : memref<!tpu.dma_semaphore, #tpu.memory_space<semaphore_mem>>) src(%arg8 : memref<10000xf32, #tpu.memory_space<vmem>>) dst(%dma_wait3A_65 : memref<10000xf32, #tpu.memory_space<hbm>>)
        tpu.yield
      }) : () -> ()
      "tpu.region"() ({
        %run_scoped3A_62 = tpu.sem_alloc : memref<!tpu.dma_semaphore, #tpu.memory_space<semaphore_mem>>
        tpu.enqueue_dma source(%arg10 : memref<10000xf32, #tpu.memory_space<vmem_shared>>) target(%arg8 : memref<10000xf32, #tpu.memory_space<vmem>>) target_semaphore(%run_scoped3A_62 : memref<!tpu.dma_semaphore, #tpu.memory_space<semaphore_mem>>)
        tpu.wait_dma2 semaphore(%run_scoped3A_62 : memref<!tpu.dma_semaphore, #tpu.memory_space<semaphore_mem>>) src(%arg10 : memref<10000xf32, #tpu.memory_space<vmem_shared>>) dst(%arg8 : memref<10000xf32, #tpu.memory_space<vmem>>)
        tpu.yield
      }) : () -> ()
      %mul3A_56 = arith.constant 2 : i32
      %mul3A_57 = arith.muli %mul3A_56, %arg0 : i32
      %add3A_58 = arith.constant 1 : i32
      %add3A_59 = arith.addi %mul3A_57, %add3A_58 : i32
      %mul3A_60 = arith.constant 10000 : i32
      %mul3A_61 = arith.muli %add3A_59, %mul3A_60 : i32
      "tpu.region"() ({
        %run_scoped3A_62 = tpu.sem_alloc : memref<!tpu.dma_semaphore, #tpu.memory_space<semaphore_mem>>
        %dma_start3A = tpu.memref_slice %arg3[%mul3A_61] : memref<40000xf32, #tpu.memory_space<hbm>> -> memref<10000xf32, #tpu.memory_space<hbm>>
        %dma_start3A_63 = tpu.memref_slice %arg3[%mul3A_61] : memref<40000xf32, #tpu.memory_space<hbm>> -> memref<10000xf32, #tpu.memory_space<hbm>>
        tpu.enqueue_dma source(%arg8 : memref<10000xf32, #tpu.memory_space<vmem>>) target(%dma_start3A_63 : memref<10000xf32, #tpu.memory_space<hbm>>) target_semaphore(%run_scoped3A_62 : memref<!tpu.dma_semaphore, #tpu.memory_space<semaphore_mem>>)
        %dma_wait3A_64 = tpu.memref_slice %arg3[%mul3A_61] : memref<40000xf32, #tpu.memory_space<hbm>> -> memref<10000xf32, #tpu.memory_space<hbm>>
        %dma_wait3A_65 = tpu.memref_slice %arg3[%mul3A_61] : memref<40000xf32, #tpu.memory_space<hbm>> -> memref<10000xf32, #tpu.memory_space<hbm>>
        tpu.wait_dma2 semaphore(%run_scoped3A_62 : memref<!tpu.dma_semaphore, #tpu.memory_space<semaphore_mem>>) src(%arg8 : memref<10000xf32, #tpu.memory_space<vmem>>) dst(%dma_wait3A_65 : memref<10000xf32, #tpu.memory_space<hbm>>)
        tpu.yield
      }) : () -> ()
    } else {
    }
    return
  }
}

#map = affine_map<(d0, d1) -> (0, 0)>
#map1 = affine_map<(d0, d1) -> (0, 0, 0, 0)>
module attributes {stable_mosaic.version = 14 : i64} {
  func.func @seg(%arg0: i32, %arg1: i32, %arg2: memref<10000x128xf32, #tpu.memory_space<hbm>>, %arg3: memref<2x32x125x80xi32, #tpu.memory_space<hbm>>, %arg4: memref<20000x128xf32, #tpu.memory_space<hbm>>, %arg5: memref<125x80xi32, #tpu.memory_space<vmem>>, %arg6: memref<80xi32, #tpu.memory_space<vmem>>, %arg7: memref<80xi32, #tpu.memory_space<vmem>>, %arg8: memref<80x128xf32, #tpu.memory_space<vmem>>, %arg9: memref<80x128xf32, #tpu.memory_space<vmem>>, %arg10: memref<10000x128xf32, #tpu.memory_space<vmem_shared>>, %arg11: memref<!tpu.dma_semaphore, #tpu.memory_space<semaphore_mem>>, %arg12: memref<!tpu.dma_semaphore, #tpu.memory_space<semaphore_mem>>, %arg13: memref<!tpu.dma_semaphore, #tpu.memory_space<semaphore_mem>>, %arg14: memref<!tpu.dma_semaphore, #tpu.memory_space<semaphore_mem>>) attributes {dimension_semantics = [#tpu.dimension_semantics<core_parallel>, #tpu.dimension_semantics<subcore_parallel>], iteration_bounds = array<i64: 2, 16>, scalar_prefetch = 0 : i64, scratch_operands = 10 : i64, tpu.core_type = #tpu.core_type<sc_vector_subcore>, window_params = [{transform_indices = #map}, {transform_indices = #map1}, {transform_indices = #map}]} {
    %mul3A = arith.constant 16 : i32
    %mul3A_0 = arith.muli %arg0, %mul3A : i32
    %add3A = arith.addi %mul3A_0, %arg1 : i32
    %scan3A = arith.constant 0 : i32
    %scan3A_1 = arith.constant 80 : i32
    %scan3A_2 = arith.addi %scan3A, %scan3A_1 : i32
    %scan3A_3 = arith.constant 1 : i32
    scf.for %scan3A_109 = %scan3A to %scan3A_2 step %scan3A_3  : i32 {
      %mul3A_110 = arith.constant 1 : i32
      %mul3A_111 = arith.muli %scan3A_109, %mul3A_110 : i32
      %add3A_112 = arith.constant 0 : i32
      %add3A_113 = arith.addi %add3A_112, %mul3A_111 : i32
      %broadcast_in_dim3A = arith.constant 0.000000e+00 : f32
      %broadcast_in_dim3A_114 = vector.broadcast %broadcast_in_dim3A : f32 to vector<16xf32>
      %swap3A = arith.index_cast %add3A_113 : i32 to index
      %swap3A_115 = arith.constant 0 : index
      %swap3A_116 = tpu.vector_load %arg9[%swap3A, %swap3A_115] {strides = array<i32>} : memref<80x128xf32, #tpu.memory_space<vmem>>, vector<1x16xf32>,
      %swap3A_117 = vector.shape_cast %swap3A_116 : vector<1x16xf32> to vector<16xf32>
      %swap3A_118 = vector.shape_cast %broadcast_in_dim3A_114 : vector<16xf32> to vector<1x16xf32>
      tpu.vector_store %arg9[%swap3A, %swap3A_115], %swap3A_118 {strides = array<i32>} : memref<80x128xf32, #tpu.memory_space<vmem>>, vector<1x16xf32>,
      %broadcast_in_dim3A_119 = arith.constant 0.000000e+00 : f32
      %broadcast_in_dim3A_120 = vector.broadcast %broadcast_in_dim3A_119 : f32 to vector<16xf32>
      %swap3A_121 = arith.index_cast %add3A_113 : i32 to index
      %swap3A_122 = arith.constant 16 : index
      %swap3A_123 = tpu.vector_load %arg9[%swap3A_121, %swap3A_122] {strides = array<i32>} : memref<80x128xf32, #tpu.memory_space<vmem>>, vector<1x16xf32>,
      %swap3A_124 = vector.shape_cast %swap3A_123 : vector<1x16xf32> to vector<16xf32>
      %swap3A_125 = vector.shape_cast %broadcast_in_dim3A_120 : vector<16xf32> to vector<1x16xf32>
      tpu.vector_store %arg9[%swap3A_121, %swap3A_122], %swap3A_125 {strides = array<i32>} : memref<80x128xf32, #tpu.memory_space<vmem>>, vector<1x16xf32>,
      %broadcast_in_dim3A_126 = arith.constant 0.000000e+00 : f32
      %broadcast_in_dim3A_127 = vector.broadcast %broadcast_in_dim3A_126 : f32 to vector<16xf32>
      %swap3A_128 = arith.index_cast %add3A_113 : i32 to index
      %swap3A_129 = arith.constant 32 : index
      %swap3A_130 = tpu.vector_load %arg9[%swap3A_128, %swap3A_129] {strides = array<i32>} : memref<80x128xf32, #tpu.memory_space<vmem>>, vector<1x16xf32>,
      %swap3A_131 = vector.shape_cast %swap3A_130 : vector<1x16xf32> to vector<16xf32>
      %swap3A_132 = vector.shape_cast %broadcast_in_dim3A_127 : vector<16xf32> to vector<1x16xf32>
      tpu.vector_store %arg9[%swap3A_128, %swap3A_129], %swap3A_132 {strides = array<i32>} : memref<80x128xf32, #tpu.memory_space<vmem>>, vector<1x16xf32>,
      %broadcast_in_dim3A_133 = arith.constant 0.000000e+00 : f32
      %broadcast_in_dim3A_134 = vector.broadcast %broadcast_in_dim3A_133 : f32 to vector<16xf32>
      %swap3A_135 = arith.index_cast %add3A_113 : i32 to index
      %swap3A_136 = arith.constant 48 : index
      %swap3A_137 = tpu.vector_load %arg9[%swap3A_135, %swap3A_136] {strides = array<i32>} : memref<80x128xf32, #tpu.memory_space<vmem>>, vector<1x16xf32>,
      %swap3A_138 = vector.shape_cast %swap3A_137 : vector<1x16xf32> to vector<16xf32>
      %swap3A_139 = vector.shape_cast %broadcast_in_dim3A_134 : vector<16xf32> to vector<1x16xf32>
      tpu.vector_store %arg9[%swap3A_135, %swap3A_136], %swap3A_139 {strides = array<i32>} : memref<80x128xf32, #tpu.memory_space<vmem>>, vector<1x16xf32>,
      %broadcast_in_dim3A_140 = arith.constant 0.000000e+00 : f32
      %broadcast_in_dim3A_141 = vector.broadcast %broadcast_in_dim3A_140 : f32 to vector<16xf32>
      %swap3A_142 = arith.index_cast %add3A_113 : i32 to index
      %swap3A_143 = arith.constant 64 : index
      %swap3A_144 = tpu.vector_load %arg9[%swap3A_142, %swap3A_143] {strides = array<i32>} : memref<80x128xf32, #tpu.memory_space<vmem>>, vector<1x16xf32>,
      %swap3A_145 = vector.shape_cast %swap3A_144 : vector<1x16xf32> to vector<16xf32>
      %swap3A_146 = vector.shape_cast %broadcast_in_dim3A_141 : vector<16xf32> to vector<1x16xf32>
      tpu.vector_store %arg9[%swap3A_142, %swap3A_143], %swap3A_146 {strides = array<i32>} : memref<80x128xf32, #tpu.memory_space<vmem>>, vector<1x16xf32>,
      %broadcast_in_dim3A_147 = arith.constant 0.000000e+00 : f32
      %broadcast_in_dim3A_148 = vector.broadcast %broadcast_in_dim3A_147 : f32 to vector<16xf32>
      %swap3A_149 = arith.index_cast %add3A_113 : i32 to index
      %swap3A_150 = arith.constant 80 : index
      %swap3A_151 = tpu.vector_load %arg9[%swap3A_149, %swap3A_150] {strides = array<i32>} : memref<80x128xf32, #tpu.memory_space<vmem>>, vector<1x16xf32>,
      %swap3A_152 = vector.shape_cast %swap3A_151 : vector<1x16xf32> to vector<16xf32>
      %swap3A_153 = vector.shape_cast %broadcast_in_dim3A_148 : vector<16xf32> to vector<1x16xf32>
      tpu.vector_store %arg9[%swap3A_149, %swap3A_150], %swap3A_153 {strides = array<i32>} : memref<80x128xf32, #tpu.memory_space<vmem>>, vector<1x16xf32>,
      %broadcast_in_dim3A_154 = arith.constant 0.000000e+00 : f32
      %broadcast_in_dim3A_155 = vector.broadcast %broadcast_in_dim3A_154 : f32 to vector<16xf32>
      %swap3A_156 = arith.index_cast %add3A_113 : i32 to index
      %swap3A_157 = arith.constant 96 : index
      %swap3A_158 = tpu.vector_load %arg9[%swap3A_156, %swap3A_157] {strides = array<i32>} : memref<80x128xf32, #tpu.memory_space<vmem>>, vector<1x16xf32>,
      %swap3A_159 = vector.shape_cast %swap3A_158 : vector<1x16xf32> to vector<16xf32>
      %swap3A_160 = vector.shape_cast %broadcast_in_dim3A_155 : vector<16xf32> to vector<1x16xf32>
      tpu.vector_store %arg9[%swap3A_156, %swap3A_157], %swap3A_160 {strides = array<i32>} : memref<80x128xf32, #tpu.memory_space<vmem>>, vector<1x16xf32>,
      %broadcast_in_dim3A_161 = arith.constant 0.000000e+00 : f32
      %broadcast_in_dim3A_162 = vector.broadcast %broadcast_in_dim3A_161 : f32 to vector<16xf32>
      %swap3A_163 = arith.index_cast %add3A_113 : i32 to index
      %swap3A_164 = arith.constant 112 : index
      %swap3A_165 = tpu.vector_load %arg9[%swap3A_163, %swap3A_164] {strides = array<i32>} : memref<80x128xf32, #tpu.memory_space<vmem>>, vector<1x16xf32>,
      %swap3A_166 = vector.shape_cast %swap3A_165 : vector<1x16xf32> to vector<16xf32>
      %swap3A_167 = vector.shape_cast %broadcast_in_dim3A_162 : vector<16xf32> to vector<1x16xf32>
      tpu.vector_store %arg9[%swap3A_163, %swap3A_164], %swap3A_167 {strides = array<i32>} : memref<80x128xf32, #tpu.memory_space<vmem>>, vector<1x16xf32>,
    }
    %scan3A_4 = arith.constant 80 : i32
    %mul3A_5 = arith.constant 640 : i32
    %mul3A_6 = arith.muli %arg1, %mul3A_5 : i32
    %min3A = arith.constant 9360 : i32
    %min3A_7 = arith.minsi %mul3A_6, %min3A : i32
    %multiple_of3A = tpu.assume_multiple %min3A_7, 8 : i32
    %add3A_8 = arith.constant 0 : i32
    %add3A_9 = arith.addi %multiple_of3A, %add3A_8 : i32
    %dma_start3A = arith.constant 0 : i32
    %dma_start3A_10 = tpu.memref_slice %arg10[%add3A_9, %dma_start3A] : memref<10000x128xf32, #tpu.memory_space<vmem_shared>> -> memref<80x128xf32, #tpu.memory_space<vmem_shared>>
    %dma_start3A_11 = arith.constant 0 : i32
    %dma_start3A_12 = tpu.memref_slice %arg10[%add3A_9, %dma_start3A_11] : memref<10000x128xf32, #tpu.memory_space<vmem_shared>> -> memref<80x128xf32, #tpu.memory_space<vmem_shared>>
    tpu.enqueue_dma source(%arg9 : memref<80x128xf32, #tpu.memory_space<vmem>>) target(%dma_start3A_12 : memref<80x128xf32, #tpu.memory_space<vmem_shared>>) target_semaphore(%arg14 : memref<!tpu.dma_semaphore, #tpu.memory_space<semaphore_mem>>)
    %add3A_13 = arith.constant 80 : i32
    %add3A_14 = arith.addi %multiple_of3A, %add3A_13 : i32
    %dma_start3A_15 = arith.constant 0 : i32
    %dma_start3A_16 = tpu.memref_slice %arg10[%add3A_14, %dma_start3A_15] : memref<10000x128xf32, #tpu.memory_space<vmem_shared>> -> memref<80x128xf32, #tpu.memory_space<vmem_shared>>
    %dma_start3A_17 = arith.constant 0 : i32
    %dma_start3A_18 = tpu.memref_slice %arg10[%add3A_14, %dma_start3A_17] : memref<10000x128xf32, #tpu.memory_space<vmem_shared>> -> memref<80x128xf32, #tpu.memory_space<vmem_shared>>
    tpu.enqueue_dma source(%arg9 : memref<80x128xf32, #tpu.memory_space<vmem>>) target(%dma_start3A_18 : memref<80x128xf32, #tpu.memory_space<vmem_shared>>) target_semaphore(%arg14 : memref<!tpu.dma_semaphore, #tpu.memory_space<semaphore_mem>>)
    %add3A_19 = arith.constant 160 : i32
    %add3A_20 = arith.addi %multiple_of3A, %add3A_19 : i32
    %dma_start3A_21 = arith.constant 0 : i32
    %dma_start3A_22 = tpu.memref_slice %arg10[%add3A_20, %dma_start3A_21] : memref<10000x128xf32, #tpu.memory_space<vmem_shared>> -> memref<80x128xf32, #tpu.memory_space<vmem_shared>>
    %dma_start3A_23 = arith.constant 0 : i32
    %dma_start3A_24 = tpu.memref_slice %arg10[%add3A_20, %dma_start3A_23] : memref<10000x128xf32, #tpu.memory_space<vmem_shared>> -> memref<80x128xf32, #tpu.memory_space<vmem_shared>>
    tpu.enqueue_dma source(%arg9 : memref<80x128xf32, #tpu.memory_space<vmem>>) target(%dma_start3A_24 : memref<80x128xf32, #tpu.memory_space<vmem_shared>>) target_semaphore(%arg14 : memref<!tpu.dma_semaphore, #tpu.memory_space<semaphore_mem>>)
    %add3A_25 = arith.constant 240 : i32
    %add3A_26 = arith.addi %multiple_of3A, %add3A_25 : i32
    %dma_start3A_27 = arith.constant 0 : i32
    %dma_start3A_28 = tpu.memref_slice %arg10[%add3A_26, %dma_start3A_27] : memref<10000x128xf32, #tpu.memory_space<vmem_shared>> -> memref<80x128xf32, #tpu.memory_space<vmem_shared>>
    %dma_start3A_29 = arith.constant 0 : i32
    %dma_start3A_30 = tpu.memref_slice %arg10[%add3A_26, %dma_start3A_29] : memref<10000x128xf32, #tpu.memory_space<vmem_shared>> -> memref<80x128xf32, #tpu.memory_space<vmem_shared>>
    tpu.enqueue_dma source(%arg9 : memref<80x128xf32, #tpu.memory_space<vmem>>) target(%dma_start3A_30 : memref<80x128xf32, #tpu.memory_space<vmem_shared>>) target_semaphore(%arg14 : memref<!tpu.dma_semaphore, #tpu.memory_space<semaphore_mem>>)
    %add3A_31 = arith.constant 320 : i32
    %add3A_32 = arith.addi %multiple_of3A, %add3A_31 : i32
    %dma_start3A_33 = arith.constant 0 : i32
    %dma_start3A_34 = tpu.memref_slice %arg10[%add3A_32, %dma_start3A_33] : memref<10000x128xf32, #tpu.memory_space<vmem_shared>> -> memref<80x128xf32, #tpu.memory_space<vmem_shared>>
    %dma_start3A_35 = arith.constant 0 : i32
    %dma_start3A_36 = tpu.memref_slice %arg10[%add3A_32, %dma_start3A_35] : memref<10000x128xf32, #tpu.memory_space<vmem_shared>> -> memref<80x128xf32, #tpu.memory_space<vmem_shared>>
    tpu.enqueue_dma source(%arg9 : memref<80x128xf32, #tpu.memory_space<vmem>>) target(%dma_start3A_36 : memref<80x128xf32, #tpu.memory_space<vmem_shared>>) target_semaphore(%arg14 : memref<!tpu.dma_semaphore, #tpu.memory_space<semaphore_mem>>)
    %add3A_37 = arith.constant 400 : i32
    %add3A_38 = arith.addi %multiple_of3A, %add3A_37 : i32
    %dma_start3A_39 = arith.constant 0 : i32
    %dma_start3A_40 = tpu.memref_slice %arg10[%add3A_38, %dma_start3A_39] : memref<10000x128xf32, #tpu.memory_space<vmem_shared>> -> memref<80x128xf32, #tpu.memory_space<vmem_shared>>
    %dma_start3A_41 = arith.constant 0 : i32
    %dma_start3A_42 = tpu.memref_slice %arg10[%add3A_38, %dma_start3A_41] : memref<10000x128xf32, #tpu.memory_space<vmem_shared>> -> memref<80x128xf32, #tpu.memory_space<vmem_shared>>
    tpu.enqueue_dma source(%arg9 : memref<80x128xf32, #tpu.memory_space<vmem>>) target(%dma_start3A_42 : memref<80x128xf32, #tpu.memory_space<vmem_shared>>) target_semaphore(%arg14 : memref<!tpu.dma_semaphore, #tpu.memory_space<semaphore_mem>>)
    %add3A_43 = arith.constant 480 : i32
    %add3A_44 = arith.addi %multiple_of3A, %add3A_43 : i32
    %dma_start3A_45 = arith.constant 0 : i32
    %dma_start3A_46 = tpu.memref_slice %arg10[%add3A_44, %dma_start3A_45] : memref<10000x128xf32, #tpu.memory_space<vmem_shared>> -> memref<80x128xf32, #tpu.memory_space<vmem_shared>>
    %dma_start3A_47 = arith.constant 0 : i32
    %dma_start3A_48 = tpu.memref_slice %arg10[%add3A_44, %dma_start3A_47] : memref<10000x128xf32, #tpu.memory_space<vmem_shared>> -> memref<80x128xf32, #tpu.memory_space<vmem_shared>>
    tpu.enqueue_dma source(%arg9 : memref<80x128xf32, #tpu.memory_space<vmem>>) target(%dma_start3A_48 : memref<80x128xf32, #tpu.memory_space<vmem_shared>>) target_semaphore(%arg14 : memref<!tpu.dma_semaphore, #tpu.memory_space<semaphore_mem>>)
    %add3A_49 = arith.constant 560 : i32
    %add3A_50 = arith.addi %multiple_of3A, %add3A_49 : i32
    %dma_start3A_51 = arith.constant 0 : i32
    %dma_start3A_52 = tpu.memref_slice %arg10[%add3A_50, %dma_start3A_51] : memref<10000x128xf32, #tpu.memory_space<vmem_shared>> -> memref<80x128xf32, #tpu.memory_space<vmem_shared>>
    %dma_start3A_53 = arith.constant 0 : i32
    %dma_start3A_54 = tpu.memref_slice %arg10[%add3A_50, %dma_start3A_53] : memref<10000x128xf32, #tpu.memory_space<vmem_shared>> -> memref<80x128xf32, #tpu.memory_space<vmem_shared>>
    tpu.enqueue_dma source(%arg9 : memref<80x128xf32, #tpu.memory_space<vmem>>) target(%dma_start3A_54 : memref<80x128xf32, #tpu.memory_space<vmem_shared>>) target_semaphore(%arg14 : memref<!tpu.dma_semaphore, #tpu.memory_space<semaphore_mem>>)
    %run_scoped3A = arith.constant 1 : i32
    "tpu.region"() ({
      %run_scoped3A_109 = tpu.sem_alloc : memref<!tpu.dma_semaphore, #tpu.memory_space<semaphore_mem>>
      %dma_start3A_110 = arith.constant 0 : i32
      %dma_start3A_111 = arith.constant 0 : i32
      %dma_start3A_112 = tpu.memref_slice %arg3[%run_scoped3A, %add3A, %dma_start3A_110, %dma_start3A_111] : memref<2x32x125x80xi32, #tpu.memory_space<hbm>> -> memref<1x1x125x80xi32, #tpu.memory_space<hbm>>
      %dma_start3A_113 = tpu.memref_squeeze %dma_start3A_112 : memref<1x1x125x80xi32, #tpu.memory_space<hbm>> -> memref<125x80xi32, #tpu.memory_space<hbm>>
      %dma_start3A_114 = arith.constant 0 : i32
      %dma_start3A_115 = arith.constant 0 : i32
      %dma_start3A_116 = tpu.memref_slice %arg3[%run_scoped3A, %add3A, %dma_start3A_114, %dma_start3A_115] : memref<2x32x125x80xi32, #tpu.memory_space<hbm>> -> memref<1x1x125x80xi32, #tpu.memory_space<hbm>>
      %dma_start3A_117 = tpu.memref_squeeze %dma_start3A_116 : memref<1x1x125x80xi32, #tpu.memory_space<hbm>> -> memref<125x80xi32, #tpu.memory_space<hbm>>
      tpu.enqueue_dma source(%dma_start3A_117 : memref<125x80xi32, #tpu.memory_space<hbm>>) target(%arg5 : memref<125x80xi32, #tpu.memory_space<vmem>>) target_semaphore(%run_scoped3A_109 : memref<!tpu.dma_semaphore, #tpu.memory_space<semaphore_mem>>)
      %dma_wait3A_118 = arith.constant 0 : i32
      %dma_wait3A_119 = arith.constant 0 : i32
      %dma_wait3A_120 = tpu.memref_slice %arg3[%run_scoped3A, %add3A, %dma_wait3A_118, %dma_wait3A_119] : memref<2x32x125x80xi32, #tpu.memory_space<hbm>> -> memref<1x1x125x80xi32, #tpu.memory_space<hbm>>
      %dma_wait3A_121 = tpu.memref_squeeze %dma_wait3A_120 : memref<1x1x125x80xi32, #tpu.memory_space<hbm>> -> memref<125x80xi32, #tpu.memory_space<hbm>>
      %dma_wait3A_122 = arith.constant 0 : i32
      %dma_wait3A_123 = arith.constant 0 : i32
      %dma_wait3A_124 = tpu.memref_slice %arg3[%run_scoped3A, %add3A, %dma_wait3A_122, %dma_wait3A_123] : memref<2x32x125x80xi32, #tpu.memory_space<hbm>> -> memref<1x1x125x80xi32, #tpu.memory_space<hbm>>
      %dma_wait3A_125 = tpu.memref_squeeze %dma_wait3A_124 : memref<1x1x125x80xi32, #tpu.memory_space<hbm>> -> memref<125x80xi32, #tpu.memory_space<hbm>>
      tpu.wait_dma2 semaphore(%run_scoped3A_109 : memref<!tpu.dma_semaphore, #tpu.memory_space<semaphore_mem>>) src(%dma_wait3A_125 : memref<125x80xi32, #tpu.memory_space<hbm>>) dst(%arg5 : memref<125x80xi32, #tpu.memory_space<vmem>>)
      tpu.yield
    }) : () -> ()
    %run_scoped3A_55 = arith.constant 0 : i32
    %run_scoped3A_56 = arith.constant 0 : i32
    "tpu.region"() ({
      %run_scoped3A_109 = tpu.sem_alloc : memref<!tpu.dma_semaphore, #tpu.memory_space<semaphore_mem>>
      %dma_start3A_110 = arith.constant 0 : i32
      %dma_start3A_111 = tpu.memref_slice %arg3[%run_scoped3A_55, %add3A, %run_scoped3A_56, %dma_start3A_110] : memref<2x32x125x80xi32, #tpu.memory_space<hbm>> -> memref<1x1x1x80xi32, #tpu.memory_space<hbm>>
      %dma_start3A_112 = tpu.memref_squeeze %dma_start3A_111 : memref<1x1x1x80xi32, #tpu.memory_space<hbm>> -> memref<80xi32, #tpu.memory_space<hbm>>
      %dma_start3A_113 = arith.constant 0 : i32
      %dma_start3A_114 = tpu.memref_slice %arg3[%run_scoped3A_55, %add3A, %run_scoped3A_56, %dma_start3A_113] : memref<2x32x125x80xi32, #tpu.memory_space<hbm>> -> memref<1x1x1x80xi32, #tpu.memory_space<hbm>>
      %dma_start3A_115 = tpu.memref_squeeze %dma_start3A_114 : memref<1x1x1x80xi32, #tpu.memory_space<hbm>> -> memref<80xi32, #tpu.memory_space<hbm>>
      tpu.enqueue_dma source(%dma_start3A_115 : memref<80xi32, #tpu.memory_space<hbm>>) target(%arg6 : memref<80xi32, #tpu.memory_space<vmem>>) target_semaphore(%run_scoped3A_109 : memref<!tpu.dma_semaphore, #tpu.memory_space<semaphore_mem>>)
      %dma_wait3A_116 = arith.constant 0 : i32
      %dma_wait3A_117 = tpu.memref_slice %arg3[%run_scoped3A_55, %add3A, %run_scoped3A_56, %dma_wait3A_116] : memref<2x32x125x80xi32, #tpu.memory_space<hbm>> -> memref<1x1x1x80xi32, #tpu.memory_space<hbm>>
      %dma_wait3A_118 = tpu.memref_squeeze %dma_wait3A_117 : memref<1x1x1x80xi32, #tpu.memory_space<hbm>> -> memref<80xi32, #tpu.memory_space<hbm>>
      %dma_wait3A_119 = arith.constant 0 : i32
      %dma_wait3A_120 = tpu.memref_slice %arg3[%run_scoped3A_55, %add3A, %run_scoped3A_56, %dma_wait3A_119] : memref<2x32x125x80xi32, #tpu.memory_space<hbm>> -> memref<1x1x1x80xi32, #tpu.memory_space<hbm>>
      %dma_wait3A_121 = tpu.memref_squeeze %dma_wait3A_120 : memref<1x1x1x80xi32, #tpu.memory_space<hbm>> -> memref<80xi32, #tpu.memory_space<hbm>>
      tpu.wait_dma2 semaphore(%run_scoped3A_109 : memref<!tpu.dma_semaphore, #tpu.memory_space<semaphore_mem>>) src(%dma_wait3A_121 : memref<80xi32, #tpu.memory_space<hbm>>) dst(%arg6 : memref<80xi32, #tpu.memory_space<vmem>>)
      tpu.yield
    }) : () -> ()
    %run_scoped3A_57 = arith.constant 0 : i32
    %run_scoped3A_58 = arith.constant 1 : i32
    "tpu.region"() ({
      %run_scoped3A_109 = tpu.sem_alloc : memref<!tpu.dma_semaphore, #tpu.memory_space<semaphore_mem>>
      %dma_start3A_110 = arith.constant 0 : i32
      %dma_start3A_111 = tpu.memref_slice %arg3[%run_scoped3A_57, %add3A, %run_scoped3A_58, %dma_start3A_110] : memref<2x32x125x80xi32, #tpu.memory_space<hbm>> -> memref<1x1x1x80xi32, #tpu.memory_space<hbm>>
      %dma_start3A_112 = tpu.memref_squeeze %dma_start3A_111 : memref<1x1x1x80xi32, #tpu.memory_space<hbm>> -> memref<80xi32, #tpu.memory_space<hbm>>
      %dma_start3A_113 = arith.constant 0 : i32
      %dma_start3A_114 = tpu.memref_slice %arg3[%run_scoped3A_57, %add3A, %run_scoped3A_58, %dma_start3A_113] : memref<2x32x125x80xi32, #tpu.memory_space<hbm>> -> memref<1x1x1x80xi32, #tpu.memory_space<hbm>>
      %dma_start3A_115 = tpu.memref_squeeze %dma_start3A_114 : memref<1x1x1x80xi32, #tpu.memory_space<hbm>> -> memref<80xi32, #tpu.memory_space<hbm>>
      tpu.enqueue_dma source(%dma_start3A_115 : memref<80xi32, #tpu.memory_space<hbm>>) target(%arg7 : memref<80xi32, #tpu.memory_space<vmem>>) target_semaphore(%run_scoped3A_109 : memref<!tpu.dma_semaphore, #tpu.memory_space<semaphore_mem>>)
      %dma_wait3A_116 = arith.constant 0 : i32
      %dma_wait3A_117 = tpu.memref_slice %arg3[%run_scoped3A_57, %add3A, %run_scoped3A_58, %dma_wait3A_116] : memref<2x32x125x80xi32, #tpu.memory_space<hbm>> -> memref<1x1x1x80xi32, #tpu.memory_space<hbm>>
      %dma_wait3A_118 = tpu.memref_squeeze %dma_wait3A_117 : memref<1x1x1x80xi32, #tpu.memory_space<hbm>> -> memref<80xi32, #tpu.memory_space<hbm>>
      %dma_wait3A_119 = arith.constant 0 : i32
      %dma_wait3A_120 = tpu.memref_slice %arg3[%run_scoped3A_57, %add3A, %run_scoped3A_58, %dma_wait3A_119] : memref<2x32x125x80xi32, #tpu.memory_space<hbm>> -> memref<1x1x1x80xi32, #tpu.memory_space<hbm>>
      %dma_wait3A_121 = tpu.memref_squeeze %dma_wait3A_120 : memref<1x1x1x80xi32, #tpu.memory_space<hbm>> -> memref<80xi32, #tpu.memory_space<hbm>>
      tpu.wait_dma2 semaphore(%run_scoped3A_109 : memref<!tpu.dma_semaphore, #tpu.memory_space<semaphore_mem>>) src(%dma_wait3A_121 : memref<80xi32, #tpu.memory_space<hbm>>) dst(%arg7 : memref<80xi32, #tpu.memory_space<vmem>>)
      tpu.yield
    }) : () -> ()
    %dma_start3A_59 = arith.constant 0 : i32
    %dma_start3A_60 = arith.constant 0 : i32
    %dma_start3A_61 = tpu.memref_slice %arg2[%dma_start3A_59, %dma_start3A_60] : memref<10000x128xf32, #tpu.memory_space<hbm>> -> memref<10000x128xf32, #tpu.memory_space<hbm>>
    tpu.enqueue_indirect_dma source(%dma_start3A_61 : memref<10000x128xf32, #tpu.memory_space<hbm>>) target(%arg8 : memref<80x128xf32, #tpu.memory_space<vmem>>) offsets(%arg6 : memref<80xi32, #tpu.memory_space<vmem>>) semaphore(%arg11 : memref<!tpu.dma_semaphore, #tpu.memory_space<semaphore_mem>>)
    %dma_wait3A = arith.constant 0 : i32
    %dma_wait3A_62 = tpu.memref_slice %arg10[%multiple_of3A, %dma_wait3A] : memref<10000x128xf32, #tpu.memory_space<vmem_shared>> -> memref<80x128xf32, #tpu.memory_space<vmem_shared>>
    %dma_wait3A_63 = arith.constant 0 : i32
    %dma_wait3A_64 = tpu.memref_slice %arg10[%multiple_of3A, %dma_wait3A_63] : memref<10000x128xf32, #tpu.memory_space<vmem_shared>> -> memref<80x128xf32, #tpu.memory_space<vmem_shared>>
    tpu.wait_dma2 semaphore(%arg14 : memref<!tpu.dma_semaphore, #tpu.memory_space<semaphore_mem>>) src(%arg9 : memref<80x128xf32, #tpu.memory_space<vmem>>) dst(%dma_wait3A_64 : memref<80x128xf32, #tpu.memory_space<vmem_shared>>)
    %dma_wait3A_65 = arith.constant 0 : i32
    %dma_wait3A_66 = tpu.memref_slice %arg10[%multiple_of3A, %dma_wait3A_65] : memref<10000x128xf32, #tpu.memory_space<vmem_shared>> -> memref<80x128xf32, #tpu.memory_space<vmem_shared>>
    %dma_wait3A_67 = arith.constant 0 : i32
    %dma_wait3A_68 = tpu.memref_slice %arg10[%multiple_of3A, %dma_wait3A_67] : memref<10000x128xf32, #tpu.memory_space<vmem_shared>> -> memref<80x128xf32, #tpu.memory_space<vmem_shared>>
    tpu.wait_dma2 semaphore(%arg14 : memref<!tpu.dma_semaphore, #tpu.memory_space<semaphore_mem>>) src(%arg9 : memref<80x128xf32, #tpu.memory_space<vmem>>) dst(%dma_wait3A_68 : memref<80x128xf32, #tpu.memory_space<vmem_shared>>)
    %dma_wait3A_69 = arith.constant 0 : i32
    %dma_wait3A_70 = tpu.memref_slice %arg10[%multiple_of3A, %dma_wait3A_69] : memref<10000x128xf32, #tpu.memory_space<vmem_shared>> -> memref<80x128xf32, #tpu.memory_space<vmem_shared>>
    %dma_wait3A_71 = arith.constant 0 : i32
    %dma_wait3A_72 = tpu.memref_slice %arg10[%multiple_of3A, %dma_wait3A_71] : memref<10000x128xf32, #tpu.memory_space<vmem_shared>> -> memref<80x128xf32, #tpu.memory_space<vmem_shared>>
    tpu.wait_dma2 semaphore(%arg14 : memref<!tpu.dma_semaphore, #tpu.memory_space<semaphore_mem>>) src(%arg9 : memref<80x128xf32, #tpu.memory_space<vmem>>) dst(%dma_wait3A_72 : memref<80x128xf32, #tpu.memory_space<vmem_shared>>)
    %dma_wait3A_73 = arith.constant 0 : i32
    %dma_wait3A_74 = tpu.memref_slice %arg10[%multiple_of3A, %dma_wait3A_73] : memref<10000x128xf32, #tpu.memory_space<vmem_shared>> -> memref<80x128xf32, #tpu.memory_space<vmem_shared>>
    %dma_wait3A_75 = arith.constant 0 : i32
    %dma_wait3A_76 = tpu.memref_slice %arg10[%multiple_of3A, %dma_wait3A_75] : memref<10000x128xf32, #tpu.memory_space<vmem_shared>> -> memref<80x128xf32, #tpu.memory_space<vmem_shared>>
    tpu.wait_dma2 semaphore(%arg14 : memref<!tpu.dma_semaphore, #tpu.memory_space<semaphore_mem>>) src(%arg9 : memref<80x128xf32, #tpu.memory_space<vmem>>) dst(%dma_wait3A_76 : memref<80x128xf32, #tpu.memory_space<vmem_shared>>)
    %dma_wait3A_77 = arith.constant 0 : i32
    %dma_wait3A_78 = tpu.memref_slice %arg10[%multiple_of3A, %dma_wait3A_77] : memref<10000x128xf32, #tpu.memory_space<vmem_shared>> -> memref<80x128xf32, #tpu.memory_space<vmem_shared>>
    %dma_wait3A_79 = arith.constant 0 : i32
    %dma_wait3A_80 = tpu.memref_slice %arg10[%multiple_of3A, %dma_wait3A_79] : memref<10000x128xf32, #tpu.memory_space<vmem_shared>> -> memref<80x128xf32, #tpu.memory_space<vmem_shared>>
    tpu.wait_dma2 semaphore(%arg14 : memref<!tpu.dma_semaphore, #tpu.memory_space<semaphore_mem>>) src(%arg9 : memref<80x128xf32, #tpu.memory_space<vmem>>) dst(%dma_wait3A_80 : memref<80x128xf32, #tpu.memory_space<vmem_shared>>)
    %dma_wait3A_81 = arith.constant 0 : i32
    %dma_wait3A_82 = tpu.memref_slice %arg10[%multiple_of3A, %dma_wait3A_81] : memref<10000x128xf32, #tpu.memory_space<vmem_shared>> -> memref<80x128xf32, #tpu.memory_space<vmem_shared>>
    %dma_wait3A_83 = arith.constant 0 : i32
    %dma_wait3A_84 = tpu.memref_slice %arg10[%multiple_of3A, %dma_wait3A_83] : memref<10000x128xf32, #tpu.memory_space<vmem_shared>> -> memref<80x128xf32, #tpu.memory_space<vmem_shared>>
    tpu.wait_dma2 semaphore(%arg14 : memref<!tpu.dma_semaphore, #tpu.memory_space<semaphore_mem>>) src(%arg9 : memref<80x128xf32, #tpu.memory_space<vmem>>) dst(%dma_wait3A_84 : memref<80x128xf32, #tpu.memory_space<vmem_shared>>)
    %dma_wait3A_85 = arith.constant 0 : i32
    %dma_wait3A_86 = tpu.memref_slice %arg10[%multiple_of3A, %dma_wait3A_85] : memref<10000x128xf32, #tpu.memory_space<vmem_shared>> -> memref<80x128xf32, #tpu.memory_space<vmem_shared>>
    %dma_wait3A_87 = arith.constant 0 : i32
    %dma_wait3A_88 = tpu.memref_slice %arg10[%multiple_of3A, %dma_wait3A_87] : memref<10000x128xf32, #tpu.memory_space<vmem_shared>> -> memref<80x128xf32, #tpu.memory_space<vmem_shared>>
    tpu.wait_dma2 semaphore(%arg14 : memref<!tpu.dma_semaphore, #tpu.memory_space<semaphore_mem>>) src(%arg9 : memref<80x128xf32, #tpu.memory_space<vmem>>) dst(%dma_wait3A_88 : memref<80x128xf32, #tpu.memory_space<vmem_shared>>)
    %dma_wait3A_89 = arith.constant 0 : i32
    %dma_wait3A_90 = tpu.memref_slice %arg10[%multiple_of3A, %dma_wait3A_89] : memref<10000x128xf32, #tpu.memory_space<vmem_shared>> -> memref<80x128xf32, #tpu.memory_space<vmem_shared>>
    %dma_wait3A_91 = arith.constant 0 : i32
    %dma_wait3A_92 = tpu.memref_slice %arg10[%multiple_of3A, %dma_wait3A_91] : memref<10000x128xf32, #tpu.memory_space<vmem_shared>> -> memref<80x128xf32, #tpu.memory_space<vmem_shared>>
    tpu.wait_dma2 semaphore(%arg14 : memref<!tpu.dma_semaphore, #tpu.memory_space<semaphore_mem>>) src(%arg9 : memref<80x128xf32, #tpu.memory_space<vmem>>) dst(%dma_wait3A_92 : memref<80x128xf32, #tpu.memory_space<vmem_shared>>)
    %dma_start3A_93 = arith.constant 0 : i32
    %dma_start3A_94 = arith.constant 0 : i32
    %dma_start3A_95 = tpu.memref_slice %arg2[%dma_start3A_93, %dma_start3A_94] : memref<10000x128xf32, #tpu.memory_space<hbm>> -> memref<10000x128xf32, #tpu.memory_space<hbm>>
    tpu.enqueue_indirect_dma source(%dma_start3A_95 : memref<10000x128xf32, #tpu.memory_space<hbm>>) target(%arg9 : memref<80x128xf32, #tpu.memory_space<vmem>>) offsets(%arg7 : memref<80xi32, #tpu.memory_space<vmem>>) semaphore(%arg12 : memref<!tpu.dma_semaphore, #tpu.memory_space<semaphore_mem>>)
    %barrier3A = arith.constant 0 : index
    tpu.barrier barrier_id(%barrier3A)
    %scan3A_96 = arith.constant 0 : i32
    %scan3A_97 = arith.constant 62 : i32
    %scan3A_98 = arith.addi %scan3A_96, %scan3A_97 : i32
    %scan3A_99 = arith.constant 1 : i32
    scf.for %scan3A_109 = %scan3A_96 to %scan3A_98 step %scan3A_99  : i32 {
      %mul3A_110 = arith.constant 2 : i32
      %mul3A_111 = arith.muli %scan3A_109, %mul3A_110 : i32
      %add3A_112 = arith.constant 0 : i32
      %add3A_113 = arith.addi %add3A_112, %mul3A_111 : i32
      %dma_wait3A_114 = arith.constant 0 : i32
      %dma_wait3A_115 = arith.constant 0 : i32
      %dma_wait3A_116 = tpu.memref_slice %arg2[%dma_wait3A_114, %dma_wait3A_115] : memref<10000x128xf32, #tpu.memory_space<hbm>> -> memref<10000x128xf32, #tpu.memory_space<hbm>>
      tpu.wait_indirect_dma semaphore(%arg11 : memref<!tpu.dma_semaphore, #tpu.memory_space<semaphore_mem>>) src(%dma_wait3A_116 : memref<10000x128xf32, #tpu.memory_space<hbm>>) dst(%arg8 : memref<80x128xf32, #tpu.memory_space<vmem>>)
      %add3A_117 = arith.constant 2 : i32
      %add3A_118 = arith.addi %add3A_113, %add3A_117 : i32
      %dma_start3A_119 = arith.constant 0 : i32
      %dma_start3A_120 = arith.constant 0 : i32
      %dma_start3A_121 = tpu.memref_slice %arg3[%dma_start3A_119, %add3A, %add3A_118, %dma_start3A_120] : memref<2x32x125x80xi32, #tpu.memory_space<hbm>> -> memref<1x1x1x80xi32, #tpu.memory_space<hbm>>
      %dma_start3A_122 = tpu.memref_squeeze %dma_start3A_121 : memref<1x1x1x80xi32, #tpu.memory_space<hbm>> -> memref<80xi32, #tpu.memory_space<hbm>>
      %dma_start3A_123 = arith.constant 0 : i32
      %dma_start3A_124 = tpu.memref_slice %arg3[%dma_start3A_119, %add3A, %add3A_118, %dma_start3A_123] : memref<2x32x125x80xi32, #tpu.memory_space<hbm>> -> memref<1x1x1x80xi32, #tpu.memory_space<hbm>>
      %dma_start3A_125 = tpu.memref_squeeze %dma_start3A_124 : memref<1x1x1x80xi32, #tpu.memory_space<hbm>> -> memref<80xi32, #tpu.memory_space<hbm>>
      tpu.enqueue_dma source(%dma_start3A_125 : memref<80xi32, #tpu.memory_space<hbm>>) target(%arg6 : memref<80xi32, #tpu.memory_space<vmem>>) target_semaphore(%arg13 : memref<!tpu.dma_semaphore, #tpu.memory_space<semaphore_mem>>)
      "tpu.region"() ({
        %run_scoped3A_153 = tpu.sem_alloc : memref<!tpu.dma_semaphore, #tpu.memory_space<semaphore_mem>>
        %dma_start3A_154 = arith.constant 0 : i32
        %dma_start3A_155 = tpu.memref_slice %arg5[%add3A_113, %dma_start3A_154] : memref<125x80xi32, #tpu.memory_space<vmem>> -> memref<1x80xi32, #tpu.memory_space<vmem>>
        %dma_start3A_156 = tpu.memref_squeeze %dma_start3A_155 : memref<1x80xi32, #tpu.memory_space<vmem>> -> memref<80xi32, #tpu.memory_space<vmem>>
        %dma_start3A_157 = arith.constant 0 : i32
        %dma_start3A_158 = arith.constant 0 : i32
        %dma_start3A_159 = tpu.memref_slice %arg10[%dma_start3A_157, %dma_start3A_158] : memref<10000x128xf32, #tpu.memory_space<vmem_shared>> -> memref<10000x128xf32, #tpu.memory_space<vmem_shared>>
        tpu.enqueue_indirect_dma source(%arg8 : memref<80x128xf32, #tpu.memory_space<vmem>>) target(%dma_start3A_159 : memref<10000x128xf32, #tpu.memory_space<vmem_shared>>) offsets(%dma_start3A_156 : memref<80xi32, #tpu.memory_space<vmem>>) semaphore(%run_scoped3A_153 : memref<!tpu.dma_semaphore, #tpu.memory_space<semaphore_mem>>) {add = true}
        %dma_wait3A_160 = arith.constant 0 : i32
        %dma_wait3A_161 = tpu.memref_slice %arg5[%add3A_113, %dma_wait3A_160] : memref<125x80xi32, #tpu.memory_space<vmem>> -> memref<1x80xi32, #tpu.memory_space<vmem>>
        %dma_wait3A_162 = tpu.memref_squeeze %dma_wait3A_161 : memref<1x80xi32, #tpu.memory_space<vmem>> -> memref<80xi32, #tpu.memory_space<vmem>>
        %dma_wait3A_163 = arith.constant 0 : i32
        %dma_wait3A_164 = arith.constant 0 : i32
        %dma_wait3A_165 = tpu.memref_slice %arg10[%dma_wait3A_163, %dma_wait3A_164] : memref<10000x128xf32, #tpu.memory_space<vmem_shared>> -> memref<10000x128xf32, #tpu.memory_space<vmem_shared>>
        tpu.wait_indirect_dma semaphore(%run_scoped3A_153 : memref<!tpu.dma_semaphore, #tpu.memory_space<semaphore_mem>>) src(%arg8 : memref<80x128xf32, #tpu.memory_space<vmem>>) dst(%dma_wait3A_165 : memref<10000x128xf32, #tpu.memory_space<vmem_shared>>)
        tpu.yield
      }) : () -> ()
      %dma_wait3A_126 = arith.constant 0 : i32
      %dma_wait3A_127 = arith.constant 0 : i32
      %dma_wait3A_128 = arith.constant 0 : i32
      %dma_wait3A_129 = tpu.memref_slice %arg3[%dma_wait3A_126, %add3A, %dma_wait3A_127, %dma_wait3A_128] : memref<2x32x125x80xi32, #tpu.memory_space<hbm>> -> memref<1x1x1x80xi32, #tpu.memory_space<hbm>>
      %dma_wait3A_130 = tpu.memref_squeeze %dma_wait3A_129 : memref<1x1x1x80xi32, #tpu.memory_space<hbm>> -> memref<80xi32, #tpu.memory_space<hbm>>
      %dma_wait3A_131 = arith.constant 0 : i32
      %dma_wait3A_132 = tpu.memref_slice %arg3[%dma_wait3A_126, %add3A, %dma_wait3A_127, %dma_wait3A_131] : memref<2x32x125x80xi32, #tpu.memory_space<hbm>> -> memref<1x1x1x80xi32, #tpu.memory_space<hbm>>
      %dma_wait3A_133 = tpu.memref_squeeze %dma_wait3A_132 : memref<1x1x1x80xi32, #tpu.memory_space<hbm>> -> memref<80xi32, #tpu.memory_space<hbm>>
      tpu.wait_dma2 semaphore(%arg13 : memref<!tpu.dma_semaphore, #tpu.memory_space<semaphore_mem>>) src(%dma_wait3A_133 : memref<80xi32, #tpu.memory_space<hbm>>) dst(%arg6 : memref<80xi32, #tpu.memory_space<vmem>>)
      %dma_start3A_134 = arith.constant 0 : i32
      %dma_start3A_135 = arith.constant 0 : i32
      %dma_start3A_136 = tpu.memref_slice %arg2[%dma_start3A_134, %dma_start3A_135] : memref<10000x128xf32, #tpu.memory_space<hbm>> -> memref<10000x128xf32, #tpu.memory_space<hbm>>
      tpu.enqueue_indirect_dma source(%dma_start3A_136 : memref<10000x128xf32, #tpu.memory_space<hbm>>) target(%arg8 : memref<80x128xf32, #tpu.memory_space<vmem>>) offsets(%arg6 : memref<80xi32, #tpu.memory_space<vmem>>) semaphore(%arg11 : memref<!tpu.dma_semaphore, #tpu.memory_space<semaphore_mem>>)
      %dma_wait3A_137 = arith.constant 0 : i32
      %dma_wait3A_138 = arith.constant 0 : i32
      %dma_wait3A_139 = tpu.memref_slice %arg2[%dma_wait3A_137, %dma_wait3A_138] : memref<10000x128xf32, #tpu.memory_space<hbm>> -> memref<10000x128xf32, #tpu.memory_space<hbm>>
      tpu.wait_indirect_dma semaphore(%arg12 : memref<!tpu.dma_semaphore, #tpu.memory_space<semaphore_mem>>) src(%dma_wait3A_139 : memref<10000x128xf32, #tpu.memory_space<hbm>>) dst(%arg9 : memref<80x128xf32, #tpu.memory_space<vmem>>)
      %add3A_140 = arith.constant 3 : i32
      %add3A_141 = arith.addi %add3A_113, %add3A_140 : i32
      %lt3A = arith.constant 125 : i32
      %lt3A_142 = arith.cmpi slt, %add3A_141, %lt3A : i32
      %convert_element_type3A = arith.extui %lt3A_142 : i1 to i32
      %cond3A = arith.constant 0 : i32
      %cond3A_143 = arith.cmpi ne, %convert_element_type3A, %cond3A : i32
      scf.if %cond3A_143 {
        %add3A_153 = arith.constant 3 : i32
        %add3A_154 = arith.addi %add3A_113, %add3A_153 : i32
        %dma_start3A_155 = arith.constant 0 : i32
        %dma_start3A_156 = arith.constant 0 : i32
        %dma_start3A_157 = tpu.memref_slice %arg3[%dma_start3A_155, %add3A, %add3A_154, %dma_start3A_156] : memref<2x32x125x80xi32, #tpu.memory_space<hbm>> -> memref<1x1x1x80xi32, #tpu.memory_space<hbm>>
        %dma_start3A_158 = tpu.memref_squeeze %dma_start3A_157 : memref<1x1x1x80xi32, #tpu.memory_space<hbm>> -> memref<80xi32, #tpu.memory_space<hbm>>
        %dma_start3A_159 = arith.constant 0 : i32
        %dma_start3A_160 = tpu.memref_slice %arg3[%dma_start3A_155, %add3A, %add3A_154, %dma_start3A_159] : memref<2x32x125x80xi32, #tpu.memory_space<hbm>> -> memref<1x1x1x80xi32, #tpu.memory_space<hbm>>
        %dma_start3A_161 = tpu.memref_squeeze %dma_start3A_160 : memref<1x1x1x80xi32, #tpu.memory_space<hbm>> -> memref<80xi32, #tpu.memory_space<hbm>>
        tpu.enqueue_dma source(%dma_start3A_161 : memref<80xi32, #tpu.memory_space<hbm>>) target(%arg7 : memref<80xi32, #tpu.memory_space<vmem>>) target_semaphore(%arg14 : memref<!tpu.dma_semaphore, #tpu.memory_space<semaphore_mem>>)
      } else {
      }
      %add3A_144 = arith.constant 1 : i32
      %add3A_145 = arith.addi %add3A_113, %add3A_144 : i32
      "tpu.region"() ({
        %run_scoped3A_153 = tpu.sem_alloc : memref<!tpu.dma_semaphore, #tpu.memory_space<semaphore_mem>>
        %dma_start3A_154 = arith.constant 0 : i32
        %dma_start3A_155 = tpu.memref_slice %arg5[%add3A_145, %dma_start3A_154] : memref<125x80xi32, #tpu.memory_space<vmem>> -> memref<1x80xi32, #tpu.memory_space<vmem>>
        %dma_start3A_156 = tpu.memref_squeeze %dma_start3A_155 : memref<1x80xi32, #tpu.memory_space<vmem>> -> memref<80xi32, #tpu.memory_space<vmem>>
        %dma_start3A_157 = arith.constant 0 : i32
        %dma_start3A_158 = arith.constant 0 : i32
        %dma_start3A_159 = tpu.memref_slice %arg10[%dma_start3A_157, %dma_start3A_158] : memref<10000x128xf32, #tpu.memory_space<vmem_shared>> -> memref<10000x128xf32, #tpu.memory_space<vmem_shared>>
        tpu.enqueue_indirect_dma source(%arg9 : memref<80x128xf32, #tpu.memory_space<vmem>>) target(%dma_start3A_159 : memref<10000x128xf32, #tpu.memory_space<vmem_shared>>) offsets(%dma_start3A_156 : memref<80xi32, #tpu.memory_space<vmem>>) semaphore(%run_scoped3A_153 : memref<!tpu.dma_semaphore, #tpu.memory_space<semaphore_mem>>) {add = true}
        %dma_wait3A_160 = arith.constant 0 : i32
        %dma_wait3A_161 = tpu.memref_slice %arg5[%add3A_145, %dma_wait3A_160] : memref<125x80xi32, #tpu.memory_space<vmem>> -> memref<1x80xi32, #tpu.memory_space<vmem>>
        %dma_wait3A_162 = tpu.memref_squeeze %dma_wait3A_161 : memref<1x80xi32, #tpu.memory_space<vmem>> -> memref<80xi32, #tpu.memory_space<vmem>>
        %dma_wait3A_163 = arith.constant 0 : i32
        %dma_wait3A_164 = arith.constant 0 : i32
        %dma_wait3A_165 = tpu.memref_slice %arg10[%dma_wait3A_163, %dma_wait3A_164] : memref<10000x128xf32, #tpu.memory_space<vmem_shared>> -> memref<10000x128xf32, #tpu.memory_space<vmem_shared>>
        tpu.wait_indirect_dma semaphore(%run_scoped3A_153 : memref<!tpu.dma_semaphore, #tpu.memory_space<semaphore_mem>>) src(%arg9 : memref<80x128xf32, #tpu.memory_space<vmem>>) dst(%dma_wait3A_165 : memref<10000x128xf32, #tpu.memory_space<vmem_shared>>)
        tpu.yield
      }) : () -> ()
      %add3A_146 = arith.constant 3 : i32
      %add3A_147 = arith.addi %add3A_113, %add3A_146 : i32
      %lt3A_148 = arith.constant 125 : i32
      %lt3A_149 = arith.cmpi slt, %add3A_147, %lt3A_148 : i32
      %convert_element_type3A_150 = arith.extui %lt3A_149 : i1 to i32
      %cond3A_151 = arith.constant 0 : i32
      %cond3A_152 = arith.cmpi ne, %convert_element_type3A_150, %cond3A_151 : i32
      scf.if %cond3A_152 {
        %dma_wait3A_153 = arith.constant 0 : i32
        %dma_wait3A_154 = arith.constant 0 : i32
        %dma_wait3A_155 = arith.constant 0 : i32
        %dma_wait3A_156 = tpu.memref_slice %arg3[%dma_wait3A_153, %add3A, %dma_wait3A_154, %dma_wait3A_155] : memref<2x32x125x80xi32, #tpu.memory_space<hbm>> -> memref<1x1x1x80xi32, #tpu.memory_space<hbm>>
        %dma_wait3A_157 = tpu.memref_squeeze %dma_wait3A_156 : memref<1x1x1x80xi32, #tpu.memory_space<hbm>> -> memref<80xi32, #tpu.memory_space<hbm>>
        %dma_wait3A_158 = arith.constant 0 : i32
        %dma_wait3A_159 = tpu.memref_slice %arg3[%dma_wait3A_153, %add3A, %dma_wait3A_154, %dma_wait3A_158] : memref<2x32x125x80xi32, #tpu.memory_space<hbm>> -> memref<1x1x1x80xi32, #tpu.memory_space<hbm>>
        %dma_wait3A_160 = tpu.memref_squeeze %dma_wait3A_159 : memref<1x1x1x80xi32, #tpu.memory_space<hbm>> -> memref<80xi32, #tpu.memory_space<hbm>>
        tpu.wait_dma2 semaphore(%arg14 : memref<!tpu.dma_semaphore, #tpu.memory_space<semaphore_mem>>) src(%dma_wait3A_160 : memref<80xi32, #tpu.memory_space<hbm>>) dst(%arg7 : memref<80xi32, #tpu.memory_space<vmem>>)
        %dma_start3A_161 = arith.constant 0 : i32
        %dma_start3A_162 = arith.constant 0 : i32
        %dma_start3A_163 = tpu.memref_slice %arg2[%dma_start3A_161, %dma_start3A_162] : memref<10000x128xf32, #tpu.memory_space<hbm>> -> memref<10000x128xf32, #tpu.memory_space<hbm>>
        tpu.enqueue_indirect_dma source(%dma_start3A_163 : memref<10000x128xf32, #tpu.memory_space<hbm>>) target(%arg9 : memref<80x128xf32, #tpu.memory_space<vmem>>) offsets(%arg7 : memref<80xi32, #tpu.memory_space<vmem>>) semaphore(%arg12 : memref<!tpu.dma_semaphore, #tpu.memory_space<semaphore_mem>>)
      } else {
      }
    }
    %scan3A_100 = arith.constant 62 : i32
    %dma_wait3A_101 = arith.constant 0 : i32
    %dma_wait3A_102 = arith.constant 0 : i32
    %dma_wait3A_103 = tpu.memref_slice %arg2[%dma_wait3A_101, %dma_wait3A_102] : memref<10000x128xf32, #tpu.memory_space<hbm>> -> memref<10000x128xf32, #tpu.memory_space<hbm>>
    tpu.wait_indirect_dma semaphore(%arg11 : memref<!tpu.dma_semaphore, #tpu.memory_space<semaphore_mem>>) src(%dma_wait3A_103 : memref<10000x128xf32, #tpu.memory_space<hbm>>) dst(%arg8 : memref<80x128xf32, #tpu.memory_space<vmem>>)
    %run_scoped3A_104 = arith.constant 124 : i32
    "tpu.region"() ({
      %run_scoped3A_109 = tpu.sem_alloc : memref<!tpu.dma_semaphore, #tpu.memory_space<semaphore_mem>>
      %dma_start3A_110 = arith.constant 0 : i32
      %dma_start3A_111 = tpu.memref_slice %arg5[%run_scoped3A_104, %dma_start3A_110] : memref<125x80xi32, #tpu.memory_space<vmem>> -> memref<1x80xi32, #tpu.memory_space<vmem>>
      %dma_start3A_112 = tpu.memref_squeeze %dma_start3A_111 : memref<1x80xi32, #tpu.memory_space<vmem>> -> memref<80xi32, #tpu.memory_space<vmem>>
      %dma_start3A_113 = arith.constant 0 : i32
      %dma_start3A_114 = arith.constant 0 : i32
      %dma_start3A_115 = tpu.memref_slice %arg10[%dma_start3A_113, %dma_start3A_114] : memref<10000x128xf32, #tpu.memory_space<vmem_shared>> -> memref<10000x128xf32, #tpu.memory_space<vmem_shared>>
      tpu.enqueue_indirect_dma source(%arg8 : memref<80x128xf32, #tpu.memory_space<vmem>>) target(%dma_start3A_115 : memref<10000x128xf32, #tpu.memory_space<vmem_shared>>) offsets(%dma_start3A_112 : memref<80xi32, #tpu.memory_space<vmem>>) semaphore(%run_scoped3A_109 : memref<!tpu.dma_semaphore, #tpu.memory_space<semaphore_mem>>) {add = true}
      %dma_wait3A_116 = arith.constant 0 : i32
      %dma_wait3A_117 = tpu.memref_slice %arg5[%run_scoped3A_104, %dma_wait3A_116] : memref<125x80xi32, #tpu.memory_space<vmem>> -> memref<1x80xi32, #tpu.memory_space<vmem>>
      %dma_wait3A_118 = tpu.memref_squeeze %dma_wait3A_117 : memref<1x80xi32, #tpu.memory_space<vmem>> -> memref<80xi32, #tpu.memory_space<vmem>>
      %dma_wait3A_119 = arith.constant 0 : i32
      %dma_wait3A_120 = arith.constant 0 : i32
      %dma_wait3A_121 = tpu.memref_slice %arg10[%dma_wait3A_119, %dma_wait3A_120] : memref<10000x128xf32, #tpu.memory_space<vmem_shared>> -> memref<10000x128xf32, #tpu.memory_space<vmem_shared>>
      tpu.wait_indirect_dma semaphore(%run_scoped3A_109 : memref<!tpu.dma_semaphore, #tpu.memory_space<semaphore_mem>>) src(%arg8 : memref<80x128xf32, #tpu.memory_space<vmem>>) dst(%dma_wait3A_121 : memref<10000x128xf32, #tpu.memory_space<vmem_shared>>)
      tpu.yield
    }) : () -> ()
    %barrier3A_105 = arith.constant 0 : index
    tpu.barrier barrier_id(%barrier3A_105)
    %mul3A_106 = arith.constant 10000 : i32
    %mul3A_107 = arith.muli %arg0, %mul3A_106 : i32
    %add3A_108 = arith.addi %mul3A_107, %multiple_of3A : i32
    "tpu.region"() ({
      %run_scoped3A_109 = tpu.sem_alloc : memref<!tpu.dma_semaphore, #tpu.memory_space<semaphore_mem>>
      %dma_start3A_110 = arith.constant 0 : i32
      %dma_start3A_111 = tpu.memref_slice %arg4[%add3A_108, %dma_start3A_110] : memref<20000x128xf32, #tpu.memory_space<hbm>> -> memref<640x128xf32, #tpu.memory_space<hbm>>
      %dma_start3A_112 = arith.constant 0 : i32
      %dma_start3A_113 = tpu.memref_slice %arg10[%multiple_of3A, %dma_start3A_112] : memref<10000x128xf32, #tpu.memory_space<vmem_shared>> -> memref<640x128xf32, #tpu.memory_space<vmem_shared>>
      tpu.enqueue_dma source(%dma_start3A_113 : memref<640x128xf32, #tpu.memory_space<vmem_shared>>) target(%dma_start3A_111 : memref<640x128xf32, #tpu.memory_space<hbm>>) target_semaphore(%run_scoped3A_109 : memref<!tpu.dma_semaphore, #tpu.memory_space<semaphore_mem>>)
      %dma_wait3A_114 = arith.constant 0 : i32
      %dma_wait3A_115 = tpu.memref_slice %arg4[%add3A_108, %dma_wait3A_114] : memref<20000x128xf32, #tpu.memory_space<hbm>> -> memref<640x128xf32, #tpu.memory_space<hbm>>
      %dma_wait3A_116 = arith.constant 0 : i32
      %dma_wait3A_117 = tpu.memref_slice %arg10[%multiple_of3A, %dma_wait3A_116] : memref<10000x128xf32, #tpu.memory_space<vmem_shared>> -> memref<640x128xf32, #tpu.memory_space<vmem_shared>>
      tpu.wait_dma2 semaphore(%run_scoped3A_109 : memref<!tpu.dma_semaphore, #tpu.memory_space<semaphore_mem>>) src(%dma_wait3A_117 : memref<640x128xf32, #tpu.memory_space<vmem_shared>>) dst(%dma_wait3A_115 : memref<640x128xf32, #tpu.memory_space<hbm>>)
      tpu.yield
    }) : () -> ()
    return
  }
}

#map = affine_map<(d0, d1) -> (0, 0)>
#map1 = affine_map<(d0, d1) -> (0, 0, 0, 0)>
module attributes {stable_mosaic.version = 14 : i64} {
  func.func @seg(%arg0: i32, %arg1: i32, %arg2: memref<10000x128xf32, #tpu.memory_space<hbm>>, %arg3: memref<2x32x125x80xi32, #tpu.memory_space<hbm>>, %arg4: memref<20000x128xf32, #tpu.memory_space<hbm>>, %arg5: memref<125x80xi32, #tpu.memory_space<vmem>>, %arg6: memref<80xi32, #tpu.memory_space<vmem>>, %arg7: memref<80xi32, #tpu.memory_space<vmem>>, %arg8: memref<80x128xf32, #tpu.memory_space<vmem>>, %arg9: memref<80x128xf32, #tpu.memory_space<vmem>>, %arg10: memref<10000x128xf32, #tpu.memory_space<vmem_shared>>, %arg11: memref<!tpu.dma_semaphore, #tpu.memory_space<semaphore_mem>>, %arg12: memref<!tpu.dma_semaphore, #tpu.memory_space<semaphore_mem>>, %arg13: memref<!tpu.dma_semaphore, #tpu.memory_space<semaphore_mem>>, %arg14: memref<!tpu.dma_semaphore, #tpu.memory_space<semaphore_mem>>) attributes {dimension_semantics = [#tpu.dimension_semantics<core_parallel>, #tpu.dimension_semantics<subcore_parallel>], iteration_bounds = array<i64: 2, 16>, scalar_prefetch = 0 : i64, scratch_operands = 10 : i64, tpu.core_type = #tpu.core_type<sc_vector_subcore>, window_params = [{transform_indices = #map}, {transform_indices = #map1}, {transform_indices = #map}]} {
    %mul3A = arith.constant 16 : i32
    %mul3A_0 = arith.muli %arg0, %mul3A : i32
    %add3A = arith.addi %mul3A_0, %arg1 : i32
    %scan3A = arith.constant 0 : i32
    %scan3A_1 = arith.constant 80 : i32
    %scan3A_2 = arith.addi %scan3A, %scan3A_1 : i32
    %scan3A_3 = arith.constant 1 : i32
    scf.for %scan3A_109 = %scan3A to %scan3A_2 step %scan3A_3  : i32 {
      %mul3A_110 = arith.constant 1 : i32
      %mul3A_111 = arith.muli %scan3A_109, %mul3A_110 : i32
      %add3A_112 = arith.constant 0 : i32
      %add3A_113 = arith.addi %add3A_112, %mul3A_111 : i32
      %broadcast_in_dim3A = arith.constant 0.000000e+00 : f32
      %broadcast_in_dim3A_114 = vector.broadcast %broadcast_in_dim3A : f32 to vector<16xf32>
      %swap3A = arith.index_cast %add3A_113 : i32 to index
      %swap3A_115 = arith.constant 0 : index
      %swap3A_116 = tpu.vector_load %arg9[%swap3A, %swap3A_115] {strides = array<i32>} : memref<80x128xf32, #tpu.memory_space<vmem>>, vector<1x16xf32>,
      %swap3A_117 = vector.shape_cast %swap3A_116 : vector<1x16xf32> to vector<16xf32>
      %swap3A_118 = vector.shape_cast %broadcast_in_dim3A_114 : vector<16xf32> to vector<1x16xf32>
      tpu.vector_store %arg9[%swap3A, %swap3A_115], %swap3A_118 {strides = array<i32>} : memref<80x128xf32, #tpu.memory_space<vmem>>, vector<1x16xf32>,
      %broadcast_in_dim3A_119 = arith.constant 0.000000e+00 : f32
      %broadcast_in_dim3A_120 = vector.broadcast %broadcast_in_dim3A_119 : f32 to vector<16xf32>
      %swap3A_121 = arith.index_cast %add3A_113 : i32 to index
      %swap3A_122 = arith.constant 16 : index
      %swap3A_123 = tpu.vector_load %arg9[%swap3A_121, %swap3A_122] {strides = array<i32>} : memref<80x128xf32, #tpu.memory_space<vmem>>, vector<1x16xf32>,
      %swap3A_124 = vector.shape_cast %swap3A_123 : vector<1x16xf32> to vector<16xf32>
      %swap3A_125 = vector.shape_cast %broadcast_in_dim3A_120 : vector<16xf32> to vector<1x16xf32>
      tpu.vector_store %arg9[%swap3A_121, %swap3A_122], %swap3A_125 {strides = array<i32>} : memref<80x128xf32, #tpu.memory_space<vmem>>, vector<1x16xf32>,
      %broadcast_in_dim3A_126 = arith.constant 0.000000e+00 : f32
      %broadcast_in_dim3A_127 = vector.broadcast %broadcast_in_dim3A_126 : f32 to vector<16xf32>
      %swap3A_128 = arith.index_cast %add3A_113 : i32 to index
      %swap3A_129 = arith.constant 32 : index
      %swap3A_130 = tpu.vector_load %arg9[%swap3A_128, %swap3A_129] {strides = array<i32>} : memref<80x128xf32, #tpu.memory_space<vmem>>, vector<1x16xf32>,
      %swap3A_131 = vector.shape_cast %swap3A_130 : vector<1x16xf32> to vector<16xf32>
      %swap3A_132 = vector.shape_cast %broadcast_in_dim3A_127 : vector<16xf32> to vector<1x16xf32>
      tpu.vector_store %arg9[%swap3A_128, %swap3A_129], %swap3A_132 {strides = array<i32>} : memref<80x128xf32, #tpu.memory_space<vmem>>, vector<1x16xf32>,
      %broadcast_in_dim3A_133 = arith.constant 0.000000e+00 : f32
      %broadcast_in_dim3A_134 = vector.broadcast %broadcast_in_dim3A_133 : f32 to vector<16xf32>
      %swap3A_135 = arith.index_cast %add3A_113 : i32 to index
      %swap3A_136 = arith.constant 48 : index
      %swap3A_137 = tpu.vector_load %arg9[%swap3A_135, %swap3A_136] {strides = array<i32>} : memref<80x128xf32, #tpu.memory_space<vmem>>, vector<1x16xf32>,
      %swap3A_138 = vector.shape_cast %swap3A_137 : vector<1x16xf32> to vector<16xf32>
      %swap3A_139 = vector.shape_cast %broadcast_in_dim3A_134 : vector<16xf32> to vector<1x16xf32>
      tpu.vector_store %arg9[%swap3A_135, %swap3A_136], %swap3A_139 {strides = array<i32>} : memref<80x128xf32, #tpu.memory_space<vmem>>, vector<1x16xf32>,
      %broadcast_in_dim3A_140 = arith.constant 0.000000e+00 : f32
      %broadcast_in_dim3A_141 = vector.broadcast %broadcast_in_dim3A_140 : f32 to vector<16xf32>
      %swap3A_142 = arith.index_cast %add3A_113 : i32 to index
      %swap3A_143 = arith.constant 64 : index
      %swap3A_144 = tpu.vector_load %arg9[%swap3A_142, %swap3A_143] {strides = array<i32>} : memref<80x128xf32, #tpu.memory_space<vmem>>, vector<1x16xf32>,
      %swap3A_145 = vector.shape_cast %swap3A_144 : vector<1x16xf32> to vector<16xf32>
      %swap3A_146 = vector.shape_cast %broadcast_in_dim3A_141 : vector<16xf32> to vector<1x16xf32>
      tpu.vector_store %arg9[%swap3A_142, %swap3A_143], %swap3A_146 {strides = array<i32>} : memref<80x128xf32, #tpu.memory_space<vmem>>, vector<1x16xf32>,
      %broadcast_in_dim3A_147 = arith.constant 0.000000e+00 : f32
      %broadcast_in_dim3A_148 = vector.broadcast %broadcast_in_dim3A_147 : f32 to vector<16xf32>
      %swap3A_149 = arith.index_cast %add3A_113 : i32 to index
      %swap3A_150 = arith.constant 80 : index
      %swap3A_151 = tpu.vector_load %arg9[%swap3A_149, %swap3A_150] {strides = array<i32>} : memref<80x128xf32, #tpu.memory_space<vmem>>, vector<1x16xf32>,
      %swap3A_152 = vector.shape_cast %swap3A_151 : vector<1x16xf32> to vector<16xf32>
      %swap3A_153 = vector.shape_cast %broadcast_in_dim3A_148 : vector<16xf32> to vector<1x16xf32>
      tpu.vector_store %arg9[%swap3A_149, %swap3A_150], %swap3A_153 {strides = array<i32>} : memref<80x128xf32, #tpu.memory_space<vmem>>, vector<1x16xf32>,
      %broadcast_in_dim3A_154 = arith.constant 0.000000e+00 : f32
      %broadcast_in_dim3A_155 = vector.broadcast %broadcast_in_dim3A_154 : f32 to vector<16xf32>
      %swap3A_156 = arith.index_cast %add3A_113 : i32 to index
      %swap3A_157 = arith.constant 96 : index
      %swap3A_158 = tpu.vector_load %arg9[%swap3A_156, %swap3A_157] {strides = array<i32>} : memref<80x128xf32, #tpu.memory_space<vmem>>, vector<1x16xf32>,
      %swap3A_159 = vector.shape_cast %swap3A_158 : vector<1x16xf32> to vector<16xf32>
      %swap3A_160 = vector.shape_cast %broadcast_in_dim3A_155 : vector<16xf32> to vector<1x16xf32>
      tpu.vector_store %arg9[%swap3A_156, %swap3A_157], %swap3A_160 {strides = array<i32>} : memref<80x128xf32, #tpu.memory_space<vmem>>, vector<1x16xf32>,
      %broadcast_in_dim3A_161 = arith.constant 0.000000e+00 : f32
      %broadcast_in_dim3A_162 = vector.broadcast %broadcast_in_dim3A_161 : f32 to vector<16xf32>
      %swap3A_163 = arith.index_cast %add3A_113 : i32 to index
      %swap3A_164 = arith.constant 112 : index
      %swap3A_165 = tpu.vector_load %arg9[%swap3A_163, %swap3A_164] {strides = array<i32>} : memref<80x128xf32, #tpu.memory_space<vmem>>, vector<1x16xf32>,
      %swap3A_166 = vector.shape_cast %swap3A_165 : vector<1x16xf32> to vector<16xf32>
      %swap3A_167 = vector.shape_cast %broadcast_in_dim3A_162 : vector<16xf32> to vector<1x16xf32>
      tpu.vector_store %arg9[%swap3A_163, %swap3A_164], %swap3A_167 {strides = array<i32>} : memref<80x128xf32, #tpu.memory_space<vmem>>, vector<1x16xf32>,
    }
    %scan3A_4 = arith.constant 80 : i32
    %mul3A_5 = arith.constant 640 : i32
    %mul3A_6 = arith.muli %arg1, %mul3A_5 : i32
    %min3A = arith.constant 9360 : i32
    %min3A_7 = arith.minsi %mul3A_6, %min3A : i32
    %multiple_of3A = tpu.assume_multiple %min3A_7, 8 : i32
    %add3A_8 = arith.constant 0 : i32
    %add3A_9 = arith.addi %multiple_of3A, %add3A_8 : i32
    %dma_start3A = arith.constant 0 : i32
    %dma_start3A_10 = tpu.memref_slice %arg10[%add3A_9, %dma_start3A] : memref<10000x128xf32, #tpu.memory_space<vmem_shared>> -> memref<80x128xf32, #tpu.memory_space<vmem_shared>>
    %dma_start3A_11 = arith.constant 0 : i32
    %dma_start3A_12 = tpu.memref_slice %arg10[%add3A_9, %dma_start3A_11] : memref<10000x128xf32, #tpu.memory_space<vmem_shared>> -> memref<80x128xf32, #tpu.memory_space<vmem_shared>>
    tpu.enqueue_dma source(%arg9 : memref<80x128xf32, #tpu.memory_space<vmem>>) target(%dma_start3A_12 : memref<80x128xf32, #tpu.memory_space<vmem_shared>>) target_semaphore(%arg14 : memref<!tpu.dma_semaphore, #tpu.memory_space<semaphore_mem>>)
    %add3A_13 = arith.constant 80 : i32
    %add3A_14 = arith.addi %multiple_of3A, %add3A_13 : i32
    %dma_start3A_15 = arith.constant 0 : i32
    %dma_start3A_16 = tpu.memref_slice %arg10[%add3A_14, %dma_start3A_15] : memref<10000x128xf32, #tpu.memory_space<vmem_shared>> -> memref<80x128xf32, #tpu.memory_space<vmem_shared>>
    %dma_start3A_17 = arith.constant 0 : i32
    %dma_start3A_18 = tpu.memref_slice %arg10[%add3A_14, %dma_start3A_17] : memref<10000x128xf32, #tpu.memory_space<vmem_shared>> -> memref<80x128xf32, #tpu.memory_space<vmem_shared>>
    tpu.enqueue_dma source(%arg9 : memref<80x128xf32, #tpu.memory_space<vmem>>) target(%dma_start3A_18 : memref<80x128xf32, #tpu.memory_space<vmem_shared>>) target_semaphore(%arg14 : memref<!tpu.dma_semaphore, #tpu.memory_space<semaphore_mem>>)
    %add3A_19 = arith.constant 160 : i32
    %add3A_20 = arith.addi %multiple_of3A, %add3A_19 : i32
    %dma_start3A_21 = arith.constant 0 : i32
    %dma_start3A_22 = tpu.memref_slice %arg10[%add3A_20, %dma_start3A_21] : memref<10000x128xf32, #tpu.memory_space<vmem_shared>> -> memref<80x128xf32, #tpu.memory_space<vmem_shared>>
    %dma_start3A_23 = arith.constant 0 : i32
    %dma_start3A_24 = tpu.memref_slice %arg10[%add3A_20, %dma_start3A_23] : memref<10000x128xf32, #tpu.memory_space<vmem_shared>> -> memref<80x128xf32, #tpu.memory_space<vmem_shared>>
    tpu.enqueue_dma source(%arg9 : memref<80x128xf32, #tpu.memory_space<vmem>>) target(%dma_start3A_24 : memref<80x128xf32, #tpu.memory_space<vmem_shared>>) target_semaphore(%arg14 : memref<!tpu.dma_semaphore, #tpu.memory_space<semaphore_mem>>)
    %add3A_25 = arith.constant 240 : i32
    %add3A_26 = arith.addi %multiple_of3A, %add3A_25 : i32
    %dma_start3A_27 = arith.constant 0 : i32
    %dma_start3A_28 = tpu.memref_slice %arg10[%add3A_26, %dma_start3A_27] : memref<10000x128xf32, #tpu.memory_space<vmem_shared>> -> memref<80x128xf32, #tpu.memory_space<vmem_shared>>
    %dma_start3A_29 = arith.constant 0 : i32
    %dma_start3A_30 = tpu.memref_slice %arg10[%add3A_26, %dma_start3A_29] : memref<10000x128xf32, #tpu.memory_space<vmem_shared>> -> memref<80x128xf32, #tpu.memory_space<vmem_shared>>
    tpu.enqueue_dma source(%arg9 : memref<80x128xf32, #tpu.memory_space<vmem>>) target(%dma_start3A_30 : memref<80x128xf32, #tpu.memory_space<vmem_shared>>) target_semaphore(%arg14 : memref<!tpu.dma_semaphore, #tpu.memory_space<semaphore_mem>>)
    %add3A_31 = arith.constant 320 : i32
    %add3A_32 = arith.addi %multiple_of3A, %add3A_31 : i32
    %dma_start3A_33 = arith.constant 0 : i32
    %dma_start3A_34 = tpu.memref_slice %arg10[%add3A_32, %dma_start3A_33] : memref<10000x128xf32, #tpu.memory_space<vmem_shared>> -> memref<80x128xf32, #tpu.memory_space<vmem_shared>>
    %dma_start3A_35 = arith.constant 0 : i32
    %dma_start3A_36 = tpu.memref_slice %arg10[%add3A_32, %dma_start3A_35] : memref<10000x128xf32, #tpu.memory_space<vmem_shared>> -> memref<80x128xf32, #tpu.memory_space<vmem_shared>>
    tpu.enqueue_dma source(%arg9 : memref<80x128xf32, #tpu.memory_space<vmem>>) target(%dma_start3A_36 : memref<80x128xf32, #tpu.memory_space<vmem_shared>>) target_semaphore(%arg14 : memref<!tpu.dma_semaphore, #tpu.memory_space<semaphore_mem>>)
    %add3A_37 = arith.constant 400 : i32
    %add3A_38 = arith.addi %multiple_of3A, %add3A_37 : i32
    %dma_start3A_39 = arith.constant 0 : i32
    %dma_start3A_40 = tpu.memref_slice %arg10[%add3A_38, %dma_start3A_39] : memref<10000x128xf32, #tpu.memory_space<vmem_shared>> -> memref<80x128xf32, #tpu.memory_space<vmem_shared>>
    %dma_start3A_41 = arith.constant 0 : i32
    %dma_start3A_42 = tpu.memref_slice %arg10[%add3A_38, %dma_start3A_41] : memref<10000x128xf32, #tpu.memory_space<vmem_shared>> -> memref<80x128xf32, #tpu.memory_space<vmem_shared>>
    tpu.enqueue_dma source(%arg9 : memref<80x128xf32, #tpu.memory_space<vmem>>) target(%dma_start3A_42 : memref<80x128xf32, #tpu.memory_space<vmem_shared>>) target_semaphore(%arg14 : memref<!tpu.dma_semaphore, #tpu.memory_space<semaphore_mem>>)
    %add3A_43 = arith.constant 480 : i32
    %add3A_44 = arith.addi %multiple_of3A, %add3A_43 : i32
    %dma_start3A_45 = arith.constant 0 : i32
    %dma_start3A_46 = tpu.memref_slice %arg10[%add3A_44, %dma_start3A_45] : memref<10000x128xf32, #tpu.memory_space<vmem_shared>> -> memref<80x128xf32, #tpu.memory_space<vmem_shared>>
    %dma_start3A_47 = arith.constant 0 : i32
    %dma_start3A_48 = tpu.memref_slice %arg10[%add3A_44, %dma_start3A_47] : memref<10000x128xf32, #tpu.memory_space<vmem_shared>> -> memref<80x128xf32, #tpu.memory_space<vmem_shared>>
    tpu.enqueue_dma source(%arg9 : memref<80x128xf32, #tpu.memory_space<vmem>>) target(%dma_start3A_48 : memref<80x128xf32, #tpu.memory_space<vmem_shared>>) target_semaphore(%arg14 : memref<!tpu.dma_semaphore, #tpu.memory_space<semaphore_mem>>)
    %add3A_49 = arith.constant 560 : i32
    %add3A_50 = arith.addi %multiple_of3A, %add3A_49 : i32
    %dma_start3A_51 = arith.constant 0 : i32
    %dma_start3A_52 = tpu.memref_slice %arg10[%add3A_50, %dma_start3A_51] : memref<10000x128xf32, #tpu.memory_space<vmem_shared>> -> memref<80x128xf32, #tpu.memory_space<vmem_shared>>
    %dma_start3A_53 = arith.constant 0 : i32
    %dma_start3A_54 = tpu.memref_slice %arg10[%add3A_50, %dma_start3A_53] : memref<10000x128xf32, #tpu.memory_space<vmem_shared>> -> memref<80x128xf32, #tpu.memory_space<vmem_shared>>
    tpu.enqueue_dma source(%arg9 : memref<80x128xf32, #tpu.memory_space<vmem>>) target(%dma_start3A_54 : memref<80x128xf32, #tpu.memory_space<vmem_shared>>) target_semaphore(%arg14 : memref<!tpu.dma_semaphore, #tpu.memory_space<semaphore_mem>>)
    %run_scoped3A = arith.constant 0 : i32
    "tpu.region"() ({
      %run_scoped3A_109 = tpu.sem_alloc : memref<!tpu.dma_semaphore, #tpu.memory_space<semaphore_mem>>
      %dma_start3A_110 = arith.constant 0 : i32
      %dma_start3A_111 = arith.constant 0 : i32
      %dma_start3A_112 = tpu.memref_slice %arg3[%run_scoped3A, %add3A, %dma_start3A_110, %dma_start3A_111] : memref<2x32x125x80xi32, #tpu.memory_space<hbm>> -> memref<1x1x125x80xi32, #tpu.memory_space<hbm>>
      %dma_start3A_113 = tpu.memref_squeeze %dma_start3A_112 : memref<1x1x125x80xi32, #tpu.memory_space<hbm>> -> memref<125x80xi32, #tpu.memory_space<hbm>>
      %dma_start3A_114 = arith.constant 0 : i32
      %dma_start3A_115 = arith.constant 0 : i32
      %dma_start3A_116 = tpu.memref_slice %arg3[%run_scoped3A, %add3A, %dma_start3A_114, %dma_start3A_115] : memref<2x32x125x80xi32, #tpu.memory_space<hbm>> -> memref<1x1x125x80xi32, #tpu.memory_space<hbm>>
      %dma_start3A_117 = tpu.memref_squeeze %dma_start3A_116 : memref<1x1x125x80xi32, #tpu.memory_space<hbm>> -> memref<125x80xi32, #tpu.memory_space<hbm>>
      tpu.enqueue_dma source(%dma_start3A_117 : memref<125x80xi32, #tpu.memory_space<hbm>>) target(%arg5 : memref<125x80xi32, #tpu.memory_space<vmem>>) target_semaphore(%run_scoped3A_109 : memref<!tpu.dma_semaphore, #tpu.memory_space<semaphore_mem>>)
      %dma_wait3A_118 = arith.constant 0 : i32
      %dma_wait3A_119 = arith.constant 0 : i32
      %dma_wait3A_120 = tpu.memref_slice %arg3[%run_scoped3A, %add3A, %dma_wait3A_118, %dma_wait3A_119] : memref<2x32x125x80xi32, #tpu.memory_space<hbm>> -> memref<1x1x125x80xi32, #tpu.memory_space<hbm>>
      %dma_wait3A_121 = tpu.memref_squeeze %dma_wait3A_120 : memref<1x1x125x80xi32, #tpu.memory_space<hbm>> -> memref<125x80xi32, #tpu.memory_space<hbm>>
      %dma_wait3A_122 = arith.constant 0 : i32
      %dma_wait3A_123 = arith.constant 0 : i32
      %dma_wait3A_124 = tpu.memref_slice %arg3[%run_scoped3A, %add3A, %dma_wait3A_122, %dma_wait3A_123] : memref<2x32x125x80xi32, #tpu.memory_space<hbm>> -> memref<1x1x125x80xi32, #tpu.memory_space<hbm>>
      %dma_wait3A_125 = tpu.memref_squeeze %dma_wait3A_124 : memref<1x1x125x80xi32, #tpu.memory_space<hbm>> -> memref<125x80xi32, #tpu.memory_space<hbm>>
      tpu.wait_dma2 semaphore(%run_scoped3A_109 : memref<!tpu.dma_semaphore, #tpu.memory_space<semaphore_mem>>) src(%dma_wait3A_125 : memref<125x80xi32, #tpu.memory_space<hbm>>) dst(%arg5 : memref<125x80xi32, #tpu.memory_space<vmem>>)
      tpu.yield
    }) : () -> ()
    %run_scoped3A_55 = arith.constant 1 : i32
    %run_scoped3A_56 = arith.constant 0 : i32
    "tpu.region"() ({
      %run_scoped3A_109 = tpu.sem_alloc : memref<!tpu.dma_semaphore, #tpu.memory_space<semaphore_mem>>
      %dma_start3A_110 = arith.constant 0 : i32
      %dma_start3A_111 = tpu.memref_slice %arg3[%run_scoped3A_55, %add3A, %run_scoped3A_56, %dma_start3A_110] : memref<2x32x125x80xi32, #tpu.memory_space<hbm>> -> memref<1x1x1x80xi32, #tpu.memory_space<hbm>>
      %dma_start3A_112 = tpu.memref_squeeze %dma_start3A_111 : memref<1x1x1x80xi32, #tpu.memory_space<hbm>> -> memref<80xi32, #tpu.memory_space<hbm>>
      %dma_start3A_113 = arith.constant 0 : i32
      %dma_start3A_114 = tpu.memref_slice %arg3[%run_scoped3A_55, %add3A, %run_scoped3A_56, %dma_start3A_113] : memref<2x32x125x80xi32, #tpu.memory_space<hbm>> -> memref<1x1x1x80xi32, #tpu.memory_space<hbm>>
      %dma_start3A_115 = tpu.memref_squeeze %dma_start3A_114 : memref<1x1x1x80xi32, #tpu.memory_space<hbm>> -> memref<80xi32, #tpu.memory_space<hbm>>
      tpu.enqueue_dma source(%dma_start3A_115 : memref<80xi32, #tpu.memory_space<hbm>>) target(%arg6 : memref<80xi32, #tpu.memory_space<vmem>>) target_semaphore(%run_scoped3A_109 : memref<!tpu.dma_semaphore, #tpu.memory_space<semaphore_mem>>)
      %dma_wait3A_116 = arith.constant 0 : i32
      %dma_wait3A_117 = tpu.memref_slice %arg3[%run_scoped3A_55, %add3A, %run_scoped3A_56, %dma_wait3A_116] : memref<2x32x125x80xi32, #tpu.memory_space<hbm>> -> memref<1x1x1x80xi32, #tpu.memory_space<hbm>>
      %dma_wait3A_118 = tpu.memref_squeeze %dma_wait3A_117 : memref<1x1x1x80xi32, #tpu.memory_space<hbm>> -> memref<80xi32, #tpu.memory_space<hbm>>
      %dma_wait3A_119 = arith.constant 0 : i32
      %dma_wait3A_120 = tpu.memref_slice %arg3[%run_scoped3A_55, %add3A, %run_scoped3A_56, %dma_wait3A_119] : memref<2x32x125x80xi32, #tpu.memory_space<hbm>> -> memref<1x1x1x80xi32, #tpu.memory_space<hbm>>
      %dma_wait3A_121 = tpu.memref_squeeze %dma_wait3A_120 : memref<1x1x1x80xi32, #tpu.memory_space<hbm>> -> memref<80xi32, #tpu.memory_space<hbm>>
      tpu.wait_dma2 semaphore(%run_scoped3A_109 : memref<!tpu.dma_semaphore, #tpu.memory_space<semaphore_mem>>) src(%dma_wait3A_121 : memref<80xi32, #tpu.memory_space<hbm>>) dst(%arg6 : memref<80xi32, #tpu.memory_space<vmem>>)
      tpu.yield
    }) : () -> ()
    %run_scoped3A_57 = arith.constant 1 : i32
    %run_scoped3A_58 = arith.constant 1 : i32
    "tpu.region"() ({
      %run_scoped3A_109 = tpu.sem_alloc : memref<!tpu.dma_semaphore, #tpu.memory_space<semaphore_mem>>
      %dma_start3A_110 = arith.constant 0 : i32
      %dma_start3A_111 = tpu.memref_slice %arg3[%run_scoped3A_57, %add3A, %run_scoped3A_58, %dma_start3A_110] : memref<2x32x125x80xi32, #tpu.memory_space<hbm>> -> memref<1x1x1x80xi32, #tpu.memory_space<hbm>>
      %dma_start3A_112 = tpu.memref_squeeze %dma_start3A_111 : memref<1x1x1x80xi32, #tpu.memory_space<hbm>> -> memref<80xi32, #tpu.memory_space<hbm>>
      %dma_start3A_113 = arith.constant 0 : i32
      %dma_start3A_114 = tpu.memref_slice %arg3[%run_scoped3A_57, %add3A, %run_scoped3A_58, %dma_start3A_113] : memref<2x32x125x80xi32, #tpu.memory_space<hbm>> -> memref<1x1x1x80xi32, #tpu.memory_space<hbm>>
      %dma_start3A_115 = tpu.memref_squeeze %dma_start3A_114 : memref<1x1x1x80xi32, #tpu.memory_space<hbm>> -> memref<80xi32, #tpu.memory_space<hbm>>
      tpu.enqueue_dma source(%dma_start3A_115 : memref<80xi32, #tpu.memory_space<hbm>>) target(%arg7 : memref<80xi32, #tpu.memory_space<vmem>>) target_semaphore(%run_scoped3A_109 : memref<!tpu.dma_semaphore, #tpu.memory_space<semaphore_mem>>)
      %dma_wait3A_116 = arith.constant 0 : i32
      %dma_wait3A_117 = tpu.memref_slice %arg3[%run_scoped3A_57, %add3A, %run_scoped3A_58, %dma_wait3A_116] : memref<2x32x125x80xi32, #tpu.memory_space<hbm>> -> memref<1x1x1x80xi32, #tpu.memory_space<hbm>>
      %dma_wait3A_118 = tpu.memref_squeeze %dma_wait3A_117 : memref<1x1x1x80xi32, #tpu.memory_space<hbm>> -> memref<80xi32, #tpu.memory_space<hbm>>
      %dma_wait3A_119 = arith.constant 0 : i32
      %dma_wait3A_120 = tpu.memref_slice %arg3[%run_scoped3A_57, %add3A, %run_scoped3A_58, %dma_wait3A_119] : memref<2x32x125x80xi32, #tpu.memory_space<hbm>> -> memref<1x1x1x80xi32, #tpu.memory_space<hbm>>
      %dma_wait3A_121 = tpu.memref_squeeze %dma_wait3A_120 : memref<1x1x1x80xi32, #tpu.memory_space<hbm>> -> memref<80xi32, #tpu.memory_space<hbm>>
      tpu.wait_dma2 semaphore(%run_scoped3A_109 : memref<!tpu.dma_semaphore, #tpu.memory_space<semaphore_mem>>) src(%dma_wait3A_121 : memref<80xi32, #tpu.memory_space<hbm>>) dst(%arg7 : memref<80xi32, #tpu.memory_space<vmem>>)
      tpu.yield
    }) : () -> ()
    %dma_start3A_59 = arith.constant 0 : i32
    %dma_start3A_60 = arith.constant 0 : i32
    %dma_start3A_61 = tpu.memref_slice %arg2[%dma_start3A_59, %dma_start3A_60] : memref<10000x128xf32, #tpu.memory_space<hbm>> -> memref<10000x128xf32, #tpu.memory_space<hbm>>
    tpu.enqueue_indirect_dma source(%dma_start3A_61 : memref<10000x128xf32, #tpu.memory_space<hbm>>) target(%arg8 : memref<80x128xf32, #tpu.memory_space<vmem>>) offsets(%arg6 : memref<80xi32, #tpu.memory_space<vmem>>) semaphore(%arg11 : memref<!tpu.dma_semaphore, #tpu.memory_space<semaphore_mem>>)
    %dma_wait3A = arith.constant 0 : i32
    %dma_wait3A_62 = tpu.memref_slice %arg10[%multiple_of3A, %dma_wait3A] : memref<10000x128xf32, #tpu.memory_space<vmem_shared>> -> memref<80x128xf32, #tpu.memory_space<vmem_shared>>
    %dma_wait3A_63 = arith.constant 0 : i32
    %dma_wait3A_64 = tpu.memref_slice %arg10[%multiple_of3A, %dma_wait3A_63] : memref<10000x128xf32, #tpu.memory_space<vmem_shared>> -> memref<80x128xf32, #tpu.memory_space<vmem_shared>>
    tpu.wait_dma2 semaphore(%arg14 : memref<!tpu.dma_semaphore, #tpu.memory_space<semaphore_mem>>) src(%arg9 : memref<80x128xf32, #tpu.memory_space<vmem>>) dst(%dma_wait3A_64 : memref<80x128xf32, #tpu.memory_space<vmem_shared>>)
    %dma_wait3A_65 = arith.constant 0 : i32
    %dma_wait3A_66 = tpu.memref_slice %arg10[%multiple_of3A, %dma_wait3A_65] : memref<10000x128xf32, #tpu.memory_space<vmem_shared>> -> memref<80x128xf32, #tpu.memory_space<vmem_shared>>
    %dma_wait3A_67 = arith.constant 0 : i32
    %dma_wait3A_68 = tpu.memref_slice %arg10[%multiple_of3A, %dma_wait3A_67] : memref<10000x128xf32, #tpu.memory_space<vmem_shared>> -> memref<80x128xf32, #tpu.memory_space<vmem_shared>>
    tpu.wait_dma2 semaphore(%arg14 : memref<!tpu.dma_semaphore, #tpu.memory_space<semaphore_mem>>) src(%arg9 : memref<80x128xf32, #tpu.memory_space<vmem>>) dst(%dma_wait3A_68 : memref<80x128xf32, #tpu.memory_space<vmem_shared>>)
    %dma_wait3A_69 = arith.constant 0 : i32
    %dma_wait3A_70 = tpu.memref_slice %arg10[%multiple_of3A, %dma_wait3A_69] : memref<10000x128xf32, #tpu.memory_space<vmem_shared>> -> memref<80x128xf32, #tpu.memory_space<vmem_shared>>
    %dma_wait3A_71 = arith.constant 0 : i32
    %dma_wait3A_72 = tpu.memref_slice %arg10[%multiple_of3A, %dma_wait3A_71] : memref<10000x128xf32, #tpu.memory_space<vmem_shared>> -> memref<80x128xf32, #tpu.memory_space<vmem_shared>>
    tpu.wait_dma2 semaphore(%arg14 : memref<!tpu.dma_semaphore, #tpu.memory_space<semaphore_mem>>) src(%arg9 : memref<80x128xf32, #tpu.memory_space<vmem>>) dst(%dma_wait3A_72 : memref<80x128xf32, #tpu.memory_space<vmem_shared>>)
    %dma_wait3A_73 = arith.constant 0 : i32
    %dma_wait3A_74 = tpu.memref_slice %arg10[%multiple_of3A, %dma_wait3A_73] : memref<10000x128xf32, #tpu.memory_space<vmem_shared>> -> memref<80x128xf32, #tpu.memory_space<vmem_shared>>
    %dma_wait3A_75 = arith.constant 0 : i32
    %dma_wait3A_76 = tpu.memref_slice %arg10[%multiple_of3A, %dma_wait3A_75] : memref<10000x128xf32, #tpu.memory_space<vmem_shared>> -> memref<80x128xf32, #tpu.memory_space<vmem_shared>>
    tpu.wait_dma2 semaphore(%arg14 : memref<!tpu.dma_semaphore, #tpu.memory_space<semaphore_mem>>) src(%arg9 : memref<80x128xf32, #tpu.memory_space<vmem>>) dst(%dma_wait3A_76 : memref<80x128xf32, #tpu.memory_space<vmem_shared>>)
    %dma_wait3A_77 = arith.constant 0 : i32
    %dma_wait3A_78 = tpu.memref_slice %arg10[%multiple_of3A, %dma_wait3A_77] : memref<10000x128xf32, #tpu.memory_space<vmem_shared>> -> memref<80x128xf32, #tpu.memory_space<vmem_shared>>
    %dma_wait3A_79 = arith.constant 0 : i32
    %dma_wait3A_80 = tpu.memref_slice %arg10[%multiple_of3A, %dma_wait3A_79] : memref<10000x128xf32, #tpu.memory_space<vmem_shared>> -> memref<80x128xf32, #tpu.memory_space<vmem_shared>>
    tpu.wait_dma2 semaphore(%arg14 : memref<!tpu.dma_semaphore, #tpu.memory_space<semaphore_mem>>) src(%arg9 : memref<80x128xf32, #tpu.memory_space<vmem>>) dst(%dma_wait3A_80 : memref<80x128xf32, #tpu.memory_space<vmem_shared>>)
    %dma_wait3A_81 = arith.constant 0 : i32
    %dma_wait3A_82 = tpu.memref_slice %arg10[%multiple_of3A, %dma_wait3A_81] : memref<10000x128xf32, #tpu.memory_space<vmem_shared>> -> memref<80x128xf32, #tpu.memory_space<vmem_shared>>
    %dma_wait3A_83 = arith.constant 0 : i32
    %dma_wait3A_84 = tpu.memref_slice %arg10[%multiple_of3A, %dma_wait3A_83] : memref<10000x128xf32, #tpu.memory_space<vmem_shared>> -> memref<80x128xf32, #tpu.memory_space<vmem_shared>>
    tpu.wait_dma2 semaphore(%arg14 : memref<!tpu.dma_semaphore, #tpu.memory_space<semaphore_mem>>) src(%arg9 : memref<80x128xf32, #tpu.memory_space<vmem>>) dst(%dma_wait3A_84 : memref<80x128xf32, #tpu.memory_space<vmem_shared>>)
    %dma_wait3A_85 = arith.constant 0 : i32
    %dma_wait3A_86 = tpu.memref_slice %arg10[%multiple_of3A, %dma_wait3A_85] : memref<10000x128xf32, #tpu.memory_space<vmem_shared>> -> memref<80x128xf32, #tpu.memory_space<vmem_shared>>
    %dma_wait3A_87 = arith.constant 0 : i32
    %dma_wait3A_88 = tpu.memref_slice %arg10[%multiple_of3A, %dma_wait3A_87] : memref<10000x128xf32, #tpu.memory_space<vmem_shared>> -> memref<80x128xf32, #tpu.memory_space<vmem_shared>>
    tpu.wait_dma2 semaphore(%arg14 : memref<!tpu.dma_semaphore, #tpu.memory_space<semaphore_mem>>) src(%arg9 : memref<80x128xf32, #tpu.memory_space<vmem>>) dst(%dma_wait3A_88 : memref<80x128xf32, #tpu.memory_space<vmem_shared>>)
    %dma_wait3A_89 = arith.constant 0 : i32
    %dma_wait3A_90 = tpu.memref_slice %arg10[%multiple_of3A, %dma_wait3A_89] : memref<10000x128xf32, #tpu.memory_space<vmem_shared>> -> memref<80x128xf32, #tpu.memory_space<vmem_shared>>
    %dma_wait3A_91 = arith.constant 0 : i32
    %dma_wait3A_92 = tpu.memref_slice %arg10[%multiple_of3A, %dma_wait3A_91] : memref<10000x128xf32, #tpu.memory_space<vmem_shared>> -> memref<80x128xf32, #tpu.memory_space<vmem_shared>>
    tpu.wait_dma2 semaphore(%arg14 : memref<!tpu.dma_semaphore, #tpu.memory_space<semaphore_mem>>) src(%arg9 : memref<80x128xf32, #tpu.memory_space<vmem>>) dst(%dma_wait3A_92 : memref<80x128xf32, #tpu.memory_space<vmem_shared>>)
    %dma_start3A_93 = arith.constant 0 : i32
    %dma_start3A_94 = arith.constant 0 : i32
    %dma_start3A_95 = tpu.memref_slice %arg2[%dma_start3A_93, %dma_start3A_94] : memref<10000x128xf32, #tpu.memory_space<hbm>> -> memref<10000x128xf32, #tpu.memory_space<hbm>>
    tpu.enqueue_indirect_dma source(%dma_start3A_95 : memref<10000x128xf32, #tpu.memory_space<hbm>>) target(%arg9 : memref<80x128xf32, #tpu.memory_space<vmem>>) offsets(%arg7 : memref<80xi32, #tpu.memory_space<vmem>>) semaphore(%arg12 : memref<!tpu.dma_semaphore, #tpu.memory_space<semaphore_mem>>)
    %barrier3A = arith.constant 0 : index
    tpu.barrier barrier_id(%barrier3A)
    %scan3A_96 = arith.constant 0 : i32
    %scan3A_97 = arith.constant 62 : i32
    %scan3A_98 = arith.addi %scan3A_96, %scan3A_97 : i32
    %scan3A_99 = arith.constant 1 : i32
    scf.for %scan3A_109 = %scan3A_96 to %scan3A_98 step %scan3A_99  : i32 {
      %mul3A_110 = arith.constant 2 : i32
      %mul3A_111 = arith.muli %scan3A_109, %mul3A_110 : i32
      %add3A_112 = arith.constant 0 : i32
      %add3A_113 = arith.addi %add3A_112, %mul3A_111 : i32
      %dma_wait3A_114 = arith.constant 0 : i32
      %dma_wait3A_115 = arith.constant 0 : i32
      %dma_wait3A_116 = tpu.memref_slice %arg2[%dma_wait3A_114, %dma_wait3A_115] : memref<10000x128xf32, #tpu.memory_space<hbm>> -> memref<10000x128xf32, #tpu.memory_space<hbm>>
      tpu.wait_indirect_dma semaphore(%arg11 : memref<!tpu.dma_semaphore, #tpu.memory_space<semaphore_mem>>) src(%dma_wait3A_116 : memref<10000x128xf32, #tpu.memory_space<hbm>>) dst(%arg8 : memref<80x128xf32, #tpu.memory_space<vmem>>)
      %add3A_117 = arith.constant 2 : i32
      %add3A_118 = arith.addi %add3A_113, %add3A_117 : i32
      %dma_start3A_119 = arith.constant 1 : i32
      %dma_start3A_120 = arith.constant 0 : i32
      %dma_start3A_121 = tpu.memref_slice %arg3[%dma_start3A_119, %add3A, %add3A_118, %dma_start3A_120] : memref<2x32x125x80xi32, #tpu.memory_space<hbm>> -> memref<1x1x1x80xi32, #tpu.memory_space<hbm>>
      %dma_start3A_122 = tpu.memref_squeeze %dma_start3A_121 : memref<1x1x1x80xi32, #tpu.memory_space<hbm>> -> memref<80xi32, #tpu.memory_space<hbm>>
      %dma_start3A_123 = arith.constant 0 : i32
      %dma_start3A_124 = tpu.memref_slice %arg3[%dma_start3A_119, %add3A, %add3A_118, %dma_start3A_123] : memref<2x32x125x80xi32, #tpu.memory_space<hbm>> -> memref<1x1x1x80xi32, #tpu.memory_space<hbm>>
      %dma_start3A_125 = tpu.memref_squeeze %dma_start3A_124 : memref<1x1x1x80xi32, #tpu.memory_space<hbm>> -> memref<80xi32, #tpu.memory_space<hbm>>
      tpu.enqueue_dma source(%dma_start3A_125 : memref<80xi32, #tpu.memory_space<hbm>>) target(%arg6 : memref<80xi32, #tpu.memory_space<vmem>>) target_semaphore(%arg13 : memref<!tpu.dma_semaphore, #tpu.memory_space<semaphore_mem>>)
      "tpu.region"() ({
        %run_scoped3A_153 = tpu.sem_alloc : memref<!tpu.dma_semaphore, #tpu.memory_space<semaphore_mem>>
        %dma_start3A_154 = arith.constant 0 : i32
        %dma_start3A_155 = tpu.memref_slice %arg5[%add3A_113, %dma_start3A_154] : memref<125x80xi32, #tpu.memory_space<vmem>> -> memref<1x80xi32, #tpu.memory_space<vmem>>
        %dma_start3A_156 = tpu.memref_squeeze %dma_start3A_155 : memref<1x80xi32, #tpu.memory_space<vmem>> -> memref<80xi32, #tpu.memory_space<vmem>>
        %dma_start3A_157 = arith.constant 0 : i32
        %dma_start3A_158 = arith.constant 0 : i32
        %dma_start3A_159 = tpu.memref_slice %arg10[%dma_start3A_157, %dma_start3A_158] : memref<10000x128xf32, #tpu.memory_space<vmem_shared>> -> memref<10000x128xf32, #tpu.memory_space<vmem_shared>>
        tpu.enqueue_indirect_dma source(%arg8 : memref<80x128xf32, #tpu.memory_space<vmem>>) target(%dma_start3A_159 : memref<10000x128xf32, #tpu.memory_space<vmem_shared>>) offsets(%dma_start3A_156 : memref<80xi32, #tpu.memory_space<vmem>>) semaphore(%run_scoped3A_153 : memref<!tpu.dma_semaphore, #tpu.memory_space<semaphore_mem>>) {add = true}
        %dma_wait3A_160 = arith.constant 0 : i32
        %dma_wait3A_161 = tpu.memref_slice %arg5[%add3A_113, %dma_wait3A_160] : memref<125x80xi32, #tpu.memory_space<vmem>> -> memref<1x80xi32, #tpu.memory_space<vmem>>
        %dma_wait3A_162 = tpu.memref_squeeze %dma_wait3A_161 : memref<1x80xi32, #tpu.memory_space<vmem>> -> memref<80xi32, #tpu.memory_space<vmem>>
        %dma_wait3A_163 = arith.constant 0 : i32
        %dma_wait3A_164 = arith.constant 0 : i32
        %dma_wait3A_165 = tpu.memref_slice %arg10[%dma_wait3A_163, %dma_wait3A_164] : memref<10000x128xf32, #tpu.memory_space<vmem_shared>> -> memref<10000x128xf32, #tpu.memory_space<vmem_shared>>
        tpu.wait_indirect_dma semaphore(%run_scoped3A_153 : memref<!tpu.dma_semaphore, #tpu.memory_space<semaphore_mem>>) src(%arg8 : memref<80x128xf32, #tpu.memory_space<vmem>>) dst(%dma_wait3A_165 : memref<10000x128xf32, #tpu.memory_space<vmem_shared>>)
        tpu.yield
      }) : () -> ()
      %dma_wait3A_126 = arith.constant 1 : i32
      %dma_wait3A_127 = arith.constant 0 : i32
      %dma_wait3A_128 = arith.constant 0 : i32
      %dma_wait3A_129 = tpu.memref_slice %arg3[%dma_wait3A_126, %add3A, %dma_wait3A_127, %dma_wait3A_128] : memref<2x32x125x80xi32, #tpu.memory_space<hbm>> -> memref<1x1x1x80xi32, #tpu.memory_space<hbm>>
      %dma_wait3A_130 = tpu.memref_squeeze %dma_wait3A_129 : memref<1x1x1x80xi32, #tpu.memory_space<hbm>> -> memref<80xi32, #tpu.memory_space<hbm>>
      %dma_wait3A_131 = arith.constant 0 : i32
      %dma_wait3A_132 = tpu.memref_slice %arg3[%dma_wait3A_126, %add3A, %dma_wait3A_127, %dma_wait3A_131] : memref<2x32x125x80xi32, #tpu.memory_space<hbm>> -> memref<1x1x1x80xi32, #tpu.memory_space<hbm>>
      %dma_wait3A_133 = tpu.memref_squeeze %dma_wait3A_132 : memref<1x1x1x80xi32, #tpu.memory_space<hbm>> -> memref<80xi32, #tpu.memory_space<hbm>>
      tpu.wait_dma2 semaphore(%arg13 : memref<!tpu.dma_semaphore, #tpu.memory_space<semaphore_mem>>) src(%dma_wait3A_133 : memref<80xi32, #tpu.memory_space<hbm>>) dst(%arg6 : memref<80xi32, #tpu.memory_space<vmem>>)
      %dma_start3A_134 = arith.constant 0 : i32
      %dma_start3A_135 = arith.constant 0 : i32
      %dma_start3A_136 = tpu.memref_slice %arg2[%dma_start3A_134, %dma_start3A_135] : memref<10000x128xf32, #tpu.memory_space<hbm>> -> memref<10000x128xf32, #tpu.memory_space<hbm>>
      tpu.enqueue_indirect_dma source(%dma_start3A_136 : memref<10000x128xf32, #tpu.memory_space<hbm>>) target(%arg8 : memref<80x128xf32, #tpu.memory_space<vmem>>) offsets(%arg6 : memref<80xi32, #tpu.memory_space<vmem>>) semaphore(%arg11 : memref<!tpu.dma_semaphore, #tpu.memory_space<semaphore_mem>>)
      %dma_wait3A_137 = arith.constant 0 : i32
      %dma_wait3A_138 = arith.constant 0 : i32
      %dma_wait3A_139 = tpu.memref_slice %arg2[%dma_wait3A_137, %dma_wait3A_138] : memref<10000x128xf32, #tpu.memory_space<hbm>> -> memref<10000x128xf32, #tpu.memory_space<hbm>>
      tpu.wait_indirect_dma semaphore(%arg12 : memref<!tpu.dma_semaphore, #tpu.memory_space<semaphore_mem>>) src(%dma_wait3A_139 : memref<10000x128xf32, #tpu.memory_space<hbm>>) dst(%arg9 : memref<80x128xf32, #tpu.memory_space<vmem>>)
      %add3A_140 = arith.constant 3 : i32
      %add3A_141 = arith.addi %add3A_113, %add3A_140 : i32
      %lt3A = arith.constant 125 : i32
      %lt3A_142 = arith.cmpi slt, %add3A_141, %lt3A : i32
      %convert_element_type3A = arith.extui %lt3A_142 : i1 to i32
      %cond3A = arith.constant 0 : i32
      %cond3A_143 = arith.cmpi ne, %convert_element_type3A, %cond3A : i32
      scf.if %cond3A_143 {
        %add3A_153 = arith.constant 3 : i32
        %add3A_154 = arith.addi %add3A_113, %add3A_153 : i32
        %dma_start3A_155 = arith.constant 1 : i32
        %dma_start3A_156 = arith.constant 0 : i32
        %dma_start3A_157 = tpu.memref_slice %arg3[%dma_start3A_155, %add3A, %add3A_154, %dma_start3A_156] : memref<2x32x125x80xi32, #tpu.memory_space<hbm>> -> memref<1x1x1x80xi32, #tpu.memory_space<hbm>>
        %dma_start3A_158 = tpu.memref_squeeze %dma_start3A_157 : memref<1x1x1x80xi32, #tpu.memory_space<hbm>> -> memref<80xi32, #tpu.memory_space<hbm>>
        %dma_start3A_159 = arith.constant 0 : i32
        %dma_start3A_160 = tpu.memref_slice %arg3[%dma_start3A_155, %add3A, %add3A_154, %dma_start3A_159] : memref<2x32x125x80xi32, #tpu.memory_space<hbm>> -> memref<1x1x1x80xi32, #tpu.memory_space<hbm>>
        %dma_start3A_161 = tpu.memref_squeeze %dma_start3A_160 : memref<1x1x1x80xi32, #tpu.memory_space<hbm>> -> memref<80xi32, #tpu.memory_space<hbm>>
        tpu.enqueue_dma source(%dma_start3A_161 : memref<80xi32, #tpu.memory_space<hbm>>) target(%arg7 : memref<80xi32, #tpu.memory_space<vmem>>) target_semaphore(%arg14 : memref<!tpu.dma_semaphore, #tpu.memory_space<semaphore_mem>>)
      } else {
      }
      %add3A_144 = arith.constant 1 : i32
      %add3A_145 = arith.addi %add3A_113, %add3A_144 : i32
      "tpu.region"() ({
        %run_scoped3A_153 = tpu.sem_alloc : memref<!tpu.dma_semaphore, #tpu.memory_space<semaphore_mem>>
        %dma_start3A_154 = arith.constant 0 : i32
        %dma_start3A_155 = tpu.memref_slice %arg5[%add3A_145, %dma_start3A_154] : memref<125x80xi32, #tpu.memory_space<vmem>> -> memref<1x80xi32, #tpu.memory_space<vmem>>
        %dma_start3A_156 = tpu.memref_squeeze %dma_start3A_155 : memref<1x80xi32, #tpu.memory_space<vmem>> -> memref<80xi32, #tpu.memory_space<vmem>>
        %dma_start3A_157 = arith.constant 0 : i32
        %dma_start3A_158 = arith.constant 0 : i32
        %dma_start3A_159 = tpu.memref_slice %arg10[%dma_start3A_157, %dma_start3A_158] : memref<10000x128xf32, #tpu.memory_space<vmem_shared>> -> memref<10000x128xf32, #tpu.memory_space<vmem_shared>>
        tpu.enqueue_indirect_dma source(%arg9 : memref<80x128xf32, #tpu.memory_space<vmem>>) target(%dma_start3A_159 : memref<10000x128xf32, #tpu.memory_space<vmem_shared>>) offsets(%dma_start3A_156 : memref<80xi32, #tpu.memory_space<vmem>>) semaphore(%run_scoped3A_153 : memref<!tpu.dma_semaphore, #tpu.memory_space<semaphore_mem>>) {add = true}
        %dma_wait3A_160 = arith.constant 0 : i32
        %dma_wait3A_161 = tpu.memref_slice %arg5[%add3A_145, %dma_wait3A_160] : memref<125x80xi32, #tpu.memory_space<vmem>> -> memref<1x80xi32, #tpu.memory_space<vmem>>
        %dma_wait3A_162 = tpu.memref_squeeze %dma_wait3A_161 : memref<1x80xi32, #tpu.memory_space<vmem>> -> memref<80xi32, #tpu.memory_space<vmem>>
        %dma_wait3A_163 = arith.constant 0 : i32
        %dma_wait3A_164 = arith.constant 0 : i32
        %dma_wait3A_165 = tpu.memref_slice %arg10[%dma_wait3A_163, %dma_wait3A_164] : memref<10000x128xf32, #tpu.memory_space<vmem_shared>> -> memref<10000x128xf32, #tpu.memory_space<vmem_shared>>
        tpu.wait_indirect_dma semaphore(%run_scoped3A_153 : memref<!tpu.dma_semaphore, #tpu.memory_space<semaphore_mem>>) src(%arg9 : memref<80x128xf32, #tpu.memory_space<vmem>>) dst(%dma_wait3A_165 : memref<10000x128xf32, #tpu.memory_space<vmem_shared>>)
        tpu.yield
      }) : () -> ()
      %add3A_146 = arith.constant 3 : i32
      %add3A_147 = arith.addi %add3A_113, %add3A_146 : i32
      %lt3A_148 = arith.constant 125 : i32
      %lt3A_149 = arith.cmpi slt, %add3A_147, %lt3A_148 : i32
      %convert_element_type3A_150 = arith.extui %lt3A_149 : i1 to i32
      %cond3A_151 = arith.constant 0 : i32
      %cond3A_152 = arith.cmpi ne, %convert_element_type3A_150, %cond3A_151 : i32
      scf.if %cond3A_152 {
        %dma_wait3A_153 = arith.constant 1 : i32
        %dma_wait3A_154 = arith.constant 0 : i32
        %dma_wait3A_155 = arith.constant 0 : i32
        %dma_wait3A_156 = tpu.memref_slice %arg3[%dma_wait3A_153, %add3A, %dma_wait3A_154, %dma_wait3A_155] : memref<2x32x125x80xi32, #tpu.memory_space<hbm>> -> memref<1x1x1x80xi32, #tpu.memory_space<hbm>>
        %dma_wait3A_157 = tpu.memref_squeeze %dma_wait3A_156 : memref<1x1x1x80xi32, #tpu.memory_space<hbm>> -> memref<80xi32, #tpu.memory_space<hbm>>
        %dma_wait3A_158 = arith.constant 0 : i32
        %dma_wait3A_159 = tpu.memref_slice %arg3[%dma_wait3A_153, %add3A, %dma_wait3A_154, %dma_wait3A_158] : memref<2x32x125x80xi32, #tpu.memory_space<hbm>> -> memref<1x1x1x80xi32, #tpu.memory_space<hbm>>
        %dma_wait3A_160 = tpu.memref_squeeze %dma_wait3A_159 : memref<1x1x1x80xi32, #tpu.memory_space<hbm>> -> memref<80xi32, #tpu.memory_space<hbm>>
        tpu.wait_dma2 semaphore(%arg14 : memref<!tpu.dma_semaphore, #tpu.memory_space<semaphore_mem>>) src(%dma_wait3A_160 : memref<80xi32, #tpu.memory_space<hbm>>) dst(%arg7 : memref<80xi32, #tpu.memory_space<vmem>>)
        %dma_start3A_161 = arith.constant 0 : i32
        %dma_start3A_162 = arith.constant 0 : i32
        %dma_start3A_163 = tpu.memref_slice %arg2[%dma_start3A_161, %dma_start3A_162] : memref<10000x128xf32, #tpu.memory_space<hbm>> -> memref<10000x128xf32, #tpu.memory_space<hbm>>
        tpu.enqueue_indirect_dma source(%dma_start3A_163 : memref<10000x128xf32, #tpu.memory_space<hbm>>) target(%arg9 : memref<80x128xf32, #tpu.memory_space<vmem>>) offsets(%arg7 : memref<80xi32, #tpu.memory_space<vmem>>) semaphore(%arg12 : memref<!tpu.dma_semaphore, #tpu.memory_space<semaphore_mem>>)
      } else {
      }
    }
    %scan3A_100 = arith.constant 62 : i32
    %dma_wait3A_101 = arith.constant 0 : i32
    %dma_wait3A_102 = arith.constant 0 : i32
    %dma_wait3A_103 = tpu.memref_slice %arg2[%dma_wait3A_101, %dma_wait3A_102] : memref<10000x128xf32, #tpu.memory_space<hbm>> -> memref<10000x128xf32, #tpu.memory_space<hbm>>
    tpu.wait_indirect_dma semaphore(%arg11 : memref<!tpu.dma_semaphore, #tpu.memory_space<semaphore_mem>>) src(%dma_wait3A_103 : memref<10000x128xf32, #tpu.memory_space<hbm>>) dst(%arg8 : memref<80x128xf32, #tpu.memory_space<vmem>>)
    %run_scoped3A_104 = arith.constant 124 : i32
    "tpu.region"() ({
      %run_scoped3A_109 = tpu.sem_alloc : memref<!tpu.dma_semaphore, #tpu.memory_space<semaphore_mem>>
      %dma_start3A_110 = arith.constant 0 : i32
      %dma_start3A_111 = tpu.memref_slice %arg5[%run_scoped3A_104, %dma_start3A_110] : memref<125x80xi32, #tpu.memory_space<vmem>> -> memref<1x80xi32, #tpu.memory_space<vmem>>
      %dma_start3A_112 = tpu.memref_squeeze %dma_start3A_111 : memref<1x80xi32, #tpu.memory_space<vmem>> -> memref<80xi32, #tpu.memory_space<vmem>>
      %dma_start3A_113 = arith.constant 0 : i32
      %dma_start3A_114 = arith.constant 0 : i32
      %dma_start3A_115 = tpu.memref_slice %arg10[%dma_start3A_113, %dma_start3A_114] : memref<10000x128xf32, #tpu.memory_space<vmem_shared>> -> memref<10000x128xf32, #tpu.memory_space<vmem_shared>>
      tpu.enqueue_indirect_dma source(%arg8 : memref<80x128xf32, #tpu.memory_space<vmem>>) target(%dma_start3A_115 : memref<10000x128xf32, #tpu.memory_space<vmem_shared>>) offsets(%dma_start3A_112 : memref<80xi32, #tpu.memory_space<vmem>>) semaphore(%run_scoped3A_109 : memref<!tpu.dma_semaphore, #tpu.memory_space<semaphore_mem>>) {add = true}
      %dma_wait3A_116 = arith.constant 0 : i32
      %dma_wait3A_117 = tpu.memref_slice %arg5[%run_scoped3A_104, %dma_wait3A_116] : memref<125x80xi32, #tpu.memory_space<vmem>> -> memref<1x80xi32, #tpu.memory_space<vmem>>
      %dma_wait3A_118 = tpu.memref_squeeze %dma_wait3A_117 : memref<1x80xi32, #tpu.memory_space<vmem>> -> memref<80xi32, #tpu.memory_space<vmem>>
      %dma_wait3A_119 = arith.constant 0 : i32
      %dma_wait3A_120 = arith.constant 0 : i32
      %dma_wait3A_121 = tpu.memref_slice %arg10[%dma_wait3A_119, %dma_wait3A_120] : memref<10000x128xf32, #tpu.memory_space<vmem_shared>> -> memref<10000x128xf32, #tpu.memory_space<vmem_shared>>
      tpu.wait_indirect_dma semaphore(%run_scoped3A_109 : memref<!tpu.dma_semaphore, #tpu.memory_space<semaphore_mem>>) src(%arg8 : memref<80x128xf32, #tpu.memory_space<vmem>>) dst(%dma_wait3A_121 : memref<10000x128xf32, #tpu.memory_space<vmem_shared>>)
      tpu.yield
    }) : () -> ()
    %barrier3A_105 = arith.constant 0 : index
    tpu.barrier barrier_id(%barrier3A_105)
    %mul3A_106 = arith.constant 10000 : i32
    %mul3A_107 = arith.muli %arg0, %mul3A_106 : i32
    %add3A_108 = arith.addi %mul3A_107, %multiple_of3A : i32
    "tpu.region"() ({
      %run_scoped3A_109 = tpu.sem_alloc : memref<!tpu.dma_semaphore, #tpu.memory_space<semaphore_mem>>
      %dma_start3A_110 = arith.constant 0 : i32
      %dma_start3A_111 = tpu.memref_slice %arg4[%add3A_108, %dma_start3A_110] : memref<20000x128xf32, #tpu.memory_space<hbm>> -> memref<640x128xf32, #tpu.memory_space<hbm>>
      %dma_start3A_112 = arith.constant 0 : i32
      %dma_start3A_113 = tpu.memref_slice %arg10[%multiple_of3A, %dma_start3A_112] : memref<10000x128xf32, #tpu.memory_space<vmem_shared>> -> memref<640x128xf32, #tpu.memory_space<vmem_shared>>
      tpu.enqueue_dma source(%dma_start3A_113 : memref<640x128xf32, #tpu.memory_space<vmem_shared>>) target(%dma_start3A_111 : memref<640x128xf32, #tpu.memory_space<hbm>>) target_semaphore(%run_scoped3A_109 : memref<!tpu.dma_semaphore, #tpu.memory_space<semaphore_mem>>)
      %dma_wait3A_114 = arith.constant 0 : i32
      %dma_wait3A_115 = tpu.memref_slice %arg4[%add3A_108, %dma_wait3A_114] : memref<20000x128xf32, #tpu.memory_space<hbm>> -> memref<640x128xf32, #tpu.memory_space<hbm>>
      %dma_wait3A_116 = arith.constant 0 : i32
      %dma_wait3A_117 = tpu.memref_slice %arg10[%multiple_of3A, %dma_wait3A_116] : memref<10000x128xf32, #tpu.memory_space<vmem_shared>> -> memref<640x128xf32, #tpu.memory_space<vmem_shared>>
      tpu.wait_dma2 semaphore(%run_scoped3A_109 : memref<!tpu.dma_semaphore, #tpu.memory_space<semaphore_mem>>) src(%dma_wait3A_117 : memref<640x128xf32, #tpu.memory_space<vmem_shared>>) dst(%dma_wait3A_115 : memref<640x128xf32, #tpu.memory_space<hbm>>)
      tpu.yield
    }) : () -> ()
    return
  }
}

#map = affine_map<(d0, d1) -> (0, 0)>
#map1 = affine_map<(d0, d1) -> (0, 0, 0, 0)>
module attributes {stable_mosaic.version = 14 : i64} {
  func.func @seg(%arg0: i32, %arg1: i32, %arg2: memref<10000x128xf32, #tpu.memory_space<hbm>>, %arg3: memref<2x32x125x80xi32, #tpu.memory_space<hbm>>, %arg4: memref<20000x128xf32, #tpu.memory_space<hbm>>, %arg5: memref<125x80xi32, #tpu.memory_space<vmem>>, %arg6: memref<80xi32, #tpu.memory_space<vmem>>, %arg7: memref<80xi32, #tpu.memory_space<vmem>>, %arg8: memref<80x128xf32, #tpu.memory_space<vmem>>, %arg9: memref<80x128xf32, #tpu.memory_space<vmem>>, %arg10: memref<10000x128xf32, #tpu.memory_space<vmem_shared>>, %arg11: memref<!tpu.dma_semaphore, #tpu.memory_space<semaphore_mem>>, %arg12: memref<!tpu.dma_semaphore, #tpu.memory_space<semaphore_mem>>, %arg13: memref<!tpu.dma_semaphore, #tpu.memory_space<semaphore_mem>>, %arg14: memref<!tpu.dma_semaphore, #tpu.memory_space<semaphore_mem>>) attributes {dimension_semantics = [#tpu.dimension_semantics<core_parallel>, #tpu.dimension_semantics<subcore_parallel>], iteration_bounds = array<i64: 2, 16>, scalar_prefetch = 0 : i64, scratch_operands = 10 : i64, tpu.core_type = #tpu.core_type<sc_vector_subcore>, window_params = [{transform_indices = #map}, {transform_indices = #map1}, {transform_indices = #map}]} {
    %mul3A = arith.constant 16 : i32
    %mul3A_0 = arith.muli %arg0, %mul3A : i32
    %add3A = arith.addi %mul3A_0, %arg1 : i32
    %scan3A = arith.constant 0 : i32
    %scan3A_1 = arith.constant 80 : i32
    %scan3A_2 = arith.addi %scan3A, %scan3A_1 : i32
    %scan3A_3 = arith.constant 1 : i32
    scf.for %scan3A_109 = %scan3A to %scan3A_2 step %scan3A_3  : i32 {
      %mul3A_110 = arith.constant 1 : i32
      %mul3A_111 = arith.muli %scan3A_109, %mul3A_110 : i32
      %add3A_112 = arith.constant 0 : i32
      %add3A_113 = arith.addi %add3A_112, %mul3A_111 : i32
      %broadcast_in_dim3A = arith.constant 0.000000e+00 : f32
      %broadcast_in_dim3A_114 = vector.broadcast %broadcast_in_dim3A : f32 to vector<16xf32>
      %swap3A = arith.index_cast %add3A_113 : i32 to index
      %swap3A_115 = arith.constant 0 : index
      %swap3A_116 = tpu.vector_load %arg9[%swap3A, %swap3A_115] {strides = array<i32>} : memref<80x128xf32, #tpu.memory_space<vmem>>, vector<1x16xf32>,
      %swap3A_117 = vector.shape_cast %swap3A_116 : vector<1x16xf32> to vector<16xf32>
      %swap3A_118 = vector.shape_cast %broadcast_in_dim3A_114 : vector<16xf32> to vector<1x16xf32>
      tpu.vector_store %arg9[%swap3A, %swap3A_115], %swap3A_118 {strides = array<i32>} : memref<80x128xf32, #tpu.memory_space<vmem>>, vector<1x16xf32>,
      %broadcast_in_dim3A_119 = arith.constant 0.000000e+00 : f32
      %broadcast_in_dim3A_120 = vector.broadcast %broadcast_in_dim3A_119 : f32 to vector<16xf32>
      %swap3A_121 = arith.index_cast %add3A_113 : i32 to index
      %swap3A_122 = arith.constant 16 : index
      %swap3A_123 = tpu.vector_load %arg9[%swap3A_121, %swap3A_122] {strides = array<i32>} : memref<80x128xf32, #tpu.memory_space<vmem>>, vector<1x16xf32>,
      %swap3A_124 = vector.shape_cast %swap3A_123 : vector<1x16xf32> to vector<16xf32>
      %swap3A_125 = vector.shape_cast %broadcast_in_dim3A_120 : vector<16xf32> to vector<1x16xf32>
      tpu.vector_store %arg9[%swap3A_121, %swap3A_122], %swap3A_125 {strides = array<i32>} : memref<80x128xf32, #tpu.memory_space<vmem>>, vector<1x16xf32>,
      %broadcast_in_dim3A_126 = arith.constant 0.000000e+00 : f32
      %broadcast_in_dim3A_127 = vector.broadcast %broadcast_in_dim3A_126 : f32 to vector<16xf32>
      %swap3A_128 = arith.index_cast %add3A_113 : i32 to index
      %swap3A_129 = arith.constant 32 : index
      %swap3A_130 = tpu.vector_load %arg9[%swap3A_128, %swap3A_129] {strides = array<i32>} : memref<80x128xf32, #tpu.memory_space<vmem>>, vector<1x16xf32>,
      %swap3A_131 = vector.shape_cast %swap3A_130 : vector<1x16xf32> to vector<16xf32>
      %swap3A_132 = vector.shape_cast %broadcast_in_dim3A_127 : vector<16xf32> to vector<1x16xf32>
      tpu.vector_store %arg9[%swap3A_128, %swap3A_129], %swap3A_132 {strides = array<i32>} : memref<80x128xf32, #tpu.memory_space<vmem>>, vector<1x16xf32>,
      %broadcast_in_dim3A_133 = arith.constant 0.000000e+00 : f32
      %broadcast_in_dim3A_134 = vector.broadcast %broadcast_in_dim3A_133 : f32 to vector<16xf32>
      %swap3A_135 = arith.index_cast %add3A_113 : i32 to index
      %swap3A_136 = arith.constant 48 : index
      %swap3A_137 = tpu.vector_load %arg9[%swap3A_135, %swap3A_136] {strides = array<i32>} : memref<80x128xf32, #tpu.memory_space<vmem>>, vector<1x16xf32>,
      %swap3A_138 = vector.shape_cast %swap3A_137 : vector<1x16xf32> to vector<16xf32>
      %swap3A_139 = vector.shape_cast %broadcast_in_dim3A_134 : vector<16xf32> to vector<1x16xf32>
      tpu.vector_store %arg9[%swap3A_135, %swap3A_136], %swap3A_139 {strides = array<i32>} : memref<80x128xf32, #tpu.memory_space<vmem>>, vector<1x16xf32>,
      %broadcast_in_dim3A_140 = arith.constant 0.000000e+00 : f32
      %broadcast_in_dim3A_141 = vector.broadcast %broadcast_in_dim3A_140 : f32 to vector<16xf32>
      %swap3A_142 = arith.index_cast %add3A_113 : i32 to index
      %swap3A_143 = arith.constant 64 : index
      %swap3A_144 = tpu.vector_load %arg9[%swap3A_142, %swap3A_143] {strides = array<i32>} : memref<80x128xf32, #tpu.memory_space<vmem>>, vector<1x16xf32>,
      %swap3A_145 = vector.shape_cast %swap3A_144 : vector<1x16xf32> to vector<16xf32>
      %swap3A_146 = vector.shape_cast %broadcast_in_dim3A_141 : vector<16xf32> to vector<1x16xf32>
      tpu.vector_store %arg9[%swap3A_142, %swap3A_143], %swap3A_146 {strides = array<i32>} : memref<80x128xf32, #tpu.memory_space<vmem>>, vector<1x16xf32>,
      %broadcast_in_dim3A_147 = arith.constant 0.000000e+00 : f32
      %broadcast_in_dim3A_148 = vector.broadcast %broadcast_in_dim3A_147 : f32 to vector<16xf32>
      %swap3A_149 = arith.index_cast %add3A_113 : i32 to index
      %swap3A_150 = arith.constant 80 : index
      %swap3A_151 = tpu.vector_load %arg9[%swap3A_149, %swap3A_150] {strides = array<i32>} : memref<80x128xf32, #tpu.memory_space<vmem>>, vector<1x16xf32>,
      %swap3A_152 = vector.shape_cast %swap3A_151 : vector<1x16xf32> to vector<16xf32>
      %swap3A_153 = vector.shape_cast %broadcast_in_dim3A_148 : vector<16xf32> to vector<1x16xf32>
      tpu.vector_store %arg9[%swap3A_149, %swap3A_150], %swap3A_153 {strides = array<i32>} : memref<80x128xf32, #tpu.memory_space<vmem>>, vector<1x16xf32>,
      %broadcast_in_dim3A_154 = arith.constant 0.000000e+00 : f32
      %broadcast_in_dim3A_155 = vector.broadcast %broadcast_in_dim3A_154 : f32 to vector<16xf32>
      %swap3A_156 = arith.index_cast %add3A_113 : i32 to index
      %swap3A_157 = arith.constant 96 : index
      %swap3A_158 = tpu.vector_load %arg9[%swap3A_156, %swap3A_157] {strides = array<i32>} : memref<80x128xf32, #tpu.memory_space<vmem>>, vector<1x16xf32>,
      %swap3A_159 = vector.shape_cast %swap3A_158 : vector<1x16xf32> to vector<16xf32>
      %swap3A_160 = vector.shape_cast %broadcast_in_dim3A_155 : vector<16xf32> to vector<1x16xf32>
      tpu.vector_store %arg9[%swap3A_156, %swap3A_157], %swap3A_160 {strides = array<i32>} : memref<80x128xf32, #tpu.memory_space<vmem>>, vector<1x16xf32>,
      %broadcast_in_dim3A_161 = arith.constant 0.000000e+00 : f32
      %broadcast_in_dim3A_162 = vector.broadcast %broadcast_in_dim3A_161 : f32 to vector<16xf32>
      %swap3A_163 = arith.index_cast %add3A_113 : i32 to index
      %swap3A_164 = arith.constant 112 : index
      %swap3A_165 = tpu.vector_load %arg9[%swap3A_163, %swap3A_164] {strides = array<i32>} : memref<80x128xf32, #tpu.memory_space<vmem>>, vector<1x16xf32>,
      %swap3A_166 = vector.shape_cast %swap3A_165 : vector<1x16xf32> to vector<16xf32>
      %swap3A_167 = vector.shape_cast %broadcast_in_dim3A_162 : vector<16xf32> to vector<1x16xf32>
      tpu.vector_store %arg9[%swap3A_163, %swap3A_164], %swap3A_167 {strides = array<i32>} : memref<80x128xf32, #tpu.memory_space<vmem>>, vector<1x16xf32>,
    }
    %scan3A_4 = arith.constant 80 : i32
    %mul3A_5 = arith.constant 640 : i32
    %mul3A_6 = arith.muli %arg1, %mul3A_5 : i32
    %min3A = arith.constant 9360 : i32
    %min3A_7 = arith.minsi %mul3A_6, %min3A : i32
    %multiple_of3A = tpu.assume_multiple %min3A_7, 8 : i32
    %add3A_8 = arith.constant 0 : i32
    %add3A_9 = arith.addi %multiple_of3A, %add3A_8 : i32
    %dma_start3A = arith.constant 0 : i32
    %dma_start3A_10 = tpu.memref_slice %arg10[%add3A_9, %dma_start3A] : memref<10000x128xf32, #tpu.memory_space<vmem_shared>> -> memref<80x128xf32, #tpu.memory_space<vmem_shared>>
    %dma_start3A_11 = arith.constant 0 : i32
    %dma_start3A_12 = tpu.memref_slice %arg10[%add3A_9, %dma_start3A_11] : memref<10000x128xf32, #tpu.memory_space<vmem_shared>> -> memref<80x128xf32, #tpu.memory_space<vmem_shared>>
    tpu.enqueue_dma source(%arg9 : memref<80x128xf32, #tpu.memory_space<vmem>>) target(%dma_start3A_12 : memref<80x128xf32, #tpu.memory_space<vmem_shared>>) target_semaphore(%arg14 : memref<!tpu.dma_semaphore, #tpu.memory_space<semaphore_mem>>)
    %add3A_13 = arith.constant 80 : i32
    %add3A_14 = arith.addi %multiple_of3A, %add3A_13 : i32
    %dma_start3A_15 = arith.constant 0 : i32
    %dma_start3A_16 = tpu.memref_slice %arg10[%add3A_14, %dma_start3A_15] : memref<10000x128xf32, #tpu.memory_space<vmem_shared>> -> memref<80x128xf32, #tpu.memory_space<vmem_shared>>
    %dma_start3A_17 = arith.constant 0 : i32
    %dma_start3A_18 = tpu.memref_slice %arg10[%add3A_14, %dma_start3A_17] : memref<10000x128xf32, #tpu.memory_space<vmem_shared>> -> memref<80x128xf32, #tpu.memory_space<vmem_shared>>
    tpu.enqueue_dma source(%arg9 : memref<80x128xf32, #tpu.memory_space<vmem>>) target(%dma_start3A_18 : memref<80x128xf32, #tpu.memory_space<vmem_shared>>) target_semaphore(%arg14 : memref<!tpu.dma_semaphore, #tpu.memory_space<semaphore_mem>>)
    %add3A_19 = arith.constant 160 : i32
    %add3A_20 = arith.addi %multiple_of3A, %add3A_19 : i32
    %dma_start3A_21 = arith.constant 0 : i32
    %dma_start3A_22 = tpu.memref_slice %arg10[%add3A_20, %dma_start3A_21] : memref<10000x128xf32, #tpu.memory_space<vmem_shared>> -> memref<80x128xf32, #tpu.memory_space<vmem_shared>>
    %dma_start3A_23 = arith.constant 0 : i32
    %dma_start3A_24 = tpu.memref_slice %arg10[%add3A_20, %dma_start3A_23] : memref<10000x128xf32, #tpu.memory_space<vmem_shared>> -> memref<80x128xf32, #tpu.memory_space<vmem_shared>>
    tpu.enqueue_dma source(%arg9 : memref<80x128xf32, #tpu.memory_space<vmem>>) target(%dma_start3A_24 : memref<80x128xf32, #tpu.memory_space<vmem_shared>>) target_semaphore(%arg14 : memref<!tpu.dma_semaphore, #tpu.memory_space<semaphore_mem>>)
    %add3A_25 = arith.constant 240 : i32
    %add3A_26 = arith.addi %multiple_of3A, %add3A_25 : i32
    %dma_start3A_27 = arith.constant 0 : i32
    %dma_start3A_28 = tpu.memref_slice %arg10[%add3A_26, %dma_start3A_27] : memref<10000x128xf32, #tpu.memory_space<vmem_shared>> -> memref<80x128xf32, #tpu.memory_space<vmem_shared>>
    %dma_start3A_29 = arith.constant 0 : i32
    %dma_start3A_30 = tpu.memref_slice %arg10[%add3A_26, %dma_start3A_29] : memref<10000x128xf32, #tpu.memory_space<vmem_shared>> -> memref<80x128xf32, #tpu.memory_space<vmem_shared>>
    tpu.enqueue_dma source(%arg9 : memref<80x128xf32, #tpu.memory_space<vmem>>) target(%dma_start3A_30 : memref<80x128xf32, #tpu.memory_space<vmem_shared>>) target_semaphore(%arg14 : memref<!tpu.dma_semaphore, #tpu.memory_space<semaphore_mem>>)
    %add3A_31 = arith.constant 320 : i32
    %add3A_32 = arith.addi %multiple_of3A, %add3A_31 : i32
    %dma_start3A_33 = arith.constant 0 : i32
    %dma_start3A_34 = tpu.memref_slice %arg10[%add3A_32, %dma_start3A_33] : memref<10000x128xf32, #tpu.memory_space<vmem_shared>> -> memref<80x128xf32, #tpu.memory_space<vmem_shared>>
    %dma_start3A_35 = arith.constant 0 : i32
    %dma_start3A_36 = tpu.memref_slice %arg10[%add3A_32, %dma_start3A_35] : memref<10000x128xf32, #tpu.memory_space<vmem_shared>> -> memref<80x128xf32, #tpu.memory_space<vmem_shared>>
    tpu.enqueue_dma source(%arg9 : memref<80x128xf32, #tpu.memory_space<vmem>>) target(%dma_start3A_36 : memref<80x128xf32, #tpu.memory_space<vmem_shared>>) target_semaphore(%arg14 : memref<!tpu.dma_semaphore, #tpu.memory_space<semaphore_mem>>)
    %add3A_37 = arith.constant 400 : i32
    %add3A_38 = arith.addi %multiple_of3A, %add3A_37 : i32
    %dma_start3A_39 = arith.constant 0 : i32
    %dma_start3A_40 = tpu.memref_slice %arg10[%add3A_38, %dma_start3A_39] : memref<10000x128xf32, #tpu.memory_space<vmem_shared>> -> memref<80x128xf32, #tpu.memory_space<vmem_shared>>
    %dma_start3A_41 = arith.constant 0 : i32
    %dma_start3A_42 = tpu.memref_slice %arg10[%add3A_38, %dma_start3A_41] : memref<10000x128xf32, #tpu.memory_space<vmem_shared>> -> memref<80x128xf32, #tpu.memory_space<vmem_shared>>
    tpu.enqueue_dma source(%arg9 : memref<80x128xf32, #tpu.memory_space<vmem>>) target(%dma_start3A_42 : memref<80x128xf32, #tpu.memory_space<vmem_shared>>) target_semaphore(%arg14 : memref<!tpu.dma_semaphore, #tpu.memory_space<semaphore_mem>>)
    %add3A_43 = arith.constant 480 : i32
    %add3A_44 = arith.addi %multiple_of3A, %add3A_43 : i32
    %dma_start3A_45 = arith.constant 0 : i32
    %dma_start3A_46 = tpu.memref_slice %arg10[%add3A_44, %dma_start3A_45] : memref<10000x128xf32, #tpu.memory_space<vmem_shared>> -> memref<80x128xf32, #tpu.memory_space<vmem_shared>>
    %dma_start3A_47 = arith.constant 0 : i32
    %dma_start3A_48 = tpu.memref_slice %arg10[%add3A_44, %dma_start3A_47] : memref<10000x128xf32, #tpu.memory_space<vmem_shared>> -> memref<80x128xf32, #tpu.memory_space<vmem_shared>>
    tpu.enqueue_dma source(%arg9 : memref<80x128xf32, #tpu.memory_space<vmem>>) target(%dma_start3A_48 : memref<80x128xf32, #tpu.memory_space<vmem_shared>>) target_semaphore(%arg14 : memref<!tpu.dma_semaphore, #tpu.memory_space<semaphore_mem>>)
    %add3A_49 = arith.constant 560 : i32
    %add3A_50 = arith.addi %multiple_of3A, %add3A_49 : i32
    %dma_start3A_51 = arith.constant 0 : i32
    %dma_start3A_52 = tpu.memref_slice %arg10[%add3A_50, %dma_start3A_51] : memref<10000x128xf32, #tpu.memory_space<vmem_shared>> -> memref<80x128xf32, #tpu.memory_space<vmem_shared>>
    %dma_start3A_53 = arith.constant 0 : i32
    %dma_start3A_54 = tpu.memref_slice %arg10[%add3A_50, %dma_start3A_53] : memref<10000x128xf32, #tpu.memory_space<vmem_shared>> -> memref<80x128xf32, #tpu.memory_space<vmem_shared>>
    tpu.enqueue_dma source(%arg9 : memref<80x128xf32, #tpu.memory_space<vmem>>) target(%dma_start3A_54 : memref<80x128xf32, #tpu.memory_space<vmem_shared>>) target_semaphore(%arg14 : memref<!tpu.dma_semaphore, #tpu.memory_space<semaphore_mem>>)
    %run_scoped3A = arith.constant 1 : i32
    "tpu.region"() ({
      %run_scoped3A_109 = tpu.sem_alloc : memref<!tpu.dma_semaphore, #tpu.memory_space<semaphore_mem>>
      %dma_start3A_110 = arith.constant 0 : i32
      %dma_start3A_111 = arith.constant 0 : i32
      %dma_start3A_112 = tpu.memref_slice %arg3[%run_scoped3A, %add3A, %dma_start3A_110, %dma_start3A_111] : memref<2x32x125x80xi32, #tpu.memory_space<hbm>> -> memref<1x1x125x80xi32, #tpu.memory_space<hbm>>
      %dma_start3A_113 = tpu.memref_squeeze %dma_start3A_112 : memref<1x1x125x80xi32, #tpu.memory_space<hbm>> -> memref<125x80xi32, #tpu.memory_space<hbm>>
      %dma_start3A_114 = arith.constant 0 : i32
      %dma_start3A_115 = arith.constant 0 : i32
      %dma_start3A_116 = tpu.memref_slice %arg3[%run_scoped3A, %add3A, %dma_start3A_114, %dma_start3A_115] : memref<2x32x125x80xi32, #tpu.memory_space<hbm>> -> memref<1x1x125x80xi32, #tpu.memory_space<hbm>>
      %dma_start3A_117 = tpu.memref_squeeze %dma_start3A_116 : memref<1x1x125x80xi32, #tpu.memory_space<hbm>> -> memref<125x80xi32, #tpu.memory_space<hbm>>
      tpu.enqueue_dma source(%dma_start3A_117 : memref<125x80xi32, #tpu.memory_space<hbm>>) target(%arg5 : memref<125x80xi32, #tpu.memory_space<vmem>>) target_semaphore(%run_scoped3A_109 : memref<!tpu.dma_semaphore, #tpu.memory_space<semaphore_mem>>)
      %dma_wait3A_118 = arith.constant 0 : i32
      %dma_wait3A_119 = arith.constant 0 : i32
      %dma_wait3A_120 = tpu.memref_slice %arg3[%run_scoped3A, %add3A, %dma_wait3A_118, %dma_wait3A_119] : memref<2x32x125x80xi32, #tpu.memory_space<hbm>> -> memref<1x1x125x80xi32, #tpu.memory_space<hbm>>
      %dma_wait3A_121 = tpu.memref_squeeze %dma_wait3A_120 : memref<1x1x125x80xi32, #tpu.memory_space<hbm>> -> memref<125x80xi32, #tpu.memory_space<hbm>>
      %dma_wait3A_122 = arith.constant 0 : i32
      %dma_wait3A_123 = arith.constant 0 : i32
      %dma_wait3A_124 = tpu.memref_slice %arg3[%run_scoped3A, %add3A, %dma_wait3A_122, %dma_wait3A_123] : memref<2x32x125x80xi32, #tpu.memory_space<hbm>> -> memref<1x1x125x80xi32, #tpu.memory_space<hbm>>
      %dma_wait3A_125 = tpu.memref_squeeze %dma_wait3A_124 : memref<1x1x125x80xi32, #tpu.memory_space<hbm>> -> memref<125x80xi32, #tpu.memory_space<hbm>>
      tpu.wait_dma2 semaphore(%run_scoped3A_109 : memref<!tpu.dma_semaphore, #tpu.memory_space<semaphore_mem>>) src(%dma_wait3A_125 : memref<125x80xi32, #tpu.memory_space<hbm>>) dst(%arg5 : memref<125x80xi32, #tpu.memory_space<vmem>>)
      tpu.yield
    }) : () -> ()
    %run_scoped3A_55 = arith.constant 0 : i32
    %run_scoped3A_56 = arith.constant 0 : i32
    "tpu.region"() ({
      %run_scoped3A_109 = tpu.sem_alloc : memref<!tpu.dma_semaphore, #tpu.memory_space<semaphore_mem>>
      %dma_start3A_110 = arith.constant 0 : i32
      %dma_start3A_111 = tpu.memref_slice %arg3[%run_scoped3A_55, %add3A, %run_scoped3A_56, %dma_start3A_110] : memref<2x32x125x80xi32, #tpu.memory_space<hbm>> -> memref<1x1x1x80xi32, #tpu.memory_space<hbm>>
      %dma_start3A_112 = tpu.memref_squeeze %dma_start3A_111 : memref<1x1x1x80xi32, #tpu.memory_space<hbm>> -> memref<80xi32, #tpu.memory_space<hbm>>
      %dma_start3A_113 = arith.constant 0 : i32
      %dma_start3A_114 = tpu.memref_slice %arg3[%run_scoped3A_55, %add3A, %run_scoped3A_56, %dma_start3A_113] : memref<2x32x125x80xi32, #tpu.memory_space<hbm>> -> memref<1x1x1x80xi32, #tpu.memory_space<hbm>>
      %dma_start3A_115 = tpu.memref_squeeze %dma_start3A_114 : memref<1x1x1x80xi32, #tpu.memory_space<hbm>> -> memref<80xi32, #tpu.memory_space<hbm>>
      tpu.enqueue_dma source(%dma_start3A_115 : memref<80xi32, #tpu.memory_space<hbm>>) target(%arg6 : memref<80xi32, #tpu.memory_space<vmem>>) target_semaphore(%run_scoped3A_109 : memref<!tpu.dma_semaphore, #tpu.memory_space<semaphore_mem>>)
      %dma_wait3A_116 = arith.constant 0 : i32
      %dma_wait3A_117 = tpu.memref_slice %arg3[%run_scoped3A_55, %add3A, %run_scoped3A_56, %dma_wait3A_116] : memref<2x32x125x80xi32, #tpu.memory_space<hbm>> -> memref<1x1x1x80xi32, #tpu.memory_space<hbm>>
      %dma_wait3A_118 = tpu.memref_squeeze %dma_wait3A_117 : memref<1x1x1x80xi32, #tpu.memory_space<hbm>> -> memref<80xi32, #tpu.memory_space<hbm>>
      %dma_wait3A_119 = arith.constant 0 : i32
      %dma_wait3A_120 = tpu.memref_slice %arg3[%run_scoped3A_55, %add3A, %run_scoped3A_56, %dma_wait3A_119] : memref<2x32x125x80xi32, #tpu.memory_space<hbm>> -> memref<1x1x1x80xi32, #tpu.memory_space<hbm>>
      %dma_wait3A_121 = tpu.memref_squeeze %dma_wait3A_120 : memref<1x1x1x80xi32, #tpu.memory_space<hbm>> -> memref<80xi32, #tpu.memory_space<hbm>>
      tpu.wait_dma2 semaphore(%run_scoped3A_109 : memref<!tpu.dma_semaphore, #tpu.memory_space<semaphore_mem>>) src(%dma_wait3A_121 : memref<80xi32, #tpu.memory_space<hbm>>) dst(%arg6 : memref<80xi32, #tpu.memory_space<vmem>>)
      tpu.yield
    }) : () -> ()
    %run_scoped3A_57 = arith.constant 0 : i32
    %run_scoped3A_58 = arith.constant 1 : i32
    "tpu.region"() ({
      %run_scoped3A_109 = tpu.sem_alloc : memref<!tpu.dma_semaphore, #tpu.memory_space<semaphore_mem>>
      %dma_start3A_110 = arith.constant 0 : i32
      %dma_start3A_111 = tpu.memref_slice %arg3[%run_scoped3A_57, %add3A, %run_scoped3A_58, %dma_start3A_110] : memref<2x32x125x80xi32, #tpu.memory_space<hbm>> -> memref<1x1x1x80xi32, #tpu.memory_space<hbm>>
      %dma_start3A_112 = tpu.memref_squeeze %dma_start3A_111 : memref<1x1x1x80xi32, #tpu.memory_space<hbm>> -> memref<80xi32, #tpu.memory_space<hbm>>
      %dma_start3A_113 = arith.constant 0 : i32
      %dma_start3A_114 = tpu.memref_slice %arg3[%run_scoped3A_57, %add3A, %run_scoped3A_58, %dma_start3A_113] : memref<2x32x125x80xi32, #tpu.memory_space<hbm>> -> memref<1x1x1x80xi32, #tpu.memory_space<hbm>>
      %dma_start3A_115 = tpu.memref_squeeze %dma_start3A_114 : memref<1x1x1x80xi32, #tpu.memory_space<hbm>> -> memref<80xi32, #tpu.memory_space<hbm>>
      tpu.enqueue_dma source(%dma_start3A_115 : memref<80xi32, #tpu.memory_space<hbm>>) target(%arg7 : memref<80xi32, #tpu.memory_space<vmem>>) target_semaphore(%run_scoped3A_109 : memref<!tpu.dma_semaphore, #tpu.memory_space<semaphore_mem>>)
      %dma_wait3A_116 = arith.constant 0 : i32
      %dma_wait3A_117 = tpu.memref_slice %arg3[%run_scoped3A_57, %add3A, %run_scoped3A_58, %dma_wait3A_116] : memref<2x32x125x80xi32, #tpu.memory_space<hbm>> -> memref<1x1x1x80xi32, #tpu.memory_space<hbm>>
      %dma_wait3A_118 = tpu.memref_squeeze %dma_wait3A_117 : memref<1x1x1x80xi32, #tpu.memory_space<hbm>> -> memref<80xi32, #tpu.memory_space<hbm>>
      %dma_wait3A_119 = arith.constant 0 : i32
      %dma_wait3A_120 = tpu.memref_slice %arg3[%run_scoped3A_57, %add3A, %run_scoped3A_58, %dma_wait3A_119] : memref<2x32x125x80xi32, #tpu.memory_space<hbm>> -> memref<1x1x1x80xi32, #tpu.memory_space<hbm>>
      %dma_wait3A_121 = tpu.memref_squeeze %dma_wait3A_120 : memref<1x1x1x80xi32, #tpu.memory_space<hbm>> -> memref<80xi32, #tpu.memory_space<hbm>>
      tpu.wait_dma2 semaphore(%run_scoped3A_109 : memref<!tpu.dma_semaphore, #tpu.memory_space<semaphore_mem>>) src(%dma_wait3A_121 : memref<80xi32, #tpu.memory_space<hbm>>) dst(%arg7 : memref<80xi32, #tpu.memory_space<vmem>>)
      tpu.yield
    }) : () -> ()
    %dma_start3A_59 = arith.constant 0 : i32
    %dma_start3A_60 = arith.constant 0 : i32
    %dma_start3A_61 = tpu.memref_slice %arg2[%dma_start3A_59, %dma_start3A_60] : memref<10000x128xf32, #tpu.memory_space<hbm>> -> memref<10000x128xf32, #tpu.memory_space<hbm>>
    tpu.enqueue_indirect_dma source(%dma_start3A_61 : memref<10000x128xf32, #tpu.memory_space<hbm>>) target(%arg8 : memref<80x128xf32, #tpu.memory_space<vmem>>) offsets(%arg6 : memref<80xi32, #tpu.memory_space<vmem>>) semaphore(%arg11 : memref<!tpu.dma_semaphore, #tpu.memory_space<semaphore_mem>>)
    %dma_wait3A = arith.constant 0 : i32
    %dma_wait3A_62 = tpu.memref_slice %arg10[%multiple_of3A, %dma_wait3A] : memref<10000x128xf32, #tpu.memory_space<vmem_shared>> -> memref<80x128xf32, #tpu.memory_space<vmem_shared>>
    %dma_wait3A_63 = arith.constant 0 : i32
    %dma_wait3A_64 = tpu.memref_slice %arg10[%multiple_of3A, %dma_wait3A_63] : memref<10000x128xf32, #tpu.memory_space<vmem_shared>> -> memref<80x128xf32, #tpu.memory_space<vmem_shared>>
    tpu.wait_dma2 semaphore(%arg14 : memref<!tpu.dma_semaphore, #tpu.memory_space<semaphore_mem>>) src(%arg9 : memref<80x128xf32, #tpu.memory_space<vmem>>) dst(%dma_wait3A_64 : memref<80x128xf32, #tpu.memory_space<vmem_shared>>)
    %dma_wait3A_65 = arith.constant 0 : i32
    %dma_wait3A_66 = tpu.memref_slice %arg10[%multiple_of3A, %dma_wait3A_65] : memref<10000x128xf32, #tpu.memory_space<vmem_shared>> -> memref<80x128xf32, #tpu.memory_space<vmem_shared>>
    %dma_wait3A_67 = arith.constant 0 : i32
    %dma_wait3A_68 = tpu.memref_slice %arg10[%multiple_of3A, %dma_wait3A_67] : memref<10000x128xf32, #tpu.memory_space<vmem_shared>> -> memref<80x128xf32, #tpu.memory_space<vmem_shared>>
    tpu.wait_dma2 semaphore(%arg14 : memref<!tpu.dma_semaphore, #tpu.memory_space<semaphore_mem>>) src(%arg9 : memref<80x128xf32, #tpu.memory_space<vmem>>) dst(%dma_wait3A_68 : memref<80x128xf32, #tpu.memory_space<vmem_shared>>)
    %dma_wait3A_69 = arith.constant 0 : i32
    %dma_wait3A_70 = tpu.memref_slice %arg10[%multiple_of3A, %dma_wait3A_69] : memref<10000x128xf32, #tpu.memory_space<vmem_shared>> -> memref<80x128xf32, #tpu.memory_space<vmem_shared>>
    %dma_wait3A_71 = arith.constant 0 : i32
    %dma_wait3A_72 = tpu.memref_slice %arg10[%multiple_of3A, %dma_wait3A_71] : memref<10000x128xf32, #tpu.memory_space<vmem_shared>> -> memref<80x128xf32, #tpu.memory_space<vmem_shared>>
    tpu.wait_dma2 semaphore(%arg14 : memref<!tpu.dma_semaphore, #tpu.memory_space<semaphore_mem>>) src(%arg9 : memref<80x128xf32, #tpu.memory_space<vmem>>) dst(%dma_wait3A_72 : memref<80x128xf32, #tpu.memory_space<vmem_shared>>)
    %dma_wait3A_73 = arith.constant 0 : i32
    %dma_wait3A_74 = tpu.memref_slice %arg10[%multiple_of3A, %dma_wait3A_73] : memref<10000x128xf32, #tpu.memory_space<vmem_shared>> -> memref<80x128xf32, #tpu.memory_space<vmem_shared>>
    %dma_wait3A_75 = arith.constant 0 : i32
    %dma_wait3A_76 = tpu.memref_slice %arg10[%multiple_of3A, %dma_wait3A_75] : memref<10000x128xf32, #tpu.memory_space<vmem_shared>> -> memref<80x128xf32, #tpu.memory_space<vmem_shared>>
    tpu.wait_dma2 semaphore(%arg14 : memref<!tpu.dma_semaphore, #tpu.memory_space<semaphore_mem>>) src(%arg9 : memref<80x128xf32, #tpu.memory_space<vmem>>) dst(%dma_wait3A_76 : memref<80x128xf32, #tpu.memory_space<vmem_shared>>)
    %dma_wait3A_77 = arith.constant 0 : i32
    %dma_wait3A_78 = tpu.memref_slice %arg10[%multiple_of3A, %dma_wait3A_77] : memref<10000x128xf32, #tpu.memory_space<vmem_shared>> -> memref<80x128xf32, #tpu.memory_space<vmem_shared>>
    %dma_wait3A_79 = arith.constant 0 : i32
    %dma_wait3A_80 = tpu.memref_slice %arg10[%multiple_of3A, %dma_wait3A_79] : memref<10000x128xf32, #tpu.memory_space<vmem_shared>> -> memref<80x128xf32, #tpu.memory_space<vmem_shared>>
    tpu.wait_dma2 semaphore(%arg14 : memref<!tpu.dma_semaphore, #tpu.memory_space<semaphore_mem>>) src(%arg9 : memref<80x128xf32, #tpu.memory_space<vmem>>) dst(%dma_wait3A_80 : memref<80x128xf32, #tpu.memory_space<vmem_shared>>)
    %dma_wait3A_81 = arith.constant 0 : i32
    %dma_wait3A_82 = tpu.memref_slice %arg10[%multiple_of3A, %dma_wait3A_81] : memref<10000x128xf32, #tpu.memory_space<vmem_shared>> -> memref<80x128xf32, #tpu.memory_space<vmem_shared>>
    %dma_wait3A_83 = arith.constant 0 : i32
    %dma_wait3A_84 = tpu.memref_slice %arg10[%multiple_of3A, %dma_wait3A_83] : memref<10000x128xf32, #tpu.memory_space<vmem_shared>> -> memref<80x128xf32, #tpu.memory_space<vmem_shared>>
    tpu.wait_dma2 semaphore(%arg14 : memref<!tpu.dma_semaphore, #tpu.memory_space<semaphore_mem>>) src(%arg9 : memref<80x128xf32, #tpu.memory_space<vmem>>) dst(%dma_wait3A_84 : memref<80x128xf32, #tpu.memory_space<vmem_shared>>)
    %dma_wait3A_85 = arith.constant 0 : i32
    %dma_wait3A_86 = tpu.memref_slice %arg10[%multiple_of3A, %dma_wait3A_85] : memref<10000x128xf32, #tpu.memory_space<vmem_shared>> -> memref<80x128xf32, #tpu.memory_space<vmem_shared>>
    %dma_wait3A_87 = arith.constant 0 : i32
    %dma_wait3A_88 = tpu.memref_slice %arg10[%multiple_of3A, %dma_wait3A_87] : memref<10000x128xf32, #tpu.memory_space<vmem_shared>> -> memref<80x128xf32, #tpu.memory_space<vmem_shared>>
    tpu.wait_dma2 semaphore(%arg14 : memref<!tpu.dma_semaphore, #tpu.memory_space<semaphore_mem>>) src(%arg9 : memref<80x128xf32, #tpu.memory_space<vmem>>) dst(%dma_wait3A_88 : memref<80x128xf32, #tpu.memory_space<vmem_shared>>)
    %dma_wait3A_89 = arith.constant 0 : i32
    %dma_wait3A_90 = tpu.memref_slice %arg10[%multiple_of3A, %dma_wait3A_89] : memref<10000x128xf32, #tpu.memory_space<vmem_shared>> -> memref<80x128xf32, #tpu.memory_space<vmem_shared>>
    %dma_wait3A_91 = arith.constant 0 : i32
    %dma_wait3A_92 = tpu.memref_slice %arg10[%multiple_of3A, %dma_wait3A_91] : memref<10000x128xf32, #tpu.memory_space<vmem_shared>> -> memref<80x128xf32, #tpu.memory_space<vmem_shared>>
    tpu.wait_dma2 semaphore(%arg14 : memref<!tpu.dma_semaphore, #tpu.memory_space<semaphore_mem>>) src(%arg9 : memref<80x128xf32, #tpu.memory_space<vmem>>) dst(%dma_wait3A_92 : memref<80x128xf32, #tpu.memory_space<vmem_shared>>)
    %dma_start3A_93 = arith.constant 0 : i32
    %dma_start3A_94 = arith.constant 0 : i32
    %dma_start3A_95 = tpu.memref_slice %arg2[%dma_start3A_93, %dma_start3A_94] : memref<10000x128xf32, #tpu.memory_space<hbm>> -> memref<10000x128xf32, #tpu.memory_space<hbm>>
    tpu.enqueue_indirect_dma source(%dma_start3A_95 : memref<10000x128xf32, #tpu.memory_space<hbm>>) target(%arg9 : memref<80x128xf32, #tpu.memory_space<vmem>>) offsets(%arg7 : memref<80xi32, #tpu.memory_space<vmem>>) semaphore(%arg12 : memref<!tpu.dma_semaphore, #tpu.memory_space<semaphore_mem>>)
    %barrier3A = arith.constant 0 : index
    tpu.barrier barrier_id(%barrier3A)
    %scan3A_96 = arith.constant 0 : i32
    %scan3A_97 = arith.constant 62 : i32
    %scan3A_98 = arith.addi %scan3A_96, %scan3A_97 : i32
    %scan3A_99 = arith.constant 1 : i32
    scf.for %scan3A_109 = %scan3A_96 to %scan3A_98 step %scan3A_99  : i32 {
      %mul3A_110 = arith.constant 2 : i32
      %mul3A_111 = arith.muli %scan3A_109, %mul3A_110 : i32
      %add3A_112 = arith.constant 0 : i32
      %add3A_113 = arith.addi %add3A_112, %mul3A_111 : i32
      %dma_wait3A_114 = arith.constant 0 : i32
      %dma_wait3A_115 = arith.constant 0 : i32
      %dma_wait3A_116 = tpu.memref_slice %arg2[%dma_wait3A_114, %dma_wait3A_115] : memref<10000x128xf32, #tpu.memory_space<hbm>> -> memref<10000x128xf32, #tpu.memory_space<hbm>>
      tpu.wait_indirect_dma semaphore(%arg11 : memref<!tpu.dma_semaphore, #tpu.memory_space<semaphore_mem>>) src(%dma_wait3A_116 : memref<10000x128xf32, #tpu.memory_space<hbm>>) dst(%arg8 : memref<80x128xf32, #tpu.memory_space<vmem>>)
      %add3A_117 = arith.constant 2 : i32
      %add3A_118 = arith.addi %add3A_113, %add3A_117 : i32
      %dma_start3A_119 = arith.constant 0 : i32
      %dma_start3A_120 = arith.constant 0 : i32
      %dma_start3A_121 = tpu.memref_slice %arg3[%dma_start3A_119, %add3A, %add3A_118, %dma_start3A_120] : memref<2x32x125x80xi32, #tpu.memory_space<hbm>> -> memref<1x1x1x80xi32, #tpu.memory_space<hbm>>
      %dma_start3A_122 = tpu.memref_squeeze %dma_start3A_121 : memref<1x1x1x80xi32, #tpu.memory_space<hbm>> -> memref<80xi32, #tpu.memory_space<hbm>>
      %dma_start3A_123 = arith.constant 0 : i32
      %dma_start3A_124 = tpu.memref_slice %arg3[%dma_start3A_119, %add3A, %add3A_118, %dma_start3A_123] : memref<2x32x125x80xi32, #tpu.memory_space<hbm>> -> memref<1x1x1x80xi32, #tpu.memory_space<hbm>>
      %dma_start3A_125 = tpu.memref_squeeze %dma_start3A_124 : memref<1x1x1x80xi32, #tpu.memory_space<hbm>> -> memref<80xi32, #tpu.memory_space<hbm>>
      tpu.enqueue_dma source(%dma_start3A_125 : memref<80xi32, #tpu.memory_space<hbm>>) target(%arg6 : memref<80xi32, #tpu.memory_space<vmem>>) target_semaphore(%arg13 : memref<!tpu.dma_semaphore, #tpu.memory_space<semaphore_mem>>)
      "tpu.region"() ({
        %run_scoped3A_153 = tpu.sem_alloc : memref<!tpu.dma_semaphore, #tpu.memory_space<semaphore_mem>>
        %dma_start3A_154 = arith.constant 0 : i32
        %dma_start3A_155 = tpu.memref_slice %arg5[%add3A_113, %dma_start3A_154] : memref<125x80xi32, #tpu.memory_space<vmem>> -> memref<1x80xi32, #tpu.memory_space<vmem>>
        %dma_start3A_156 = tpu.memref_squeeze %dma_start3A_155 : memref<1x80xi32, #tpu.memory_space<vmem>> -> memref<80xi32, #tpu.memory_space<vmem>>
        %dma_start3A_157 = arith.constant 0 : i32
        %dma_start3A_158 = arith.constant 0 : i32
        %dma_start3A_159 = tpu.memref_slice %arg10[%dma_start3A_157, %dma_start3A_158] : memref<10000x128xf32, #tpu.memory_space<vmem_shared>> -> memref<10000x128xf32, #tpu.memory_space<vmem_shared>>
        tpu.enqueue_indirect_dma source(%arg8 : memref<80x128xf32, #tpu.memory_space<vmem>>) target(%dma_start3A_159 : memref<10000x128xf32, #tpu.memory_space<vmem_shared>>) offsets(%dma_start3A_156 : memref<80xi32, #tpu.memory_space<vmem>>) semaphore(%run_scoped3A_153 : memref<!tpu.dma_semaphore, #tpu.memory_space<semaphore_mem>>) {add = true}
        %dma_wait3A_160 = arith.constant 0 : i32
        %dma_wait3A_161 = tpu.memref_slice %arg5[%add3A_113, %dma_wait3A_160] : memref<125x80xi32, #tpu.memory_space<vmem>> -> memref<1x80xi32, #tpu.memory_space<vmem>>
        %dma_wait3A_162 = tpu.memref_squeeze %dma_wait3A_161 : memref<1x80xi32, #tpu.memory_space<vmem>> -> memref<80xi32, #tpu.memory_space<vmem>>
        %dma_wait3A_163 = arith.constant 0 : i32
        %dma_wait3A_164 = arith.constant 0 : i32
        %dma_wait3A_165 = tpu.memref_slice %arg10[%dma_wait3A_163, %dma_wait3A_164] : memref<10000x128xf32, #tpu.memory_space<vmem_shared>> -> memref<10000x128xf32, #tpu.memory_space<vmem_shared>>
        tpu.wait_indirect_dma semaphore(%run_scoped3A_153 : memref<!tpu.dma_semaphore, #tpu.memory_space<semaphore_mem>>) src(%arg8 : memref<80x128xf32, #tpu.memory_space<vmem>>) dst(%dma_wait3A_165 : memref<10000x128xf32, #tpu.memory_space<vmem_shared>>)
        tpu.yield
      }) : () -> ()
      %dma_wait3A_126 = arith.constant 0 : i32
      %dma_wait3A_127 = arith.constant 0 : i32
      %dma_wait3A_128 = arith.constant 0 : i32
      %dma_wait3A_129 = tpu.memref_slice %arg3[%dma_wait3A_126, %add3A, %dma_wait3A_127, %dma_wait3A_128] : memref<2x32x125x80xi32, #tpu.memory_space<hbm>> -> memref<1x1x1x80xi32, #tpu.memory_space<hbm>>
      %dma_wait3A_130 = tpu.memref_squeeze %dma_wait3A_129 : memref<1x1x1x80xi32, #tpu.memory_space<hbm>> -> memref<80xi32, #tpu.memory_space<hbm>>
      %dma_wait3A_131 = arith.constant 0 : i32
      %dma_wait3A_132 = tpu.memref_slice %arg3[%dma_wait3A_126, %add3A, %dma_wait3A_127, %dma_wait3A_131] : memref<2x32x125x80xi32, #tpu.memory_space<hbm>> -> memref<1x1x1x80xi32, #tpu.memory_space<hbm>>
      %dma_wait3A_133 = tpu.memref_squeeze %dma_wait3A_132 : memref<1x1x1x80xi32, #tpu.memory_space<hbm>> -> memref<80xi32, #tpu.memory_space<hbm>>
      tpu.wait_dma2 semaphore(%arg13 : memref<!tpu.dma_semaphore, #tpu.memory_space<semaphore_mem>>) src(%dma_wait3A_133 : memref<80xi32, #tpu.memory_space<hbm>>) dst(%arg6 : memref<80xi32, #tpu.memory_space<vmem>>)
      %dma_start3A_134 = arith.constant 0 : i32
      %dma_start3A_135 = arith.constant 0 : i32
      %dma_start3A_136 = tpu.memref_slice %arg2[%dma_start3A_134, %dma_start3A_135] : memref<10000x128xf32, #tpu.memory_space<hbm>> -> memref<10000x128xf32, #tpu.memory_space<hbm>>
      tpu.enqueue_indirect_dma source(%dma_start3A_136 : memref<10000x128xf32, #tpu.memory_space<hbm>>) target(%arg8 : memref<80x128xf32, #tpu.memory_space<vmem>>) offsets(%arg6 : memref<80xi32, #tpu.memory_space<vmem>>) semaphore(%arg11 : memref<!tpu.dma_semaphore, #tpu.memory_space<semaphore_mem>>)
      %dma_wait3A_137 = arith.constant 0 : i32
      %dma_wait3A_138 = arith.constant 0 : i32
      %dma_wait3A_139 = tpu.memref_slice %arg2[%dma_wait3A_137, %dma_wait3A_138] : memref<10000x128xf32, #tpu.memory_space<hbm>> -> memref<10000x128xf32, #tpu.memory_space<hbm>>
      tpu.wait_indirect_dma semaphore(%arg12 : memref<!tpu.dma_semaphore, #tpu.memory_space<semaphore_mem>>) src(%dma_wait3A_139 : memref<10000x128xf32, #tpu.memory_space<hbm>>) dst(%arg9 : memref<80x128xf32, #tpu.memory_space<vmem>>)
      %add3A_140 = arith.constant 3 : i32
      %add3A_141 = arith.addi %add3A_113, %add3A_140 : i32
      %lt3A = arith.constant 125 : i32
      %lt3A_142 = arith.cmpi slt, %add3A_141, %lt3A : i32
      %convert_element_type3A = arith.extui %lt3A_142 : i1 to i32
      %cond3A = arith.constant 0 : i32
      %cond3A_143 = arith.cmpi ne, %convert_element_type3A, %cond3A : i32
      scf.if %cond3A_143 {
        %add3A_153 = arith.constant 3 : i32
        %add3A_154 = arith.addi %add3A_113, %add3A_153 : i32
        %dma_start3A_155 = arith.constant 0 : i32
        %dma_start3A_156 = arith.constant 0 : i32
        %dma_start3A_157 = tpu.memref_slice %arg3[%dma_start3A_155, %add3A, %add3A_154, %dma_start3A_156] : memref<2x32x125x80xi32, #tpu.memory_space<hbm>> -> memref<1x1x1x80xi32, #tpu.memory_space<hbm>>
        %dma_start3A_158 = tpu.memref_squeeze %dma_start3A_157 : memref<1x1x1x80xi32, #tpu.memory_space<hbm>> -> memref<80xi32, #tpu.memory_space<hbm>>
        %dma_start3A_159 = arith.constant 0 : i32
        %dma_start3A_160 = tpu.memref_slice %arg3[%dma_start3A_155, %add3A, %add3A_154, %dma_start3A_159] : memref<2x32x125x80xi32, #tpu.memory_space<hbm>> -> memref<1x1x1x80xi32, #tpu.memory_space<hbm>>
        %dma_start3A_161 = tpu.memref_squeeze %dma_start3A_160 : memref<1x1x1x80xi32, #tpu.memory_space<hbm>> -> memref<80xi32, #tpu.memory_space<hbm>>
        tpu.enqueue_dma source(%dma_start3A_161 : memref<80xi32, #tpu.memory_space<hbm>>) target(%arg7 : memref<80xi32, #tpu.memory_space<vmem>>) target_semaphore(%arg14 : memref<!tpu.dma_semaphore, #tpu.memory_space<semaphore_mem>>)
      } else {
      }
      %add3A_144 = arith.constant 1 : i32
      %add3A_145 = arith.addi %add3A_113, %add3A_144 : i32
      "tpu.region"() ({
        %run_scoped3A_153 = tpu.sem_alloc : memref<!tpu.dma_semaphore, #tpu.memory_space<semaphore_mem>>
        %dma_start3A_154 = arith.constant 0 : i32
        %dma_start3A_155 = tpu.memref_slice %arg5[%add3A_145, %dma_start3A_154] : memref<125x80xi32, #tpu.memory_space<vmem>> -> memref<1x80xi32, #tpu.memory_space<vmem>>
        %dma_start3A_156 = tpu.memref_squeeze %dma_start3A_155 : memref<1x80xi32, #tpu.memory_space<vmem>> -> memref<80xi32, #tpu.memory_space<vmem>>
        %dma_start3A_157 = arith.constant 0 : i32
        %dma_start3A_158 = arith.constant 0 : i32
        %dma_start3A_159 = tpu.memref_slice %arg10[%dma_start3A_157, %dma_start3A_158] : memref<10000x128xf32, #tpu.memory_space<vmem_shared>> -> memref<10000x128xf32, #tpu.memory_space<vmem_shared>>
        tpu.enqueue_indirect_dma source(%arg9 : memref<80x128xf32, #tpu.memory_space<vmem>>) target(%dma_start3A_159 : memref<10000x128xf32, #tpu.memory_space<vmem_shared>>) offsets(%dma_start3A_156 : memref<80xi32, #tpu.memory_space<vmem>>) semaphore(%run_scoped3A_153 : memref<!tpu.dma_semaphore, #tpu.memory_space<semaphore_mem>>) {add = true}
        %dma_wait3A_160 = arith.constant 0 : i32
        %dma_wait3A_161 = tpu.memref_slice %arg5[%add3A_145, %dma_wait3A_160] : memref<125x80xi32, #tpu.memory_space<vmem>> -> memref<1x80xi32, #tpu.memory_space<vmem>>
        %dma_wait3A_162 = tpu.memref_squeeze %dma_wait3A_161 : memref<1x80xi32, #tpu.memory_space<vmem>> -> memref<80xi32, #tpu.memory_space<vmem>>
        %dma_wait3A_163 = arith.constant 0 : i32
        %dma_wait3A_164 = arith.constant 0 : i32
        %dma_wait3A_165 = tpu.memref_slice %arg10[%dma_wait3A_163, %dma_wait3A_164] : memref<10000x128xf32, #tpu.memory_space<vmem_shared>> -> memref<10000x128xf32, #tpu.memory_space<vmem_shared>>
        tpu.wait_indirect_dma semaphore(%run_scoped3A_153 : memref<!tpu.dma_semaphore, #tpu.memory_space<semaphore_mem>>) src(%arg9 : memref<80x128xf32, #tpu.memory_space<vmem>>) dst(%dma_wait3A_165 : memref<10000x128xf32, #tpu.memory_space<vmem_shared>>)
        tpu.yield
      }) : () -> ()
      %add3A_146 = arith.constant 3 : i32
      %add3A_147 = arith.addi %add3A_113, %add3A_146 : i32
      %lt3A_148 = arith.constant 125 : i32
      %lt3A_149 = arith.cmpi slt, %add3A_147, %lt3A_148 : i32
      %convert_element_type3A_150 = arith.extui %lt3A_149 : i1 to i32
      %cond3A_151 = arith.constant 0 : i32
      %cond3A_152 = arith.cmpi ne, %convert_element_type3A_150, %cond3A_151 : i32
      scf.if %cond3A_152 {
        %dma_wait3A_153 = arith.constant 0 : i32
        %dma_wait3A_154 = arith.constant 0 : i32
        %dma_wait3A_155 = arith.constant 0 : i32
        %dma_wait3A_156 = tpu.memref_slice %arg3[%dma_wait3A_153, %add3A, %dma_wait3A_154, %dma_wait3A_155] : memref<2x32x125x80xi32, #tpu.memory_space<hbm>> -> memref<1x1x1x80xi32, #tpu.memory_space<hbm>>
        %dma_wait3A_157 = tpu.memref_squeeze %dma_wait3A_156 : memref<1x1x1x80xi32, #tpu.memory_space<hbm>> -> memref<80xi32, #tpu.memory_space<hbm>>
        %dma_wait3A_158 = arith.constant 0 : i32
        %dma_wait3A_159 = tpu.memref_slice %arg3[%dma_wait3A_153, %add3A, %dma_wait3A_154, %dma_wait3A_158] : memref<2x32x125x80xi32, #tpu.memory_space<hbm>> -> memref<1x1x1x80xi32, #tpu.memory_space<hbm>>
        %dma_wait3A_160 = tpu.memref_squeeze %dma_wait3A_159 : memref<1x1x1x80xi32, #tpu.memory_space<hbm>> -> memref<80xi32, #tpu.memory_space<hbm>>
        tpu.wait_dma2 semaphore(%arg14 : memref<!tpu.dma_semaphore, #tpu.memory_space<semaphore_mem>>) src(%dma_wait3A_160 : memref<80xi32, #tpu.memory_space<hbm>>) dst(%arg7 : memref<80xi32, #tpu.memory_space<vmem>>)
        %dma_start3A_161 = arith.constant 0 : i32
        %dma_start3A_162 = arith.constant 0 : i32
        %dma_start3A_163 = tpu.memref_slice %arg2[%dma_start3A_161, %dma_start3A_162] : memref<10000x128xf32, #tpu.memory_space<hbm>> -> memref<10000x128xf32, #tpu.memory_space<hbm>>
        tpu.enqueue_indirect_dma source(%dma_start3A_163 : memref<10000x128xf32, #tpu.memory_space<hbm>>) target(%arg9 : memref<80x128xf32, #tpu.memory_space<vmem>>) offsets(%arg7 : memref<80xi32, #tpu.memory_space<vmem>>) semaphore(%arg12 : memref<!tpu.dma_semaphore, #tpu.memory_space<semaphore_mem>>)
      } else {
      }
    }
    %scan3A_100 = arith.constant 62 : i32
    %dma_wait3A_101 = arith.constant 0 : i32
    %dma_wait3A_102 = arith.constant 0 : i32
    %dma_wait3A_103 = tpu.memref_slice %arg2[%dma_wait3A_101, %dma_wait3A_102] : memref<10000x128xf32, #tpu.memory_space<hbm>> -> memref<10000x128xf32, #tpu.memory_space<hbm>>
    tpu.wait_indirect_dma semaphore(%arg11 : memref<!tpu.dma_semaphore, #tpu.memory_space<semaphore_mem>>) src(%dma_wait3A_103 : memref<10000x128xf32, #tpu.memory_space<hbm>>) dst(%arg8 : memref<80x128xf32, #tpu.memory_space<vmem>>)
    %run_scoped3A_104 = arith.constant 124 : i32
    "tpu.region"() ({
      %run_scoped3A_109 = tpu.sem_alloc : memref<!tpu.dma_semaphore, #tpu.memory_space<semaphore_mem>>
      %dma_start3A_110 = arith.constant 0 : i32
      %dma_start3A_111 = tpu.memref_slice %arg5[%run_scoped3A_104, %dma_start3A_110] : memref<125x80xi32, #tpu.memory_space<vmem>> -> memref<1x80xi32, #tpu.memory_space<vmem>>
      %dma_start3A_112 = tpu.memref_squeeze %dma_start3A_111 : memref<1x80xi32, #tpu.memory_space<vmem>> -> memref<80xi32, #tpu.memory_space<vmem>>
      %dma_start3A_113 = arith.constant 0 : i32
      %dma_start3A_114 = arith.constant 0 : i32
      %dma_start3A_115 = tpu.memref_slice %arg10[%dma_start3A_113, %dma_start3A_114] : memref<10000x128xf32, #tpu.memory_space<vmem_shared>> -> memref<10000x128xf32, #tpu.memory_space<vmem_shared>>
      tpu.enqueue_indirect_dma source(%arg8 : memref<80x128xf32, #tpu.memory_space<vmem>>) target(%dma_start3A_115 : memref<10000x128xf32, #tpu.memory_space<vmem_shared>>) offsets(%dma_start3A_112 : memref<80xi32, #tpu.memory_space<vmem>>) semaphore(%run_scoped3A_109 : memref<!tpu.dma_semaphore, #tpu.memory_space<semaphore_mem>>) {add = true}
      %dma_wait3A_116 = arith.constant 0 : i32
      %dma_wait3A_117 = tpu.memref_slice %arg5[%run_scoped3A_104, %dma_wait3A_116] : memref<125x80xi32, #tpu.memory_space<vmem>> -> memref<1x80xi32, #tpu.memory_space<vmem>>
      %dma_wait3A_118 = tpu.memref_squeeze %dma_wait3A_117 : memref<1x80xi32, #tpu.memory_space<vmem>> -> memref<80xi32, #tpu.memory_space<vmem>>
      %dma_wait3A_119 = arith.constant 0 : i32
      %dma_wait3A_120 = arith.constant 0 : i32
      %dma_wait3A_121 = tpu.memref_slice %arg10[%dma_wait3A_119, %dma_wait3A_120] : memref<10000x128xf32, #tpu.memory_space<vmem_shared>> -> memref<10000x128xf32, #tpu.memory_space<vmem_shared>>
      tpu.wait_indirect_dma semaphore(%run_scoped3A_109 : memref<!tpu.dma_semaphore, #tpu.memory_space<semaphore_mem>>) src(%arg8 : memref<80x128xf32, #tpu.memory_space<vmem>>) dst(%dma_wait3A_121 : memref<10000x128xf32, #tpu.memory_space<vmem_shared>>)
      tpu.yield
    }) : () -> ()
    %barrier3A_105 = arith.constant 0 : index
    tpu.barrier barrier_id(%barrier3A_105)
    %mul3A_106 = arith.constant 10000 : i32
    %mul3A_107 = arith.muli %arg0, %mul3A_106 : i32
    %add3A_108 = arith.addi %mul3A_107, %multiple_of3A : i32
    "tpu.region"() ({
      %run_scoped3A_109 = tpu.sem_alloc : memref<!tpu.dma_semaphore, #tpu.memory_space<semaphore_mem>>
      %dma_start3A_110 = arith.constant 0 : i32
      %dma_start3A_111 = tpu.memref_slice %arg4[%add3A_108, %dma_start3A_110] : memref<20000x128xf32, #tpu.memory_space<hbm>> -> memref<640x128xf32, #tpu.memory_space<hbm>>
      %dma_start3A_112 = arith.constant 0 : i32
      %dma_start3A_113 = tpu.memref_slice %arg10[%multiple_of3A, %dma_start3A_112] : memref<10000x128xf32, #tpu.memory_space<vmem_shared>> -> memref<640x128xf32, #tpu.memory_space<vmem_shared>>
      tpu.enqueue_dma source(%dma_start3A_113 : memref<640x128xf32, #tpu.memory_space<vmem_shared>>) target(%dma_start3A_111 : memref<640x128xf32, #tpu.memory_space<hbm>>) target_semaphore(%run_scoped3A_109 : memref<!tpu.dma_semaphore, #tpu.memory_space<semaphore_mem>>)
      %dma_wait3A_114 = arith.constant 0 : i32
      %dma_wait3A_115 = tpu.memref_slice %arg4[%add3A_108, %dma_wait3A_114] : memref<20000x128xf32, #tpu.memory_space<hbm>> -> memref<640x128xf32, #tpu.memory_space<hbm>>
      %dma_wait3A_116 = arith.constant 0 : i32
      %dma_wait3A_117 = tpu.memref_slice %arg10[%multiple_of3A, %dma_wait3A_116] : memref<10000x128xf32, #tpu.memory_space<vmem_shared>> -> memref<640x128xf32, #tpu.memory_space<vmem_shared>>
      tpu.wait_dma2 semaphore(%run_scoped3A_109 : memref<!tpu.dma_semaphore, #tpu.memory_space<semaphore_mem>>) src(%dma_wait3A_117 : memref<640x128xf32, #tpu.memory_space<vmem_shared>>) dst(%dma_wait3A_115 : memref<640x128xf32, #tpu.memory_space<hbm>>)
      tpu.yield
    }) : () -> ()
    return
  }
}

#map = affine_map<(d0, d1) -> (0, 0)>
#map1 = affine_map<(d0, d1) -> (0, 0, 0, 0)>
module attributes {stable_mosaic.version = 14 : i64} {
  func.func @seg(%arg0: i32, %arg1: i32, %arg2: memref<10000x128xf32, #tpu.memory_space<hbm>>, %arg3: memref<2x32x125x80xi32, #tpu.memory_space<hbm>>, %arg4: memref<20000x128xf32, #tpu.memory_space<hbm>>, %arg5: memref<125x80xi32, #tpu.memory_space<vmem>>, %arg6: memref<80xi32, #tpu.memory_space<vmem>>, %arg7: memref<80xi32, #tpu.memory_space<vmem>>, %arg8: memref<80x128xf32, #tpu.memory_space<vmem>>, %arg9: memref<80x128xf32, #tpu.memory_space<vmem>>, %arg10: memref<10000x128xf32, #tpu.memory_space<vmem_shared>>, %arg11: memref<!tpu.dma_semaphore, #tpu.memory_space<semaphore_mem>>, %arg12: memref<!tpu.dma_semaphore, #tpu.memory_space<semaphore_mem>>, %arg13: memref<!tpu.dma_semaphore, #tpu.memory_space<semaphore_mem>>, %arg14: memref<!tpu.dma_semaphore, #tpu.memory_space<semaphore_mem>>) attributes {dimension_semantics = [#tpu.dimension_semantics<core_parallel>, #tpu.dimension_semantics<subcore_parallel>], iteration_bounds = array<i64: 2, 16>, scalar_prefetch = 0 : i64, scratch_operands = 10 : i64, tpu.core_type = #tpu.core_type<sc_vector_subcore>, window_params = [{transform_indices = #map}, {transform_indices = #map1}, {transform_indices = #map}]} {
    %mul3A = arith.constant 16 : i32
    %mul3A_0 = arith.muli %arg0, %mul3A : i32
    %add3A = arith.addi %mul3A_0, %arg1 : i32
    %scan3A = arith.constant 0 : i32
    %scan3A_1 = arith.constant 80 : i32
    %scan3A_2 = arith.addi %scan3A, %scan3A_1 : i32
    %scan3A_3 = arith.constant 1 : i32
    scf.for %scan3A_109 = %scan3A to %scan3A_2 step %scan3A_3  : i32 {
      %mul3A_110 = arith.constant 1 : i32
      %mul3A_111 = arith.muli %scan3A_109, %mul3A_110 : i32
      %add3A_112 = arith.constant 0 : i32
      %add3A_113 = arith.addi %add3A_112, %mul3A_111 : i32
      %broadcast_in_dim3A = arith.constant 0.000000e+00 : f32
      %broadcast_in_dim3A_114 = vector.broadcast %broadcast_in_dim3A : f32 to vector<16xf32>
      %swap3A = arith.index_cast %add3A_113 : i32 to index
      %swap3A_115 = arith.constant 0 : index
      %swap3A_116 = tpu.vector_load %arg9[%swap3A, %swap3A_115] {strides = array<i32>} : memref<80x128xf32, #tpu.memory_space<vmem>>, vector<1x16xf32>,
      %swap3A_117 = vector.shape_cast %swap3A_116 : vector<1x16xf32> to vector<16xf32>
      %swap3A_118 = vector.shape_cast %broadcast_in_dim3A_114 : vector<16xf32> to vector<1x16xf32>
      tpu.vector_store %arg9[%swap3A, %swap3A_115], %swap3A_118 {strides = array<i32>} : memref<80x128xf32, #tpu.memory_space<vmem>>, vector<1x16xf32>,
      %broadcast_in_dim3A_119 = arith.constant 0.000000e+00 : f32
      %broadcast_in_dim3A_120 = vector.broadcast %broadcast_in_dim3A_119 : f32 to vector<16xf32>
      %swap3A_121 = arith.index_cast %add3A_113 : i32 to index
      %swap3A_122 = arith.constant 16 : index
      %swap3A_123 = tpu.vector_load %arg9[%swap3A_121, %swap3A_122] {strides = array<i32>} : memref<80x128xf32, #tpu.memory_space<vmem>>, vector<1x16xf32>,
      %swap3A_124 = vector.shape_cast %swap3A_123 : vector<1x16xf32> to vector<16xf32>
      %swap3A_125 = vector.shape_cast %broadcast_in_dim3A_120 : vector<16xf32> to vector<1x16xf32>
      tpu.vector_store %arg9[%swap3A_121, %swap3A_122], %swap3A_125 {strides = array<i32>} : memref<80x128xf32, #tpu.memory_space<vmem>>, vector<1x16xf32>,
      %broadcast_in_dim3A_126 = arith.constant 0.000000e+00 : f32
      %broadcast_in_dim3A_127 = vector.broadcast %broadcast_in_dim3A_126 : f32 to vector<16xf32>
      %swap3A_128 = arith.index_cast %add3A_113 : i32 to index
      %swap3A_129 = arith.constant 32 : index
      %swap3A_130 = tpu.vector_load %arg9[%swap3A_128, %swap3A_129] {strides = array<i32>} : memref<80x128xf32, #tpu.memory_space<vmem>>, vector<1x16xf32>,
      %swap3A_131 = vector.shape_cast %swap3A_130 : vector<1x16xf32> to vector<16xf32>
      %swap3A_132 = vector.shape_cast %broadcast_in_dim3A_127 : vector<16xf32> to vector<1x16xf32>
      tpu.vector_store %arg9[%swap3A_128, %swap3A_129], %swap3A_132 {strides = array<i32>} : memref<80x128xf32, #tpu.memory_space<vmem>>, vector<1x16xf32>,
      %broadcast_in_dim3A_133 = arith.constant 0.000000e+00 : f32
      %broadcast_in_dim3A_134 = vector.broadcast %broadcast_in_dim3A_133 : f32 to vector<16xf32>
      %swap3A_135 = arith.index_cast %add3A_113 : i32 to index
      %swap3A_136 = arith.constant 48 : index
      %swap3A_137 = tpu.vector_load %arg9[%swap3A_135, %swap3A_136] {strides = array<i32>} : memref<80x128xf32, #tpu.memory_space<vmem>>, vector<1x16xf32>,
      %swap3A_138 = vector.shape_cast %swap3A_137 : vector<1x16xf32> to vector<16xf32>
      %swap3A_139 = vector.shape_cast %broadcast_in_dim3A_134 : vector<16xf32> to vector<1x16xf32>
      tpu.vector_store %arg9[%swap3A_135, %swap3A_136], %swap3A_139 {strides = array<i32>} : memref<80x128xf32, #tpu.memory_space<vmem>>, vector<1x16xf32>,
      %broadcast_in_dim3A_140 = arith.constant 0.000000e+00 : f32
      %broadcast_in_dim3A_141 = vector.broadcast %broadcast_in_dim3A_140 : f32 to vector<16xf32>
      %swap3A_142 = arith.index_cast %add3A_113 : i32 to index
      %swap3A_143 = arith.constant 64 : index
      %swap3A_144 = tpu.vector_load %arg9[%swap3A_142, %swap3A_143] {strides = array<i32>} : memref<80x128xf32, #tpu.memory_space<vmem>>, vector<1x16xf32>,
      %swap3A_145 = vector.shape_cast %swap3A_144 : vector<1x16xf32> to vector<16xf32>
      %swap3A_146 = vector.shape_cast %broadcast_in_dim3A_141 : vector<16xf32> to vector<1x16xf32>
      tpu.vector_store %arg9[%swap3A_142, %swap3A_143], %swap3A_146 {strides = array<i32>} : memref<80x128xf32, #tpu.memory_space<vmem>>, vector<1x16xf32>,
      %broadcast_in_dim3A_147 = arith.constant 0.000000e+00 : f32
      %broadcast_in_dim3A_148 = vector.broadcast %broadcast_in_dim3A_147 : f32 to vector<16xf32>
      %swap3A_149 = arith.index_cast %add3A_113 : i32 to index
      %swap3A_150 = arith.constant 80 : index
      %swap3A_151 = tpu.vector_load %arg9[%swap3A_149, %swap3A_150] {strides = array<i32>} : memref<80x128xf32, #tpu.memory_space<vmem>>, vector<1x16xf32>,
      %swap3A_152 = vector.shape_cast %swap3A_151 : vector<1x16xf32> to vector<16xf32>
      %swap3A_153 = vector.shape_cast %broadcast_in_dim3A_148 : vector<16xf32> to vector<1x16xf32>
      tpu.vector_store %arg9[%swap3A_149, %swap3A_150], %swap3A_153 {strides = array<i32>} : memref<80x128xf32, #tpu.memory_space<vmem>>, vector<1x16xf32>,
      %broadcast_in_dim3A_154 = arith.constant 0.000000e+00 : f32
      %broadcast_in_dim3A_155 = vector.broadcast %broadcast_in_dim3A_154 : f32 to vector<16xf32>
      %swap3A_156 = arith.index_cast %add3A_113 : i32 to index
      %swap3A_157 = arith.constant 96 : index
      %swap3A_158 = tpu.vector_load %arg9[%swap3A_156, %swap3A_157] {strides = array<i32>} : memref<80x128xf32, #tpu.memory_space<vmem>>, vector<1x16xf32>,
      %swap3A_159 = vector.shape_cast %swap3A_158 : vector<1x16xf32> to vector<16xf32>
      %swap3A_160 = vector.shape_cast %broadcast_in_dim3A_155 : vector<16xf32> to vector<1x16xf32>
      tpu.vector_store %arg9[%swap3A_156, %swap3A_157], %swap3A_160 {strides = array<i32>} : memref<80x128xf32, #tpu.memory_space<vmem>>, vector<1x16xf32>,
      %broadcast_in_dim3A_161 = arith.constant 0.000000e+00 : f32
      %broadcast_in_dim3A_162 = vector.broadcast %broadcast_in_dim3A_161 : f32 to vector<16xf32>
      %swap3A_163 = arith.index_cast %add3A_113 : i32 to index
      %swap3A_164 = arith.constant 112 : index
      %swap3A_165 = tpu.vector_load %arg9[%swap3A_163, %swap3A_164] {strides = array<i32>} : memref<80x128xf32, #tpu.memory_space<vmem>>, vector<1x16xf32>,
      %swap3A_166 = vector.shape_cast %swap3A_165 : vector<1x16xf32> to vector<16xf32>
      %swap3A_167 = vector.shape_cast %broadcast_in_dim3A_162 : vector<16xf32> to vector<1x16xf32>
      tpu.vector_store %arg9[%swap3A_163, %swap3A_164], %swap3A_167 {strides = array<i32>} : memref<80x128xf32, #tpu.memory_space<vmem>>, vector<1x16xf32>,
    }
    %scan3A_4 = arith.constant 80 : i32
    %mul3A_5 = arith.constant 640 : i32
    %mul3A_6 = arith.muli %arg1, %mul3A_5 : i32
    %min3A = arith.constant 9360 : i32
    %min3A_7 = arith.minsi %mul3A_6, %min3A : i32
    %multiple_of3A = tpu.assume_multiple %min3A_7, 8 : i32
    %add3A_8 = arith.constant 0 : i32
    %add3A_9 = arith.addi %multiple_of3A, %add3A_8 : i32
    %dma_start3A = arith.constant 0 : i32
    %dma_start3A_10 = tpu.memref_slice %arg10[%add3A_9, %dma_start3A] : memref<10000x128xf32, #tpu.memory_space<vmem_shared>> -> memref<80x128xf32, #tpu.memory_space<vmem_shared>>
    %dma_start3A_11 = arith.constant 0 : i32
    %dma_start3A_12 = tpu.memref_slice %arg10[%add3A_9, %dma_start3A_11] : memref<10000x128xf32, #tpu.memory_space<vmem_shared>> -> memref<80x128xf32, #tpu.memory_space<vmem_shared>>
    tpu.enqueue_dma source(%arg9 : memref<80x128xf32, #tpu.memory_space<vmem>>) target(%dma_start3A_12 : memref<80x128xf32, #tpu.memory_space<vmem_shared>>) target_semaphore(%arg14 : memref<!tpu.dma_semaphore, #tpu.memory_space<semaphore_mem>>)
    %add3A_13 = arith.constant 80 : i32
    %add3A_14 = arith.addi %multiple_of3A, %add3A_13 : i32
    %dma_start3A_15 = arith.constant 0 : i32
    %dma_start3A_16 = tpu.memref_slice %arg10[%add3A_14, %dma_start3A_15] : memref<10000x128xf32, #tpu.memory_space<vmem_shared>> -> memref<80x128xf32, #tpu.memory_space<vmem_shared>>
    %dma_start3A_17 = arith.constant 0 : i32
    %dma_start3A_18 = tpu.memref_slice %arg10[%add3A_14, %dma_start3A_17] : memref<10000x128xf32, #tpu.memory_space<vmem_shared>> -> memref<80x128xf32, #tpu.memory_space<vmem_shared>>
    tpu.enqueue_dma source(%arg9 : memref<80x128xf32, #tpu.memory_space<vmem>>) target(%dma_start3A_18 : memref<80x128xf32, #tpu.memory_space<vmem_shared>>) target_semaphore(%arg14 : memref<!tpu.dma_semaphore, #tpu.memory_space<semaphore_mem>>)
    %add3A_19 = arith.constant 160 : i32
    %add3A_20 = arith.addi %multiple_of3A, %add3A_19 : i32
    %dma_start3A_21 = arith.constant 0 : i32
    %dma_start3A_22 = tpu.memref_slice %arg10[%add3A_20, %dma_start3A_21] : memref<10000x128xf32, #tpu.memory_space<vmem_shared>> -> memref<80x128xf32, #tpu.memory_space<vmem_shared>>
    %dma_start3A_23 = arith.constant 0 : i32
    %dma_start3A_24 = tpu.memref_slice %arg10[%add3A_20, %dma_start3A_23] : memref<10000x128xf32, #tpu.memory_space<vmem_shared>> -> memref<80x128xf32, #tpu.memory_space<vmem_shared>>
    tpu.enqueue_dma source(%arg9 : memref<80x128xf32, #tpu.memory_space<vmem>>) target(%dma_start3A_24 : memref<80x128xf32, #tpu.memory_space<vmem_shared>>) target_semaphore(%arg14 : memref<!tpu.dma_semaphore, #tpu.memory_space<semaphore_mem>>)
    %add3A_25 = arith.constant 240 : i32
    %add3A_26 = arith.addi %multiple_of3A, %add3A_25 : i32
    %dma_start3A_27 = arith.constant 0 : i32
    %dma_start3A_28 = tpu.memref_slice %arg10[%add3A_26, %dma_start3A_27] : memref<10000x128xf32, #tpu.memory_space<vmem_shared>> -> memref<80x128xf32, #tpu.memory_space<vmem_shared>>
    %dma_start3A_29 = arith.constant 0 : i32
    %dma_start3A_30 = tpu.memref_slice %arg10[%add3A_26, %dma_start3A_29] : memref<10000x128xf32, #tpu.memory_space<vmem_shared>> -> memref<80x128xf32, #tpu.memory_space<vmem_shared>>
    tpu.enqueue_dma source(%arg9 : memref<80x128xf32, #tpu.memory_space<vmem>>) target(%dma_start3A_30 : memref<80x128xf32, #tpu.memory_space<vmem_shared>>) target_semaphore(%arg14 : memref<!tpu.dma_semaphore, #tpu.memory_space<semaphore_mem>>)
    %add3A_31 = arith.constant 320 : i32
    %add3A_32 = arith.addi %multiple_of3A, %add3A_31 : i32
    %dma_start3A_33 = arith.constant 0 : i32
    %dma_start3A_34 = tpu.memref_slice %arg10[%add3A_32, %dma_start3A_33] : memref<10000x128xf32, #tpu.memory_space<vmem_shared>> -> memref<80x128xf32, #tpu.memory_space<vmem_shared>>
    %dma_start3A_35 = arith.constant 0 : i32
    %dma_start3A_36 = tpu.memref_slice %arg10[%add3A_32, %dma_start3A_35] : memref<10000x128xf32, #tpu.memory_space<vmem_shared>> -> memref<80x128xf32, #tpu.memory_space<vmem_shared>>
    tpu.enqueue_dma source(%arg9 : memref<80x128xf32, #tpu.memory_space<vmem>>) target(%dma_start3A_36 : memref<80x128xf32, #tpu.memory_space<vmem_shared>>) target_semaphore(%arg14 : memref<!tpu.dma_semaphore, #tpu.memory_space<semaphore_mem>>)
    %add3A_37 = arith.constant 400 : i32
    %add3A_38 = arith.addi %multiple_of3A, %add3A_37 : i32
    %dma_start3A_39 = arith.constant 0 : i32
    %dma_start3A_40 = tpu.memref_slice %arg10[%add3A_38, %dma_start3A_39] : memref<10000x128xf32, #tpu.memory_space<vmem_shared>> -> memref<80x128xf32, #tpu.memory_space<vmem_shared>>
    %dma_start3A_41 = arith.constant 0 : i32
    %dma_start3A_42 = tpu.memref_slice %arg10[%add3A_38, %dma_start3A_41] : memref<10000x128xf32, #tpu.memory_space<vmem_shared>> -> memref<80x128xf32, #tpu.memory_space<vmem_shared>>
    tpu.enqueue_dma source(%arg9 : memref<80x128xf32, #tpu.memory_space<vmem>>) target(%dma_start3A_42 : memref<80x128xf32, #tpu.memory_space<vmem_shared>>) target_semaphore(%arg14 : memref<!tpu.dma_semaphore, #tpu.memory_space<semaphore_mem>>)
    %add3A_43 = arith.constant 480 : i32
    %add3A_44 = arith.addi %multiple_of3A, %add3A_43 : i32
    %dma_start3A_45 = arith.constant 0 : i32
    %dma_start3A_46 = tpu.memref_slice %arg10[%add3A_44, %dma_start3A_45] : memref<10000x128xf32, #tpu.memory_space<vmem_shared>> -> memref<80x128xf32, #tpu.memory_space<vmem_shared>>
    %dma_start3A_47 = arith.constant 0 : i32
    %dma_start3A_48 = tpu.memref_slice %arg10[%add3A_44, %dma_start3A_47] : memref<10000x128xf32, #tpu.memory_space<vmem_shared>> -> memref<80x128xf32, #tpu.memory_space<vmem_shared>>
    tpu.enqueue_dma source(%arg9 : memref<80x128xf32, #tpu.memory_space<vmem>>) target(%dma_start3A_48 : memref<80x128xf32, #tpu.memory_space<vmem_shared>>) target_semaphore(%arg14 : memref<!tpu.dma_semaphore, #tpu.memory_space<semaphore_mem>>)
    %add3A_49 = arith.constant 560 : i32
    %add3A_50 = arith.addi %multiple_of3A, %add3A_49 : i32
    %dma_start3A_51 = arith.constant 0 : i32
    %dma_start3A_52 = tpu.memref_slice %arg10[%add3A_50, %dma_start3A_51] : memref<10000x128xf32, #tpu.memory_space<vmem_shared>> -> memref<80x128xf32, #tpu.memory_space<vmem_shared>>
    %dma_start3A_53 = arith.constant 0 : i32
    %dma_start3A_54 = tpu.memref_slice %arg10[%add3A_50, %dma_start3A_53] : memref<10000x128xf32, #tpu.memory_space<vmem_shared>> -> memref<80x128xf32, #tpu.memory_space<vmem_shared>>
    tpu.enqueue_dma source(%arg9 : memref<80x128xf32, #tpu.memory_space<vmem>>) target(%dma_start3A_54 : memref<80x128xf32, #tpu.memory_space<vmem_shared>>) target_semaphore(%arg14 : memref<!tpu.dma_semaphore, #tpu.memory_space<semaphore_mem>>)
    %run_scoped3A = arith.constant 0 : i32
    "tpu.region"() ({
      %run_scoped3A_109 = tpu.sem_alloc : memref<!tpu.dma_semaphore, #tpu.memory_space<semaphore_mem>>
      %dma_start3A_110 = arith.constant 0 : i32
      %dma_start3A_111 = arith.constant 0 : i32
      %dma_start3A_112 = tpu.memref_slice %arg3[%run_scoped3A, %add3A, %dma_start3A_110, %dma_start3A_111] : memref<2x32x125x80xi32, #tpu.memory_space<hbm>> -> memref<1x1x125x80xi32, #tpu.memory_space<hbm>>
      %dma_start3A_113 = tpu.memref_squeeze %dma_start3A_112 : memref<1x1x125x80xi32, #tpu.memory_space<hbm>> -> memref<125x80xi32, #tpu.memory_space<hbm>>
      %dma_start3A_114 = arith.constant 0 : i32
      %dma_start3A_115 = arith.constant 0 : i32
      %dma_start3A_116 = tpu.memref_slice %arg3[%run_scoped3A, %add3A, %dma_start3A_114, %dma_start3A_115] : memref<2x32x125x80xi32, #tpu.memory_space<hbm>> -> memref<1x1x125x80xi32, #tpu.memory_space<hbm>>
      %dma_start3A_117 = tpu.memref_squeeze %dma_start3A_116 : memref<1x1x125x80xi32, #tpu.memory_space<hbm>> -> memref<125x80xi32, #tpu.memory_space<hbm>>
      tpu.enqueue_dma source(%dma_start3A_117 : memref<125x80xi32, #tpu.memory_space<hbm>>) target(%arg5 : memref<125x80xi32, #tpu.memory_space<vmem>>) target_semaphore(%run_scoped3A_109 : memref<!tpu.dma_semaphore, #tpu.memory_space<semaphore_mem>>)
      %dma_wait3A_118 = arith.constant 0 : i32
      %dma_wait3A_119 = arith.constant 0 : i32
      %dma_wait3A_120 = tpu.memref_slice %arg3[%run_scoped3A, %add3A, %dma_wait3A_118, %dma_wait3A_119] : memref<2x32x125x80xi32, #tpu.memory_space<hbm>> -> memref<1x1x125x80xi32, #tpu.memory_space<hbm>>
      %dma_wait3A_121 = tpu.memref_squeeze %dma_wait3A_120 : memref<1x1x125x80xi32, #tpu.memory_space<hbm>> -> memref<125x80xi32, #tpu.memory_space<hbm>>
      %dma_wait3A_122 = arith.constant 0 : i32
      %dma_wait3A_123 = arith.constant 0 : i32
      %dma_wait3A_124 = tpu.memref_slice %arg3[%run_scoped3A, %add3A, %dma_wait3A_122, %dma_wait3A_123] : memref<2x32x125x80xi32, #tpu.memory_space<hbm>> -> memref<1x1x125x80xi32, #tpu.memory_space<hbm>>
      %dma_wait3A_125 = tpu.memref_squeeze %dma_wait3A_124 : memref<1x1x125x80xi32, #tpu.memory_space<hbm>> -> memref<125x80xi32, #tpu.memory_space<hbm>>
      tpu.wait_dma2 semaphore(%run_scoped3A_109 : memref<!tpu.dma_semaphore, #tpu.memory_space<semaphore_mem>>) src(%dma_wait3A_125 : memref<125x80xi32, #tpu.memory_space<hbm>>) dst(%arg5 : memref<125x80xi32, #tpu.memory_space<vmem>>)
      tpu.yield
    }) : () -> ()
    %run_scoped3A_55 = arith.constant 1 : i32
    %run_scoped3A_56 = arith.constant 0 : i32
    "tpu.region"() ({
      %run_scoped3A_109 = tpu.sem_alloc : memref<!tpu.dma_semaphore, #tpu.memory_space<semaphore_mem>>
      %dma_start3A_110 = arith.constant 0 : i32
      %dma_start3A_111 = tpu.memref_slice %arg3[%run_scoped3A_55, %add3A, %run_scoped3A_56, %dma_start3A_110] : memref<2x32x125x80xi32, #tpu.memory_space<hbm>> -> memref<1x1x1x80xi32, #tpu.memory_space<hbm>>
      %dma_start3A_112 = tpu.memref_squeeze %dma_start3A_111 : memref<1x1x1x80xi32, #tpu.memory_space<hbm>> -> memref<80xi32, #tpu.memory_space<hbm>>
      %dma_start3A_113 = arith.constant 0 : i32
      %dma_start3A_114 = tpu.memref_slice %arg3[%run_scoped3A_55, %add3A, %run_scoped3A_56, %dma_start3A_113] : memref<2x32x125x80xi32, #tpu.memory_space<hbm>> -> memref<1x1x1x80xi32, #tpu.memory_space<hbm>>
      %dma_start3A_115 = tpu.memref_squeeze %dma_start3A_114 : memref<1x1x1x80xi32, #tpu.memory_space<hbm>> -> memref<80xi32, #tpu.memory_space<hbm>>
      tpu.enqueue_dma source(%dma_start3A_115 : memref<80xi32, #tpu.memory_space<hbm>>) target(%arg6 : memref<80xi32, #tpu.memory_space<vmem>>) target_semaphore(%run_scoped3A_109 : memref<!tpu.dma_semaphore, #tpu.memory_space<semaphore_mem>>)
      %dma_wait3A_116 = arith.constant 0 : i32
      %dma_wait3A_117 = tpu.memref_slice %arg3[%run_scoped3A_55, %add3A, %run_scoped3A_56, %dma_wait3A_116] : memref<2x32x125x80xi32, #tpu.memory_space<hbm>> -> memref<1x1x1x80xi32, #tpu.memory_space<hbm>>
      %dma_wait3A_118 = tpu.memref_squeeze %dma_wait3A_117 : memref<1x1x1x80xi32, #tpu.memory_space<hbm>> -> memref<80xi32, #tpu.memory_space<hbm>>
      %dma_wait3A_119 = arith.constant 0 : i32
      %dma_wait3A_120 = tpu.memref_slice %arg3[%run_scoped3A_55, %add3A, %run_scoped3A_56, %dma_wait3A_119] : memref<2x32x125x80xi32, #tpu.memory_space<hbm>> -> memref<1x1x1x80xi32, #tpu.memory_space<hbm>>
      %dma_wait3A_121 = tpu.memref_squeeze %dma_wait3A_120 : memref<1x1x1x80xi32, #tpu.memory_space<hbm>> -> memref<80xi32, #tpu.memory_space<hbm>>
      tpu.wait_dma2 semaphore(%run_scoped3A_109 : memref<!tpu.dma_semaphore, #tpu.memory_space<semaphore_mem>>) src(%dma_wait3A_121 : memref<80xi32, #tpu.memory_space<hbm>>) dst(%arg6 : memref<80xi32, #tpu.memory_space<vmem>>)
      tpu.yield
    }) : () -> ()
    %run_scoped3A_57 = arith.constant 1 : i32
    %run_scoped3A_58 = arith.constant 1 : i32
    "tpu.region"() ({
      %run_scoped3A_109 = tpu.sem_alloc : memref<!tpu.dma_semaphore, #tpu.memory_space<semaphore_mem>>
      %dma_start3A_110 = arith.constant 0 : i32
      %dma_start3A_111 = tpu.memref_slice %arg3[%run_scoped3A_57, %add3A, %run_scoped3A_58, %dma_start3A_110] : memref<2x32x125x80xi32, #tpu.memory_space<hbm>> -> memref<1x1x1x80xi32, #tpu.memory_space<hbm>>
      %dma_start3A_112 = tpu.memref_squeeze %dma_start3A_111 : memref<1x1x1x80xi32, #tpu.memory_space<hbm>> -> memref<80xi32, #tpu.memory_space<hbm>>
      %dma_start3A_113 = arith.constant 0 : i32
      %dma_start3A_114 = tpu.memref_slice %arg3[%run_scoped3A_57, %add3A, %run_scoped3A_58, %dma_start3A_113] : memref<2x32x125x80xi32, #tpu.memory_space<hbm>> -> memref<1x1x1x80xi32, #tpu.memory_space<hbm>>
      %dma_start3A_115 = tpu.memref_squeeze %dma_start3A_114 : memref<1x1x1x80xi32, #tpu.memory_space<hbm>> -> memref<80xi32, #tpu.memory_space<hbm>>
      tpu.enqueue_dma source(%dma_start3A_115 : memref<80xi32, #tpu.memory_space<hbm>>) target(%arg7 : memref<80xi32, #tpu.memory_space<vmem>>) target_semaphore(%run_scoped3A_109 : memref<!tpu.dma_semaphore, #tpu.memory_space<semaphore_mem>>)
      %dma_wait3A_116 = arith.constant 0 : i32
      %dma_wait3A_117 = tpu.memref_slice %arg3[%run_scoped3A_57, %add3A, %run_scoped3A_58, %dma_wait3A_116] : memref<2x32x125x80xi32, #tpu.memory_space<hbm>> -> memref<1x1x1x80xi32, #tpu.memory_space<hbm>>
      %dma_wait3A_118 = tpu.memref_squeeze %dma_wait3A_117 : memref<1x1x1x80xi32, #tpu.memory_space<hbm>> -> memref<80xi32, #tpu.memory_space<hbm>>
      %dma_wait3A_119 = arith.constant 0 : i32
      %dma_wait3A_120 = tpu.memref_slice %arg3[%run_scoped3A_57, %add3A, %run_scoped3A_58, %dma_wait3A_119] : memref<2x32x125x80xi32, #tpu.memory_space<hbm>> -> memref<1x1x1x80xi32, #tpu.memory_space<hbm>>
      %dma_wait3A_121 = tpu.memref_squeeze %dma_wait3A_120 : memref<1x1x1x80xi32, #tpu.memory_space<hbm>> -> memref<80xi32, #tpu.memory_space<hbm>>
      tpu.wait_dma2 semaphore(%run_scoped3A_109 : memref<!tpu.dma_semaphore, #tpu.memory_space<semaphore_mem>>) src(%dma_wait3A_121 : memref<80xi32, #tpu.memory_space<hbm>>) dst(%arg7 : memref<80xi32, #tpu.memory_space<vmem>>)
      tpu.yield
    }) : () -> ()
    %dma_start3A_59 = arith.constant 0 : i32
    %dma_start3A_60 = arith.constant 0 : i32
    %dma_start3A_61 = tpu.memref_slice %arg2[%dma_start3A_59, %dma_start3A_60] : memref<10000x128xf32, #tpu.memory_space<hbm>> -> memref<10000x128xf32, #tpu.memory_space<hbm>>
    tpu.enqueue_indirect_dma source(%dma_start3A_61 : memref<10000x128xf32, #tpu.memory_space<hbm>>) target(%arg8 : memref<80x128xf32, #tpu.memory_space<vmem>>) offsets(%arg6 : memref<80xi32, #tpu.memory_space<vmem>>) semaphore(%arg11 : memref<!tpu.dma_semaphore, #tpu.memory_space<semaphore_mem>>)
    %dma_wait3A = arith.constant 0 : i32
    %dma_wait3A_62 = tpu.memref_slice %arg10[%multiple_of3A, %dma_wait3A] : memref<10000x128xf32, #tpu.memory_space<vmem_shared>> -> memref<80x128xf32, #tpu.memory_space<vmem_shared>>
    %dma_wait3A_63 = arith.constant 0 : i32
    %dma_wait3A_64 = tpu.memref_slice %arg10[%multiple_of3A, %dma_wait3A_63] : memref<10000x128xf32, #tpu.memory_space<vmem_shared>> -> memref<80x128xf32, #tpu.memory_space<vmem_shared>>
    tpu.wait_dma2 semaphore(%arg14 : memref<!tpu.dma_semaphore, #tpu.memory_space<semaphore_mem>>) src(%arg9 : memref<80x128xf32, #tpu.memory_space<vmem>>) dst(%dma_wait3A_64 : memref<80x128xf32, #tpu.memory_space<vmem_shared>>)
    %dma_wait3A_65 = arith.constant 0 : i32
    %dma_wait3A_66 = tpu.memref_slice %arg10[%multiple_of3A, %dma_wait3A_65] : memref<10000x128xf32, #tpu.memory_space<vmem_shared>> -> memref<80x128xf32, #tpu.memory_space<vmem_shared>>
    %dma_wait3A_67 = arith.constant 0 : i32
    %dma_wait3A_68 = tpu.memref_slice %arg10[%multiple_of3A, %dma_wait3A_67] : memref<10000x128xf32, #tpu.memory_space<vmem_shared>> -> memref<80x128xf32, #tpu.memory_space<vmem_shared>>
    tpu.wait_dma2 semaphore(%arg14 : memref<!tpu.dma_semaphore, #tpu.memory_space<semaphore_mem>>) src(%arg9 : memref<80x128xf32, #tpu.memory_space<vmem>>) dst(%dma_wait3A_68 : memref<80x128xf32, #tpu.memory_space<vmem_shared>>)
    %dma_wait3A_69 = arith.constant 0 : i32
    %dma_wait3A_70 = tpu.memref_slice %arg10[%multiple_of3A, %dma_wait3A_69] : memref<10000x128xf32, #tpu.memory_space<vmem_shared>> -> memref<80x128xf32, #tpu.memory_space<vmem_shared>>
    %dma_wait3A_71 = arith.constant 0 : i32
    %dma_wait3A_72 = tpu.memref_slice %arg10[%multiple_of3A, %dma_wait3A_71] : memref<10000x128xf32, #tpu.memory_space<vmem_shared>> -> memref<80x128xf32, #tpu.memory_space<vmem_shared>>
    tpu.wait_dma2 semaphore(%arg14 : memref<!tpu.dma_semaphore, #tpu.memory_space<semaphore_mem>>) src(%arg9 : memref<80x128xf32, #tpu.memory_space<vmem>>) dst(%dma_wait3A_72 : memref<80x128xf32, #tpu.memory_space<vmem_shared>>)
    %dma_wait3A_73 = arith.constant 0 : i32
    %dma_wait3A_74 = tpu.memref_slice %arg10[%multiple_of3A, %dma_wait3A_73] : memref<10000x128xf32, #tpu.memory_space<vmem_shared>> -> memref<80x128xf32, #tpu.memory_space<vmem_shared>>
    %dma_wait3A_75 = arith.constant 0 : i32
    %dma_wait3A_76 = tpu.memref_slice %arg10[%multiple_of3A, %dma_wait3A_75] : memref<10000x128xf32, #tpu.memory_space<vmem_shared>> -> memref<80x128xf32, #tpu.memory_space<vmem_shared>>
    tpu.wait_dma2 semaphore(%arg14 : memref<!tpu.dma_semaphore, #tpu.memory_space<semaphore_mem>>) src(%arg9 : memref<80x128xf32, #tpu.memory_space<vmem>>) dst(%dma_wait3A_76 : memref<80x128xf32, #tpu.memory_space<vmem_shared>>)
    %dma_wait3A_77 = arith.constant 0 : i32
    %dma_wait3A_78 = tpu.memref_slice %arg10[%multiple_of3A, %dma_wait3A_77] : memref<10000x128xf32, #tpu.memory_space<vmem_shared>> -> memref<80x128xf32, #tpu.memory_space<vmem_shared>>
    %dma_wait3A_79 = arith.constant 0 : i32
    %dma_wait3A_80 = tpu.memref_slice %arg10[%multiple_of3A, %dma_wait3A_79] : memref<10000x128xf32, #tpu.memory_space<vmem_shared>> -> memref<80x128xf32, #tpu.memory_space<vmem_shared>>
    tpu.wait_dma2 semaphore(%arg14 : memref<!tpu.dma_semaphore, #tpu.memory_space<semaphore_mem>>) src(%arg9 : memref<80x128xf32, #tpu.memory_space<vmem>>) dst(%dma_wait3A_80 : memref<80x128xf32, #tpu.memory_space<vmem_shared>>)
    %dma_wait3A_81 = arith.constant 0 : i32
    %dma_wait3A_82 = tpu.memref_slice %arg10[%multiple_of3A, %dma_wait3A_81] : memref<10000x128xf32, #tpu.memory_space<vmem_shared>> -> memref<80x128xf32, #tpu.memory_space<vmem_shared>>
    %dma_wait3A_83 = arith.constant 0 : i32
    %dma_wait3A_84 = tpu.memref_slice %arg10[%multiple_of3A, %dma_wait3A_83] : memref<10000x128xf32, #tpu.memory_space<vmem_shared>> -> memref<80x128xf32, #tpu.memory_space<vmem_shared>>
    tpu.wait_dma2 semaphore(%arg14 : memref<!tpu.dma_semaphore, #tpu.memory_space<semaphore_mem>>) src(%arg9 : memref<80x128xf32, #tpu.memory_space<vmem>>) dst(%dma_wait3A_84 : memref<80x128xf32, #tpu.memory_space<vmem_shared>>)
    %dma_wait3A_85 = arith.constant 0 : i32
    %dma_wait3A_86 = tpu.memref_slice %arg10[%multiple_of3A, %dma_wait3A_85] : memref<10000x128xf32, #tpu.memory_space<vmem_shared>> -> memref<80x128xf32, #tpu.memory_space<vmem_shared>>
    %dma_wait3A_87 = arith.constant 0 : i32
    %dma_wait3A_88 = tpu.memref_slice %arg10[%multiple_of3A, %dma_wait3A_87] : memref<10000x128xf32, #tpu.memory_space<vmem_shared>> -> memref<80x128xf32, #tpu.memory_space<vmem_shared>>
    tpu.wait_dma2 semaphore(%arg14 : memref<!tpu.dma_semaphore, #tpu.memory_space<semaphore_mem>>) src(%arg9 : memref<80x128xf32, #tpu.memory_space<vmem>>) dst(%dma_wait3A_88 : memref<80x128xf32, #tpu.memory_space<vmem_shared>>)
    %dma_wait3A_89 = arith.constant 0 : i32
    %dma_wait3A_90 = tpu.memref_slice %arg10[%multiple_of3A, %dma_wait3A_89] : memref<10000x128xf32, #tpu.memory_space<vmem_shared>> -> memref<80x128xf32, #tpu.memory_space<vmem_shared>>
    %dma_wait3A_91 = arith.constant 0 : i32
    %dma_wait3A_92 = tpu.memref_slice %arg10[%multiple_of3A, %dma_wait3A_91] : memref<10000x128xf32, #tpu.memory_space<vmem_shared>> -> memref<80x128xf32, #tpu.memory_space<vmem_shared>>
    tpu.wait_dma2 semaphore(%arg14 : memref<!tpu.dma_semaphore, #tpu.memory_space<semaphore_mem>>) src(%arg9 : memref<80x128xf32, #tpu.memory_space<vmem>>) dst(%dma_wait3A_92 : memref<80x128xf32, #tpu.memory_space<vmem_shared>>)
    %dma_start3A_93 = arith.constant 0 : i32
    %dma_start3A_94 = arith.constant 0 : i32
    %dma_start3A_95 = tpu.memref_slice %arg2[%dma_start3A_93, %dma_start3A_94] : memref<10000x128xf32, #tpu.memory_space<hbm>> -> memref<10000x128xf32, #tpu.memory_space<hbm>>
    tpu.enqueue_indirect_dma source(%dma_start3A_95 : memref<10000x128xf32, #tpu.memory_space<hbm>>) target(%arg9 : memref<80x128xf32, #tpu.memory_space<vmem>>) offsets(%arg7 : memref<80xi32, #tpu.memory_space<vmem>>) semaphore(%arg12 : memref<!tpu.dma_semaphore, #tpu.memory_space<semaphore_mem>>)
    %barrier3A = arith.constant 0 : index
    tpu.barrier barrier_id(%barrier3A)
    %scan3A_96 = arith.constant 0 : i32
    %scan3A_97 = arith.constant 62 : i32
    %scan3A_98 = arith.addi %scan3A_96, %scan3A_97 : i32
    %scan3A_99 = arith.constant 1 : i32
    scf.for %scan3A_109 = %scan3A_96 to %scan3A_98 step %scan3A_99  : i32 {
      %mul3A_110 = arith.constant 2 : i32
      %mul3A_111 = arith.muli %scan3A_109, %mul3A_110 : i32
      %add3A_112 = arith.constant 0 : i32
      %add3A_113 = arith.addi %add3A_112, %mul3A_111 : i32
      %dma_wait3A_114 = arith.constant 0 : i32
      %dma_wait3A_115 = arith.constant 0 : i32
      %dma_wait3A_116 = tpu.memref_slice %arg2[%dma_wait3A_114, %dma_wait3A_115] : memref<10000x128xf32, #tpu.memory_space<hbm>> -> memref<10000x128xf32, #tpu.memory_space<hbm>>
      tpu.wait_indirect_dma semaphore(%arg11 : memref<!tpu.dma_semaphore, #tpu.memory_space<semaphore_mem>>) src(%dma_wait3A_116 : memref<10000x128xf32, #tpu.memory_space<hbm>>) dst(%arg8 : memref<80x128xf32, #tpu.memory_space<vmem>>)
      %add3A_117 = arith.constant 2 : i32
      %add3A_118 = arith.addi %add3A_113, %add3A_117 : i32
      %dma_start3A_119 = arith.constant 1 : i32
      %dma_start3A_120 = arith.constant 0 : i32
      %dma_start3A_121 = tpu.memref_slice %arg3[%dma_start3A_119, %add3A, %add3A_118, %dma_start3A_120] : memref<2x32x125x80xi32, #tpu.memory_space<hbm>> -> memref<1x1x1x80xi32, #tpu.memory_space<hbm>>
      %dma_start3A_122 = tpu.memref_squeeze %dma_start3A_121 : memref<1x1x1x80xi32, #tpu.memory_space<hbm>> -> memref<80xi32, #tpu.memory_space<hbm>>
      %dma_start3A_123 = arith.constant 0 : i32
      %dma_start3A_124 = tpu.memref_slice %arg3[%dma_start3A_119, %add3A, %add3A_118, %dma_start3A_123] : memref<2x32x125x80xi32, #tpu.memory_space<hbm>> -> memref<1x1x1x80xi32, #tpu.memory_space<hbm>>
      %dma_start3A_125 = tpu.memref_squeeze %dma_start3A_124 : memref<1x1x1x80xi32, #tpu.memory_space<hbm>> -> memref<80xi32, #tpu.memory_space<hbm>>
      tpu.enqueue_dma source(%dma_start3A_125 : memref<80xi32, #tpu.memory_space<hbm>>) target(%arg6 : memref<80xi32, #tpu.memory_space<vmem>>) target_semaphore(%arg13 : memref<!tpu.dma_semaphore, #tpu.memory_space<semaphore_mem>>)
      "tpu.region"() ({
        %run_scoped3A_153 = tpu.sem_alloc : memref<!tpu.dma_semaphore, #tpu.memory_space<semaphore_mem>>
        %dma_start3A_154 = arith.constant 0 : i32
        %dma_start3A_155 = tpu.memref_slice %arg5[%add3A_113, %dma_start3A_154] : memref<125x80xi32, #tpu.memory_space<vmem>> -> memref<1x80xi32, #tpu.memory_space<vmem>>
        %dma_start3A_156 = tpu.memref_squeeze %dma_start3A_155 : memref<1x80xi32, #tpu.memory_space<vmem>> -> memref<80xi32, #tpu.memory_space<vmem>>
        %dma_start3A_157 = arith.constant 0 : i32
        %dma_start3A_158 = arith.constant 0 : i32
        %dma_start3A_159 = tpu.memref_slice %arg10[%dma_start3A_157, %dma_start3A_158] : memref<10000x128xf32, #tpu.memory_space<vmem_shared>> -> memref<10000x128xf32, #tpu.memory_space<vmem_shared>>
        tpu.enqueue_indirect_dma source(%arg8 : memref<80x128xf32, #tpu.memory_space<vmem>>) target(%dma_start3A_159 : memref<10000x128xf32, #tpu.memory_space<vmem_shared>>) offsets(%dma_start3A_156 : memref<80xi32, #tpu.memory_space<vmem>>) semaphore(%run_scoped3A_153 : memref<!tpu.dma_semaphore, #tpu.memory_space<semaphore_mem>>) {add = true}
        %dma_wait3A_160 = arith.constant 0 : i32
        %dma_wait3A_161 = tpu.memref_slice %arg5[%add3A_113, %dma_wait3A_160] : memref<125x80xi32, #tpu.memory_space<vmem>> -> memref<1x80xi32, #tpu.memory_space<vmem>>
        %dma_wait3A_162 = tpu.memref_squeeze %dma_wait3A_161 : memref<1x80xi32, #tpu.memory_space<vmem>> -> memref<80xi32, #tpu.memory_space<vmem>>
        %dma_wait3A_163 = arith.constant 0 : i32
        %dma_wait3A_164 = arith.constant 0 : i32
        %dma_wait3A_165 = tpu.memref_slice %arg10[%dma_wait3A_163, %dma_wait3A_164] : memref<10000x128xf32, #tpu.memory_space<vmem_shared>> -> memref<10000x128xf32, #tpu.memory_space<vmem_shared>>
        tpu.wait_indirect_dma semaphore(%run_scoped3A_153 : memref<!tpu.dma_semaphore, #tpu.memory_space<semaphore_mem>>) src(%arg8 : memref<80x128xf32, #tpu.memory_space<vmem>>) dst(%dma_wait3A_165 : memref<10000x128xf32, #tpu.memory_space<vmem_shared>>)
        tpu.yield
      }) : () -> ()
      %dma_wait3A_126 = arith.constant 1 : i32
      %dma_wait3A_127 = arith.constant 0 : i32
      %dma_wait3A_128 = arith.constant 0 : i32
      %dma_wait3A_129 = tpu.memref_slice %arg3[%dma_wait3A_126, %add3A, %dma_wait3A_127, %dma_wait3A_128] : memref<2x32x125x80xi32, #tpu.memory_space<hbm>> -> memref<1x1x1x80xi32, #tpu.memory_space<hbm>>
      %dma_wait3A_130 = tpu.memref_squeeze %dma_wait3A_129 : memref<1x1x1x80xi32, #tpu.memory_space<hbm>> -> memref<80xi32, #tpu.memory_space<hbm>>
      %dma_wait3A_131 = arith.constant 0 : i32
      %dma_wait3A_132 = tpu.memref_slice %arg3[%dma_wait3A_126, %add3A, %dma_wait3A_127, %dma_wait3A_131] : memref<2x32x125x80xi32, #tpu.memory_space<hbm>> -> memref<1x1x1x80xi32, #tpu.memory_space<hbm>>
      %dma_wait3A_133 = tpu.memref_squeeze %dma_wait3A_132 : memref<1x1x1x80xi32, #tpu.memory_space<hbm>> -> memref<80xi32, #tpu.memory_space<hbm>>
      tpu.wait_dma2 semaphore(%arg13 : memref<!tpu.dma_semaphore, #tpu.memory_space<semaphore_mem>>) src(%dma_wait3A_133 : memref<80xi32, #tpu.memory_space<hbm>>) dst(%arg6 : memref<80xi32, #tpu.memory_space<vmem>>)
      %dma_start3A_134 = arith.constant 0 : i32
      %dma_start3A_135 = arith.constant 0 : i32
      %dma_start3A_136 = tpu.memref_slice %arg2[%dma_start3A_134, %dma_start3A_135] : memref<10000x128xf32, #tpu.memory_space<hbm>> -> memref<10000x128xf32, #tpu.memory_space<hbm>>
      tpu.enqueue_indirect_dma source(%dma_start3A_136 : memref<10000x128xf32, #tpu.memory_space<hbm>>) target(%arg8 : memref<80x128xf32, #tpu.memory_space<vmem>>) offsets(%arg6 : memref<80xi32, #tpu.memory_space<vmem>>) semaphore(%arg11 : memref<!tpu.dma_semaphore, #tpu.memory_space<semaphore_mem>>)
      %dma_wait3A_137 = arith.constant 0 : i32
      %dma_wait3A_138 = arith.constant 0 : i32
      %dma_wait3A_139 = tpu.memref_slice %arg2[%dma_wait3A_137, %dma_wait3A_138] : memref<10000x128xf32, #tpu.memory_space<hbm>> -> memref<10000x128xf32, #tpu.memory_space<hbm>>
      tpu.wait_indirect_dma semaphore(%arg12 : memref<!tpu.dma_semaphore, #tpu.memory_space<semaphore_mem>>) src(%dma_wait3A_139 : memref<10000x128xf32, #tpu.memory_space<hbm>>) dst(%arg9 : memref<80x128xf32, #tpu.memory_space<vmem>>)
      %add3A_140 = arith.constant 3 : i32
      %add3A_141 = arith.addi %add3A_113, %add3A_140 : i32
      %lt3A = arith.constant 125 : i32
      %lt3A_142 = arith.cmpi slt, %add3A_141, %lt3A : i32
      %convert_element_type3A = arith.extui %lt3A_142 : i1 to i32
      %cond3A = arith.constant 0 : i32
      %cond3A_143 = arith.cmpi ne, %convert_element_type3A, %cond3A : i32
      scf.if %cond3A_143 {
        %add3A_153 = arith.constant 3 : i32
        %add3A_154 = arith.addi %add3A_113, %add3A_153 : i32
        %dma_start3A_155 = arith.constant 1 : i32
        %dma_start3A_156 = arith.constant 0 : i32
        %dma_start3A_157 = tpu.memref_slice %arg3[%dma_start3A_155, %add3A, %add3A_154, %dma_start3A_156] : memref<2x32x125x80xi32, #tpu.memory_space<hbm>> -> memref<1x1x1x80xi32, #tpu.memory_space<hbm>>
        %dma_start3A_158 = tpu.memref_squeeze %dma_start3A_157 : memref<1x1x1x80xi32, #tpu.memory_space<hbm>> -> memref<80xi32, #tpu.memory_space<hbm>>
        %dma_start3A_159 = arith.constant 0 : i32
        %dma_start3A_160 = tpu.memref_slice %arg3[%dma_start3A_155, %add3A, %add3A_154, %dma_start3A_159] : memref<2x32x125x80xi32, #tpu.memory_space<hbm>> -> memref<1x1x1x80xi32, #tpu.memory_space<hbm>>
        %dma_start3A_161 = tpu.memref_squeeze %dma_start3A_160 : memref<1x1x1x80xi32, #tpu.memory_space<hbm>> -> memref<80xi32, #tpu.memory_space<hbm>>
        tpu.enqueue_dma source(%dma_start3A_161 : memref<80xi32, #tpu.memory_space<hbm>>) target(%arg7 : memref<80xi32, #tpu.memory_space<vmem>>) target_semaphore(%arg14 : memref<!tpu.dma_semaphore, #tpu.memory_space<semaphore_mem>>)
      } else {
      }
      %add3A_144 = arith.constant 1 : i32
      %add3A_145 = arith.addi %add3A_113, %add3A_144 : i32
      "tpu.region"() ({
        %run_scoped3A_153 = tpu.sem_alloc : memref<!tpu.dma_semaphore, #tpu.memory_space<semaphore_mem>>
        %dma_start3A_154 = arith.constant 0 : i32
        %dma_start3A_155 = tpu.memref_slice %arg5[%add3A_145, %dma_start3A_154] : memref<125x80xi32, #tpu.memory_space<vmem>> -> memref<1x80xi32, #tpu.memory_space<vmem>>
        %dma_start3A_156 = tpu.memref_squeeze %dma_start3A_155 : memref<1x80xi32, #tpu.memory_space<vmem>> -> memref<80xi32, #tpu.memory_space<vmem>>
        %dma_start3A_157 = arith.constant 0 : i32
        %dma_start3A_158 = arith.constant 0 : i32
        %dma_start3A_159 = tpu.memref_slice %arg10[%dma_start3A_157, %dma_start3A_158] : memref<10000x128xf32, #tpu.memory_space<vmem_shared>> -> memref<10000x128xf32, #tpu.memory_space<vmem_shared>>
        tpu.enqueue_indirect_dma source(%arg9 : memref<80x128xf32, #tpu.memory_space<vmem>>) target(%dma_start3A_159 : memref<10000x128xf32, #tpu.memory_space<vmem_shared>>) offsets(%dma_start3A_156 : memref<80xi32, #tpu.memory_space<vmem>>) semaphore(%run_scoped3A_153 : memref<!tpu.dma_semaphore, #tpu.memory_space<semaphore_mem>>) {add = true}
        %dma_wait3A_160 = arith.constant 0 : i32
        %dma_wait3A_161 = tpu.memref_slice %arg5[%add3A_145, %dma_wait3A_160] : memref<125x80xi32, #tpu.memory_space<vmem>> -> memref<1x80xi32, #tpu.memory_space<vmem>>
        %dma_wait3A_162 = tpu.memref_squeeze %dma_wait3A_161 : memref<1x80xi32, #tpu.memory_space<vmem>> -> memref<80xi32, #tpu.memory_space<vmem>>
        %dma_wait3A_163 = arith.constant 0 : i32
        %dma_wait3A_164 = arith.constant 0 : i32
        %dma_wait3A_165 = tpu.memref_slice %arg10[%dma_wait3A_163, %dma_wait3A_164] : memref<10000x128xf32, #tpu.memory_space<vmem_shared>> -> memref<10000x128xf32, #tpu.memory_space<vmem_shared>>
        tpu.wait_indirect_dma semaphore(%run_scoped3A_153 : memref<!tpu.dma_semaphore, #tpu.memory_space<semaphore_mem>>) src(%arg9 : memref<80x128xf32, #tpu.memory_space<vmem>>) dst(%dma_wait3A_165 : memref<10000x128xf32, #tpu.memory_space<vmem_shared>>)
        tpu.yield
      }) : () -> ()
      %add3A_146 = arith.constant 3 : i32
      %add3A_147 = arith.addi %add3A_113, %add3A_146 : i32
      %lt3A_148 = arith.constant 125 : i32
      %lt3A_149 = arith.cmpi slt, %add3A_147, %lt3A_148 : i32
      %convert_element_type3A_150 = arith.extui %lt3A_149 : i1 to i32
      %cond3A_151 = arith.constant 0 : i32
      %cond3A_152 = arith.cmpi ne, %convert_element_type3A_150, %cond3A_151 : i32
      scf.if %cond3A_152 {
        %dma_wait3A_153 = arith.constant 1 : i32
        %dma_wait3A_154 = arith.constant 0 : i32
        %dma_wait3A_155 = arith.constant 0 : i32
        %dma_wait3A_156 = tpu.memref_slice %arg3[%dma_wait3A_153, %add3A, %dma_wait3A_154, %dma_wait3A_155] : memref<2x32x125x80xi32, #tpu.memory_space<hbm>> -> memref<1x1x1x80xi32, #tpu.memory_space<hbm>>
        %dma_wait3A_157 = tpu.memref_squeeze %dma_wait3A_156 : memref<1x1x1x80xi32, #tpu.memory_space<hbm>> -> memref<80xi32, #tpu.memory_space<hbm>>
        %dma_wait3A_158 = arith.constant 0 : i32
        %dma_wait3A_159 = tpu.memref_slice %arg3[%dma_wait3A_153, %add3A, %dma_wait3A_154, %dma_wait3A_158] : memref<2x32x125x80xi32, #tpu.memory_space<hbm>> -> memref<1x1x1x80xi32, #tpu.memory_space<hbm>>
        %dma_wait3A_160 = tpu.memref_squeeze %dma_wait3A_159 : memref<1x1x1x80xi32, #tpu.memory_space<hbm>> -> memref<80xi32, #tpu.memory_space<hbm>>
        tpu.wait_dma2 semaphore(%arg14 : memref<!tpu.dma_semaphore, #tpu.memory_space<semaphore_mem>>) src(%dma_wait3A_160 : memref<80xi32, #tpu.memory_space<hbm>>) dst(%arg7 : memref<80xi32, #tpu.memory_space<vmem>>)
        %dma_start3A_161 = arith.constant 0 : i32
        %dma_start3A_162 = arith.constant 0 : i32
        %dma_start3A_163 = tpu.memref_slice %arg2[%dma_start3A_161, %dma_start3A_162] : memref<10000x128xf32, #tpu.memory_space<hbm>> -> memref<10000x128xf32, #tpu.memory_space<hbm>>
        tpu.enqueue_indirect_dma source(%dma_start3A_163 : memref<10000x128xf32, #tpu.memory_space<hbm>>) target(%arg9 : memref<80x128xf32, #tpu.memory_space<vmem>>) offsets(%arg7 : memref<80xi32, #tpu.memory_space<vmem>>) semaphore(%arg12 : memref<!tpu.dma_semaphore, #tpu.memory_space<semaphore_mem>>)
      } else {
      }
    }
    %scan3A_100 = arith.constant 62 : i32
    %dma_wait3A_101 = arith.constant 0 : i32
    %dma_wait3A_102 = arith.constant 0 : i32
    %dma_wait3A_103 = tpu.memref_slice %arg2[%dma_wait3A_101, %dma_wait3A_102] : memref<10000x128xf32, #tpu.memory_space<hbm>> -> memref<10000x128xf32, #tpu.memory_space<hbm>>
    tpu.wait_indirect_dma semaphore(%arg11 : memref<!tpu.dma_semaphore, #tpu.memory_space<semaphore_mem>>) src(%dma_wait3A_103 : memref<10000x128xf32, #tpu.memory_space<hbm>>) dst(%arg8 : memref<80x128xf32, #tpu.memory_space<vmem>>)
    %run_scoped3A_104 = arith.constant 124 : i32
    "tpu.region"() ({
      %run_scoped3A_109 = tpu.sem_alloc : memref<!tpu.dma_semaphore, #tpu.memory_space<semaphore_mem>>
      %dma_start3A_110 = arith.constant 0 : i32
      %dma_start3A_111 = tpu.memref_slice %arg5[%run_scoped3A_104, %dma_start3A_110] : memref<125x80xi32, #tpu.memory_space<vmem>> -> memref<1x80xi32, #tpu.memory_space<vmem>>
      %dma_start3A_112 = tpu.memref_squeeze %dma_start3A_111 : memref<1x80xi32, #tpu.memory_space<vmem>> -> memref<80xi32, #tpu.memory_space<vmem>>
      %dma_start3A_113 = arith.constant 0 : i32
      %dma_start3A_114 = arith.constant 0 : i32
      %dma_start3A_115 = tpu.memref_slice %arg10[%dma_start3A_113, %dma_start3A_114] : memref<10000x128xf32, #tpu.memory_space<vmem_shared>> -> memref<10000x128xf32, #tpu.memory_space<vmem_shared>>
      tpu.enqueue_indirect_dma source(%arg8 : memref<80x128xf32, #tpu.memory_space<vmem>>) target(%dma_start3A_115 : memref<10000x128xf32, #tpu.memory_space<vmem_shared>>) offsets(%dma_start3A_112 : memref<80xi32, #tpu.memory_space<vmem>>) semaphore(%run_scoped3A_109 : memref<!tpu.dma_semaphore, #tpu.memory_space<semaphore_mem>>) {add = true}
      %dma_wait3A_116 = arith.constant 0 : i32
      %dma_wait3A_117 = tpu.memref_slice %arg5[%run_scoped3A_104, %dma_wait3A_116] : memref<125x80xi32, #tpu.memory_space<vmem>> -> memref<1x80xi32, #tpu.memory_space<vmem>>
      %dma_wait3A_118 = tpu.memref_squeeze %dma_wait3A_117 : memref<1x80xi32, #tpu.memory_space<vmem>> -> memref<80xi32, #tpu.memory_space<vmem>>
      %dma_wait3A_119 = arith.constant 0 : i32
      %dma_wait3A_120 = arith.constant 0 : i32
      %dma_wait3A_121 = tpu.memref_slice %arg10[%dma_wait3A_119, %dma_wait3A_120] : memref<10000x128xf32, #tpu.memory_space<vmem_shared>> -> memref<10000x128xf32, #tpu.memory_space<vmem_shared>>
      tpu.wait_indirect_dma semaphore(%run_scoped3A_109 : memref<!tpu.dma_semaphore, #tpu.memory_space<semaphore_mem>>) src(%arg8 : memref<80x128xf32, #tpu.memory_space<vmem>>) dst(%dma_wait3A_121 : memref<10000x128xf32, #tpu.memory_space<vmem_shared>>)
      tpu.yield
    }) : () -> ()
    %barrier3A_105 = arith.constant 0 : index
    tpu.barrier barrier_id(%barrier3A_105)
    %mul3A_106 = arith.constant 10000 : i32
    %mul3A_107 = arith.muli %arg0, %mul3A_106 : i32
    %add3A_108 = arith.addi %mul3A_107, %multiple_of3A : i32
    "tpu.region"() ({
      %run_scoped3A_109 = tpu.sem_alloc : memref<!tpu.dma_semaphore, #tpu.memory_space<semaphore_mem>>
      %dma_start3A_110 = arith.constant 0 : i32
      %dma_start3A_111 = tpu.memref_slice %arg4[%add3A_108, %dma_start3A_110] : memref<20000x128xf32, #tpu.memory_space<hbm>> -> memref<640x128xf32, #tpu.memory_space<hbm>>
      %dma_start3A_112 = arith.constant 0 : i32
      %dma_start3A_113 = tpu.memref_slice %arg10[%multiple_of3A, %dma_start3A_112] : memref<10000x128xf32, #tpu.memory_space<vmem_shared>> -> memref<640x128xf32, #tpu.memory_space<vmem_shared>>
      tpu.enqueue_dma source(%dma_start3A_113 : memref<640x128xf32, #tpu.memory_space<vmem_shared>>) target(%dma_start3A_111 : memref<640x128xf32, #tpu.memory_space<hbm>>) target_semaphore(%run_scoped3A_109 : memref<!tpu.dma_semaphore, #tpu.memory_space<semaphore_mem>>)
      %dma_wait3A_114 = arith.constant 0 : i32
      %dma_wait3A_115 = tpu.memref_slice %arg4[%add3A_108, %dma_wait3A_114] : memref<20000x128xf32, #tpu.memory_space<hbm>> -> memref<640x128xf32, #tpu.memory_space<hbm>>
      %dma_wait3A_116 = arith.constant 0 : i32
      %dma_wait3A_117 = tpu.memref_slice %arg10[%multiple_of3A, %dma_wait3A_116] : memref<10000x128xf32, #tpu.memory_space<vmem_shared>> -> memref<640x128xf32, #tpu.memory_space<vmem_shared>>
      tpu.wait_dma2 semaphore(%run_scoped3A_109 : memref<!tpu.dma_semaphore, #tpu.memory_space<semaphore_mem>>) src(%dma_wait3A_117 : memref<640x128xf32, #tpu.memory_space<vmem_shared>>) dst(%dma_wait3A_115 : memref<640x128xf32, #tpu.memory_space<hbm>>)
      tpu.yield
    }) : () -> ()
    return
  }
}

module attributes {stable_mosaic.version = 14 : i64} {
  func.func @_recips_body(%arg0: memref<2x20000xf32, #tpu.memory_space<vmem>>, %arg1: memref<1x20000xf32, #tpu.memory_space<vmem>>) attributes {dimension_semantics = [], scalar_prefetch = 0 : i64, scratch_operands = 0 : i64, tpu.core_type = #tpu.core_type<tc>} {
    %get3A = arith.constant 0 : index
    %get3A_0 = arith.constant 0 : index
    %get3A_1 = vector.load %arg0[%get3A, %get3A_0] : memref<2x20000xf32, #tpu.memory_space<vmem>>, vector<1x20000xf32>
    %get3A_2 = arith.constant 1 : index
    %get3A_3 = arith.constant 0 : index
    %get3A_4 = vector.load %arg0[%get3A_2, %get3A_3] : memref<2x20000xf32, #tpu.memory_space<vmem>>, vector<1x20000xf32>
    %add3A = arith.addf %get3A_1, %get3A_4 : vector<1x20000xf32>
    %gt3A = arith.constant 0.000000e+00 : f32
    %gt3A_5 = vector.broadcast %gt3A : f32 to vector<1x20000xf32>
    %gt3A_6 = arith.cmpf ogt, %add3A, %gt3A_5 : vector<1x20000xf32>
    %div3A = arith.constant 1.000000e+00 : f32
    %div3A_7 = vector.broadcast %div3A : f32 to vector<1x20000xf32>
    %div3A_8 = arith.divf %div3A_7, %add3A : vector<1x20000xf32>
    %jit3A = arith.constant 0.000000e+00 : f32
    %broadcast_in_dim3A = vector.broadcast %jit3A : f32 to vector<1x20000xf32>
    %select_n3A = arith.select %gt3A_6, %div3A_8, %broadcast_in_dim3A : vector<1x20000xi1>, vector<1x20000xf32>
    %swap3A = arith.constant 0 : index
    %swap3A_9 = arith.constant 0 : index
    %swap3A_10 = vector.load %arg1[%swap3A, %swap3A_9] : memref<1x20000xf32, #tpu.memory_space<vmem>>, vector<1x20000xf32>
    tpu.vector_store %arg1[%swap3A, %swap3A_9], %select_n3A {strides = array<i32>} : memref<1x20000xf32, #tpu.memory_space<vmem>>, vector<1x20000xf32>,
    return
  }
}

module attributes {stable_mosaic.version = 14 : i64} {
  func.func @_mm_body(%arg0: i32, %arg1: memref<1000x128xf32, #tpu.memory_space<vmem>>, %arg2: memref<128x128xf32, #tpu.memory_space<vmem>>, %arg3: memref<1000x128xf32, #tpu.memory_space<vmem>>) attributes {dimension_semantics = [#tpu.dimension_semantics<arbitrary>], iteration_bounds = array<i64: 10>, scalar_prefetch = 0 : i64, scratch_operands = 0 : i64, tpu.core_type = #tpu.core_type<tc>, window_params = [{transform_indices = @transform_0, window_bounds = array<i64: 1000, 128>}, {pipeline_mode = #tpu.pipeline_mode<synchronous>, transform_indices = @transform_1, window_bounds = array<i64: 128, 128>}, {transform_indices = @transform_2, window_bounds = array<i64: 1000, 128>}]} {
    %get3A = arith.constant 0 : index
    %get3A_0 = arith.constant 0 : index
    %get3A_1 = vector.load %arg1[%get3A, %get3A_0] : memref<1000x128xf32, #tpu.memory_space<vmem>>, vector<1000x128xf32>
    %get3A_2 = arith.constant 0 : index
    %get3A_3 = arith.constant 0 : index
    %get3A_4 = vector.load %arg2[%get3A_2, %get3A_3] : memref<128x128xf32, #tpu.memory_space<vmem>>, vector<128x128xf32>
    %dot_general3A = arith.constant dense<0.000000e+00> : vector<1000x128xf32>
    %dot_general3A_5 = tpu.matmul %get3A_1, %get3A_4, %dot_general3A {dimension_numbers = #tpu.dot_dimension_numbers<[1], [0], [0], [1], [0, 0, 1, 1], [], []>, transpose_lhs_hint = false} : vector<1000x128xf32>, vector<128x128xf32>, vector<1000x128xf32> -> vector<1000x128xf32>
    %swap3A = arith.constant 0 : index
    %swap3A_6 = arith.constant 0 : index
    %swap3A_7 = vector.load %arg3[%swap3A, %swap3A_6] : memref<1000x128xf32, #tpu.memory_space<vmem>>, vector<1000x128xf32>
    tpu.vector_store %arg3[%swap3A, %swap3A_6], %dot_general3A_5 {strides = array<i32>} : memref<1000x128xf32, #tpu.memory_space<vmem>>, vector<1000x128xf32>,
    return
  }
  func.func @transform_0(%arg0: i32) -> (i32, i32) {
    %c0_i32 = arith.constant 0 : i32
    %c0_i32_0 = arith.constant 0 : i32
    return %arg0, %c0_i32 : i32, i32
  }
  func.func @transform_1(%arg0: i32) -> (i32, i32) {
    %c0_i32 = arith.constant 0 : i32
    %c0_i32_0 = arith.constant 0 : i32
    %c0_i32_1 = arith.constant 0 : i32
    return %c0_i32, %c0_i32_0 : i32, i32
  }
  func.func @transform_2(%arg0: i32) -> (i32, i32) {
    %c0_i32 = arith.constant 0 : i32
    %c0_i32_0 = arith.constant 0 : i32
    return %arg0, %c0_i32 : i32, i32
  }
}

module attributes {stable_mosaic.version = 14 : i64} {
  func.func @_comb_e_body(%arg0: i32, %arg1: memref<1000x128xf32, #tpu.memory_space<vmem>>, %arg2: memref<1000x128xf32, #tpu.memory_space<vmem>>, %arg3: memref<1000x1xf32, #tpu.memory_space<vmem>>, %arg4: memref<1000x128xf32, #tpu.memory_space<vmem>>) attributes {dimension_semantics = [#tpu.dimension_semantics<arbitrary>], iteration_bounds = array<i64: 10>, scalar_prefetch = 0 : i64, scratch_operands = 0 : i64, tpu.core_type = #tpu.core_type<tc>, window_params = [{transform_indices = @transform_0, window_bounds = array<i64: 1000, 128>}, {transform_indices = @transform_1, window_bounds = array<i64: 1000, 128>}, {transform_indices = @transform_2, window_bounds = array<i64: 1000, 1>}, {transform_indices = @transform_3, window_bounds = array<i64: 1000, 128>}]} {
    %get3A = arith.constant 0 : index
    %get3A_0 = arith.constant 0 : index
    %get3A_1 = vector.load %arg1[%get3A, %get3A_0] : memref<1000x128xf32, #tpu.memory_space<vmem>>, vector<1000x128xf32>
    %get3A_2 = arith.constant 0 : index
    %get3A_3 = arith.constant 0 : index
    %get3A_4 = vector.load %arg2[%get3A_2, %get3A_3] : memref<1000x128xf32, #tpu.memory_space<vmem>>, vector<1000x128xf32>
    %add3A = arith.addf %get3A_1, %get3A_4 : vector<1000x128xf32>
    %get3A_5 = arith.constant 0 : index
    %get3A_6 = arith.constant 0 : index
    %get3A_7 = vector.load %arg3[%get3A_5, %get3A_6] : memref<1000x1xf32, #tpu.memory_space<vmem>>, vector<1000x1xf32>
    %mul3A = vector.broadcast %get3A_7 : vector<1000x1xf32> to vector<1000x128xf32>
    %mul3A_8 = arith.mulf %add3A, %mul3A : vector<1000x128xf32>
    %swap3A = arith.constant 0 : index
    %swap3A_9 = arith.constant 0 : index
    %swap3A_10 = vector.load %arg4[%swap3A, %swap3A_9] : memref<1000x128xf32, #tpu.memory_space<vmem>>, vector<1000x128xf32>
    tpu.vector_store %arg4[%swap3A, %swap3A_9], %mul3A_8 {strides = array<i32>} : memref<1000x128xf32, #tpu.memory_space<vmem>>, vector<1000x128xf32>,
    return
  }
  func.func @transform_0(%arg0: i32) -> (i32, i32) {
    %c0_i32 = arith.constant 0 : i32
    %c0_i32_0 = arith.constant 0 : i32
    return %arg0, %c0_i32 : i32, i32
  }
  func.func @transform_1(%arg0: i32) -> (i32, i32) {
    %add3A = arith.constant 10 : i32
    %add3A_0 = arith.addi %add3A, %arg0 : i32
    %c0_i32 = arith.constant 0 : i32
    %c0_i32_1 = arith.constant 0 : i32
    return %add3A_0, %c0_i32 : i32, i32
  }
  func.func @transform_2(%arg0: i32) -> (i32, i32) {
    %c0_i32 = arith.constant 0 : i32
    %c0_i32_0 = arith.constant 0 : i32
    return %arg0, %c0_i32 : i32, i32
  }
  func.func @transform_3(%arg0: i32) -> (i32, i32) {
    %c0_i32 = arith.constant 0 : i32
    %c0_i32_0 = arith.constant 0 : i32
    return %arg0, %c0_i32 : i32, i32
  }
}

module attributes {stable_mosaic.version = 14 : i64} {
  func.func @_hmm_body(%arg0: i32, %arg1: memref<1000x128xf32, #tpu.memory_space<vmem>>, %arg2: memref<1000x128xf32, #tpu.memory_space<vmem>>, %arg3: memref<1000x1xf32, #tpu.memory_space<vmem>>, %arg4: memref<1x128xf32, #tpu.memory_space<vmem>>, %arg5: memref<128x128xf32, #tpu.memory_space<vmem>>, %arg6: memref<1000x128xf32, #tpu.memory_space<vmem>>) attributes {dimension_semantics = [#tpu.dimension_semantics<arbitrary>], iteration_bounds = array<i64: 10>, scalar_prefetch = 0 : i64, scratch_operands = 0 : i64, tpu.core_type = #tpu.core_type<tc>, window_params = [{transform_indices = @transform_0, window_bounds = array<i64: 1000, 128>}, {transform_indices = @transform_1, window_bounds = array<i64: 1000, 128>}, {transform_indices = @transform_2, window_bounds = array<i64: 1000, 1>}, {pipeline_mode = #tpu.pipeline_mode<synchronous>, transform_indices = @transform_3, window_bounds = array<i64: 1, 128>}, {pipeline_mode = #tpu.pipeline_mode<synchronous>, transform_indices = @transform_4, window_bounds = array<i64: 128, 128>}, {transform_indices = @transform_5, window_bounds = array<i64: 1000, 128>}]} {
    %get3A = arith.constant 0 : index
    %get3A_0 = arith.constant 0 : index
    %get3A_1 = vector.load %arg1[%get3A, %get3A_0] : memref<1000x128xf32, #tpu.memory_space<vmem>>, vector<1000x128xf32>
    %get3A_2 = arith.constant 0 : index
    %get3A_3 = arith.constant 0 : index
    %get3A_4 = vector.load %arg2[%get3A_2, %get3A_3] : memref<1000x128xf32, #tpu.memory_space<vmem>>, vector<1000x128xf32>
    %add3A = arith.addf %get3A_1, %get3A_4 : vector<1000x128xf32>
    %get3A_5 = arith.constant 0 : index
    %get3A_6 = arith.constant 0 : index
    %get3A_7 = vector.load %arg3[%get3A_5, %get3A_6] : memref<1000x1xf32, #tpu.memory_space<vmem>>, vector<1000x1xf32>
    %mul3A = vector.broadcast %get3A_7 : vector<1000x1xf32> to vector<1000x128xf32>
    %mul3A_8 = arith.mulf %add3A, %mul3A : vector<1000x128xf32>
    %get3A_9 = arith.constant 0 : index
    %get3A_10 = arith.constant 0 : index
    %get3A_11 = vector.load %arg4[%get3A_9, %get3A_10] : memref<1x128xf32, #tpu.memory_space<vmem>>, vector<1x128xf32>
    %add3A_12 = vector.broadcast %get3A_11 : vector<1x128xf32> to vector<1000x128xf32>
    %add3A_13 = arith.addf %mul3A_8, %add3A_12 : vector<1000x128xf32>
    %gt3A = arith.constant 0.000000e+00 : f32
    %gt3A_14 = vector.broadcast %gt3A : f32 to vector<1000x128xf32>
    %gt3A_15 = arith.cmpf ogt, %add3A_13, %gt3A_14 : vector<1000x128xf32>
    %exp3A = math.exp %add3A_13 : vector<1000x128xf32>
    %sub3A = arith.constant 1.000000e+00 : f32
    %sub3A_16 = vector.broadcast %sub3A : f32 to vector<1000x128xf32>
    %sub3A_17 = arith.subf %exp3A, %sub3A_16 : vector<1000x128xf32>
    %select_n3A = arith.select %gt3A_15, %add3A_13, %sub3A_17 : vector<1000x128xi1>, vector<1000x128xf32>
    %get3A_18 = arith.constant 0 : index
    %get3A_19 = arith.constant 0 : index
    %get3A_20 = vector.load %arg5[%get3A_18, %get3A_19] : memref<128x128xf32, #tpu.memory_space<vmem>>, vector<128x128xf32>
    %dot_general3A = arith.constant dense<0.000000e+00> : vector<1000x128xf32>
    %dot_general3A_21 = tpu.matmul %select_n3A, %get3A_20, %dot_general3A {dimension_numbers = #tpu.dot_dimension_numbers<[1], [0], [0], [1], [0, 0, 1, 1], [], []>, transpose_lhs_hint = false} : vector<1000x128xf32>, vector<128x128xf32>, vector<1000x128xf32> -> vector<1000x128xf32>
    %swap3A = arith.constant 0 : index
    %swap3A_22 = arith.constant 0 : index
    %swap3A_23 = vector.load %arg6[%swap3A, %swap3A_22] : memref<1000x128xf32, #tpu.memory_space<vmem>>, vector<1000x128xf32>
    tpu.vector_store %arg6[%swap3A, %swap3A_22], %dot_general3A_21 {strides = array<i32>} : memref<1000x128xf32, #tpu.memory_space<vmem>>, vector<1000x128xf32>,
    return
  }
  func.func @transform_0(%arg0: i32) -> (i32, i32) {
    %c0_i32 = arith.constant 0 : i32
    %c0_i32_0 = arith.constant 0 : i32
    return %arg0, %c0_i32 : i32, i32
  }
  func.func @transform_1(%arg0: i32) -> (i32, i32) {
    %add3A = arith.constant 10 : i32
    %add3A_0 = arith.addi %add3A, %arg0 : i32
    %c0_i32 = arith.constant 0 : i32
    %c0_i32_1 = arith.constant 0 : i32
    return %add3A_0, %c0_i32 : i32, i32
  }
  func.func @transform_2(%arg0: i32) -> (i32, i32) {
    %c0_i32 = arith.constant 0 : i32
    %c0_i32_0 = arith.constant 0 : i32
    return %arg0, %c0_i32 : i32, i32
  }
  func.func @transform_3(%arg0: i32) -> (i32, i32) {
    %c0_i32 = arith.constant 0 : i32
    %c0_i32_0 = arith.constant 0 : i32
    %c0_i32_1 = arith.constant 0 : i32
    return %c0_i32, %c0_i32_0 : i32, i32
  }
  func.func @transform_4(%arg0: i32) -> (i32, i32) {
    %c0_i32 = arith.constant 0 : i32
    %c0_i32_0 = arith.constant 0 : i32
    %c0_i32_1 = arith.constant 0 : i32
    return %c0_i32, %c0_i32_0 : i32, i32
  }
  func.func @transform_5(%arg0: i32) -> (i32, i32) {
    %c0_i32 = arith.constant 0 : i32
    %c0_i32_0 = arith.constant 0 : i32
    return %arg0, %c0_i32 : i32, i32
  }
}

module attributes {stable_mosaic.version = 14 : i64} {
  func.func @_comb_e_body(%arg0: i32, %arg1: memref<1000x128xf32, #tpu.memory_space<vmem>>, %arg2: memref<1000x128xf32, #tpu.memory_space<vmem>>, %arg3: memref<1000x1xf32, #tpu.memory_space<vmem>>, %arg4: memref<1000x128xf32, #tpu.memory_space<vmem>>) attributes {dimension_semantics = [#tpu.dimension_semantics<arbitrary>], iteration_bounds = array<i64: 10>, scalar_prefetch = 0 : i64, scratch_operands = 0 : i64, tpu.core_type = #tpu.core_type<tc>, window_params = [{transform_indices = @transform_0, window_bounds = array<i64: 1000, 128>}, {transform_indices = @transform_1, window_bounds = array<i64: 1000, 128>}, {transform_indices = @transform_2, window_bounds = array<i64: 1000, 1>}, {transform_indices = @transform_3, window_bounds = array<i64: 1000, 128>}]} {
    %get3A = arith.constant 0 : index
    %get3A_0 = arith.constant 0 : index
    %get3A_1 = vector.load %arg1[%get3A, %get3A_0] : memref<1000x128xf32, #tpu.memory_space<vmem>>, vector<1000x128xf32>
    %get3A_2 = arith.constant 0 : index
    %get3A_3 = arith.constant 0 : index
    %get3A_4 = vector.load %arg2[%get3A_2, %get3A_3] : memref<1000x128xf32, #tpu.memory_space<vmem>>, vector<1000x128xf32>
    %add3A = arith.addf %get3A_1, %get3A_4 : vector<1000x128xf32>
    %get3A_5 = arith.constant 0 : index
    %get3A_6 = arith.constant 0 : index
    %get3A_7 = vector.load %arg3[%get3A_5, %get3A_6] : memref<1000x1xf32, #tpu.memory_space<vmem>>, vector<1000x1xf32>
    %mul3A = vector.broadcast %get3A_7 : vector<1000x1xf32> to vector<1000x128xf32>
    %mul3A_8 = arith.mulf %add3A, %mul3A : vector<1000x128xf32>
    %swap3A = arith.constant 0 : index
    %swap3A_9 = arith.constant 0 : index
    %swap3A_10 = vector.load %arg4[%swap3A, %swap3A_9] : memref<1000x128xf32, #tpu.memory_space<vmem>>, vector<1000x128xf32>
    tpu.vector_store %arg4[%swap3A, %swap3A_9], %mul3A_8 {strides = array<i32>} : memref<1000x128xf32, #tpu.memory_space<vmem>>, vector<1000x128xf32>,
    return
  }
  func.func @transform_0(%arg0: i32) -> (i32, i32) {
    %c0_i32 = arith.constant 0 : i32
    %c0_i32_0 = arith.constant 0 : i32
    return %arg0, %c0_i32 : i32, i32
  }
  func.func @transform_1(%arg0: i32) -> (i32, i32) {
    %add3A = arith.constant 10 : i32
    %add3A_0 = arith.addi %add3A, %arg0 : i32
    %c0_i32 = arith.constant 0 : i32
    %c0_i32_1 = arith.constant 0 : i32
    return %add3A_0, %c0_i32 : i32, i32
  }
  func.func @transform_2(%arg0: i32) -> (i32, i32) {
    %c0_i32 = arith.constant 0 : i32
    %c0_i32_0 = arith.constant 0 : i32
    return %arg0, %c0_i32 : i32, i32
  }
  func.func @transform_3(%arg0: i32) -> (i32, i32) {
    %c0_i32 = arith.constant 0 : i32
    %c0_i32_0 = arith.constant 0 : i32
    return %arg0, %c0_i32 : i32, i32
  }
}

module attributes {stable_mosaic.version = 14 : i64} {
  func.func @_fin_body(%arg0: i32, %arg1: memref<1000x128xf32, #tpu.memory_space<vmem>>, %arg2: memref<1000x128xf32, #tpu.memory_space<vmem>>, %arg3: memref<1000x1xf32, #tpu.memory_space<vmem>>, %arg4: memref<1x128xf32, #tpu.memory_space<vmem>>, %arg5: memref<1000x128xf32, #tpu.memory_space<vmem>>) attributes {dimension_semantics = [#tpu.dimension_semantics<arbitrary>], iteration_bounds = array<i64: 10>, scalar_prefetch = 0 : i64, scratch_operands = 0 : i64, tpu.core_type = #tpu.core_type<tc>, window_params = [{transform_indices = @transform_0, window_bounds = array<i64: 1000, 128>}, {transform_indices = @transform_1, window_bounds = array<i64: 1000, 128>}, {transform_indices = @transform_2, window_bounds = array<i64: 1000, 1>}, {pipeline_mode = #tpu.pipeline_mode<synchronous>, transform_indices = @transform_3, window_bounds = array<i64: 1, 128>}, {transform_indices = @transform_4, window_bounds = array<i64: 1000, 128>}]} {
    %get3A = arith.constant 0 : index
    %get3A_0 = arith.constant 0 : index
    %get3A_1 = vector.load %arg1[%get3A, %get3A_0] : memref<1000x128xf32, #tpu.memory_space<vmem>>, vector<1000x128xf32>
    %get3A_2 = arith.constant 0 : index
    %get3A_3 = arith.constant 0 : index
    %get3A_4 = vector.load %arg2[%get3A_2, %get3A_3] : memref<1000x128xf32, #tpu.memory_space<vmem>>, vector<1000x128xf32>
    %add3A = arith.addf %get3A_1, %get3A_4 : vector<1000x128xf32>
    %get3A_5 = arith.constant 0 : index
    %get3A_6 = arith.constant 0 : index
    %get3A_7 = vector.load %arg3[%get3A_5, %get3A_6] : memref<1000x1xf32, #tpu.memory_space<vmem>>, vector<1000x1xf32>
    %mul3A = vector.broadcast %get3A_7 : vector<1000x1xf32> to vector<1000x128xf32>
    %mul3A_8 = arith.mulf %add3A, %mul3A : vector<1000x128xf32>
    %get3A_9 = arith.constant 0 : index
    %get3A_10 = arith.constant 0 : index
    %get3A_11 = vector.load %arg4[%get3A_9, %get3A_10] : memref<1x128xf32, #tpu.memory_space<vmem>>, vector<1x128xf32>
    %add3A_12 = vector.broadcast %get3A_11 : vector<1x128xf32> to vector<1000x128xf32>
    %add3A_13 = arith.addf %mul3A_8, %add3A_12 : vector<1000x128xf32>
    %swap3A = arith.constant 0 : index
    %swap3A_14 = arith.constant 0 : index
    %swap3A_15 = vector.load %arg5[%swap3A, %swap3A_14] : memref<1000x128xf32, #tpu.memory_space<vmem>>, vector<1000x128xf32>
    tpu.vector_store %arg5[%swap3A, %swap3A_14], %add3A_13 {strides = array<i32>} : memref<1000x128xf32, #tpu.memory_space<vmem>>, vector<1000x128xf32>,
    return
  }
  func.func @transform_0(%arg0: i32) -> (i32, i32) {
    %c0_i32 = arith.constant 0 : i32
    %c0_i32_0 = arith.constant 0 : i32
    return %arg0, %c0_i32 : i32, i32
  }
  func.func @transform_1(%arg0: i32) -> (i32, i32) {
    %add3A = arith.constant 10 : i32
    %add3A_0 = arith.addi %add3A, %arg0 : i32
    %c0_i32 = arith.constant 0 : i32
    %c0_i32_1 = arith.constant 0 : i32
    return %add3A_0, %c0_i32 : i32, i32
  }
  func.func @transform_2(%arg0: i32) -> (i32, i32) {
    %c0_i32 = arith.constant 0 : i32
    %c0_i32_0 = arith.constant 0 : i32
    return %arg0, %c0_i32 : i32, i32
  }
  func.func @transform_3(%arg0: i32) -> (i32, i32) {
    %c0_i32 = arith.constant 0 : i32
    %c0_i32_0 = arith.constant 0 : i32
    %c0_i32_1 = arith.constant 0 : i32
    return %c0_i32, %c0_i32_0 : i32, i32
  }
  func.func @transform_4(%arg0: i32) -> (i32, i32) {
    %c0_i32 = arith.constant 0 : i32
    %c0_i32_0 = arith.constant 0 : i32
    return %arg0, %c0_i32 : i32, i32
  }
}

</mosaic_0001>

<sc_bundles>
// kernel: kernel.13.cloned.1.call-start
scs
__scs_entry_jumppad:
0x0: {  	(pc) =	sbr.rel $0x88, $3  }
0x1: {  	(tag) =	ssettag $0x0;
	lr =	simm.s32 $0x1  }
0x2: {  	[smem:$0x3F9B] =	sst lr;
	_ =	strace $0xD0000000  }
0x3: {  	_ = 	snop  }
0x4: {  	_ = 	snop  }
0x5: {  	_ = 	snop  }
0x6: {  	_ = 	snop  }
0x7: {  	_ = 	snop  }
__scs_overlays_trampoline_lowered:
0x8: {  	[smem:$0x3FAA] =	sst s0  }
0x9: {  	[smem:$0x3FAB] =	sst s1  }
0xa: {  	[smem:$0x3FAC] =	sst s2  }
0xb: {  	[smem:$0x3FAD] =	sst s3  }
0xc: {  	[smem:$0x3FAE] =	sst s4  }
0xd: {  	[smem:$0x3FAF] =	sst s5  }
0xe: {  	[smem:$0x3FB0] =	sst s6  }
0xf: {  	[smem:$0x3FB1] =	sst s7  }
0x10: {  	[smem:$0x3FB2] =	sst s8  }
0x11: {  	[smem:$0x3FB3] =	sst s9;
	s0 =	simm.s32 @!p0 $0x0  }
0x12: {  	s1 =	sld [smem:$0x3F99];
	s0 =	simm.s32 @p0 $0x1  }
0x13: {  	[smem:$0x3FB4] =	sst s0;
	s0 =	simm.s32 @!p1 $0x0  }
0x14: {  	s2 =	sld [smem:$0x3F98];
	s0 =	simm.s32 @p1 $0x1  }
0x15: {  	[smem:$0x3FB5] =	sst s0;
	s0 =	simm.s32 @!p2 $0x0  }
0x16: {  	s3 =	sld [smem:$0x3FDB];
	s0 =	simm.s32 @p2 $0x1  }
0x17: {  	s4 =	simm.s32 $0x1BF5;
	[smem:$0x3FB7] =	sst s0  }
0x18: {  	s0 =	sld [smem:$0x3F9A];
	_ =	swait.ge [sflag:s4], $0x0  }
0x19: {  	s7 =	sld [smem:$0x3F9B]  }
0x1a: {  	s8 =	sadd.s32 $0xFFFFE003, lr  }
0x1b: {  	s9 =	sadd.s32 $0xFFFFFEF7, lr;
	s5 =	simm.s32 $0xFFFFFFFF;
	p2 =	slt.u32 s8, $0xFFFFF086  }
0x1c: {  	p1 =	slt.u32 s9, $0xF7A;
	s5 =	simm.s32 @!p2 $0x0  }
0x1d: {  	s5 =	simm.s32 @p1 $0x1;
	p0 =	seq.s32 s7, s2  }
0x1e: {  	s7 =	smul.u32 @!p0 $0xF7A, s2;
	p2 =	seq.s32 @!p0 s5, $0x0  }
0x1f: {  	s9 =	smul.u32 $0xF7A, s1;
	s8 =	simm.s32 @!p0 $0x1BF5;
	p2 =	por !p2, p0  }
0x20: {  	[sflag:s8] =	ssyncset.s32 @!p0 $0xFFFFF086;
	s6 =	sadd.s32 @!p0 s3, s7;
	s7 =	simm.s32 @!p0 $0x108  }
0x21: {  	s3 =	sadd.s32 s3, s9;
	s6 =	sadd.s32 @!p0 $0x88, s6;
	s7 =	simm.s32 @p2 $0x1082  }
0x22: {  	[simem:s7], [sflag:s8] =	dma.local @!p0 [hbm:s6], $0xF7A  }
0x23: {  	s9 =	sor.u32 $0xD0000000, s2;
	s6 =	simm.s32 $0x108;
	_ =	swait.ge @!p0 [sflag:s8], $0x0  }
0x24: {  	s3 =	sadd.s32 $0x88, s3;
	s6 =	simm.s32 @!p1 $0x1082;
	[sflag:s4] =	ssyncset.s32 $0xFFFFF086  }
0x25: {  	[simem:s6], [sflag:s4] =	dma.local [hbm:s3], $0xF7A  }
0x26: {  	[smem:$0x3F9B] =	sst s1;
	(tag) =	ssettag s2;
	_ =	strace s9  }
0x27: {  	s1 =	sld [smem:$0x3FAB]  }
0x28: {  	s2 =	sld [smem:$0x3FAC]  }
0x29: {  	s4 =	sld [smem:$0x3FAE]  }
0x2a: {  	p0 =	seq.s32 s5, $0x0;
	s5 =	sld [smem:$0x3FAF]  }
0x2b: {  	s6 =	sld [smem:$0x3FB0]  }
0x2c: {  	s7 =	sld [smem:$0x3FB1]  }
0x2d: {  	s3 =	simm.s32 $0x108;
	s8 =	sld [smem:$0x3FB2]  }
0x2e: {  	s3 =	simm.s32 @!p0 $0x1082;
	s9 =	sld [smem:$0x3FB3]  }
0x2f: {  	lr =	sadd.s32 s0, s3;
	s0 =	sld [smem:$0x3FAA]  }
0x30: {  	s3 =	sld [smem:$0x3FAD]  }
0x31: {  	[smem:$0x3FB6] =	sst s10  }
0x32: {  	s10 =	sld [smem:$0x3FB4];
	_ =	sdelay $0x3  }
0x33: {  	p0 =	seq.s32 s10, $0x1;
	s10 =	sld [smem:$0x3FB6];
	_ =	sdelay $0x3  }
0x34: {  	[smem:$0x3FB6] =	sst s10  }
0x35: {  	s10 =	sld [smem:$0x3FB5];
	_ =	sdelay $0x3  }
0x36: {  	p1 =	seq.s32 s10, $0x1;
	s10 =	sld [smem:$0x3FB6];
	_ =	sdelay $0x3  }
0x37: {  	[smem:$0x3FB6] =	sst s10  }
0x38: {  	s10 =	sld [smem:$0x3FB7]  }
0x39: {  	_ = 	snop;
	(pc) =	sbr.ind lr, $3  }
0x3a: {  	_ = 	snop  }
0x3b: {  	_ = 	snop  }
0x3c: {  	p2 =	seq.s32 s10, $0x1;
	s10 =	sld [smem:$0x3FB6]  }
0x3d: {  	_ =	shalt  }
0x3e: {  	_ =	shalt  }
0x3f: {  	_ =	shalt  }
0x40: {  	_ =	shalt  }
0x41: {  	_ =	shalt  }
0x42: {  	_ =	shalt  }
0x43: {  	_ =	shalt  }
0x44: {  	_ =	shalt  }
0x45: {  	_ =	shalt  }
0x46: {  	_ =	shalt  }
0x47: {  	_ =	shalt  }
0x48: {  	_ =	shalt  }
0x49: {  	_ =	shalt  }
0x4a: {  	_ =	shalt  }
0x4b: {  	_ =	shalt  }
0x4c: {  	_ =	shalt  }
0x4d: {  	_ =	shalt  }
0x4e: {  	_ =	shalt  }
0x4f: {  	_ =	shalt  }
0x50: {  	_ =	shalt  }
0x51: {  	_ =	shalt  }
0x52: {  	_ =	shalt  }
0x53: {  	_ =	shalt  }
0x54: {  	_ =	shalt  }
0x55: {  	_ =	shalt  }
0x56: {  	_ =	shalt  }
0x57: {  	_ =	shalt  }
0x58: {  	_ =	shalt  }
0x59: {  	_ =	shalt  }
0x5a: {  	_ =	shalt  }
0x5b: {  	_ =	shalt  }
0x5c: {  	_ =	shalt  }
0x5d: {  	_ =	shalt  }
0x5e: {  	_ =	shalt  }
0x5f: {  	_ =	shalt  }
0x60: {  	_ =	shalt  }
0x61: {  	_ =	shalt  }
0x62: {  	_ =	shalt  }
0x63: {  	_ =	shalt  }
0x64: {  	_ =	shalt  }
0x65: {  	_ =	shalt  }
0x66: {  	_ =	shalt  }
0x67: {  	_ =	shalt  }
0x68: {  	_ =	shalt  }
0x69: {  	_ =	shalt  }
0x6a: {  	_ =	shalt  }
0x6b: {  	_ =	shalt  }
0x6c: {  	_ =	shalt  }
0x6d: {  	_ =	shalt  }
0x6e: {  	_ =	shalt  }
0x6f: {  	_ =	shalt  }
0x70: {  	_ =	shalt  }
0x71: {  	_ =	shalt  }
0x72: {  	_ =	shalt  }
0x73: {  	_ =	shalt  }
0x74: {  	_ =	shalt  }
0x75: {  	_ =	shalt  }
0x76: {  	_ =	shalt  }
0x77: {  	_ =	shalt  }
0x78: {  	_ =	shalt  }
0x79: {  	_ =	shalt  }
0x7a: {  	_ =	shalt  }
0x7b: {  	_ =	shalt  }
0x7c: {  	_ =	shalt  }
0x7d: {  	_ =	shalt  }
0x7e: {  	_ =	shalt  }
0x7f: {  	_ =	shalt  }
0x80: {  	_ =	shalt  }
0x81: {  	_ =	shalt  }
0x82: {  	_ =	shalt  }
0x83: {  	_ =	shalt  }
0x84: {  	_ =	shalt  }
0x85: {  	_ =	shalt  }
0x86: {  	_ =	shalt  }
0x87: {  	_ =	shalt  }
.Lfunc_end0:
.L_simem_size_0:
called_computation_lowered:
.L_overlay_start_0:
0x88: {  	s2 =	sld [smem:$0x3FD9]  }
0x89: {  	s3 =	sld [smem:$0x3FFE];
	_ =	sdelay $0x1  }
0x8a: {  	s1 =	srdreg.scid  }
0x8b: {  	s0 =	sand.u32 $0x1, s1  }
0x8c: {  	s14 =	sshll.u32 s0, $0xA;
	s2 =	sadd.s32 s3, s2  }
0x8d: {  	s2 =	sadd.s32 s2, s14  }
0x8e: {  	[smem:$0x3FC2] =	sst s2  }
0x8f: {  	_ = 	snop  }
0x90: {  	s2 =	sld [smem:$0x3FD0];
	_ =	sdelay $0x2  }
0x91: {  	s15 =	simm.s32 $0xB;
	s4 =	simm.s32 $0x10  }
0x92: {  	[smem:s4], [sflag:s15] =	dma.local [hbm:s2], $0x1  }
0x93: {  	_ =	swait.eq [sflag:s15], $0x1  }
0x94: {  	[sflag:s15] =	ssyncset.done $0x0  }
0x95: {  	[sflag:s15] =	ssyncadd.s32 $0xFFFFFFFF  }
0x96: {  	s16 =	sld [smem:$0x11];
	(tm) =	ssettm $0x1  }
0x97: {  	s17 =	sld [smem:$0x3FFB];
	_ =	sdelay $0x3  }
0x98: {  	_ =	strace s17  }
0x99: {  	s3 =	sld [smem:$0x3FFC];
	_ =	sdelay $0x3  }
0x9a: {  	_ =	strace s3  }
0x9b: {  	s3 =	sld [smem:$0x3FFD];
	_ =	sdelay $0x3  }
0x9c: {  	_ =	strace s3  }
0x9d: {  	_ =	strace $0x8FFFFFFF  }
0x9e: {  	s18 =	sld [smem:$0x3FDB];
	_ =	sdelay $0x1  }
0x9f: {  	s19 =	simm.s32 $_scs_section_size  }
0xa0: {  	s5 =	simm.s32 $_size__tile_overlayer_lowered;
	s6 =	simm.s32 $_tile_overlayer_lowered  }
0xa1: {  	s22 =	simm.s32 $0x1BFF;
	s21 =	sshll.u32 s6, $0x1;
	s3 =	sadd.s32 s19, s18  }
0xa2: {  	s7 =	simm.s32 $0x0;
	s20 =	sshll.u32 s5, $0x1;
	s5 =	sadd.s32 s21, s3  }
0xa3: {  	[timem:s7], [sflag:s22] =	dma.local [hbm:s5], s20  }
0xa4: {  	_ =	swait.ge [sflag:s22], s20  }
0xa5: {  	s4 =	ssub.s32 $0x0, s20;
	[sflag:s22] =	ssyncset.done $0x0  }
0xa6: {  	[sflag:s22] =	ssyncadd.s32 s4;
	_ =	sdelay $0x1  }
0xa7: {  	s23 =	simm.s32 $0x1B8B  }
0xa8: {  	_ =	swait.ge [sflag:s23], $0x1  }
0xa9: {  	[sflag:s23] =	ssyncset.done $0x0  }
0xaa: {  	s25 =	simm.s32 $0x1B8E;
	s24 =	sld [smem:$0x3FFE];
	[sflag:s23] =	ssyncadd.s32 $0xFFFFFFFF  }
0xab: {  	s26 =	simm.s32 $execute0_lowered;
	[smem:$0x3FD2] =	sst s25  }
0xac: {  	s5 =	sshll.u32 s26, $0x1;
	_ =	strace $0x80000046;
	[dreg:$0x1] =	wrdreg $0xFFFFFFFF  }
0xad: {  	s28 =	simm.s32 $_size_execute0_lowered;
	s3 =	sadd.s32 s3, s5;
	[dreg:$0x0] =	wrdreg $0x0  }
0xae: {  	s5 =	sshll.u32 s28, $0x1;
	[dreg:$0x2] =	wrdreg s3  }
0xaf: {  	[dreg:$0x3] =	wrdreg s5  }
0xb0: {  	[dreg:$0x4] =	wrdreg $0xC0  }
0xb1: {  	_ =	task [dreg:s7], $0x5FFFF  }
0xb2: {  	[dreg:$0x1] =	wrdreg $0xFFFFFFFF  }
0xb3: {  	[dreg:$0x0] =	wrdreg $0x60  }
0xb4: {  	[dreg:$0x2] =	wrdreg s24  }
0xb5: {  	[dreg:$0x3] =	wrdreg s16  }
0xb6: {  	[dreg:$0x4] =	wrdreg $0xAA800  }
0xb7: {  	[dreg:$0x5] =	wrdreg $0xACF80  }
0xb8: {  	[dreg:$0x6] =	wrdreg $0x9  }
0xb9: {  	_ =	task.clear_ibuf [dreg:s7], $0x7FFFF;
	_ =	strace $0x90000046  }
0xba: {  	s29 =	simm.s32 $0x9;
	_ =	strace $0x80000048  }
0xbb: {  	_ =	swait.ge [sflag:s29], $0x1  }
0xbc: {  	[sflag:s29] =	ssyncadd.s32 $0xFFFFFFFF  }
0xbd: {  	_ =	strace $0x90000048  }
0xbe: {  	_ =	sfence  }
0xbf: {  	s30 =	sld [smem:$0x0];
	_ =	sdelay $0x2  }
0xc0: {  	s31 =	sshll.u32 s1, $0xD;
	s1 =	sshrl.u32 s1, $0x2  }
0xc1: {  	s3 =	sand.u32 $0x4000, s31;
	s1 =	sadd.s32 s1, s30  }
0xc2: {  	s0 =	sor.u32 s3, s0;
	s1 =	sshll.u32 s1, $0x11  }
0xc3: {  	s0 =	sor.u32 s1, s0  }
0xc4: {  	s0 =	sadd.s32 $0x8F2B, s0  }
0xc5: {  	[sflag:s0] =	ssyncadd.remote.s32 $0x1  }
0xc6: {  	_ =	sfence.sel $0xFFFF  }
0xc7: {  	[dreg:$0x0] =	wrdreg $0xFFFFFFFF;
	(pc) =	sbr.abs _section_cstart, $3  }
0xc8: {  	[dreg:$0x1] =	wrdreg $0xFFFFFFFF  }
0xc9: {  	_ =	task.clear_ibuf [dreg:s7], $0x2FFFF;
	_ =	strace $0x9FFFFFFF  }
0xca: {  	(tm) =	ssettm $0x7FFFFFFF  }
0xcb: {  	_ =	shalt  }
tec
execute0_lowered:
.L_overlay_start_1:
0x0: {  	(tag) =	ssettag $0x1  }
0x1: {  	s4 =	rddreg [dreg:$0x0]  }
0x2: {  	s8 =	rddreg [dreg:$0x1]  }
0x3: {  	s1 =	rddreg [dreg:$0x2]  }
0x4: {  	s2 =	rddreg [dreg:$0x3]  }
0x5: {  	s0 =	rddreg [dreg:$0x4];
	s3 =	simm.s32 $0x0;
	s5 =	srdreg.scid  }
0x6: {  	s16 =	stileid.u32;
	s13 =	simm.s32 $0x4000;
	s14 =	simm.s32 $0x50  }
0x7: {  	s15 =	simm.s32 $0x8000;
	s17 =	simm.s32 $0x2;
	s18 =	simm.s32 $0x0  }
0x8: {  	[smem:$0x7FF] =	sst s3;
	s6 =	sand.u32 $0x1, s5;
	s7 =	sshll.u32 s16, $0xB  }
0x9: {  	s9 =	smul.u32 $0x280, s16;
	p0 =	sne.s32 s16, $0x0;
	s16 =	simm.s32 $0x1  }
0xa: {  	s5 =	sshll.u32 s6, $0xF;
	_ =	strace $0x80000047;
	s11 =	smul.u32 $0x4E20, s6  }
0xb: {  	s30 =	ssub.s32 $0x2, s6;
	s31 =	smul.u32 $0x9C4, s6;
	s5 =	sor.u32 s7, s5  }
0xc: {  	s10 =	sshrl.u32 s30, $0x1;
	s9 =	smin.u32 s9, $0x2490;
	s12 =	sadd.s32 s5, s4  }
0xd: {  	s10 =	ssub.s32 s30, s10;
	s4 =	sadd.s32 s9, s1;
	s5 =	sadd.s32 s9, s2  }
0xe: {  	s11 =	sshrl.u32 s11, $0x3;
	s6 =	sadd.s32 $0x2E00, s12;
	s7 =	sadd.s32 $0x12E00, s12  }
0xf: {  	s11 =	sadd.s32 s8, s11;
	s8 =	sadd.s32 s8, s31;
	s10 =	smax.u32 s10, $0x1  }
0x10: {  	v0 =	vimm.f32 $1.000000000e+00;
	v1 =	vimm.f32 $0.0e+00;
	s12 =	simm.s32 $0x3;
	s9 =	sadd.s32 $0x4E2, s11;
	s11 =	simm.s32 $0x8080  }
.LBB2_1:
0x11: {  	[tilespmem:$0x8000] =	vst v0  }
0x12: {  	[tilespmem:$0x8010] =	vst v0  }
0x13: {  	[tilespmem:$0x8020] =	vst v0  }
0x14: {  	[tilespmem:$0x8030] =	vst v0  }
0x15: {  	[tilespmem:$0x8040] =	vst v0  }
0x16: {  	[tilespmem:$0x8080] =	vst v1  }
0x17: {  	[tilespmem:$0x8090] =	vst v1  }
0x18: {  	[tilespmem:$0x80A0] =	vst v1  }
0x19: {  	[tilespmem:$0x80B0] =	vst v1  }
0x1a: {  	[tilespmem:$0x80C0] =	vst v1  }
0x1b: {  	[tilespmem:$0x80D0] =	vst v1  }
0x1c: {  	[tilespmem:$0x80E0] =	vst v1  }
0x1d: {  	[tilespmem:$0x80F0] =	vst v1  }
0x1e: {  	[tilespmem:$0x8100] =	vst v1  }
0x1f: {  	[tilespmem:$0x8110] =	vst v1  }
0x20: {  	[tilespmem:$0x8120] =	vst v1  }
0x21: {  	[tilespmem:$0x8130] =	vst v1  }
0x22: {  	[tilespmem:$0x8140] =	vst v1  }
0x23: {  	[tilespmem:$0x8150] =	vst v1  }
0x24: {  	[tilespmem:$0x8160] =	vst v1  }
0x25: {  	[tilespmem:$0x8170] =	vst v1  }
0x26: {  	[tilespmem:$0x8180] =	vst v1  }
0x27: {  	[tilespmem:$0x8190] =	vst v1  }
0x28: {  	[tilespmem:$0x81A0] =	vst v1  }
0x29: {  	[tilespmem:$0x81B0] =	vst v1  }
0x2a: {  	[tilespmem:$0x81C0] =	vst v1  }
0x2b: {  	[tilespmem:$0x81D0] =	vst v1  }
0x2c: {  	[tilespmem:$0x81E0] =	vst v1  }
0x2d: {  	[tilespmem:$0x81F0] =	vst v1  }
0x2e: {  	[tilespmem:$0x8200] =	vst v1  }
0x2f: {  	[tilespmem:$0x8210] =	vst v1  }
0x30: {  	[tilespmem:$0x8220] =	vst v1  }
0x31: {  	[tilespmem:$0x8230] =	vst v1  }
0x32: {  	[tilespmem:$0x8240] =	vst v1  }
0x33: {  	[tilespmem:$0x8250] =	vst v1  }
0x34: {  	[tilespmem:$0x8260] =	vst v1  }
0x35: {  	[tilespmem:$0x8270] =	vst v1  }
0x36: {  	[tilespmem:$0x8280] =	vst v1  }
0x37: {  	[tilespmem:$0x8290] =	vst v1  }
0x38: {  	[tilespmem:$0x82A0] =	vst v1  }
0x39: {  	[tilespmem:$0x82B0] =	vst v1  }
0x3a: {  	[tilespmem:$0x82C0] =	vst v1  }
0x3b: {  	[tilespmem:$0x82D0] =	vst v1  }
0x3c: {  	[tilespmem:$0x82E0] =	vst v1  }
0x3d: {  	[tilespmem:$0x82F0] =	vst v1  }
0x3e: {  	[spmem:s4] =	stream.linear.scatter [tilespmem:s11], [sflag:$0x3], $0x280, $0x38;
	[tilespmem:$0xAF70] =	vst v63  }
0x3f: {  	_ =	swait.ge [sflag:s12], $0x280  }
0x40: {  	[sflag:s12] =	ssyncset.done $0x0  }
0x41: {  	[sflag:s12] =	ssyncadd.s32 $0xFFFFFD80  }
0x42: {  	[spmem:s5] =	stream.linear.scatter [tilespmem:s11], [sflag:$0x3], $0x280, $0x38;
	[tilespmem:$0xAF70] =	vst v63  }
0x43: {  	_ =	swait.ge [sflag:s12], $0x280  }
0x44: {  	[sflag:s12] =	ssyncset.done $0x0  }
0x45: {  	[sflag:s12] =	ssyncadd.s32 $0xFFFFFD80  }
0x46: {  	[tilespmem:s3], [sflag:$0x3] =	stream.linear.gather [hbm4b:s6+s3], $0x3E80, $0x38;
	[tilespmem:$0xAF70] =	vst v63  }
0x47: {  	_ =	swait.ge [sflag:s12], $0x3E80  }
0x48: {  	[sflag:s12] =	ssyncset.done $0x0  }
0x49: {  	[sflag:s12] =	ssyncadd.s32 $0xFFFFC180  }
0x4a: {  	[tilespmem:s13], [sflag:$0x3] =	stream.linear.gather [hbm4b:s7+s3], $0x3E80, $0x38;
	[tilespmem:$0xAF70] =	vst v63  }
0x4b: {  	_ =	swait.ge [sflag:s12], $0x3E80  }
0x4c: {  	[sflag:s12] =	ssyncset.done $0x0  }
0x4d: {  	[sflag:s12] =	ssyncadd.s32 $0xFFFFC180  }
0x4e: {  	s19 =	simm.s32 $0x0;
	[bflag:$0x0] =	sbarrier.arrive $0xFFFF  }
0x4f: {  	[spmem:s1] =	stream.indirect.scatter.add.f32 [tilespmem:s15], [sflag:$0x1], $0x1, s19, s14, $0xb8;
	[tilespmem:$0xAF70] =	vst v63  }
0x50: {  	s20 =	simm.s32 $0x4000;
	s19 =	simm.s32 $0x200  }
.LBB2_2:
0x51: {  	[spmem:s2] =	stream.indirect.scatter.add.f32 [tilespmem:s15], [sflag:$0x2], $0x1, s20, s14, $0xb8;
	[tilespmem:$0xAF70] =	vst v63  }
0x52: {  	s20 =	smov.u32 s19;
	p1 =	sne.s32 s19, $0xF800  }
.Ltmp0:
0x53: {  	s19 =	sadd.s32 $0x200, s19;
	(pc) =	sbr.rel @p1 .LBB2_2-.Ltmp0, $4  }
0x54: {  	_ = 	snop  }
0x55: {  	s20 =	sshra.s32 s20, $0x2  }
0x56: {  	[spmem:s1] =	stream.indirect.scatter.add.f32 [tilespmem:s15], [sflag:$0x1], $0x1, s20, s14, $0xb8;
	[tilespmem:$0xAF70] =	vst v63  }
0x57: {  	s20 =	sadd.s32 $0x4000, s20  }
0x58: {  	[spmem:s2] =	stream.indirect.scatter.add.f32 [tilespmem:s15], [sflag:$0x2], $0x1, s20, s14, $0xb8;
	[tilespmem:$0xAF70] =	vst v63  }
0x59: {  	_ =	swait.ge [sflag:s16], $0x2710  }
0x5a: {  	[sflag:s16] =	ssyncset.done $0x0  }
0x5b: {  	[sflag:s16] =	ssyncadd.s32 $0xFFFFD8F0  }
0x5c: {  	_ =	swait.ge [sflag:s17], $0x2710  }
0x5d: {  	[sflag:s17] =	ssyncset.done $0x0  }
0x5e: {  	[sflag:s17] =	ssyncadd.s32 $0xFFFFD8F0  }
0x5f: {  	s19 =	simm.s32 @!p0 $0x8300;
	s20 =	simm.s32 @!p0 $0x3;
	[bflag:$0x0] =	sbarrier.arrive $0xFFFF  }
0x60: {  	[tilespmem:s19], [sflag:$0x3] =	stream.linear.gather @!p0 [spmem:s1], $0x2780, $0x38;
	[tilespmem:$0xAF70] =	vst v63  }
0x61: {  	_ =	swait.ge @!p0 [sflag:s20], $0x2780  }
0x62: {  	[sflag:s20] =	ssyncset.done @!p0 $0x0  }
0x63: {  	s21 =	simm.s32 @!p0 $0x0;
	[sflag:s20] =	ssyncadd.s32 @!p0 $0xFFFFD880  }
0x64: {  	[hbm4b:s8+s21] =	stream.linear.scatter @!p0 [tilespmem:s19], [sflag:$0x3], $0x2710, $0x38;
	[tilespmem:$0xAF70] =	vst v63  }
0x65: {  	_ =	swait.ge @!p0 [sflag:s20], $0x2710  }
0x66: {  	[sflag:s20] =	ssyncset.done @!p0 $0x0  }
0x67: {  	[sflag:s20] =	ssyncadd.s32 @!p0 $0xFFFFD8F0  }
0x68: {  	[tilespmem:s19], [sflag:$0x3] =	stream.linear.gather @!p0 [spmem:s2], $0x2780, $0x38;
	[tilespmem:$0xAF70] =	vst v63  }
0x69: {  	s18 =	sadd.s32 $0x1, s18;
	_ =	swait.ge @!p0 [sflag:s20], $0x2780  }
0x6a: {  	p1 =	sne.s32 s18, s10;
	[sflag:s20] =	ssyncset.done @!p0 $0x0  }
.Ltmp1:
0x6b: {  	[sflag:s20] =	ssyncadd.s32 @!p0 $0xFFFFD880;
	(pc) =	sbr.rel @p1 .LBB2_1-.Ltmp1, $4  }
0x6c: {  	[hbm4b:s9+s21] =	stream.linear.scatter @!p0 [tilespmem:s19], [sflag:$0x3], $0x2710, $0x38;
	[tilespmem:$0xAF70] =	vst v63  }
0x6d: {  	_ =	swait.ge @!p0 [sflag:s20], $0x2710  }
0x6e: {  	[sflag:s20] =	ssyncset.done @!p0 $0x0  }
0x6f: {  	[sflag:s20] =	ssyncadd.s32 @!p0 $0xFFFFD8F0  }
0x70: {  	_ =	sfence.sel $0x180000  }
0x71: {  	[bflag:$0x0] =	sbarrier.arrive $0xFFFF  }
0x72: {  	_ =	strace $0x90000047  }
0x73: {  	s0 =	sadd.s32 @!p0 $0x100000, s0;
	[bflag:$0x2] =	sbarrier.arrive $0xFFFF  }
0x74: {  	[sflag:s0] =	ssyncadd.tile.s32 @!p0 $0x1;
	_ =	shalt  }
.Lfunc_end2:
_tile_overlayer_lowered:
.L_overlay_start_2:
0x75: {  	(tag) =	ssettag $0x2  }
0x76: {  	s0 =	rddreg [dreg:$0x0];
	s2 =	stileid.u32  }
0x77: {  	s1 =	rddreg [dreg:$0x1];
	p0 =	sne.s32 s2, $0x0  }
0x78: {  	s3 =	rddreg [dreg:$0x2];
	[bflag:$0x3] =	sbarrier.arrive $0xFFFF;
	s2 =	simm.s32 @!p0 $0x1C03  }
0x79: {  	[timem:s3], [sflag:s2] =	dma.local @!p0 [hbm:s0], s1  }
0x7a: {  	s0 =	simm.s32 @!p0 $0x3  }
0x7b: {  	_ =	swait.ge @!p0 [sflag:s0], s1  }
0x7c: {  	s1 =	ssub.s32 @!p0 $0x0, s1;
	[sflag:s0] =	ssyncset.done @!p0 $0x0  }
0x7d: {  	[sflag:s0] =	ssyncadd.s32 @!p0 s1  }
0x7e: {  	[bflag:$0x3] =	sbarrier.arrive $0xFFFF  }
0x7f: {  	_ =	shalt  }

// kernel: kernel.16.cloned.1.call-start
scs
__scs_entry_jumppad:
0x0: {  	(pc) =	sbr.rel $0x88, $3  }
0x1: {  	(tag) =	ssettag $0x0;
	lr =	simm.s32 $0x1  }
0x2: {  	[smem:$0x3F9B] =	sst lr;
	_ =	strace $0xD0000000  }
0x3: {  	_ = 	snop  }
0x4: {  	_ = 	snop  }
0x5: {  	_ = 	snop  }
0x6: {  	_ = 	snop  }
0x7: {  	_ = 	snop  }
__scs_overlays_trampoline_lowered:
0x8: {  	[smem:$0x3FAA] =	sst s0  }
0x9: {  	[smem:$0x3FAB] =	sst s1  }
0xa: {  	[smem:$0x3FAC] =	sst s2  }
0xb: {  	[smem:$0x3FAD] =	sst s3  }
0xc: {  	[smem:$0x3FAE] =	sst s4  }
0xd: {  	[smem:$0x3FAF] =	sst s5  }
0xe: {  	[smem:$0x3FB0] =	sst s6  }
0xf: {  	[smem:$0x3FB1] =	sst s7  }
0x10: {  	[smem:$0x3FB2] =	sst s8  }
0x11: {  	[smem:$0x3FB3] =	sst s9;
	s0 =	simm.s32 @!p0 $0x0  }
0x12: {  	s1 =	sld [smem:$0x3F99];
	s0 =	simm.s32 @p0 $0x1  }
0x13: {  	[smem:$0x3FB4] =	sst s0;
	s0 =	simm.s32 @!p1 $0x0  }
0x14: {  	s2 =	sld [smem:$0x3F98];
	s0 =	simm.s32 @p1 $0x1  }
0x15: {  	[smem:$0x3FB5] =	sst s0;
	s0 =	simm.s32 @!p2 $0x0  }
0x16: {  	s3 =	sld [smem:$0x3FDB];
	s0 =	simm.s32 @p2 $0x1  }
0x17: {  	s4 =	simm.s32 $0x1BF5;
	[smem:$0x3FB7] =	sst s0  }
0x18: {  	s0 =	sld [smem:$0x3F9A];
	_ =	swait.ge [sflag:s4], $0x0  }
0x19: {  	s7 =	sld [smem:$0x3F9B]  }
0x1a: {  	s8 =	sadd.s32 $0xFFFFE003, lr  }
0x1b: {  	s9 =	sadd.s32 $0xFFFFFEF7, lr;
	s5 =	simm.s32 $0xFFFFFFFF;
	p2 =	slt.u32 s8, $0xFFFFF086  }
0x1c: {  	p1 =	slt.u32 s9, $0xF7A;
	s5 =	simm.s32 @!p2 $0x0  }
0x1d: {  	s5 =	simm.s32 @p1 $0x1;
	p0 =	seq.s32 s7, s2  }
0x1e: {  	s7 =	smul.u32 @!p0 $0xF7A, s2;
	p2 =	seq.s32 @!p0 s5, $0x0  }
0x1f: {  	s9 =	smul.u32 $0xF7A, s1;
	s8 =	simm.s32 @!p0 $0x1BF5;
	p2 =	por !p2, p0  }
0x20: {  	[sflag:s8] =	ssyncset.s32 @!p0 $0xFFFFF086;
	s6 =	sadd.s32 @!p0 s3, s7;
	s7 =	simm.s32 @!p0 $0x108  }
0x21: {  	s3 =	sadd.s32 s3, s9;
	s6 =	sadd.s32 @!p0 $0x88, s6;
	s7 =	simm.s32 @p2 $0x1082  }
0x22: {  	[simem:s7], [sflag:s8] =	dma.local @!p0 [hbm:s6], $0xF7A  }
0x23: {  	s9 =	sor.u32 $0xD0000000, s2;
	s6 =	simm.s32 $0x108;
	_ =	swait.ge @!p0 [sflag:s8], $0x0  }
0x24: {  	s3 =	sadd.s32 $0x88, s3;
	s6 =	simm.s32 @!p1 $0x1082;
	[sflag:s4] =	ssyncset.s32 $0xFFFFF086  }
0x25: {  	[simem:s6], [sflag:s4] =	dma.local [hbm:s3], $0xF7A  }
0x26: {  	[smem:$0x3F9B] =	sst s1;
	(tag) =	ssettag s2;
	_ =	strace s9  }
0x27: {  	s1 =	sld [smem:$0x3FAB]  }
0x28: {  	s2 =	sld [smem:$0x3FAC]  }
0x29: {  	s4 =	sld [smem:$0x3FAE]  }
0x2a: {  	p0 =	seq.s32 s5, $0x0;
	s5 =	sld [smem:$0x3FAF]  }
0x2b: {  	s6 =	sld [smem:$0x3FB0]  }
0x2c: {  	s7 =	sld [smem:$0x3FB1]  }
0x2d: {  	s3 =	simm.s32 $0x108;
	s8 =	sld [smem:$0x3FB2]  }
0x2e: {  	s3 =	simm.s32 @!p0 $0x1082;
	s9 =	sld [smem:$0x3FB3]  }
0x2f: {  	lr =	sadd.s32 s0, s3;
	s0 =	sld [smem:$0x3FAA]  }
0x30: {  	s3 =	sld [smem:$0x3FAD]  }
0x31: {  	[smem:$0x3FB6] =	sst s10  }
0x32: {  	s10 =	sld [smem:$0x3FB4];
	_ =	sdelay $0x3  }
0x33: {  	p0 =	seq.s32 s10, $0x1;
	s10 =	sld [smem:$0x3FB6];
	_ =	sdelay $0x3  }
0x34: {  	[smem:$0x3FB6] =	sst s10  }
0x35: {  	s10 =	sld [smem:$0x3FB5];
	_ =	sdelay $0x3  }
0x36: {  	p1 =	seq.s32 s10, $0x1;
	s10 =	sld [smem:$0x3FB6];
	_ =	sdelay $0x3  }
0x37: {  	[smem:$0x3FB6] =	sst s10  }
0x38: {  	s10 =	sld [smem:$0x3FB7]  }
0x39: {  	_ = 	snop;
	(pc) =	sbr.ind lr, $3  }
0x3a: {  	_ = 	snop  }
0x3b: {  	_ = 	snop  }
0x3c: {  	p2 =	seq.s32 s10, $0x1;
	s10 =	sld [smem:$0x3FB6]  }
0x3d: {  	_ =	shalt  }
0x3e: {  	_ =	shalt  }
0x3f: {  	_ =	shalt  }
0x40: {  	_ =	shalt  }
0x41: {  	_ =	shalt  }
0x42: {  	_ =	shalt  }
0x43: {  	_ =	shalt  }
0x44: {  	_ =	shalt  }
0x45: {  	_ =	shalt  }
0x46: {  	_ =	shalt  }
0x47: {  	_ =	shalt  }
0x48: {  	_ =	shalt  }
0x49: {  	_ =	shalt  }
0x4a: {  	_ =	shalt  }
0x4b: {  	_ =	shalt  }
0x4c: {  	_ =	shalt  }
0x4d: {  	_ =	shalt  }
0x4e: {  	_ =	shalt  }
0x4f: {  	_ =	shalt  }
0x50: {  	_ =	shalt  }
0x51: {  	_ =	shalt  }
0x52: {  	_ =	shalt  }
0x53: {  	_ =	shalt  }
0x54: {  	_ =	shalt  }
0x55: {  	_ =	shalt  }
0x56: {  	_ =	shalt  }
0x57: {  	_ =	shalt  }
0x58: {  	_ =	shalt  }
0x59: {  	_ =	shalt  }
0x5a: {  	_ =	shalt  }
0x5b: {  	_ =	shalt  }
0x5c: {  	_ =	shalt  }
0x5d: {  	_ =	shalt  }
0x5e: {  	_ =	shalt  }
0x5f: {  	_ =	shalt  }
0x60: {  	_ =	shalt  }
0x61: {  	_ =	shalt  }
0x62: {  	_ =	shalt  }
0x63: {  	_ =	shalt  }
0x64: {  	_ =	shalt  }
0x65: {  	_ =	shalt  }
0x66: {  	_ =	shalt  }
0x67: {  	_ =	shalt  }
0x68: {  	_ =	shalt  }
0x69: {  	_ =	shalt  }
0x6a: {  	_ =	shalt  }
0x6b: {  	_ =	shalt  }
0x6c: {  	_ =	shalt  }
0x6d: {  	_ =	shalt  }
0x6e: {  	_ =	shalt  }
0x6f: {  	_ =	shalt  }
0x70: {  	_ =	shalt  }
0x71: {  	_ =	shalt  }
0x72: {  	_ =	shalt  }
0x73: {  	_ =	shalt  }
0x74: {  	_ =	shalt  }
0x75: {  	_ =	shalt  }
0x76: {  	_ =	shalt  }
0x77: {  	_ =	shalt  }
0x78: {  	_ =	shalt  }
0x79: {  	_ =	shalt  }
0x7a: {  	_ =	shalt  }
0x7b: {  	_ =	shalt  }
0x7c: {  	_ =	shalt  }
0x7d: {  	_ =	shalt  }
0x7e: {  	_ =	shalt  }
0x7f: {  	_ =	shalt  }
0x80: {  	_ =	shalt  }
0x81: {  	_ =	shalt  }
0x82: {  	_ =	shalt  }
0x83: {  	_ =	shalt  }
0x84: {  	_ =	shalt  }
0x85: {  	_ =	shalt  }
0x86: {  	_ =	shalt  }
0x87: {  	_ =	shalt  }
.Lfunc_end0:
.L_simem_size_0:
called_computation.1_lowered:
.L_overlay_start_0:
0x88: {  	s2 =	sld [smem:$0x3FD9]  }
0x89: {  	s3 =	sld [smem:$0x3FFE];
	_ =	sdelay $0x1  }
0x8a: {  	s1 =	srdreg.scid  }
0x8b: {  	s0 =	sand.u32 $0x1, s1  }
0x8c: {  	s15 =	sshll.u32 s0, $0xA;
	s2 =	sadd.s32 s3, s2  }
0x8d: {  	s2 =	sadd.s32 s2, s15  }
0x8e: {  	[smem:$0x3FC2] =	sst s2  }
0x8f: {  	_ = 	snop  }
0x90: {  	s2 =	sld [smem:$0x3FD0];
	_ =	sdelay $0x2  }
0x91: {  	s16 =	simm.s32 $0xB;
	s4 =	simm.s32 $0x10  }
0x92: {  	[smem:s4], [sflag:s16] =	dma.local [hbm:s2], $0x1  }
0x93: {  	_ =	swait.eq [sflag:s16], $0x1  }
0x94: {  	[sflag:s16] =	ssyncset.done $0x0  }
0x95: {  	[sflag:s16] =	ssyncadd.s32 $0xFFFFFFFF  }
0x96: {  	s17 =	sld [smem:$0x10];
	(tm) =	ssettm $0x1  }
0x97: {  	s18 =	sld [smem:$0x3FFB];
	_ =	sdelay $0x3  }
0x98: {  	_ =	strace s18  }
0x99: {  	s2 =	sld [smem:$0x3FFC];
	_ =	sdelay $0x3  }
0x9a: {  	_ =	strace s2  }
0x9b: {  	s2 =	sld [smem:$0x3FFD];
	_ =	sdelay $0x3  }
0x9c: {  	_ =	strace s2  }
0x9d: {  	_ =	strace $0x8FFFFFFF  }
0x9e: {  	s19 =	sld [smem:$0x3FDB];
	_ =	sdelay $0x1  }
0x9f: {  	s20 =	simm.s32 $_scs_section_size  }
0xa0: {  	s5 =	simm.s32 $_size__tile_overlayer_lowered;
	s6 =	simm.s32 $_tile_overlayer_lowered  }
0xa1: {  	s7 =	simm.s32 $0x1BFF;
	s21 =	sshll.u32 s6, $0x1;
	s4 =	sadd.s32 s20, s19  }
0xa2: {  	s22 =	simm.s32 $0x0;
	s5 =	sshll.u32 s5, $0x1;
	s6 =	sadd.s32 s21, s4  }
0xa3: {  	[timem:s22], [sflag:s7] =	dma.local [hbm:s6], s5  }
0xa4: {  	_ =	swait.ge [sflag:s7], s5  }
0xa5: {  	s5 =	ssub.s32 $0x0, s5;
	[sflag:s7] =	ssyncset.done $0x0  }
0xa6: {  	[sflag:s7] =	ssyncadd.s32 s5;
	_ =	sdelay $0x1  }
0xa7: {  	s23 =	simm.s32 $0x1B8B  }
0xa8: {  	_ =	swait.ge [sflag:s23], $0x1  }
0xa9: {  	[sflag:s23] =	ssyncset.done $0x0  }
0xaa: {  	[sflag:s23] =	ssyncadd.s32 $0xFFFFFFFF  }
0xab: {  	s5 =	sld [smem:$0x0]  }
0xac: {  	s6 =	sand.u32 $0xFFFFFFFE, s1  }
0xad: {  	p0 =	sne.s32 s1, s6  }
0xae: {  	s6 =	sshll.u32 @p0 s6, $0xE  }
0xaf: {  	s6 =	sadd.s32 @p0 $0x11B8D, s6;
	s7 =	sshll.u32 @p0 s5, $0x11  }
0xb0: {  	s6 =	sor.u32 @p0 s7, s6  }
0xb1: {  	[sflag:s6] =	ssyncadd.remote.s32 @p0 $0x1;
	_ =	sdelay $0x1  }
0xb2: {  	s6 =	simm.s32 @p0 $0x1B8D  }
0xb3: {  	_ =	swait.eq @p0 [sflag:s6], $0x1  }
0xb4: {  	[sflag:s6] =	ssyncadd.s32 @p0 $0xFFFFFFFF  }
0xb5: {  	s7 =	sshll.u32 @!p0 s1, $0xE  }
0xb6: {  	s7 =	sor.u32 @!p0 $0x4000, s7;
	s6 =	simm.s32 @!p0 $0x1B8D  }
0xb7: {  	s5 =	sshll.u32 @!p0 s5, $0x11;
	s7 =	sadd.s32 @!p0 $0x11B8D, s7;
	_ =	swait.eq @!p0 [sflag:s6], $0x1  }
0xb8: {  	s5 =	sor.u32 @!p0 s5, s7;
	[sflag:s6] =	ssyncadd.s32 @!p0 $0xFFFFFFFF  }
0xb9: {  	s25 =	simm.s32 $0x1B8E;
	s24 =	sld [smem:$0x3FFE];
	[sflag:s5] =	ssyncadd.remote.s32 @!p0 $0x1  }
0xba: {  	s26 =	simm.s32 $execute0_lowered;
	[smem:$0x3FD2] =	sst s25  }
0xbb: {  	s6 =	sshll.u32 s26, $0x1;
	_ =	strace $0x80000049;
	[dreg:$0x1] =	wrdreg $0xFFFFFFFF  }
0xbc: {  	s28 =	simm.s32 $_size_execute0_lowered;
	s4 =	sadd.s32 s4, s6;
	[dreg:$0x0] =	wrdreg $0x0  }
0xbd: {  	s6 =	sshll.u32 s28, $0x1;
	[dreg:$0x2] =	wrdreg s4  }
0xbe: {  	[dreg:$0x3] =	wrdreg s6  }
0xbf: {  	[dreg:$0x4] =	wrdreg $0xC0  }
0xc0: {  	_ =	task [dreg:s22], $0x5FFFF  }
0xc1: {  	[dreg:$0x1] =	wrdreg $0xFFFFFFFF  }
0xc2: {  	[dreg:$0x0] =	wrdreg $0x60  }
0xc3: {  	[dreg:$0x2] =	wrdreg s17  }
0xc4: {  	[dreg:$0x3] =	wrdreg s24  }
0xc5: {  	[dreg:$0x4] =	wrdreg $0x91000  }
0xc6: {  	[dreg:$0x5] =	wrdreg $0xA  }
0xc7: {  	_ =	task.clear_ibuf [dreg:s22], $0x6FFFF;
	_ =	strace $0x90000049  }
0xc8: {  	s29 =	simm.s32 $0xA;
	_ =	strace $0x8000004B  }
0xc9: {  	_ =	swait.ge [sflag:s29], $0x1  }
0xca: {  	[sflag:s29] =	ssyncadd.s32 $0xFFFFFFFF  }
0xcb: {  	_ =	strace $0x9000004B  }
0xcc: {  	_ =	sfence  }
0xcd: {  	s30 =	sld [smem:$0x0];
	_ =	sdelay $0x2  }
0xce: {  	s31 =	sshll.u32 s1, $0xD;
	s1 =	sshrl.u32 s1, $0x2  }
0xcf: {  	s4 =	sand.u32 $0x4000, s31;
	s1 =	sadd.s32 s1, s30  }
0xd0: {  	s0 =	sor.u32 s4, s0;
	s1 =	sshll.u32 s1, $0x11  }
0xd1: {  	s0 =	sor.u32 s1, s0  }
0xd2: {  	s0 =	sadd.s32 $0x8F2B, s0  }
0xd3: {  	[sflag:s0] =	ssyncadd.remote.s32 $0x1  }
0xd4: {  	_ =	sfence.sel $0xFFFF  }
0xd5: {  	[dreg:$0x0] =	wrdreg $0xFFFFFFFF;
	(pc) =	sbr.abs _section_cstart, $3  }
0xd6: {  	[dreg:$0x1] =	wrdreg $0xFFFFFFFF  }
0xd7: {  	_ =	task.clear_ibuf [dreg:s22], $0x2FFFF;
	_ =	strace $0x9FFFFFFF  }
0xd8: {  	(tm) =	ssettm $0x7FFFFFFF  }
0xd9: {  	_ =	shalt  }
tec
execute0_lowered:
.L_overlay_start_1:
0x0: {  	(tag) =	ssettag $0x1  }
0x1: {  	s1 =	rddreg [dreg:$0x0]  }
0x2: {  	s0 =	rddreg [dreg:$0x1]  }
0x3: {  	s2 =	srdreg.scid;
	s10 =	stileid.u32  }
0x4: {  	s3 =	rddreg [dreg:$0x2];
	s4 =	simm.s32 $0x0;
	s28 =	simm.s32 $0x4  }
0x5: {  	s29 =	simm.s32 $0x1;
	s30 =	simm.s32 $0x3;
	s31 =	simm.s32 $0x2  }
0x6: {  	s2 =	sand.u32 $0x1, s2;
	s5 =	smul.u32 $0x280, s10;
	[smem:$0x7FF] =	sst s4  }
0x7: {  	s19 =	sshll.u32 s10, $0xE;
	s6 =	smul.u32 $0x2710, s2;
	_ =	strace $0x8000004A  }
0x8: {  	s8 =	ssub.s32 $0x2, s2;
	s2 =	sshll.u32 s2, $0x12;
	s7 =	smin.u32 s5, $0x2490  }
0x9: {  	s5 =	sadd.s32 $0x2E00, s0;
	s9 =	sshrl.u32 s8, $0x1;
	s6 =	sadd.s32 s6, s7  }
0xa: {  	s18 =	sshll.u32 s7, $0x7;
	s9 =	ssub.s32 s8, s9;
	s6 =	sshll.u32 s6, $0x4  }
0xb: {  	s8 =	sor.u32 s19, s2;
	s0 =	sadd.s32 s6, s0;
	s6 =	sadd.s32 s18, s3  }
0xc: {  	s23 =	sshrl.u32 s8, $0x3;
	s19 =	smax.u32 s9, $0x1;
	s20 =	sadd.s32 $0x2800, s6  }
0xd: {  	s13 =	sadd.s32 s5, s23;
	s21 =	sadd.s32 $0x5000, s6;
	[dreg:$0x4] =	wrdreg s20  }
0xe: {  	s23 =	simm.s32 $0x4000;
	s22 =	sadd.s32 $0x7800, s6;
	[dreg:$0x5] =	wrdreg s21  }
0xf: {  	s24 =	sadd.s32 $0xA000, s6;
	s25 =	sadd.s32 $0xC800, s6;
	[dreg:$0x6] =	wrdreg s22  }
0x10: {  	s26 =	sadd.s32 $0xF000, s6;
	s15 =	sadd.s32 $0x11800, s6;
	[dreg:$0x7] =	wrdreg s24  }
0x11: {  	s16 =	sadd.s32 $0x10000, s13;
	s17 =	sadd.s32 $0x10, s13;
	[dreg:$0x8] =	wrdreg s25  }
0x12: {  	s18 =	sadd.s32 $0x22E00, s0;
	s0 =	simm.s32 $0x0;
	[dreg:$0x9] =	wrdreg s26  }
0x13: {  	s20 =	sadd.s32 $0x7C0, s13;
	s21 =	simm.s32 $0x6900;
	s22 =	simm.s32 $0x5  }
0x14: {  	v0 =	vimm.f32 $0.0e+00;
	s24 =	simm.s32 $0x4080;
	s25 =	simm.s32 $0x50;
	s26 =	simm.s32 $0x4100  }
.LBB2_1:
0x15: {  	s2 =	simm.s32 $0x0;
	s7 =	simm.s32 $0x200  }
.LBB2_2:
0x16: {  	p0 =	sne.s32 s7, $0x9E00;
	[tilespmem:s2+$0x6970] =	vst v0  }
0x17: {  	[tilespmem:s2+$0x6900] =	vst v0  }
0x18: {  	[tilespmem:s2+$0x6910] =	vst v0  }
.Ltmp0:
0x19: {  	[tilespmem:s2+$0x6920] =	vst v0;
	(pc) =	sbr.rel @p0 .LBB2_2-.Ltmp0, $4  }
0x1a: {  	[tilespmem:s2+$0x6930] =	vst v0  }
0x1b: {  	[tilespmem:s2+$0x6940] =	vst v0  }
0x1c: {  	[tilespmem:s2+$0x6950] =	vst v0  }
0x1d: {  	[tilespmem:s2+$0x6960] =	vst v0;
	s2 =	sshra.s32 s7, $0x2;
	s7 =	sadd.s32 $0x200, s7  }
0x1e: {  	[tilespmem:s2+$0x6970] =	vst v0  }
0x1f: {  	[tilespmem:s2+$0x6900] =	vst v0  }
0x20: {  	[tilespmem:s2+$0x6910] =	vst v0  }
0x21: {  	[tilespmem:s2+$0x6920] =	vst v0  }
0x22: {  	[tilespmem:s2+$0x6930] =	vst v0  }
0x23: {  	[tilespmem:s2+$0x6940] =	vst v0  }
0x24: {  	[tilespmem:s2+$0x6950] =	vst v0  }
0x25: {  	[tilespmem:s2+$0x6960] =	vst v0  }
0x26: {  	[spmem:s6] =	stream.linear.scatter [tilespmem:s21], [sflag:$0x4], $0x2800, $0x38;
	[tilespmem:$0x1C980] =	vst v63  }
0x27: {  	s9 =	rddreg [dreg:$0x4]  }
0x28: {  	[spmem:s9] =	stream.linear.scatter [tilespmem:s21], [sflag:$0x4], $0x2800, $0x38;
	[tilespmem:$0x1C980] =	vst v63  }
0x29: {  	s10 =	rddreg [dreg:$0x5]  }
0x2a: {  	[spmem:s10] =	stream.linear.scatter [tilespmem:s21], [sflag:$0x4], $0x2800, $0x38;
	[tilespmem:$0x1C980] =	vst v63  }
0x2b: {  	s11 =	rddreg [dreg:$0x6]  }
0x2c: {  	[spmem:s11] =	stream.linear.scatter [tilespmem:s21], [sflag:$0x4], $0x2800, $0x38;
	[tilespmem:$0x1C980] =	vst v63  }
0x2d: {  	s12 =	rddreg [dreg:$0x7]  }
0x2e: {  	[spmem:s12] =	stream.linear.scatter [tilespmem:s21], [sflag:$0x4], $0x2800, $0x38;
	[tilespmem:$0x1C980] =	vst v63  }
0x2f: {  	s14 =	rddreg [dreg:$0x8]  }
0x30: {  	[spmem:s14] =	stream.linear.scatter [tilespmem:s21], [sflag:$0x4], $0x2800, $0x38;
	[tilespmem:$0x1C980] =	vst v63  }
0x31: {  	s7 =	rddreg [dreg:$0x9]  }
0x32: {  	[spmem:s7] =	stream.linear.scatter [tilespmem:s21], [sflag:$0x4], $0x2800, $0x38;
	[tilespmem:$0x1C980] =	vst v63  }
0x33: {  	_ = 	snop  }
0x34: {  	[spmem:s15] =	stream.linear.scatter [tilespmem:s21], [sflag:$0x4], $0x2800, $0x38;
	[tilespmem:$0x1C980] =	vst v63  }
0x35: {  	_ = 	snop  }
0x36: {  	[tilespmem:s4], [sflag:$0x5] =	stream.linear.gather [hbm4b:s16+s4], $0x3E80, $0x38;
	[tilespmem:$0x1C980] =	vst v63  }
0x37: {  	_ =	swait.ge [sflag:s22], $0x3E80  }
0x38: {  	[sflag:s22] =	ssyncset.done $0x0  }
0x39: {  	[sflag:s22] =	ssyncadd.s32 $0xFFFFC180  }
0x3a: {  	[tilespmem:s23], [sflag:$0x5] =	stream.linear.gather [hbm4b:s13+s4], $0x80, $0x38;
	[tilespmem:$0x1C980] =	vst v63  }
0x3b: {  	_ =	swait.ge [sflag:s22], $0x80  }
0x3c: {  	[sflag:s22] =	ssyncset.done $0x0  }
0x3d: {  	[sflag:s22] =	ssyncadd.s32 $0xFFFFFF80  }
0x3e: {  	[tilespmem:s24], [sflag:$0x5] =	stream.linear.gather [hbm4b:s17+s4], $0x80, $0x38;
	[tilespmem:$0x1C980] =	vst v63  }
0x3f: {  	_ =	swait.ge [sflag:s22], $0x80  }
0x40: {  	[sflag:s22] =	ssyncset.done $0x0  }
0x41: {  	[sflag:s22] =	ssyncadd.s32 $0xFFFFFF80  }
0x42: {  	[tilespmem:s26], [sflag:$0x1] =	stream.indirect.gather [hbm4b:s1+s25], $0x80, s23, s25, $0xb8;
	[tilespmem:$0x1C980] =	vst v63  }
0x43: {  	_ =	swait.ge [sflag:s28], $0x2800  }
0x44: {  	[sflag:s28] =	ssyncset.done $0x0  }
0x45: {  	[sflag:s28] =	ssyncadd.s32 $0xFFFFD800  }
0x46: {  	_ =	swait.ge [sflag:s28], $0x2800  }
0x47: {  	[sflag:s28] =	ssyncset.done $0x0  }
0x48: {  	[sflag:s28] =	ssyncadd.s32 $0xFFFFD800  }
0x49: {  	_ =	swait.ge [sflag:s28], $0x2800  }
0x4a: {  	[sflag:s28] =	ssyncset.done $0x0  }
0x4b: {  	[sflag:s28] =	ssyncadd.s32 $0xFFFFD800  }
0x4c: {  	_ =	swait.ge [sflag:s28], $0x2800  }
0x4d: {  	[sflag:s28] =	ssyncset.done $0x0  }
0x4e: {  	[sflag:s28] =	ssyncadd.s32 $0xFFFFD800  }
0x4f: {  	_ =	swait.ge [sflag:s28], $0x2800  }
0x50: {  	[sflag:s28] =	ssyncset.done $0x0  }
0x51: {  	[sflag:s28] =	ssyncadd.s32 $0xFFFFD800  }
0x52: {  	_ =	swait.ge [sflag:s28], $0x2800  }
0x53: {  	[sflag:s28] =	ssyncset.done $0x0  }
0x54: {  	[sflag:s28] =	ssyncadd.s32 $0xFFFFD800  }
0x55: {  	_ =	swait.ge [sflag:s28], $0x2800  }
0x56: {  	[sflag:s28] =	ssyncset.done $0x0  }
0x57: {  	[sflag:s28] =	ssyncadd.s32 $0xFFFFD800  }
0x58: {  	_ =	swait.ge [sflag:s28], $0x2800  }
0x59: {  	s9 =	simm.s32 $0x100;
	[sflag:s28] =	ssyncset.done $0x0  }
0x5a: {  	s7 =	sand.u32 $0x7C00, s9;
	[sflag:s28] =	ssyncadd.s32 $0xFFFFD800  }
0x5b: {  	[tilespmem:s21], [sflag:$0x2] =	stream.indirect.gather [hbm4b:s1+s25], $0x80, s24, s25, $0xb8;
	[tilespmem:$0x1C980] =	vst v63  }
0x5c: {  	s2 =	sand.u32 $0x300, s9;
	s7 =	sadd.s32 s8, s7;
	[bflag:$0x0] =	sbarrier.arrive $0xFFFF  }
0x5d: {  	s2 =	sor.u32 s2, s7;
	_ =	swait.ge [sflag:s29], $0x2800  }
0x5e: {  	s2 =	sshrl.u32 s2, $0x3;
	[sflag:s29] =	ssyncset.done $0x0  }
0x5f: {  	s2 =	sadd.s32 s5, s2;
	[sflag:s29] =	ssyncadd.s32 $0xFFFFD800  }
0x60: {  	[tilespmem:s23], [sflag:$0x3] =	stream.linear.gather [hbm4b:s2+s4], $0x80, $0x38;
	[tilespmem:$0x1C980] =	vst v63  }
0x61: {  	s10 =	simm.s32 $0x0  }
0x62: {  	[spmem:s3] =	stream.indirect.scatter.add.f32 [tilespmem:s26], [sflag:$0x5], $0x80, s10, s25, $0xb8;
	[tilespmem:$0x1C980] =	vst v63  }
0x63: {  	_ =	swait.ge [sflag:s22], $0x2800  }
0x64: {  	[sflag:s22] =	ssyncset.done $0x0  }
0x65: {  	[sflag:s22] =	ssyncadd.s32 $0xFFFFD800  }
0x66: {  	s11 =	simm.s32 $0x180;
	_ =	swait.ge [sflag:s30], $0x80  }
0x67: {  	s12 =	sand.u32 $0x7C00, s11;
	[sflag:s30] =	ssyncset.done $0x0  }
0x68: {  	s7 =	sadd.s32 s8, s12;
	s2 =	sand.u32 $0x380, s11;
	[sflag:s30] =	ssyncadd.s32 $0xFFFFFF80  }
0x69: {  	[tilespmem:s26], [sflag:$0x1] =	stream.indirect.gather [hbm4b:s1+s25], $0x80, s23, s25, $0xb8;
	[tilespmem:$0x1C980] =	vst v63  }
0x6a: {  	s2 =	sor.u32 s2, s7;
	_ =	swait.ge [sflag:s31], $0x2800  }
0x6b: {  	s2 =	sshrl.u32 s2, $0x3;
	[sflag:s31] =	ssyncset.done $0x0  }
0x6c: {  	s2 =	sadd.s32 s5, s2;
	[sflag:s31] =	ssyncadd.s32 $0xFFFFD800  }
0x6d: {  	[tilespmem:s24], [sflag:$0x4] =	stream.linear.gather [hbm4b:s2+s4], $0x80, $0x38;
	[tilespmem:$0x1C980] =	vst v63  }
0x6e: {  	s14 =	simm.s32 $0x80  }
0x6f: {  	[spmem:s3] =	stream.indirect.scatter.add.f32 [tilespmem:s21], [sflag:$0x5], $0x80, s14, s25, $0xb8;
	[tilespmem:$0x1C980] =	vst v63  }
0x70: {  	s9 =	simm.s32 $0x380;
	s7 =	simm.s32 $0x280;
	_ =	swait.ge [sflag:s22], $0x2800  }
0x71: {  	s10 =	simm.s32 $0x200;
	s2 =	simm.s32 $0x180;
	[sflag:s22] =	ssyncset.done $0x0  }
.LBB2_4:
0x72: {  	s12 =	sand.u32 $0x7C00, s10  }
0x73: {  	[sflag:s22] =	ssyncadd.s32 $0xFFFFD800;
	s14 =	smov.u32 s9;
	s11 =	sadd.s32 $0x100, s9  }
0x74: {  	s10 =	sand.u32 $0x300, s10;
	s12 =	sadd.s32 s8, s12;
	_ =	swait.ge [sflag:s28], $0x80  }
0x75: {  	p0 =	sne.s32 s9, $0x3D80;
	s9 =	sor.u32 s10, s12;
	[sflag:s28] =	ssyncset.done $0x0  }
0x76: {  	s9 =	sshrl.u32 s9, $0x3;
	[sflag:s28] =	ssyncadd.s32 $0xFFFFFF80  }
0x77: {  	[tilespmem:s21], [sflag:$0x2] =	stream.indirect.gather [hbm4b:s1+s25], $0x80, s24, s25, $0xb8;
	[tilespmem:$0x1C980] =	vst v63  }
0x78: {  	_ =	swait.ge [sflag:s29], $0x2800  }
0x79: {  	[sflag:s29] =	ssyncset.done $0x0  }
0x7a: {  	s9 =	sadd.s32 s5, s9;
	[sflag:s29] =	ssyncadd.s32 $0xFFFFD800  }
0x7b: {  	[tilespmem:s23], [sflag:$0x3] =	stream.linear.gather [hbm4b:s9+s4], $0x80, $0x38;
	[tilespmem:$0x1C980] =	vst v63  }
0x7c: {  	s9 =	sadd.s32 $0xFFFFFF80, s2  }
0x7d: {  	[spmem:s3] =	stream.indirect.scatter.add.f32 [tilespmem:s26], [sflag:$0x5], $0x80, s9, s25, $0xb8;
	[tilespmem:$0x1C980] =	vst v63  }
0x7e: {  	_ =	swait.ge [sflag:s22], $0x2800  }
0x7f: {  	[sflag:s22] =	ssyncset.done $0x0  }
0x80: {  	[sflag:s22] =	ssyncadd.s32 $0xFFFFD800  }
0x81: {  	_ =	swait.ge [sflag:s30], $0x80  }
0x82: {  	[sflag:s30] =	ssyncset.done $0x0  }
0x83: {  	s9 =	sand.u32 $0x7C00, s7;
	[sflag:s30] =	ssyncadd.s32 $0xFFFFFF80  }
0x84: {  	[tilespmem:s26], [sflag:$0x1] =	stream.indirect.gather [hbm4b:s1+s25], $0x80, s23, s25, $0xb8;
	[tilespmem:$0x1C980] =	vst v63  }
0x85: {  	s10 =	sand.u32 $0x380, s7;
	s7 =	smov.u32 s14;
	s9 =	sadd.s32 s8, s9  }
0x86: {  	s9 =	sor.u32 s10, s9;
	_ =	swait.ge [sflag:s31], $0x2800  }
0x87: {  	s9 =	sshrl.u32 s9, $0x3;
	[sflag:s31] =	ssyncset.done $0x0  }
0x88: {  	s9 =	sadd.s32 s5, s9;
	[sflag:s31] =	ssyncadd.s32 $0xFFFFD800  }
0x89: {  	[tilespmem:s24], [sflag:$0x4] =	stream.linear.gather [hbm4b:s9+s4], $0x80, $0x38;
	[tilespmem:$0x1C980] =	vst v63  }
.Ltmp1:
0x8a: {  	_ = 	snop;
	(pc) =	sbr.rel @p0 .LBB2_4-.Ltmp1, $4  }
0x8b: {  	_ = 	snop  }
0x8c: {  	[spmem:s3] =	stream.indirect.scatter.add.f32 [tilespmem:s21], [sflag:$0x5], $0x80, s2, s25, $0xb8;
	[tilespmem:$0x1C980] =	vst v63  }
0x8d: {  	s10 =	sadd.s32 $0xFFFFFF80, s7;
	_ =	swait.ge [sflag:s22], $0x2800  }
0x8e: {  	s9 =	smov.u32 s11;
	s2 =	sadd.s32 $0x100, s2;
	[sflag:s22] =	ssyncset.done $0x0  }
0x8f: {  	[sflag:s22] =	ssyncadd.s32 $0xFFFFD800  }
0x90: {  	_ =	swait.ge [sflag:s28], $0x80  }
0x91: {  	s9 =	sand.u32 $0x7C00, s10;
	[sflag:s28] =	ssyncset.done $0x0  }
0x92: {  	s14 =	sand.u32 $0x300, s10;
	s9 =	sadd.s32 s8, s9;
	[sflag:s28] =	ssyncadd.s32 $0xFFFFFF80  }
0x93: {  	[tilespmem:s21], [sflag:$0x2] =	stream.indirect.gather [hbm4b:s1+s25], $0x80, s24, s25, $0xb8;
	[tilespmem:$0x1C980] =	vst v63  }
0x94: {  	s9 =	sor.u32 s14, s9;
	_ =	swait.ge [sflag:s29], $0x2800  }
0x95: {  	s9 =	sshrl.u32 s9, $0x3;
	[sflag:s29] =	ssyncset.done $0x0  }
0x96: {  	s9 =	sadd.s32 s5, s9;
	[sflag:s29] =	ssyncadd.s32 $0xFFFFD800  }
0x97: {  	[tilespmem:s23], [sflag:$0x3] =	stream.linear.gather [hbm4b:s9+s4], $0x80, $0x38;
	[tilespmem:$0x1C980] =	vst v63  }
0x98: {  	s11 =	sadd.s32 $0xFFFFFF80, s2  }
0x99: {  	[spmem:s3] =	stream.indirect.scatter.add.f32 [tilespmem:s26], [sflag:$0x5], $0x80, s11, s25, $0xb8;
	[tilespmem:$0x1C980] =	vst v63  }
0x9a: {  	_ =	swait.ge [sflag:s22], $0x2800  }
0x9b: {  	[sflag:s22] =	ssyncset.done $0x0  }
0x9c: {  	[sflag:s22] =	ssyncadd.s32 $0xFFFFD800  }
0x9d: {  	_ =	swait.ge [sflag:s30], $0x80  }
0x9e: {  	s12 =	sand.u32 $0x7C00, s7;
	[sflag:s30] =	ssyncset.done $0x0  }
0x9f: {  	s14 =	sand.u32 $0x380, s7;
	s9 =	sadd.s32 s8, s12;
	[sflag:s30] =	ssyncadd.s32 $0xFFFFFF80  }
0xa0: {  	[tilespmem:s26], [sflag:$0x1] =	stream.indirect.gather [hbm4b:s1+s25], $0x80, s23, s25, $0xb8;
	[tilespmem:$0x1C980] =	vst v63  }
0xa1: {  	s7 =	sor.u32 s14, s9;
	_ =	swait.ge [sflag:s31], $0x2800  }
0xa2: {  	s7 =	sshrl.u32 s7, $0x3;
	[sflag:s31] =	ssyncset.done $0x0  }
0xa3: {  	s7 =	sadd.s32 s5, s7;
	[sflag:s31] =	ssyncadd.s32 $0xFFFFD800  }
0xa4: {  	[tilespmem:s24], [sflag:$0x4] =	stream.linear.gather [hbm4b:s7+s4], $0x80, $0x38;
	[tilespmem:$0x1C980] =	vst v63  }
0xa5: {  	_ = 	snop  }
0xa6: {  	[spmem:s3] =	stream.indirect.scatter.add.f32 [tilespmem:s21], [sflag:$0x5], $0x80, s2, s25, $0xb8;
	[tilespmem:$0x1C980] =	vst v63  }
0xa7: {  	_ =	swait.ge [sflag:s22], $0x2800  }
0xa8: {  	[sflag:s22] =	ssyncset.done $0x0  }
0xa9: {  	[sflag:s22] =	ssyncadd.s32 $0xFFFFD800  }
0xaa: {  	_ =	swait.ge [sflag:s28], $0x80  }
0xab: {  	[sflag:s28] =	ssyncset.done $0x0  }
0xac: {  	[sflag:s28] =	ssyncadd.s32 $0xFFFFFF80  }
0xad: {  	[tilespmem:s21], [sflag:$0x2] =	stream.indirect.gather [hbm4b:s1+s25], $0x80, s24, s25, $0xb8;
	[tilespmem:$0x1C980] =	vst v63  }
0xae: {  	_ =	swait.ge [sflag:s29], $0x2800  }
0xaf: {  	[sflag:s29] =	ssyncset.done $0x0  }
0xb0: {  	[sflag:s29] =	ssyncadd.s32 $0xFFFFD800  }
0xb1: {  	[tilespmem:s23], [sflag:$0x3] =	stream.linear.gather [hbm4b:s20+s4], $0x80, $0x38;
	[tilespmem:$0x1C980] =	vst v63  }
0xb2: {  	s9 =	simm.s32 $0x3D00  }
0xb3: {  	[spmem:s3] =	stream.indirect.scatter.add.f32 [tilespmem:s26], [sflag:$0x5], $0x80, s9, s25, $0xb8;
	[tilespmem:$0x1C980] =	vst v63  }
0xb4: {  	_ =	swait.ge [sflag:s22], $0x2800  }
0xb5: {  	[sflag:s22] =	ssyncset.done $0x0  }
0xb6: {  	[sflag:s22] =	ssyncadd.s32 $0xFFFFD800  }
0xb7: {  	_ =	swait.ge [sflag:s30], $0x80  }
0xb8: {  	[sflag:s30] =	ssyncset.done $0x0  }
0xb9: {  	[sflag:s30] =	ssyncadd.s32 $0xFFFFFF80  }
0xba: {  	[tilespmem:s26], [sflag:$0x1] =	stream.indirect.gather [hbm4b:s1+s25], $0x80, s23, s25, $0xb8;
	[tilespmem:$0x1C980] =	vst v63  }
0xbb: {  	_ =	swait.ge [sflag:s31], $0x2800  }
0xbc: {  	[sflag:s31] =	ssyncset.done $0x0  }
0xbd: {  	s10 =	simm.s32 $0x3D80;
	[sflag:s31] =	ssyncadd.s32 $0xFFFFD800  }
0xbe: {  	[spmem:s3] =	stream.indirect.scatter.add.f32 [tilespmem:s21], [sflag:$0x5], $0x80, s10, s25, $0xb8;
	[tilespmem:$0x1C980] =	vst v63  }
0xbf: {  	_ =	swait.ge [sflag:s22], $0x2800  }
0xc0: {  	[sflag:s22] =	ssyncset.done $0x0  }
0xc1: {  	[sflag:s22] =	ssyncadd.s32 $0xFFFFD800  }
0xc2: {  	_ =	swait.ge [sflag:s29], $0x2800  }
0xc3: {  	[sflag:s29] =	ssyncset.done $0x0  }
0xc4: {  	s11 =	simm.s32 $0x3E00;
	[sflag:s29] =	ssyncadd.s32 $0xFFFFD800  }
0xc5: {  	[spmem:s3] =	stream.indirect.scatter.add.f32 [tilespmem:s26], [sflag:$0x5], $0x80, s11, s25, $0xb8;
	[tilespmem:$0x1C980] =	vst v63  }
0xc6: {  	s0 =	sadd.s32 $0x1, s0;
	_ =	swait.ge [sflag:s22], $0x2800  }
0xc7: {  	p0 =	sne.s32 s0, s19;
	s12 =	stileid.u32;
	[sflag:s22] =	ssyncset.done $0x0  }
0xc8: {  	s14 =	sshrl.u32 s6, $0x3;
	s2 =	sshll.u32 s12, $0x6;
	[sflag:s22] =	ssyncadd.s32 $0xFFFFD800  }
.Ltmp2:
0xc9: {  	s2 =	sor.u32 $0x1C05, s2;
	[bflag:$0x0] =	sbarrier.arrive $0xFFFF;
	(pc) =	sbr.rel @p0 .LBB2_1-.Ltmp2, $4  }
0xca: {  	[hbm:s18], [sflag:s2] =	dma.local [spmem:s14], $0x2800  }
0xcb: {  	_ =	swait.ge [sflag:s22], $0x2800  }
0xcc: {  	[sflag:s22] =	ssyncset.done $0x0  }
0xcd: {  	[sflag:s22] =	ssyncadd.s32 $0xFFFFD800  }
0xce: {  	_ =	sfence.sel $0x180000  }
0xcf: {  	[bflag:$0x0] =	sbarrier.arrive $0xFFFF  }
0xd0: {  	_ =	strace $0x9000004A  }
0xd1: {  	s0 =	stileid.u32;
	[bflag:$0x2] =	sbarrier.arrive $0xFFFF  }
0xd2: {  	p0 =	sne.s32 s0, $0x0;
	s0 =	rddreg [dreg:$0x3]  }
0xd3: {  	s0 =	sadd.s32 @!p0 $0x100000, s0  }
0xd4: {  	[sflag:s0] =	ssyncadd.tile.s32 @!p0 $0x1;
	_ =	shalt  }
.Lfunc_end2:
_tile_overlayer_lowered:
.L_overlay_start_2:
0xd5: {  	(tag) =	ssettag $0x2  }
0xd6: {  	s0 =	rddreg [dreg:$0x0];
	s2 =	stileid.u32  }
0xd7: {  	s1 =	rddreg [dreg:$0x1];
	p0 =	sne.s32 s2, $0x0  }
0xd8: {  	s3 =	rddreg [dreg:$0x2];
	[bflag:$0x3] =	sbarrier.arrive $0xFFFF;
	s2 =	simm.s32 @!p0 $0x1C05  }
0xd9: {  	[timem:s3], [sflag:s2] =	dma.local @!p0 [hbm:s0], s1  }
0xda: {  	s0 =	simm.s32 @!p0 $0x5  }
0xdb: {  	_ =	swait.ge @!p0 [sflag:s0], s1  }
0xdc: {  	s1 =	ssub.s32 @!p0 $0x0, s1;
	[sflag:s0] =	ssyncset.done @!p0 $0x0  }
0xdd: {  	[sflag:s0] =	ssyncadd.s32 @!p0 s1  }
0xde: {  	[bflag:$0x3] =	sbarrier.arrive $0xFFFF  }
0xdf: {  	_ =	shalt  }

// kernel: kernel.19.cloned.1.call-start
scs
__scs_entry_jumppad:
0x0: {  	(pc) =	sbr.rel $0x88, $3  }
0x1: {  	(tag) =	ssettag $0x0;
	lr =	simm.s32 $0x1  }
0x2: {  	[smem:$0x3F9B] =	sst lr;
	_ =	strace $0xD0000000  }
0x3: {  	_ = 	snop  }
0x4: {  	_ = 	snop  }
0x5: {  	_ = 	snop  }
0x6: {  	_ = 	snop  }
0x7: {  	_ = 	snop  }
__scs_overlays_trampoline_lowered:
0x8: {  	[smem:$0x3FAA] =	sst s0  }
0x9: {  	[smem:$0x3FAB] =	sst s1  }
0xa: {  	[smem:$0x3FAC] =	sst s2  }
0xb: {  	[smem:$0x3FAD] =	sst s3  }
0xc: {  	[smem:$0x3FAE] =	sst s4  }
0xd: {  	[smem:$0x3FAF] =	sst s5  }
0xe: {  	[smem:$0x3FB0] =	sst s6  }
0xf: {  	[smem:$0x3FB1] =	sst s7  }
0x10: {  	[smem:$0x3FB2] =	sst s8  }
0x11: {  	[smem:$0x3FB3] =	sst s9;
	s0 =	simm.s32 @!p0 $0x0  }
0x12: {  	s1 =	sld [smem:$0x3F99];
	s0 =	simm.s32 @p0 $0x1  }
0x13: {  	[smem:$0x3FB4] =	sst s0;
	s0 =	simm.s32 @!p1 $0x0  }
0x14: {  	s2 =	sld [smem:$0x3F98];
	s0 =	simm.s32 @p1 $0x1  }
0x15: {  	[smem:$0x3FB5] =	sst s0;
	s0 =	simm.s32 @!p2 $0x0  }
0x16: {  	s3 =	sld [smem:$0x3FDB];
	s0 =	simm.s32 @p2 $0x1  }
0x17: {  	s4 =	simm.s32 $0x1BF5;
	[smem:$0x3FB7] =	sst s0  }
0x18: {  	s0 =	sld [smem:$0x3F9A];
	_ =	swait.ge [sflag:s4], $0x0  }
0x19: {  	s7 =	sld [smem:$0x3F9B]  }
0x1a: {  	s8 =	sadd.s32 $0xFFFFE003, lr  }
0x1b: {  	s9 =	sadd.s32 $0xFFFFFEF7, lr;
	s5 =	simm.s32 $0xFFFFFFFF;
	p2 =	slt.u32 s8, $0xFFFFF086  }
0x1c: {  	p1 =	slt.u32 s9, $0xF7A;
	s5 =	simm.s32 @!p2 $0x0  }
0x1d: {  	s5 =	simm.s32 @p1 $0x1;
	p0 =	seq.s32 s7, s2  }
0x1e: {  	s7 =	smul.u32 @!p0 $0xF7A, s2;
	p2 =	seq.s32 @!p0 s5, $0x0  }
0x1f: {  	s9 =	smul.u32 $0xF7A, s1;
	s8 =	simm.s32 @!p0 $0x1BF5;
	p2 =	por !p2, p0  }
0x20: {  	[sflag:s8] =	ssyncset.s32 @!p0 $0xFFFFF086;
	s6 =	sadd.s32 @!p0 s3, s7;
	s7 =	simm.s32 @!p0 $0x108  }
0x21: {  	s3 =	sadd.s32 s3, s9;
	s6 =	sadd.s32 @!p0 $0x88, s6;
	s7 =	simm.s32 @p2 $0x1082  }
0x22: {  	[simem:s7], [sflag:s8] =	dma.local @!p0 [hbm:s6], $0xF7A  }
0x23: {  	s9 =	sor.u32 $0xD0000000, s2;
	s6 =	simm.s32 $0x108;
	_ =	swait.ge @!p0 [sflag:s8], $0x0  }
0x24: {  	s3 =	sadd.s32 $0x88, s3;
	s6 =	simm.s32 @!p1 $0x1082;
	[sflag:s4] =	ssyncset.s32 $0xFFFFF086  }
0x25: {  	[simem:s6], [sflag:s4] =	dma.local [hbm:s3], $0xF7A  }
0x26: {  	[smem:$0x3F9B] =	sst s1;
	(tag) =	ssettag s2;
	_ =	strace s9  }
0x27: {  	s1 =	sld [smem:$0x3FAB]  }
0x28: {  	s2 =	sld [smem:$0x3FAC]  }
0x29: {  	s4 =	sld [smem:$0x3FAE]  }
0x2a: {  	p0 =	seq.s32 s5, $0x0;
	s5 =	sld [smem:$0x3FAF]  }
0x2b: {  	s6 =	sld [smem:$0x3FB0]  }
0x2c: {  	s7 =	sld [smem:$0x3FB1]  }
0x2d: {  	s3 =	simm.s32 $0x108;
	s8 =	sld [smem:$0x3FB2]  }
0x2e: {  	s3 =	simm.s32 @!p0 $0x1082;
	s9 =	sld [smem:$0x3FB3]  }
0x2f: {  	lr =	sadd.s32 s0, s3;
	s0 =	sld [smem:$0x3FAA]  }
0x30: {  	s3 =	sld [smem:$0x3FAD]  }
0x31: {  	[smem:$0x3FB6] =	sst s10  }
0x32: {  	s10 =	sld [smem:$0x3FB4];
	_ =	sdelay $0x3  }
0x33: {  	p0 =	seq.s32 s10, $0x1;
	s10 =	sld [smem:$0x3FB6];
	_ =	sdelay $0x3  }
0x34: {  	[smem:$0x3FB6] =	sst s10  }
0x35: {  	s10 =	sld [smem:$0x3FB5];
	_ =	sdelay $0x3  }
0x36: {  	p1 =	seq.s32 s10, $0x1;
	s10 =	sld [smem:$0x3FB6];
	_ =	sdelay $0x3  }
0x37: {  	[smem:$0x3FB6] =	sst s10  }
0x38: {  	s10 =	sld [smem:$0x3FB7]  }
0x39: {  	_ = 	snop;
	(pc) =	sbr.ind lr, $3  }
0x3a: {  	_ = 	snop  }
0x3b: {  	_ = 	snop  }
0x3c: {  	p2 =	seq.s32 s10, $0x1;
	s10 =	sld [smem:$0x3FB6]  }
0x3d: {  	_ =	shalt  }
0x3e: {  	_ =	shalt  }
0x3f: {  	_ =	shalt  }
0x40: {  	_ =	shalt  }
0x41: {  	_ =	shalt  }
0x42: {  	_ =	shalt  }
0x43: {  	_ =	shalt  }
0x44: {  	_ =	shalt  }
0x45: {  	_ =	shalt  }
0x46: {  	_ =	shalt  }
0x47: {  	_ =	shalt  }
0x48: {  	_ =	shalt  }
0x49: {  	_ =	shalt  }
0x4a: {  	_ =	shalt  }
0x4b: {  	_ =	shalt  }
0x4c: {  	_ =	shalt  }
0x4d: {  	_ =	shalt  }
0x4e: {  	_ =	shalt  }
0x4f: {  	_ =	shalt  }
0x50: {  	_ =	shalt  }
0x51: {  	_ =	shalt  }
0x52: {  	_ =	shalt  }
0x53: {  	_ =	shalt  }
0x54: {  	_ =	shalt  }
0x55: {  	_ =	shalt  }
0x56: {  	_ =	shalt  }
0x57: {  	_ =	shalt  }
0x58: {  	_ =	shalt  }
0x59: {  	_ =	shalt  }
0x5a: {  	_ =	shalt  }
0x5b: {  	_ =	shalt  }
0x5c: {  	_ =	shalt  }
0x5d: {  	_ =	shalt  }
0x5e: {  	_ =	shalt  }
0x5f: {  	_ =	shalt  }
0x60: {  	_ =	shalt  }
0x61: {  	_ =	shalt  }
0x62: {  	_ =	shalt  }
0x63: {  	_ =	shalt  }
0x64: {  	_ =	shalt  }
0x65: {  	_ =	shalt  }
0x66: {  	_ =	shalt  }
0x67: {  	_ =	shalt  }
0x68: {  	_ =	shalt  }
0x69: {  	_ =	shalt  }
0x6a: {  	_ =	shalt  }
0x6b: {  	_ =	shalt  }
0x6c: {  	_ =	shalt  }
0x6d: {  	_ =	shalt  }
0x6e: {  	_ =	shalt  }
0x6f: {  	_ =	shalt  }
0x70: {  	_ =	shalt  }
0x71: {  	_ =	shalt  }
0x72: {  	_ =	shalt  }
0x73: {  	_ =	shalt  }
0x74: {  	_ =	shalt  }
0x75: {  	_ =	shalt  }
0x76: {  	_ =	shalt  }
0x77: {  	_ =	shalt  }
0x78: {  	_ =	shalt  }
0x79: {  	_ =	shalt  }
0x7a: {  	_ =	shalt  }
0x7b: {  	_ =	shalt  }
0x7c: {  	_ =	shalt  }
0x7d: {  	_ =	shalt  }
0x7e: {  	_ =	shalt  }
0x7f: {  	_ =	shalt  }
0x80: {  	_ =	shalt  }
0x81: {  	_ =	shalt  }
0x82: {  	_ =	shalt  }
0x83: {  	_ =	shalt  }
0x84: {  	_ =	shalt  }
0x85: {  	_ =	shalt  }
0x86: {  	_ =	shalt  }
0x87: {  	_ =	shalt  }
.Lfunc_end0:
.L_simem_size_0:
called_computation.2_lowered:
.L_overlay_start_0:
0x88: {  	s2 =	sld [smem:$0x3FD9]  }
0x89: {  	s3 =	sld [smem:$0x3FFE];
	_ =	sdelay $0x1  }
0x8a: {  	s1 =	srdreg.scid  }
0x8b: {  	s0 =	sand.u32 $0x1, s1  }
0x8c: {  	s14 =	sshll.u32 s0, $0xA;
	s2 =	sadd.s32 s3, s2  }
0x8d: {  	s2 =	sadd.s32 s2, s14  }
0x8e: {  	[smem:$0x3FC2] =	sst s2  }
0x8f: {  	_ = 	snop  }
0x90: {  	s2 =	sld [smem:$0x3FD0];
	_ =	sdelay $0x2  }
0x91: {  	s15 =	simm.s32 $0xB;
	s4 =	simm.s32 $0x10  }
0x92: {  	[smem:s4], [sflag:s15] =	dma.local [hbm:s2], $0x1  }
0x93: {  	_ =	swait.eq [sflag:s15], $0x1  }
0x94: {  	[sflag:s15] =	ssyncset.done $0x0  }
0x95: {  	[sflag:s15] =	ssyncadd.s32 $0xFFFFFFFF  }
0x96: {  	s16 =	sld [smem:$0x10];
	(tm) =	ssettm $0x1  }
0x97: {  	s17 =	sld [smem:$0x3FFB];
	_ =	sdelay $0x3  }
0x98: {  	_ =	strace s17  }
0x99: {  	s3 =	sld [smem:$0x3FFC];
	_ =	sdelay $0x3  }
0x9a: {  	_ =	strace s3  }
0x9b: {  	s3 =	sld [smem:$0x3FFD];
	_ =	sdelay $0x3  }
0x9c: {  	_ =	strace s3  }
0x9d: {  	_ =	strace $0x8FFFFFFF  }
0x9e: {  	s18 =	sld [smem:$0x3FDB];
	_ =	sdelay $0x1  }
0x9f: {  	s19 =	simm.s32 $_scs_section_size  }
0xa0: {  	s5 =	simm.s32 $_size__tile_overlayer_lowered;
	s6 =	simm.s32 $_tile_overlayer_lowered  }
0xa1: {  	s22 =	simm.s32 $0x1BFF;
	s21 =	sshll.u32 s6, $0x1;
	s3 =	sadd.s32 s19, s18  }
0xa2: {  	s7 =	simm.s32 $0x0;
	s20 =	sshll.u32 s5, $0x1;
	s5 =	sadd.s32 s21, s3  }
0xa3: {  	[timem:s7], [sflag:s22] =	dma.local [hbm:s5], s20  }
0xa4: {  	_ =	swait.ge [sflag:s22], s20  }
0xa5: {  	s4 =	ssub.s32 $0x0, s20;
	[sflag:s22] =	ssyncset.done $0x0  }
0xa6: {  	[sflag:s22] =	ssyncadd.s32 s4;
	_ =	sdelay $0x1  }
0xa7: {  	s23 =	simm.s32 $0x1B8B  }
0xa8: {  	_ =	swait.ge [sflag:s23], $0x1  }
0xa9: {  	[sflag:s23] =	ssyncset.done $0x0  }
0xaa: {  	s25 =	simm.s32 $0x1B8E;
	s24 =	sld [smem:$0x3FFE];
	[sflag:s23] =	ssyncadd.s32 $0xFFFFFFFF  }
0xab: {  	s26 =	simm.s32 $execute0_lowered;
	[smem:$0x3FD2] =	sst s25  }
0xac: {  	s5 =	sshll.u32 s26, $0x1;
	_ =	strace $0x8000004C;
	[dreg:$0x1] =	wrdreg $0xFFFFFFFF  }
0xad: {  	s28 =	simm.s32 $_size_execute0_lowered;
	s3 =	sadd.s32 s3, s5;
	[dreg:$0x0] =	wrdreg $0x0  }
0xae: {  	s5 =	sshll.u32 s28, $0x1;
	[dreg:$0x2] =	wrdreg s3  }
0xaf: {  	[dreg:$0x3] =	wrdreg s5  }
0xb0: {  	[dreg:$0x4] =	wrdreg $0xC0  }
0xb1: {  	_ =	task [dreg:s7], $0x5FFFF  }
0xb2: {  	[dreg:$0x1] =	wrdreg $0xFFFFFFFF  }
0xb3: {  	[dreg:$0x0] =	wrdreg $0x60  }
0xb4: {  	[dreg:$0x2] =	wrdreg s16  }
0xb5: {  	[dreg:$0x3] =	wrdreg s24  }
0xb6: {  	[dreg:$0x4] =	wrdreg $0x91000  }
0xb7: {  	[dreg:$0x5] =	wrdreg $0x9  }
0xb8: {  	_ =	task.clear_ibuf [dreg:s7], $0x6FFFF;
	_ =	strace $0x9000004C  }
0xb9: {  	s29 =	simm.s32 $0x9;
	_ =	strace $0x8000004E  }
0xba: {  	_ =	swait.ge [sflag:s29], $0x1  }
0xbb: {  	[sflag:s29] =	ssyncadd.s32 $0xFFFFFFFF  }
0xbc: {  	_ =	strace $0x9000004E  }
0xbd: {  	_ =	sfence  }
0xbe: {  	s30 =	sld [smem:$0x0];
	_ =	sdelay $0x2  }
0xbf: {  	s31 =	sshll.u32 s1, $0xD;
	s1 =	sshrl.u32 s1, $0x2  }
0xc0: {  	s3 =	sand.u32 $0x4000, s31;
	s1 =	sadd.s32 s1, s30  }
0xc1: {  	s0 =	sor.u32 s3, s0;
	s1 =	sshll.u32 s1, $0x11  }
0xc2: {  	s0 =	sor.u32 s1, s0  }
0xc3: {  	s0 =	sadd.s32 $0x8F2B, s0  }
0xc4: {  	[sflag:s0] =	ssyncadd.remote.s32 $0x1  }
0xc5: {  	_ =	sfence.sel $0xFFFF  }
0xc6: {  	[dreg:$0x0] =	wrdreg $0xFFFFFFFF;
	(pc) =	sbr.abs _section_cstart, $3  }
0xc7: {  	[dreg:$0x1] =	wrdreg $0xFFFFFFFF  }
0xc8: {  	_ =	task.clear_ibuf [dreg:s7], $0x2FFFF;
	_ =	strace $0x9FFFFFFF  }
0xc9: {  	(tm) =	ssettm $0x7FFFFFFF  }
tec
execute0_lowered:
.L_overlay_start_1:
0x0: {  	(tag) =	ssettag $0x1  }
0x1: {  	s1 =	rddreg [dreg:$0x0]  }
0x2: {  	s0 =	rddreg [dreg:$0x1]  }
0x3: {  	s3 =	rddreg [dreg:$0x2]  }
0x4: {  	s2 =	srdreg.scid;
	s10 =	stileid.u32;
	s4 =	simm.s32 $0x0  }
0x5: {  	s28 =	simm.s32 $0x4;
	s29 =	simm.s32 $0x1;
	s30 =	simm.s32 $0x3  }
0x6: {  	s31 =	simm.s32 $0x2;
	s2 =	sand.u32 $0x1, s2;
	s5 =	smul.u32 $0x280, s10  }
0x7: {  	[smem:$0x7FF] =	sst s4;
	s20 =	sshll.u32 s10, $0xE;
	s6 =	smul.u32 $0x2710, s2  }
0x8: {  	_ =	strace $0x8000004D;
	s8 =	ssub.s32 $0x2, s2;
	s2 =	sshll.u32 s2, $0x12  }
0x9: {  	s7 =	smin.u32 s5, $0x2490;
	s5 =	sadd.s32 $0x2E00, s0;
	s9 =	sshrl.u32 s8, $0x1  }
0xa: {  	s2 =	sor.u32 s20, s2;
	s6 =	sadd.s32 s6, s7;
	s7 =	sshll.u32 s7, $0x7  }
0xb: {  	s8 =	ssub.s32 s8, s9;
	s12 =	sor.u32 $0x80000, s2;
	s2 =	sshrl.u32 s2, $0x3  }
0xc: {  	s6 =	sshll.u32 s6, $0x4;
	s26 =	sshrl.u32 s12, $0x3;
	s15 =	sadd.s32 s5, s2  }
0xd: {  	s19 =	smax.u32 s8, $0x1;
	s0 =	sadd.s32 s6, s0;
	s6 =	sadd.s32 s7, s3  }
0xe: {  	s2 =	simm.s32 $0x0;
	s16 =	sadd.s32 s5, s26;
	s7 =	sadd.s32 $0x2800, s6  }
0xf: {  	s17 =	sadd.s32 $0x10010, s15;
	s21 =	sadd.s32 $0x5000, s6;
	[dreg:$0x4] =	wrdreg s7  }
0x10: {  	s20 =	sadd.s32 $0x107C0, s15;
	s22 =	sadd.s32 $0x7800, s6;
	[dreg:$0x5] =	wrdreg s21  }
0x11: {  	s26 =	simm.s32 $0x4100;
	s23 =	sadd.s32 $0xA000, s6;
	[dreg:$0x6] =	wrdreg s22  }
0x12: {  	s24 =	sadd.s32 $0xC800, s6;
	s25 =	sadd.s32 $0xF000, s6;
	[dreg:$0x7] =	wrdreg s23  }
0x13: {  	s14 =	sadd.s32 $0x11800, s6;
	s18 =	sadd.s32 $0x22E00, s0;
	[dreg:$0x8] =	wrdreg s24  }
0x14: {  	[dreg:$0x9] =	wrdreg s25;
	s21 =	simm.s32 $0x6900;
	s22 =	simm.s32 $0x5  }
0x15: {  	v0 =	vimm.f32 $0.0e+00;
	s23 =	simm.s32 $0x4000;
	s24 =	simm.s32 $0x4080;
	s25 =	simm.s32 $0x50  }
.LBB2_1:
0x16: {  	s0 =	simm.s32 $0x0;
	s7 =	simm.s32 $0x200  }
.LBB2_2:
0x17: {  	p0 =	sne.s32 s7, $0x9E00;
	[tilespmem:s0+$0x6970] =	vst v0  }
0x18: {  	[tilespmem:s0+$0x6900] =	vst v0  }
0x19: {  	[tilespmem:s0+$0x6910] =	vst v0  }
.Ltmp0:
0x1a: {  	[tilespmem:s0+$0x6920] =	vst v0;
	(pc) =	sbr.rel @p0 .LBB2_2-.Ltmp0, $4  }
0x1b: {  	[tilespmem:s0+$0x6930] =	vst v0  }
0x1c: {  	[tilespmem:s0+$0x6940] =	vst v0  }
0x1d: {  	[tilespmem:s0+$0x6950] =	vst v0  }
0x1e: {  	[tilespmem:s0+$0x6960] =	vst v0;
	s0 =	sshra.s32 s7, $0x2;
	s7 =	sadd.s32 $0x200, s7  }
0x1f: {  	[tilespmem:s0+$0x6970] =	vst v0  }
0x20: {  	[tilespmem:s0+$0x6900] =	vst v0  }
0x21: {  	[tilespmem:s0+$0x6910] =	vst v0  }
0x22: {  	[tilespmem:s0+$0x6920] =	vst v0  }
0x23: {  	[tilespmem:s0+$0x6930] =	vst v0  }
0x24: {  	[tilespmem:s0+$0x6940] =	vst v0  }
0x25: {  	[tilespmem:s0+$0x6950] =	vst v0  }
0x26: {  	[tilespmem:s0+$0x6960] =	vst v0  }
0x27: {  	[spmem:s6] =	stream.linear.scatter [tilespmem:s21], [sflag:$0x4], $0x2800, $0x38;
	[tilespmem:$0x1C980] =	vst v63  }
0x28: {  	s8 =	rddreg [dreg:$0x4]  }
0x29: {  	[spmem:s8] =	stream.linear.scatter [tilespmem:s21], [sflag:$0x4], $0x2800, $0x38;
	[tilespmem:$0x1C980] =	vst v63  }
0x2a: {  	s9 =	rddreg [dreg:$0x5]  }
0x2b: {  	[spmem:s9] =	stream.linear.scatter [tilespmem:s21], [sflag:$0x4], $0x2800, $0x38;
	[tilespmem:$0x1C980] =	vst v63  }
0x2c: {  	s10 =	rddreg [dreg:$0x6]  }
0x2d: {  	[spmem:s10] =	stream.linear.scatter [tilespmem:s21], [sflag:$0x4], $0x2800, $0x38;
	[tilespmem:$0x1C980] =	vst v63  }
0x2e: {  	s11 =	rddreg [dreg:$0x7]  }
0x2f: {  	[spmem:s11] =	stream.linear.scatter [tilespmem:s21], [sflag:$0x4], $0x2800, $0x38;
	[tilespmem:$0x1C980] =	vst v63  }
0x30: {  	s13 =	rddreg [dreg:$0x8]  }
0x31: {  	[spmem:s13] =	stream.linear.scatter [tilespmem:s21], [sflag:$0x4], $0x2800, $0x38;
	[tilespmem:$0x1C980] =	vst v63  }
0x32: {  	s7 =	rddreg [dreg:$0x9]  }
0x33: {  	[spmem:s7] =	stream.linear.scatter [tilespmem:s21], [sflag:$0x4], $0x2800, $0x38;
	[tilespmem:$0x1C980] =	vst v63  }
0x34: {  	_ = 	snop  }
0x35: {  	[spmem:s14] =	stream.linear.scatter [tilespmem:s21], [sflag:$0x4], $0x2800, $0x38;
	[tilespmem:$0x1C980] =	vst v63  }
0x36: {  	_ = 	snop  }
0x37: {  	[tilespmem:s4], [sflag:$0x5] =	stream.linear.gather [hbm4b:s15+s4], $0x3E80, $0x38;
	[tilespmem:$0x1C980] =	vst v63  }
0x38: {  	_ =	swait.ge [sflag:s22], $0x3E80  }
0x39: {  	[sflag:s22] =	ssyncset.done $0x0  }
0x3a: {  	[sflag:s22] =	ssyncadd.s32 $0xFFFFC180  }
0x3b: {  	[tilespmem:s23], [sflag:$0x5] =	stream.linear.gather [hbm4b:s16+s4], $0x80, $0x38;
	[tilespmem:$0x1C980] =	vst v63  }
0x3c: {  	_ =	swait.ge [sflag:s22], $0x80  }
0x3d: {  	[sflag:s22] =	ssyncset.done $0x0  }
0x3e: {  	[sflag:s22] =	ssyncadd.s32 $0xFFFFFF80  }
0x3f: {  	[tilespmem:s24], [sflag:$0x5] =	stream.linear.gather [hbm4b:s17+s4], $0x80, $0x38;
	[tilespmem:$0x1C980] =	vst v63  }
0x40: {  	_ =	swait.ge [sflag:s22], $0x80  }
0x41: {  	[sflag:s22] =	ssyncset.done $0x0  }
0x42: {  	[sflag:s22] =	ssyncadd.s32 $0xFFFFFF80  }
0x43: {  	[tilespmem:s26], [sflag:$0x1] =	stream.indirect.gather [hbm4b:s1+s25], $0x80, s23, s25, $0xb8;
	[tilespmem:$0x1C980] =	vst v63  }
0x44: {  	_ =	swait.ge [sflag:s28], $0x2800  }
0x45: {  	[sflag:s28] =	ssyncset.done $0x0  }
0x46: {  	[sflag:s28] =	ssyncadd.s32 $0xFFFFD800  }
0x47: {  	_ =	swait.ge [sflag:s28], $0x2800  }
0x48: {  	[sflag:s28] =	ssyncset.done $0x0  }
0x49: {  	[sflag:s28] =	ssyncadd.s32 $0xFFFFD800  }
0x4a: {  	_ =	swait.ge [sflag:s28], $0x2800  }
0x4b: {  	[sflag:s28] =	ssyncset.done $0x0  }
0x4c: {  	[sflag:s28] =	ssyncadd.s32 $0xFFFFD800  }
0x4d: {  	_ =	swait.ge [sflag:s28], $0x2800  }
0x4e: {  	[sflag:s28] =	ssyncset.done $0x0  }
0x4f: {  	[sflag:s28] =	ssyncadd.s32 $0xFFFFD800  }
0x50: {  	_ =	swait.ge [sflag:s28], $0x2800  }
0x51: {  	[sflag:s28] =	ssyncset.done $0x0  }
0x52: {  	[sflag:s28] =	ssyncadd.s32 $0xFFFFD800  }
0x53: {  	_ =	swait.ge [sflag:s28], $0x2800  }
0x54: {  	[sflag:s28] =	ssyncset.done $0x0  }
0x55: {  	[sflag:s28] =	ssyncadd.s32 $0xFFFFD800  }
0x56: {  	_ =	swait.ge [sflag:s28], $0x2800  }
0x57: {  	[sflag:s28] =	ssyncset.done $0x0  }
0x58: {  	[sflag:s28] =	ssyncadd.s32 $0xFFFFD800  }
0x59: {  	_ =	swait.ge [sflag:s28], $0x2800  }
0x5a: {  	s8 =	simm.s32 $0x100;
	[sflag:s28] =	ssyncset.done $0x0  }
0x5b: {  	s7 =	sand.u32 $0x7C00, s8;
	[sflag:s28] =	ssyncadd.s32 $0xFFFFD800  }
0x5c: {  	[tilespmem:s21], [sflag:$0x2] =	stream.indirect.gather [hbm4b:s1+s25], $0x80, s24, s25, $0xb8;
	[tilespmem:$0x1C980] =	vst v63  }
0x5d: {  	s0 =	sand.u32 $0x300, s8;
	s7 =	sadd.s32 s12, s7;
	[bflag:$0x0] =	sbarrier.arrive $0xFFFF  }
0x5e: {  	s0 =	sor.u32 s0, s7;
	_ =	swait.ge [sflag:s29], $0x2800  }
0x5f: {  	s0 =	sshrl.u32 s0, $0x3;
	[sflag:s29] =	ssyncset.done $0x0  }
0x60: {  	s0 =	sadd.s32 s5, s0;
	[sflag:s29] =	ssyncadd.s32 $0xFFFFD800  }
0x61: {  	[tilespmem:s23], [sflag:$0x3] =	stream.linear.gather [hbm4b:s0+s4], $0x80, $0x38;
	[tilespmem:$0x1C980] =	vst v63  }
0x62: {  	s9 =	simm.s32 $0x0  }
0x63: {  	[spmem:s3] =	stream.indirect.scatter.add.f32 [tilespmem:s26], [sflag:$0x5], $0x80, s9, s25, $0xb8;
	[tilespmem:$0x1C980] =	vst v63  }
0x64: {  	_ =	swait.ge [sflag:s22], $0x2800  }
0x65: {  	[sflag:s22] =	ssyncset.done $0x0  }
0x66: {  	[sflag:s22] =	ssyncadd.s32 $0xFFFFD800  }
0x67: {  	s10 =	simm.s32 $0x180;
	_ =	swait.ge [sflag:s30], $0x80  }
0x68: {  	s11 =	sand.u32 $0x7C00, s10;
	[sflag:s30] =	ssyncset.done $0x0  }
0x69: {  	s7 =	sadd.s32 s12, s11;
	s0 =	sand.u32 $0x380, s10;
	[sflag:s30] =	ssyncadd.s32 $0xFFFFFF80  }
0x6a: {  	[tilespmem:s26], [sflag:$0x1] =	stream.indirect.gather [hbm4b:s1+s25], $0x80, s23, s25, $0xb8;
	[tilespmem:$0x1C980] =	vst v63  }
0x6b: {  	s0 =	sor.u32 s0, s7;
	_ =	swait.ge [sflag:s31], $0x2800  }
0x6c: {  	s0 =	sshrl.u32 s0, $0x3;
	[sflag:s31] =	ssyncset.done $0x0  }
0x6d: {  	s0 =	sadd.s32 s5, s0;
	[sflag:s31] =	ssyncadd.s32 $0xFFFFD800  }
0x6e: {  	[tilespmem:s24], [sflag:$0x4] =	stream.linear.gather [hbm4b:s0+s4], $0x80, $0x38;
	[tilespmem:$0x1C980] =	vst v63  }
0x6f: {  	s13 =	simm.s32 $0x80  }
0x70: {  	[spmem:s3] =	stream.indirect.scatter.add.f32 [tilespmem:s21], [sflag:$0x5], $0x80, s13, s25, $0xb8;
	[tilespmem:$0x1C980] =	vst v63  }
0x71: {  	s8 =	simm.s32 $0x380;
	s7 =	simm.s32 $0x280;
	_ =	swait.ge [sflag:s22], $0x2800  }
0x72: {  	s9 =	simm.s32 $0x200;
	s0 =	simm.s32 $0x180;
	[sflag:s22] =	ssyncset.done $0x0  }
.LBB2_4:
0x73: {  	s11 =	sand.u32 $0x7C00, s9  }
0x74: {  	[sflag:s22] =	ssyncadd.s32 $0xFFFFD800;
	s13 =	smov.u32 s8;
	s10 =	sadd.s32 $0x100, s8  }
0x75: {  	s9 =	sand.u32 $0x300, s9;
	s11 =	sadd.s32 s12, s11;
	_ =	swait.ge [sflag:s28], $0x80  }
0x76: {  	p0 =	sne.s32 s8, $0x3D80;
	s8 =	sor.u32 s9, s11;
	[sflag:s28] =	ssyncset.done $0x0  }
0x77: {  	s8 =	sshrl.u32 s8, $0x3;
	[sflag:s28] =	ssyncadd.s32 $0xFFFFFF80  }
0x78: {  	[tilespmem:s21], [sflag:$0x2] =	stream.indirect.gather [hbm4b:s1+s25], $0x80, s24, s25, $0xb8;
	[tilespmem:$0x1C980] =	vst v63  }
0x79: {  	_ =	swait.ge [sflag:s29], $0x2800  }
0x7a: {  	[sflag:s29] =	ssyncset.done $0x0  }
0x7b: {  	s8 =	sadd.s32 s5, s8;
	[sflag:s29] =	ssyncadd.s32 $0xFFFFD800  }
0x7c: {  	[tilespmem:s23], [sflag:$0x3] =	stream.linear.gather [hbm4b:s8+s4], $0x80, $0x38;
	[tilespmem:$0x1C980] =	vst v63  }
0x7d: {  	s8 =	sadd.s32 $0xFFFFFF80, s0  }
0x7e: {  	[spmem:s3] =	stream.indirect.scatter.add.f32 [tilespmem:s26], [sflag:$0x5], $0x80, s8, s25, $0xb8;
	[tilespmem:$0x1C980] =	vst v63  }
0x7f: {  	_ =	swait.ge [sflag:s22], $0x2800  }
0x80: {  	[sflag:s22] =	ssyncset.done $0x0  }
0x81: {  	[sflag:s22] =	ssyncadd.s32 $0xFFFFD800  }
0x82: {  	_ =	swait.ge [sflag:s30], $0x80  }
0x83: {  	[sflag:s30] =	ssyncset.done $0x0  }
0x84: {  	s8 =	sand.u32 $0x7C00, s7;
	[sflag:s30] =	ssyncadd.s32 $0xFFFFFF80  }
0x85: {  	[tilespmem:s26], [sflag:$0x1] =	stream.indirect.gather [hbm4b:s1+s25], $0x80, s23, s25, $0xb8;
	[tilespmem:$0x1C980] =	vst v63  }
0x86: {  	s9 =	sand.u32 $0x380, s7;
	s7 =	smov.u32 s13;
	s8 =	sadd.s32 s12, s8  }
0x87: {  	s8 =	sor.u32 s9, s8;
	_ =	swait.ge [sflag:s31], $0x2800  }
0x88: {  	s8 =	sshrl.u32 s8, $0x3;
	[sflag:s31] =	ssyncset.done $0x0  }
0x89: {  	s8 =	sadd.s32 s5, s8;
	[sflag:s31] =	ssyncadd.s32 $0xFFFFD800  }
0x8a: {  	[tilespmem:s24], [sflag:$0x4] =	stream.linear.gather [hbm4b:s8+s4], $0x80, $0x38;
	[tilespmem:$0x1C980] =	vst v63  }
.Ltmp1:
0x8b: {  	_ = 	snop;
	(pc) =	sbr.rel @p0 .LBB2_4-.Ltmp1, $4  }
0x8c: {  	_ = 	snop  }
0x8d: {  	[spmem:s3] =	stream.indirect.scatter.add.f32 [tilespmem:s21], [sflag:$0x5], $0x80, s0, s25, $0xb8;
	[tilespmem:$0x1C980] =	vst v63  }
0x8e: {  	s9 =	sadd.s32 $0xFFFFFF80, s7;
	_ =	swait.ge [sflag:s22], $0x2800  }
0x8f: {  	s8 =	smov.u32 s10;
	s0 =	sadd.s32 $0x100, s0;
	[sflag:s22] =	ssyncset.done $0x0  }
0x90: {  	[sflag:s22] =	ssyncadd.s32 $0xFFFFD800  }
0x91: {  	_ =	swait.ge [sflag:s28], $0x80  }
0x92: {  	s8 =	sand.u32 $0x7C00, s9;
	[sflag:s28] =	ssyncset.done $0x0  }
0x93: {  	s13 =	sand.u32 $0x300, s9;
	s8 =	sadd.s32 s12, s8;
	[sflag:s28] =	ssyncadd.s32 $0xFFFFFF80  }
0x94: {  	[tilespmem:s21], [sflag:$0x2] =	stream.indirect.gather [hbm4b:s1+s25], $0x80, s24, s25, $0xb8;
	[tilespmem:$0x1C980] =	vst v63  }
0x95: {  	s8 =	sor.u32 s13, s8;
	_ =	swait.ge [sflag:s29], $0x2800  }
0x96: {  	s8 =	sshrl.u32 s8, $0x3;
	[sflag:s29] =	ssyncset.done $0x0  }
0x97: {  	s8 =	sadd.s32 s5, s8;
	[sflag:s29] =	ssyncadd.s32 $0xFFFFD800  }
0x98: {  	[tilespmem:s23], [sflag:$0x3] =	stream.linear.gather [hbm4b:s8+s4], $0x80, $0x38;
	[tilespmem:$0x1C980] =	vst v63  }
0x99: {  	s10 =	sadd.s32 $0xFFFFFF80, s0  }
0x9a: {  	[spmem:s3] =	stream.indirect.scatter.add.f32 [tilespmem:s26], [sflag:$0x5], $0x80, s10, s25, $0xb8;
	[tilespmem:$0x1C980] =	vst v63  }
0x9b: {  	_ =	swait.ge [sflag:s22], $0x2800  }
0x9c: {  	[sflag:s22] =	ssyncset.done $0x0  }
0x9d: {  	[sflag:s22] =	ssyncadd.s32 $0xFFFFD800  }
0x9e: {  	_ =	swait.ge [sflag:s30], $0x80  }
0x9f: {  	s11 =	sand.u32 $0x7C00, s7;
	[sflag:s30] =	ssyncset.done $0x0  }
0xa0: {  	s13 =	sand.u32 $0x380, s7;
	s8 =	sadd.s32 s12, s11;
	[sflag:s30] =	ssyncadd.s32 $0xFFFFFF80  }
0xa1: {  	[tilespmem:s26], [sflag:$0x1] =	stream.indirect.gather [hbm4b:s1+s25], $0x80, s23, s25, $0xb8;
	[tilespmem:$0x1C980] =	vst v63  }
0xa2: {  	s7 =	sor.u32 s13, s8;
	_ =	swait.ge [sflag:s31], $0x2800  }
0xa3: {  	s7 =	sshrl.u32 s7, $0x3;
	[sflag:s31] =	ssyncset.done $0x0  }
0xa4: {  	s7 =	sadd.s32 s5, s7;
	[sflag:s31] =	ssyncadd.s32 $0xFFFFD800  }
0xa5: {  	[tilespmem:s24], [sflag:$0x4] =	stream.linear.gather [hbm4b:s7+s4], $0x80, $0x38;
	[tilespmem:$0x1C980] =	vst v63  }
0xa6: {  	_ = 	snop  }
0xa7: {  	[spmem:s3] =	stream.indirect.scatter.add.f32 [tilespmem:s21], [sflag:$0x5], $0x80, s0, s25, $0xb8;
	[tilespmem:$0x1C980] =	vst v63  }
0xa8: {  	_ =	swait.ge [sflag:s22], $0x2800  }
0xa9: {  	[sflag:s22] =	ssyncset.done $0x0  }
0xaa: {  	[sflag:s22] =	ssyncadd.s32 $0xFFFFD800  }
0xab: {  	_ =	swait.ge [sflag:s28], $0x80  }
0xac: {  	[sflag:s28] =	ssyncset.done $0x0  }
0xad: {  	[sflag:s28] =	ssyncadd.s32 $0xFFFFFF80  }
0xae: {  	[tilespmem:s21], [sflag:$0x2] =	stream.indirect.gather [hbm4b:s1+s25], $0x80, s24, s25, $0xb8;
	[tilespmem:$0x1C980] =	vst v63  }
0xaf: {  	_ =	swait.ge [sflag:s29], $0x2800  }
0xb0: {  	[sflag:s29] =	ssyncset.done $0x0  }
0xb1: {  	[sflag:s29] =	ssyncadd.s32 $0xFFFFD800  }
0xb2: {  	[tilespmem:s23], [sflag:$0x3] =	stream.linear.gather [hbm4b:s20+s4], $0x80, $0x38;
	[tilespmem:$0x1C980] =	vst v63  }
0xb3: {  	s8 =	simm.s32 $0x3D00  }
0xb4: {  	[spmem:s3] =	stream.indirect.scatter.add.f32 [tilespmem:s26], [sflag:$0x5], $0x80, s8, s25, $0xb8;
	[tilespmem:$0x1C980] =	vst v63  }
0xb5: {  	_ =	swait.ge [sflag:s22], $0x2800  }
0xb6: {  	[sflag:s22] =	ssyncset.done $0x0  }
0xb7: {  	[sflag:s22] =	ssyncadd.s32 $0xFFFFD800  }
0xb8: {  	_ =	swait.ge [sflag:s30], $0x80  }
0xb9: {  	[sflag:s30] =	ssyncset.done $0x0  }
0xba: {  	[sflag:s30] =	ssyncadd.s32 $0xFFFFFF80  }
0xbb: {  	[tilespmem:s26], [sflag:$0x1] =	stream.indirect.gather [hbm4b:s1+s25], $0x80, s23, s25, $0xb8;
	[tilespmem:$0x1C980] =	vst v63  }
0xbc: {  	_ =	swait.ge [sflag:s31], $0x2800  }
0xbd: {  	[sflag:s31] =	ssyncset.done $0x0  }
0xbe: {  	s9 =	simm.s32 $0x3D80;
	[sflag:s31] =	ssyncadd.s32 $0xFFFFD800  }
0xbf: {  	[spmem:s3] =	stream.indirect.scatter.add.f32 [tilespmem:s21], [sflag:$0x5], $0x80, s9, s25, $0xb8;
	[tilespmem:$0x1C980] =	vst v63  }
0xc0: {  	_ =	swait.ge [sflag:s22], $0x2800  }
0xc1: {  	[sflag:s22] =	ssyncset.done $0x0  }
0xc2: {  	[sflag:s22] =	ssyncadd.s32 $0xFFFFD800  }
0xc3: {  	_ =	swait.ge [sflag:s29], $0x2800  }
0xc4: {  	[sflag:s29] =	ssyncset.done $0x0  }
0xc5: {  	s10 =	simm.s32 $0x3E00;
	[sflag:s29] =	ssyncadd.s32 $0xFFFFD800  }
0xc6: {  	[spmem:s3] =	stream.indirect.scatter.add.f32 [tilespmem:s26], [sflag:$0x5], $0x80, s10, s25, $0xb8;
	[tilespmem:$0x1C980] =	vst v63  }
0xc7: {  	s2 =	sadd.s32 $0x1, s2;
	_ =	swait.ge [sflag:s22], $0x2800  }
0xc8: {  	p0 =	sne.s32 s2, s19;
	s11 =	stileid.u32;
	[sflag:s22] =	ssyncset.done $0x0  }
0xc9: {  	s13 =	sshrl.u32 s6, $0x3;
	s0 =	sshll.u32 s11, $0x6;
	[sflag:s22] =	ssyncadd.s32 $0xFFFFD800  }
.Ltmp2:
0xca: {  	s0 =	sor.u32 $0x1C05, s0;
	[bflag:$0x0] =	sbarrier.arrive $0xFFFF;
	(pc) =	sbr.rel @p0 .LBB2_1-.Ltmp2, $4  }
0xcb: {  	[hbm:s18], [sflag:s0] =	dma.local [spmem:s13], $0x2800  }
0xcc: {  	_ =	swait.ge [sflag:s22], $0x2800  }
0xcd: {  	[sflag:s22] =	ssyncset.done $0x0  }
0xce: {  	[sflag:s22] =	ssyncadd.s32 $0xFFFFD800  }
0xcf: {  	_ =	sfence.sel $0x180000  }
0xd0: {  	[bflag:$0x0] =	sbarrier.arrive $0xFFFF  }
0xd1: {  	_ =	strace $0x9000004D  }
0xd2: {  	s0 =	stileid.u32;
	[bflag:$0x2] =	sbarrier.arrive $0xFFFF  }
0xd3: {  	p0 =	sne.s32 s0, $0x0;
	s0 =	rddreg [dreg:$0x3]  }
0xd4: {  	s0 =	sadd.s32 @!p0 $0x100000, s0  }
0xd5: {  	[sflag:s0] =	ssyncadd.tile.s32 @!p0 $0x1;
	_ =	shalt  }
.Lfunc_end2:
_tile_overlayer_lowered:
.L_overlay_start_2:
0xd6: {  	(tag) =	ssettag $0x2  }
0xd7: {  	s0 =	rddreg [dreg:$0x0];
	s2 =	stileid.u32  }
0xd8: {  	s1 =	rddreg [dreg:$0x1];
	p0 =	sne.s32 s2, $0x0  }
0xd9: {  	s3 =	rddreg [dreg:$0x2];
	[bflag:$0x3] =	sbarrier.arrive $0xFFFF;
	s2 =	simm.s32 @!p0 $0x1C05  }
0xda: {  	[timem:s3], [sflag:s2] =	dma.local @!p0 [hbm:s0], s1  }
0xdb: {  	s0 =	simm.s32 @!p0 $0x5  }
0xdc: {  	_ =	swait.ge @!p0 [sflag:s0], s1  }
0xdd: {  	s1 =	ssub.s32 @!p0 $0x0, s1;
	[sflag:s0] =	ssyncset.done @!p0 $0x0  }
0xde: {  	[sflag:s0] =	ssyncadd.s32 @!p0 s1  }
0xdf: {  	[bflag:$0x3] =	sbarrier.arrive $0xFFFF  }
0xe0: {  	_ =	shalt  }

// kernel: kernel.22.cloned.1.call-start
scs
__scs_entry_jumppad:
0x0: {  	(pc) =	sbr.rel $0x88, $3  }
0x1: {  	(tag) =	ssettag $0x0;
	lr =	simm.s32 $0x1  }
0x2: {  	[smem:$0x3F9B] =	sst lr;
	_ =	strace $0xD0000000  }
0x3: {  	_ = 	snop  }
0x4: {  	_ = 	snop  }
0x5: {  	_ = 	snop  }
0x6: {  	_ = 	snop  }
0x7: {  	_ = 	snop  }
__scs_overlays_trampoline_lowered:
0x8: {  	[smem:$0x3FAA] =	sst s0  }
0x9: {  	[smem:$0x3FAB] =	sst s1  }
0xa: {  	[smem:$0x3FAC] =	sst s2  }
0xb: {  	[smem:$0x3FAD] =	sst s3  }
0xc: {  	[smem:$0x3FAE] =	sst s4  }
0xd: {  	[smem:$0x3FAF] =	sst s5  }
0xe: {  	[smem:$0x3FB0] =	sst s6  }
0xf: {  	[smem:$0x3FB1] =	sst s7  }
0x10: {  	[smem:$0x3FB2] =	sst s8  }
0x11: {  	[smem:$0x3FB3] =	sst s9;
	s0 =	simm.s32 @!p0 $0x0  }
0x12: {  	s1 =	sld [smem:$0x3F99];
	s0 =	simm.s32 @p0 $0x1  }
0x13: {  	[smem:$0x3FB4] =	sst s0;
	s0 =	simm.s32 @!p1 $0x0  }
0x14: {  	s2 =	sld [smem:$0x3F98];
	s0 =	simm.s32 @p1 $0x1  }
0x15: {  	[smem:$0x3FB5] =	sst s0;
	s0 =	simm.s32 @!p2 $0x0  }
0x16: {  	s3 =	sld [smem:$0x3FDB];
	s0 =	simm.s32 @p2 $0x1  }
0x17: {  	s4 =	simm.s32 $0x1BF5;
	[smem:$0x3FB7] =	sst s0  }
0x18: {  	s0 =	sld [smem:$0x3F9A];
	_ =	swait.ge [sflag:s4], $0x0  }
0x19: {  	s7 =	sld [smem:$0x3F9B]  }
0x1a: {  	s8 =	sadd.s32 $0xFFFFE003, lr  }
0x1b: {  	s9 =	sadd.s32 $0xFFFFFEF7, lr;
	s5 =	simm.s32 $0xFFFFFFFF;
	p2 =	slt.u32 s8, $0xFFFFF086  }
0x1c: {  	p1 =	slt.u32 s9, $0xF7A;
	s5 =	simm.s32 @!p2 $0x0  }
0x1d: {  	s5 =	simm.s32 @p1 $0x1;
	p0 =	seq.s32 s7, s2  }
0x1e: {  	s7 =	smul.u32 @!p0 $0xF7A, s2;
	p2 =	seq.s32 @!p0 s5, $0x0  }
0x1f: {  	s9 =	smul.u32 $0xF7A, s1;
	s8 =	simm.s32 @!p0 $0x1BF5;
	p2 =	por !p2, p0  }
0x20: {  	[sflag:s8] =	ssyncset.s32 @!p0 $0xFFFFF086;
	s6 =	sadd.s32 @!p0 s3, s7;
	s7 =	simm.s32 @!p0 $0x108  }
0x21: {  	s3 =	sadd.s32 s3, s9;
	s6 =	sadd.s32 @!p0 $0x88, s6;
	s7 =	simm.s32 @p2 $0x1082  }
0x22: {  	[simem:s7], [sflag:s8] =	dma.local @!p0 [hbm:s6], $0xF7A  }
0x23: {  	s9 =	sor.u32 $0xD0000000, s2;
	s6 =	simm.s32 $0x108;
	_ =	swait.ge @!p0 [sflag:s8], $0x0  }
0x24: {  	s3 =	sadd.s32 $0x88, s3;
	s6 =	simm.s32 @!p1 $0x1082;
	[sflag:s4] =	ssyncset.s32 $0xFFFFF086  }
0x25: {  	[simem:s6], [sflag:s4] =	dma.local [hbm:s3], $0xF7A  }
0x26: {  	[smem:$0x3F9B] =	sst s1;
	(tag) =	ssettag s2;
	_ =	strace s9  }
0x27: {  	s1 =	sld [smem:$0x3FAB]  }
0x28: {  	s2 =	sld [smem:$0x3FAC]  }
0x29: {  	s4 =	sld [smem:$0x3FAE]  }
0x2a: {  	p0 =	seq.s32 s5, $0x0;
	s5 =	sld [smem:$0x3FAF]  }
0x2b: {  	s6 =	sld [smem:$0x3FB0]  }
0x2c: {  	s7 =	sld [smem:$0x3FB1]  }
0x2d: {  	s3 =	simm.s32 $0x108;
	s8 =	sld [smem:$0x3FB2]  }
0x2e: {  	s3 =	simm.s32 @!p0 $0x1082;
	s9 =	sld [smem:$0x3FB3]  }
0x2f: {  	lr =	sadd.s32 s0, s3;
	s0 =	sld [smem:$0x3FAA]  }
0x30: {  	s3 =	sld [smem:$0x3FAD]  }
0x31: {  	[smem:$0x3FB6] =	sst s10  }
0x32: {  	s10 =	sld [smem:$0x3FB4];
	_ =	sdelay $0x3  }
0x33: {  	p0 =	seq.s32 s10, $0x1;
	s10 =	sld [smem:$0x3FB6];
	_ =	sdelay $0x3  }
0x34: {  	[smem:$0x3FB6] =	sst s10  }
0x35: {  	s10 =	sld [smem:$0x3FB5];
	_ =	sdelay $0x3  }
0x36: {  	p1 =	seq.s32 s10, $0x1;
	s10 =	sld [smem:$0x3FB6];
	_ =	sdelay $0x3  }
0x37: {  	[smem:$0x3FB6] =	sst s10  }
0x38: {  	s10 =	sld [smem:$0x3FB7]  }
0x39: {  	_ = 	snop;
	(pc) =	sbr.ind lr, $3  }
0x3a: {  	_ = 	snop  }
0x3b: {  	_ = 	snop  }
0x3c: {  	p2 =	seq.s32 s10, $0x1;
	s10 =	sld [smem:$0x3FB6]  }
0x3d: {  	_ =	shalt  }
0x3e: {  	_ =	shalt  }
0x3f: {  	_ =	shalt  }
0x40: {  	_ =	shalt  }
0x41: {  	_ =	shalt  }
0x42: {  	_ =	shalt  }
0x43: {  	_ =	shalt  }
0x44: {  	_ =	shalt  }
0x45: {  	_ =	shalt  }
0x46: {  	_ =	shalt  }
0x47: {  	_ =	shalt  }
0x48: {  	_ =	shalt  }
0x49: {  	_ =	shalt  }
0x4a: {  	_ =	shalt  }
0x4b: {  	_ =	shalt  }
0x4c: {  	_ =	shalt  }
0x4d: {  	_ =	shalt  }
0x4e: {  	_ =	shalt  }
0x4f: {  	_ =	shalt  }
0x50: {  	_ =	shalt  }
0x51: {  	_ =	shalt  }
0x52: {  	_ =	shalt  }
0x53: {  	_ =	shalt  }
0x54: {  	_ =	shalt  }
0x55: {  	_ =	shalt  }
0x56: {  	_ =	shalt  }
0x57: {  	_ =	shalt  }
0x58: {  	_ =	shalt  }
0x59: {  	_ =	shalt  }
0x5a: {  	_ =	shalt  }
0x5b: {  	_ =	shalt  }
0x5c: {  	_ =	shalt  }
0x5d: {  	_ =	shalt  }
0x5e: {  	_ =	shalt  }
0x5f: {  	_ =	shalt  }
0x60: {  	_ =	shalt  }
0x61: {  	_ =	shalt  }
0x62: {  	_ =	shalt  }
0x63: {  	_ =	shalt  }
0x64: {  	_ =	shalt  }
0x65: {  	_ =	shalt  }
0x66: {  	_ =	shalt  }
0x67: {  	_ =	shalt  }
0x68: {  	_ =	shalt  }
0x69: {  	_ =	shalt  }
0x6a: {  	_ =	shalt  }
0x6b: {  	_ =	shalt  }
0x6c: {  	_ =	shalt  }
0x6d: {  	_ =	shalt  }
0x6e: {  	_ =	shalt  }
0x6f: {  	_ =	shalt  }
0x70: {  	_ =	shalt  }
0x71: {  	_ =	shalt  }
0x72: {  	_ =	shalt  }
0x73: {  	_ =	shalt  }
0x74: {  	_ =	shalt  }
0x75: {  	_ =	shalt  }
0x76: {  	_ =	shalt  }
0x77: {  	_ =	shalt  }
0x78: {  	_ =	shalt  }
0x79: {  	_ =	shalt  }
0x7a: {  	_ =	shalt  }
0x7b: {  	_ =	shalt  }
0x7c: {  	_ =	shalt  }
0x7d: {  	_ =	shalt  }
0x7e: {  	_ =	shalt  }
0x7f: {  	_ =	shalt  }
0x80: {  	_ =	shalt  }
0x81: {  	_ =	shalt  }
0x82: {  	_ =	shalt  }
0x83: {  	_ =	shalt  }
0x84: {  	_ =	shalt  }
0x85: {  	_ =	shalt  }
0x86: {  	_ =	shalt  }
0x87: {  	_ =	shalt  }
.Lfunc_end0:
.L_simem_size_0:
called_computation.3_lowered:
.L_overlay_start_0:
0x88: {  	s2 =	sld [smem:$0x3FD9]  }
0x89: {  	s3 =	sld [smem:$0x3FFE];
	_ =	sdelay $0x1  }
0x8a: {  	s1 =	srdreg.scid  }
0x8b: {  	s0 =	sand.u32 $0x1, s1  }
0x8c: {  	s14 =	sshll.u32 s0, $0xA;
	s2 =	sadd.s32 s3, s2  }
0x8d: {  	s2 =	sadd.s32 s2, s14  }
0x8e: {  	[smem:$0x3FC2] =	sst s2  }
0x8f: {  	_ = 	snop  }
0x90: {  	s2 =	sld [smem:$0x3FD0];
	_ =	sdelay $0x2  }
0x91: {  	s15 =	simm.s32 $0xB;
	s4 =	simm.s32 $0x10  }
0x92: {  	[smem:s4], [sflag:s15] =	dma.local [hbm:s2], $0x1  }
0x93: {  	_ =	swait.eq [sflag:s15], $0x1  }
0x94: {  	[sflag:s15] =	ssyncset.done $0x0  }
0x95: {  	[sflag:s15] =	ssyncadd.s32 $0xFFFFFFFF  }
0x96: {  	s16 =	sld [smem:$0x10];
	(tm) =	ssettm $0x1  }
0x97: {  	s17 =	sld [smem:$0x3FFB];
	_ =	sdelay $0x3  }
0x98: {  	_ =	strace s17  }
0x99: {  	s3 =	sld [smem:$0x3FFC];
	_ =	sdelay $0x3  }
0x9a: {  	_ =	strace s3  }
0x9b: {  	s3 =	sld [smem:$0x3FFD];
	_ =	sdelay $0x3  }
0x9c: {  	_ =	strace s3  }
0x9d: {  	_ =	strace $0x8FFFFFFF  }
0x9e: {  	s18 =	sld [smem:$0x3FDB];
	_ =	sdelay $0x1  }
0x9f: {  	s19 =	simm.s32 $_scs_section_size  }
0xa0: {  	s5 =	simm.s32 $_size__tile_overlayer_lowered;
	s6 =	simm.s32 $_tile_overlayer_lowered  }
0xa1: {  	s22 =	simm.s32 $0x1BFF;
	s21 =	sshll.u32 s6, $0x1;
	s3 =	sadd.s32 s19, s18  }
0xa2: {  	s7 =	simm.s32 $0x0;
	s20 =	sshll.u32 s5, $0x1;
	s5 =	sadd.s32 s21, s3  }
0xa3: {  	[timem:s7], [sflag:s22] =	dma.local [hbm:s5], s20  }
0xa4: {  	_ =	swait.ge [sflag:s22], s20  }
0xa5: {  	s4 =	ssub.s32 $0x0, s20;
	[sflag:s22] =	ssyncset.done $0x0  }
0xa6: {  	[sflag:s22] =	ssyncadd.s32 s4;
	_ =	sdelay $0x1  }
0xa7: {  	s23 =	simm.s32 $0x1B8B  }
0xa8: {  	_ =	swait.ge [sflag:s23], $0x1  }
0xa9: {  	[sflag:s23] =	ssyncset.done $0x0  }
0xaa: {  	s25 =	simm.s32 $0x1B8E;
	s24 =	sld [smem:$0x3FFE];
	[sflag:s23] =	ssyncadd.s32 $0xFFFFFFFF  }
0xab: {  	s26 =	simm.s32 $execute0_lowered;
	[smem:$0x3FD2] =	sst s25  }
0xac: {  	s5 =	sshll.u32 s26, $0x1;
	_ =	strace $0x8000004F;
	[dreg:$0x1] =	wrdreg $0xFFFFFFFF  }
0xad: {  	s28 =	simm.s32 $_size_execute0_lowered;
	s3 =	sadd.s32 s3, s5;
	[dreg:$0x0] =	wrdreg $0x0  }
0xae: {  	s5 =	sshll.u32 s28, $0x1;
	[dreg:$0x2] =	wrdreg s3  }
0xaf: {  	[dreg:$0x3] =	wrdreg s5  }
0xb0: {  	[dreg:$0x4] =	wrdreg $0xC0  }
0xb1: {  	_ =	task [dreg:s7], $0x5FFFF  }
0xb2: {  	[dreg:$0x1] =	wrdreg $0xFFFFFFFF  }
0xb3: {  	[dreg:$0x0] =	wrdreg $0x60  }
0xb4: {  	[dreg:$0x2] =	wrdreg s16  }
0xb5: {  	[dreg:$0x3] =	wrdreg s24  }
0xb6: {  	[dreg:$0x4] =	wrdreg $0x91000  }
0xb7: {  	[dreg:$0x5] =	wrdreg $0x9  }
0xb8: {  	_ =	task.clear_ibuf [dreg:s7], $0x6FFFF;
	_ =	strace $0x9000004F  }
0xb9: {  	s29 =	simm.s32 $0x9;
	_ =	strace $0x80000051  }
0xba: {  	_ =	swait.ge [sflag:s29], $0x1  }
0xbb: {  	[sflag:s29] =	ssyncadd.s32 $0xFFFFFFFF  }
0xbc: {  	_ =	strace $0x90000051  }
0xbd: {  	_ =	sfence  }
0xbe: {  	s30 =	sld [smem:$0x0];
	_ =	sdelay $0x2  }
0xbf: {  	s31 =	sshll.u32 s1, $0xD;
	s1 =	sshrl.u32 s1, $0x2  }
0xc0: {  	s3 =	sand.u32 $0x4000, s31;
	s1 =	sadd.s32 s1, s30  }
0xc1: {  	s0 =	sor.u32 s3, s0;
	s1 =	sshll.u32 s1, $0x11  }
0xc2: {  	s0 =	sor.u32 s1, s0  }
0xc3: {  	s0 =	sadd.s32 $0x8F2B, s0  }
0xc4: {  	[sflag:s0] =	ssyncadd.remote.s32 $0x1  }
0xc5: {  	_ =	sfence.sel $0xFFFF  }
0xc6: {  	[dreg:$0x0] =	wrdreg $0xFFFFFFFF;
	(pc) =	sbr.abs _section_cstart, $3  }
0xc7: {  	[dreg:$0x1] =	wrdreg $0xFFFFFFFF  }
0xc8: {  	_ =	task.clear_ibuf [dreg:s7], $0x2FFFF;
	_ =	strace $0x9FFFFFFF  }
0xc9: {  	(tm) =	ssettm $0x7FFFFFFF  }
tec
execute0_lowered:
.L_overlay_start_1:
0x0: {  	(tag) =	ssettag $0x1  }
0x1: {  	s1 =	rddreg [dreg:$0x0]  }
0x2: {  	s0 =	rddreg [dreg:$0x1]  }
0x3: {  	s2 =	srdreg.scid;
	s10 =	stileid.u32  }
0x4: {  	s3 =	rddreg [dreg:$0x2];
	s4 =	simm.s32 $0x0;
	s28 =	simm.s32 $0x4  }
0x5: {  	s29 =	simm.s32 $0x1;
	s30 =	simm.s32 $0x3;
	s31 =	simm.s32 $0x2  }
0x6: {  	s2 =	sand.u32 $0x1, s2;
	s5 =	smul.u32 $0x280, s10;
	[smem:$0x7FF] =	sst s4  }
0x7: {  	s19 =	sshll.u32 s10, $0xE;
	s6 =	smul.u32 $0x2710, s2;
	_ =	strace $0x80000050  }
0x8: {  	s8 =	ssub.s32 $0x2, s2;
	s2 =	sshll.u32 s2, $0x12;
	s7 =	smin.u32 s5, $0x2490  }
0x9: {  	s5 =	sadd.s32 $0x2E00, s0;
	s9 =	sshrl.u32 s8, $0x1;
	s6 =	sadd.s32 s6, s7  }
0xa: {  	s18 =	sshll.u32 s7, $0x7;
	s9 =	ssub.s32 s8, s9;
	s6 =	sshll.u32 s6, $0x4  }
0xb: {  	s8 =	sor.u32 s19, s2;
	s0 =	sadd.s32 s6, s0;
	s6 =	sadd.s32 s18, s3  }
0xc: {  	s23 =	sshrl.u32 s8, $0x3;
	s19 =	smax.u32 s9, $0x1;
	s20 =	sadd.s32 $0x2800, s6  }
0xd: {  	s13 =	sadd.s32 s5, s23;
	s21 =	sadd.s32 $0x5000, s6;
	[dreg:$0x4] =	wrdreg s20  }
0xe: {  	s23 =	simm.s32 $0x4000;
	s22 =	sadd.s32 $0x7800, s6;
	[dreg:$0x5] =	wrdreg s21  }
0xf: {  	s24 =	sadd.s32 $0xA000, s6;
	s25 =	sadd.s32 $0xC800, s6;
	[dreg:$0x6] =	wrdreg s22  }
0x10: {  	s26 =	sadd.s32 $0xF000, s6;
	s15 =	sadd.s32 $0x11800, s6;
	[dreg:$0x7] =	wrdreg s24  }
0x11: {  	s16 =	sadd.s32 $0x10000, s13;
	s17 =	sadd.s32 $0x10, s13;
	[dreg:$0x8] =	wrdreg s25  }
0x12: {  	s18 =	sadd.s32 $0x22E00, s0;
	s0 =	simm.s32 $0x0;
	[dreg:$0x9] =	wrdreg s26  }
0x13: {  	s20 =	sadd.s32 $0x7C0, s13;
	s21 =	simm.s32 $0x6900;
	s22 =	simm.s32 $0x5  }
0x14: {  	v0 =	vimm.f32 $0.0e+00;
	s24 =	simm.s32 $0x4080;
	s25 =	simm.s32 $0x50;
	s26 =	simm.s32 $0x4100  }
.LBB2_1:
0x15: {  	s2 =	simm.s32 $0x0;
	s7 =	simm.s32 $0x200  }
.LBB2_2:
0x16: {  	p0 =	sne.s32 s7, $0x9E00;
	[tilespmem:s2+$0x6970] =	vst v0  }
0x17: {  	[tilespmem:s2+$0x6900] =	vst v0  }
0x18: {  	[tilespmem:s2+$0x6910] =	vst v0  }
.Ltmp0:
0x19: {  	[tilespmem:s2+$0x6920] =	vst v0;
	(pc) =	sbr.rel @p0 .LBB2_2-.Ltmp0, $4  }
0x1a: {  	[tilespmem:s2+$0x6930] =	vst v0  }
0x1b: {  	[tilespmem:s2+$0x6940] =	vst v0  }
0x1c: {  	[tilespmem:s2+$0x6950] =	vst v0  }
0x1d: {  	[tilespmem:s2+$0x6960] =	vst v0;
	s2 =	sshra.s32 s7, $0x2;
	s7 =	sadd.s32 $0x200, s7  }
0x1e: {  	[tilespmem:s2+$0x6970] =	vst v0  }
0x1f: {  	[tilespmem:s2+$0x6900] =	vst v0  }
0x20: {  	[tilespmem:s2+$0x6910] =	vst v0  }
0x21: {  	[tilespmem:s2+$0x6920] =	vst v0  }
0x22: {  	[tilespmem:s2+$0x6930] =	vst v0  }
0x23: {  	[tilespmem:s2+$0x6940] =	vst v0  }
0x24: {  	[tilespmem:s2+$0x6950] =	vst v0  }
0x25: {  	[tilespmem:s2+$0x6960] =	vst v0  }
0x26: {  	[spmem:s6] =	stream.linear.scatter [tilespmem:s21], [sflag:$0x4], $0x2800, $0x38;
	[tilespmem:$0x1C980] =	vst v63  }
0x27: {  	s9 =	rddreg [dreg:$0x4]  }
0x28: {  	[spmem:s9] =	stream.linear.scatter [tilespmem:s21], [sflag:$0x4], $0x2800, $0x38;
	[tilespmem:$0x1C980] =	vst v63  }
0x29: {  	s10 =	rddreg [dreg:$0x5]  }
0x2a: {  	[spmem:s10] =	stream.linear.scatter [tilespmem:s21], [sflag:$0x4], $0x2800, $0x38;
	[tilespmem:$0x1C980] =	vst v63  }
0x2b: {  	s11 =	rddreg [dreg:$0x6]  }
0x2c: {  	[spmem:s11] =	stream.linear.scatter [tilespmem:s21], [sflag:$0x4], $0x2800, $0x38;
	[tilespmem:$0x1C980] =	vst v63  }
0x2d: {  	s12 =	rddreg [dreg:$0x7]  }
0x2e: {  	[spmem:s12] =	stream.linear.scatter [tilespmem:s21], [sflag:$0x4], $0x2800, $0x38;
	[tilespmem:$0x1C980] =	vst v63  }
0x2f: {  	s14 =	rddreg [dreg:$0x8]  }
0x30: {  	[spmem:s14] =	stream.linear.scatter [tilespmem:s21], [sflag:$0x4], $0x2800, $0x38;
	[tilespmem:$0x1C980] =	vst v63  }
0x31: {  	s7 =	rddreg [dreg:$0x9]  }
0x32: {  	[spmem:s7] =	stream.linear.scatter [tilespmem:s21], [sflag:$0x4], $0x2800, $0x38;
	[tilespmem:$0x1C980] =	vst v63  }
0x33: {  	_ = 	snop  }
0x34: {  	[spmem:s15] =	stream.linear.scatter [tilespmem:s21], [sflag:$0x4], $0x2800, $0x38;
	[tilespmem:$0x1C980] =	vst v63  }
0x35: {  	_ = 	snop  }
0x36: {  	[tilespmem:s4], [sflag:$0x5] =	stream.linear.gather [hbm4b:s16+s4], $0x3E80, $0x38;
	[tilespmem:$0x1C980] =	vst v63  }
0x37: {  	_ =	swait.ge [sflag:s22], $0x3E80  }
0x38: {  	[sflag:s22] =	ssyncset.done $0x0  }
0x39: {  	[sflag:s22] =	ssyncadd.s32 $0xFFFFC180  }
0x3a: {  	[tilespmem:s23], [sflag:$0x5] =	stream.linear.gather [hbm4b:s13+s4], $0x80, $0x38;
	[tilespmem:$0x1C980] =	vst v63  }
0x3b: {  	_ =	swait.ge [sflag:s22], $0x80  }
0x3c: {  	[sflag:s22] =	ssyncset.done $0x0  }
0x3d: {  	[sflag:s22] =	ssyncadd.s32 $0xFFFFFF80  }
0x3e: {  	[tilespmem:s24], [sflag:$0x5] =	stream.linear.gather [hbm4b:s17+s4], $0x80, $0x38;
	[tilespmem:$0x1C980] =	vst v63  }
0x3f: {  	_ =	swait.ge [sflag:s22], $0x80  }
0x40: {  	[sflag:s22] =	ssyncset.done $0x0  }
0x41: {  	[sflag:s22] =	ssyncadd.s32 $0xFFFFFF80  }
0x42: {  	[tilespmem:s26], [sflag:$0x1] =	stream.indirect.gather [hbm4b:s1+s25], $0x80, s23, s25, $0xb8;
	[tilespmem:$0x1C980] =	vst v63  }
0x43: {  	_ =	swait.ge [sflag:s28], $0x2800  }
0x44: {  	[sflag:s28] =	ssyncset.done $0x0  }
0x45: {  	[sflag:s28] =	ssyncadd.s32 $0xFFFFD800  }
0x46: {  	_ =	swait.ge [sflag:s28], $0x2800  }
0x47: {  	[sflag:s28] =	ssyncset.done $0x0  }
0x48: {  	[sflag:s28] =	ssyncadd.s32 $0xFFFFD800  }
0x49: {  	_ =	swait.ge [sflag:s28], $0x2800  }
0x4a: {  	[sflag:s28] =	ssyncset.done $0x0  }
0x4b: {  	[sflag:s28] =	ssyncadd.s32 $0xFFFFD800  }
0x4c: {  	_ =	swait.ge [sflag:s28], $0x2800  }
0x4d: {  	[sflag:s28] =	ssyncset.done $0x0  }
0x4e: {  	[sflag:s28] =	ssyncadd.s32 $0xFFFFD800  }
0x4f: {  	_ =	swait.ge [sflag:s28], $0x2800  }
0x50: {  	[sflag:s28] =	ssyncset.done $0x0  }
0x51: {  	[sflag:s28] =	ssyncadd.s32 $0xFFFFD800  }
0x52: {  	_ =	swait.ge [sflag:s28], $0x2800  }
0x53: {  	[sflag:s28] =	ssyncset.done $0x0  }
0x54: {  	[sflag:s28] =	ssyncadd.s32 $0xFFFFD800  }
0x55: {  	_ =	swait.ge [sflag:s28], $0x2800  }
0x56: {  	[sflag:s28] =	ssyncset.done $0x0  }
0x57: {  	[sflag:s28] =	ssyncadd.s32 $0xFFFFD800  }
0x58: {  	_ =	swait.ge [sflag:s28], $0x2800  }
0x59: {  	s9 =	simm.s32 $0x100;
	[sflag:s28] =	ssyncset.done $0x0  }
0x5a: {  	s7 =	sand.u32 $0x7C00, s9;
	[sflag:s28] =	ssyncadd.s32 $0xFFFFD800  }
0x5b: {  	[tilespmem:s21], [sflag:$0x2] =	stream.indirect.gather [hbm4b:s1+s25], $0x80, s24, s25, $0xb8;
	[tilespmem:$0x1C980] =	vst v63  }
0x5c: {  	s2 =	sand.u32 $0x300, s9;
	s7 =	sadd.s32 s8, s7;
	[bflag:$0x0] =	sbarrier.arrive $0xFFFF  }
0x5d: {  	s2 =	sor.u32 s2, s7;
	_ =	swait.ge [sflag:s29], $0x2800  }
0x5e: {  	s2 =	sshrl.u32 s2, $0x3;
	[sflag:s29] =	ssyncset.done $0x0  }
0x5f: {  	s2 =	sadd.s32 s5, s2;
	[sflag:s29] =	ssyncadd.s32 $0xFFFFD800  }
0x60: {  	[tilespmem:s23], [sflag:$0x3] =	stream.linear.gather [hbm4b:s2+s4], $0x80, $0x38;
	[tilespmem:$0x1C980] =	vst v63  }
0x61: {  	s10 =	simm.s32 $0x0  }
0x62: {  	[spmem:s3] =	stream.indirect.scatter.add.f32 [tilespmem:s26], [sflag:$0x5], $0x80, s10, s25, $0xb8;
	[tilespmem:$0x1C980] =	vst v63  }
0x63: {  	_ =	swait.ge [sflag:s22], $0x2800  }
0x64: {  	[sflag:s22] =	ssyncset.done $0x0  }
0x65: {  	[sflag:s22] =	ssyncadd.s32 $0xFFFFD800  }
0x66: {  	s11 =	simm.s32 $0x180;
	_ =	swait.ge [sflag:s30], $0x80  }
0x67: {  	s12 =	sand.u32 $0x7C00, s11;
	[sflag:s30] =	ssyncset.done $0x0  }
0x68: {  	s7 =	sadd.s32 s8, s12;
	s2 =	sand.u32 $0x380, s11;
	[sflag:s30] =	ssyncadd.s32 $0xFFFFFF80  }
0x69: {  	[tilespmem:s26], [sflag:$0x1] =	stream.indirect.gather [hbm4b:s1+s25], $0x80, s23, s25, $0xb8;
	[tilespmem:$0x1C980] =	vst v63  }
0x6a: {  	s2 =	sor.u32 s2, s7;
	_ =	swait.ge [sflag:s31], $0x2800  }
0x6b: {  	s2 =	sshrl.u32 s2, $0x3;
	[sflag:s31] =	ssyncset.done $0x0  }
0x6c: {  	s2 =	sadd.s32 s5, s2;
	[sflag:s31] =	ssyncadd.s32 $0xFFFFD800  }
0x6d: {  	[tilespmem:s24], [sflag:$0x4] =	stream.linear.gather [hbm4b:s2+s4], $0x80, $0x38;
	[tilespmem:$0x1C980] =	vst v63  }
0x6e: {  	s14 =	simm.s32 $0x80  }
0x6f: {  	[spmem:s3] =	stream.indirect.scatter.add.f32 [tilespmem:s21], [sflag:$0x5], $0x80, s14, s25, $0xb8;
	[tilespmem:$0x1C980] =	vst v63  }
0x70: {  	s9 =	simm.s32 $0x380;
	s7 =	simm.s32 $0x280;
	_ =	swait.ge [sflag:s22], $0x2800  }
0x71: {  	s10 =	simm.s32 $0x200;
	s2 =	simm.s32 $0x180;
	[sflag:s22] =	ssyncset.done $0x0  }
.LBB2_4:
0x72: {  	s12 =	sand.u32 $0x7C00, s10  }
0x73: {  	[sflag:s22] =	ssyncadd.s32 $0xFFFFD800;
	s14 =	smov.u32 s9;
	s11 =	sadd.s32 $0x100, s9  }
0x74: {  	s10 =	sand.u32 $0x300, s10;
	s12 =	sadd.s32 s8, s12;
	_ =	swait.ge [sflag:s28], $0x80  }
0x75: {  	p0 =	sne.s32 s9, $0x3D80;
	s9 =	sor.u32 s10, s12;
	[sflag:s28] =	ssyncset.done $0x0  }
0x76: {  	s9 =	sshrl.u32 s9, $0x3;
	[sflag:s28] =	ssyncadd.s32 $0xFFFFFF80  }
0x77: {  	[tilespmem:s21], [sflag:$0x2] =	stream.indirect.gather [hbm4b:s1+s25], $0x80, s24, s25, $0xb8;
	[tilespmem:$0x1C980] =	vst v63  }
0x78: {  	_ =	swait.ge [sflag:s29], $0x2800  }
0x79: {  	[sflag:s29] =	ssyncset.done $0x0  }
0x7a: {  	s9 =	sadd.s32 s5, s9;
	[sflag:s29] =	ssyncadd.s32 $0xFFFFD800  }
0x7b: {  	[tilespmem:s23], [sflag:$0x3] =	stream.linear.gather [hbm4b:s9+s4], $0x80, $0x38;
	[tilespmem:$0x1C980] =	vst v63  }
0x7c: {  	s9 =	sadd.s32 $0xFFFFFF80, s2  }
0x7d: {  	[spmem:s3] =	stream.indirect.scatter.add.f32 [tilespmem:s26], [sflag:$0x5], $0x80, s9, s25, $0xb8;
	[tilespmem:$0x1C980] =	vst v63  }
0x7e: {  	_ =	swait.ge [sflag:s22], $0x2800  }
0x7f: {  	[sflag:s22] =	ssyncset.done $0x0  }
0x80: {  	[sflag:s22] =	ssyncadd.s32 $0xFFFFD800  }
0x81: {  	_ =	swait.ge [sflag:s30], $0x80  }
0x82: {  	[sflag:s30] =	ssyncset.done $0x0  }
0x83: {  	s9 =	sand.u32 $0x7C00, s7;
	[sflag:s30] =	ssyncadd.s32 $0xFFFFFF80  }
0x84: {  	[tilespmem:s26], [sflag:$0x1] =	stream.indirect.gather [hbm4b:s1+s25], $0x80, s23, s25, $0xb8;
	[tilespmem:$0x1C980] =	vst v63  }
0x85: {  	s10 =	sand.u32 $0x380, s7;
	s7 =	smov.u32 s14;
	s9 =	sadd.s32 s8, s9  }
0x86: {  	s9 =	sor.u32 s10, s9;
	_ =	swait.ge [sflag:s31], $0x2800  }
0x87: {  	s9 =	sshrl.u32 s9, $0x3;
	[sflag:s31] =	ssyncset.done $0x0  }
0x88: {  	s9 =	sadd.s32 s5, s9;
	[sflag:s31] =	ssyncadd.s32 $0xFFFFD800  }
0x89: {  	[tilespmem:s24], [sflag:$0x4] =	stream.linear.gather [hbm4b:s9+s4], $0x80, $0x38;
	[tilespmem:$0x1C980] =	vst v63  }
.Ltmp1:
0x8a: {  	_ = 	snop;
	(pc) =	sbr.rel @p0 .LBB2_4-.Ltmp1, $4  }
0x8b: {  	_ = 	snop  }
0x8c: {  	[spmem:s3] =	stream.indirect.scatter.add.f32 [tilespmem:s21], [sflag:$0x5], $0x80, s2, s25, $0xb8;
	[tilespmem:$0x1C980] =	vst v63  }
0x8d: {  	s10 =	sadd.s32 $0xFFFFFF80, s7;
	_ =	swait.ge [sflag:s22], $0x2800  }
0x8e: {  	s9 =	smov.u32 s11;
	s2 =	sadd.s32 $0x100, s2;
	[sflag:s22] =	ssyncset.done $0x0  }
0x8f: {  	[sflag:s22] =	ssyncadd.s32 $0xFFFFD800  }
0x90: {  	_ =	swait.ge [sflag:s28], $0x80  }
0x91: {  	s9 =	sand.u32 $0x7C00, s10;
	[sflag:s28] =	ssyncset.done $0x0  }
0x92: {  	s14 =	sand.u32 $0x300, s10;
	s9 =	sadd.s32 s8, s9;
	[sflag:s28] =	ssyncadd.s32 $0xFFFFFF80  }
0x93: {  	[tilespmem:s21], [sflag:$0x2] =	stream.indirect.gather [hbm4b:s1+s25], $0x80, s24, s25, $0xb8;
	[tilespmem:$0x1C980] =	vst v63  }
0x94: {  	s9 =	sor.u32 s14, s9;
	_ =	swait.ge [sflag:s29], $0x2800  }
0x95: {  	s9 =	sshrl.u32 s9, $0x3;
	[sflag:s29] =	ssyncset.done $0x0  }
0x96: {  	s9 =	sadd.s32 s5, s9;
	[sflag:s29] =	ssyncadd.s32 $0xFFFFD800  }
0x97: {  	[tilespmem:s23], [sflag:$0x3] =	stream.linear.gather [hbm4b:s9+s4], $0x80, $0x38;
	[tilespmem:$0x1C980] =	vst v63  }
0x98: {  	s11 =	sadd.s32 $0xFFFFFF80, s2  }
0x99: {  	[spmem:s3] =	stream.indirect.scatter.add.f32 [tilespmem:s26], [sflag:$0x5], $0x80, s11, s25, $0xb8;
	[tilespmem:$0x1C980] =	vst v63  }
0x9a: {  	_ =	swait.ge [sflag:s22], $0x2800  }
0x9b: {  	[sflag:s22] =	ssyncset.done $0x0  }
0x9c: {  	[sflag:s22] =	ssyncadd.s32 $0xFFFFD800  }
0x9d: {  	_ =	swait.ge [sflag:s30], $0x80  }
0x9e: {  	s12 =	sand.u32 $0x7C00, s7;
	[sflag:s30] =	ssyncset.done $0x0  }
0x9f: {  	s14 =	sand.u32 $0x380, s7;
	s9 =	sadd.s32 s8, s12;
	[sflag:s30] =	ssyncadd.s32 $0xFFFFFF80  }
0xa0: {  	[tilespmem:s26], [sflag:$0x1] =	stream.indirect.gather [hbm4b:s1+s25], $0x80, s23, s25, $0xb8;
	[tilespmem:$0x1C980] =	vst v63  }
0xa1: {  	s7 =	sor.u32 s14, s9;
	_ =	swait.ge [sflag:s31], $0x2800  }
0xa2: {  	s7 =	sshrl.u32 s7, $0x3;
	[sflag:s31] =	ssyncset.done $0x0  }
0xa3: {  	s7 =	sadd.s32 s5, s7;
	[sflag:s31] =	ssyncadd.s32 $0xFFFFD800  }
0xa4: {  	[tilespmem:s24], [sflag:$0x4] =	stream.linear.gather [hbm4b:s7+s4], $0x80, $0x38;
	[tilespmem:$0x1C980] =	vst v63  }
0xa5: {  	_ = 	snop  }
0xa6: {  	[spmem:s3] =	stream.indirect.scatter.add.f32 [tilespmem:s21], [sflag:$0x5], $0x80, s2, s25, $0xb8;
	[tilespmem:$0x1C980] =	vst v63  }
0xa7: {  	_ =	swait.ge [sflag:s22], $0x2800  }
0xa8: {  	[sflag:s22] =	ssyncset.done $0x0  }
0xa9: {  	[sflag:s22] =	ssyncadd.s32 $0xFFFFD800  }
0xaa: {  	_ =	swait.ge [sflag:s28], $0x80  }
0xab: {  	[sflag:s28] =	ssyncset.done $0x0  }
0xac: {  	[sflag:s28] =	ssyncadd.s32 $0xFFFFFF80  }
0xad: {  	[tilespmem:s21], [sflag:$0x2] =	stream.indirect.gather [hbm4b:s1+s25], $0x80, s24, s25, $0xb8;
	[tilespmem:$0x1C980] =	vst v63  }
0xae: {  	_ =	swait.ge [sflag:s29], $0x2800  }
0xaf: {  	[sflag:s29] =	ssyncset.done $0x0  }
0xb0: {  	[sflag:s29] =	ssyncadd.s32 $0xFFFFD800  }
0xb1: {  	[tilespmem:s23], [sflag:$0x3] =	stream.linear.gather [hbm4b:s20+s4], $0x80, $0x38;
	[tilespmem:$0x1C980] =	vst v63  }
0xb2: {  	s9 =	simm.s32 $0x3D00  }
0xb3: {  	[spmem:s3] =	stream.indirect.scatter.add.f32 [tilespmem:s26], [sflag:$0x5], $0x80, s9, s25, $0xb8;
	[tilespmem:$0x1C980] =	vst v63  }
0xb4: {  	_ =	swait.ge [sflag:s22], $0x2800  }
0xb5: {  	[sflag:s22] =	ssyncset.done $0x0  }
0xb6: {  	[sflag:s22] =	ssyncadd.s32 $0xFFFFD800  }
0xb7: {  	_ =	swait.ge [sflag:s30], $0x80  }
0xb8: {  	[sflag:s30] =	ssyncset.done $0x0  }
0xb9: {  	[sflag:s30] =	ssyncadd.s32 $0xFFFFFF80  }
0xba: {  	[tilespmem:s26], [sflag:$0x1] =	stream.indirect.gather [hbm4b:s1+s25], $0x80, s23, s25, $0xb8;
	[tilespmem:$0x1C980] =	vst v63  }
0xbb: {  	_ =	swait.ge [sflag:s31], $0x2800  }
0xbc: {  	[sflag:s31] =	ssyncset.done $0x0  }
0xbd: {  	s10 =	simm.s32 $0x3D80;
	[sflag:s31] =	ssyncadd.s32 $0xFFFFD800  }
0xbe: {  	[spmem:s3] =	stream.indirect.scatter.add.f32 [tilespmem:s21], [sflag:$0x5], $0x80, s10, s25, $0xb8;
	[tilespmem:$0x1C980] =	vst v63  }
0xbf: {  	_ =	swait.ge [sflag:s22], $0x2800  }
0xc0: {  	[sflag:s22] =	ssyncset.done $0x0  }
0xc1: {  	[sflag:s22] =	ssyncadd.s32 $0xFFFFD800  }
0xc2: {  	_ =	swait.ge [sflag:s29], $0x2800  }
0xc3: {  	[sflag:s29] =	ssyncset.done $0x0  }
0xc4: {  	s11 =	simm.s32 $0x3E00;
	[sflag:s29] =	ssyncadd.s32 $0xFFFFD800  }
0xc5: {  	[spmem:s3] =	stream.indirect.scatter.add.f32 [tilespmem:s26], [sflag:$0x5], $0x80, s11, s25, $0xb8;
	[tilespmem:$0x1C980] =	vst v63  }
0xc6: {  	s0 =	sadd.s32 $0x1, s0;
	_ =	swait.ge [sflag:s22], $0x2800  }
0xc7: {  	p0 =	sne.s32 s0, s19;
	s12 =	stileid.u32;
	[sflag:s22] =	ssyncset.done $0x0  }
0xc8: {  	s14 =	sshrl.u32 s6, $0x3;
	s2 =	sshll.u32 s12, $0x6;
	[sflag:s22] =	ssyncadd.s32 $0xFFFFD800  }
.Ltmp2:
0xc9: {  	s2 =	sor.u32 $0x1C05, s2;
	[bflag:$0x0] =	sbarrier.arrive $0xFFFF;
	(pc) =	sbr.rel @p0 .LBB2_1-.Ltmp2, $4  }
0xca: {  	[hbm:s18], [sflag:s2] =	dma.local [spmem:s14], $0x2800  }
0xcb: {  	_ =	swait.ge [sflag:s22], $0x2800  }
0xcc: {  	[sflag:s22] =	ssyncset.done $0x0  }
0xcd: {  	[sflag:s22] =	ssyncadd.s32 $0xFFFFD800  }
0xce: {  	_ =	sfence.sel $0x180000  }
0xcf: {  	[bflag:$0x0] =	sbarrier.arrive $0xFFFF  }
0xd0: {  	_ =	strace $0x90000050  }
0xd1: {  	s0 =	stileid.u32;
	[bflag:$0x2] =	sbarrier.arrive $0xFFFF  }
0xd2: {  	p0 =	sne.s32 s0, $0x0;
	s0 =	rddreg [dreg:$0x3]  }
0xd3: {  	s0 =	sadd.s32 @!p0 $0x100000, s0  }
0xd4: {  	[sflag:s0] =	ssyncadd.tile.s32 @!p0 $0x1;
	_ =	shalt  }
.Lfunc_end2:
_tile_overlayer_lowered:
.L_overlay_start_2:
0xd5: {  	(tag) =	ssettag $0x2  }
0xd6: {  	s0 =	rddreg [dreg:$0x0];
	s2 =	stileid.u32  }
0xd7: {  	s1 =	rddreg [dreg:$0x1];
	p0 =	sne.s32 s2, $0x0  }
0xd8: {  	s3 =	rddreg [dreg:$0x2];
	[bflag:$0x3] =	sbarrier.arrive $0xFFFF;
	s2 =	simm.s32 @!p0 $0x1C05  }
0xd9: {  	[timem:s3], [sflag:s2] =	dma.local @!p0 [hbm:s0], s1  }
0xda: {  	s0 =	simm.s32 @!p0 $0x5  }
0xdb: {  	_ =	swait.ge @!p0 [sflag:s0], s1  }
0xdc: {  	s1 =	ssub.s32 @!p0 $0x0, s1;
	[sflag:s0] =	ssyncset.done @!p0 $0x0  }
0xdd: {  	[sflag:s0] =	ssyncadd.s32 @!p0 s1  }
0xde: {  	[bflag:$0x3] =	sbarrier.arrive $0xFFFF  }
0xdf: {  	_ =	shalt  }

// kernel: kernel.25.cloned.1.call-start
scs
__scs_entry_jumppad:
0x0: {  	(pc) =	sbr.rel $0x88, $3  }
0x1: {  	(tag) =	ssettag $0x0;
	lr =	simm.s32 $0x1  }
0x2: {  	[smem:$0x3F9B] =	sst lr;
	_ =	strace $0xD0000000  }
0x3: {  	_ = 	snop  }
0x4: {  	_ = 	snop  }
0x5: {  	_ = 	snop  }
0x6: {  	_ = 	snop  }
0x7: {  	_ = 	snop  }
__scs_overlays_trampoline_lowered:
0x8: {  	[smem:$0x3FAA] =	sst s0  }
0x9: {  	[smem:$0x3FAB] =	sst s1  }
0xa: {  	[smem:$0x3FAC] =	sst s2  }
0xb: {  	[smem:$0x3FAD] =	sst s3  }
0xc: {  	[smem:$0x3FAE] =	sst s4  }
0xd: {  	[smem:$0x3FAF] =	sst s5  }
0xe: {  	[smem:$0x3FB0] =	sst s6  }
0xf: {  	[smem:$0x3FB1] =	sst s7  }
0x10: {  	[smem:$0x3FB2] =	sst s8  }
0x11: {  	[smem:$0x3FB3] =	sst s9;
	s0 =	simm.s32 @!p0 $0x0  }
0x12: {  	s1 =	sld [smem:$0x3F99];
	s0 =	simm.s32 @p0 $0x1  }
0x13: {  	[smem:$0x3FB4] =	sst s0;
	s0 =	simm.s32 @!p1 $0x0  }
0x14: {  	s2 =	sld [smem:$0x3F98];
	s0 =	simm.s32 @p1 $0x1  }
0x15: {  	[smem:$0x3FB5] =	sst s0;
	s0 =	simm.s32 @!p2 $0x0  }
0x16: {  	s3 =	sld [smem:$0x3FDB];
	s0 =	simm.s32 @p2 $0x1  }
0x17: {  	s4 =	simm.s32 $0x1BF5;
	[smem:$0x3FB7] =	sst s0  }
0x18: {  	s0 =	sld [smem:$0x3F9A];
	_ =	swait.ge [sflag:s4], $0x0  }
0x19: {  	s7 =	sld [smem:$0x3F9B]  }
0x1a: {  	s8 =	sadd.s32 $0xFFFFE003, lr  }
0x1b: {  	s9 =	sadd.s32 $0xFFFFFEF7, lr;
	s5 =	simm.s32 $0xFFFFFFFF;
	p2 =	slt.u32 s8, $0xFFFFF086  }
0x1c: {  	p1 =	slt.u32 s9, $0xF7A;
	s5 =	simm.s32 @!p2 $0x0  }
0x1d: {  	s5 =	simm.s32 @p1 $0x1;
	p0 =	seq.s32 s7, s2  }
0x1e: {  	s7 =	smul.u32 @!p0 $0xF7A, s2;
	p2 =	seq.s32 @!p0 s5, $0x0  }
0x1f: {  	s9 =	smul.u32 $0xF7A, s1;
	s8 =	simm.s32 @!p0 $0x1BF5;
	p2 =	por !p2, p0  }
0x20: {  	[sflag:s8] =	ssyncset.s32 @!p0 $0xFFFFF086;
	s6 =	sadd.s32 @!p0 s3, s7;
	s7 =	simm.s32 @!p0 $0x108  }
0x21: {  	s3 =	sadd.s32 s3, s9;
	s6 =	sadd.s32 @!p0 $0x88, s6;
	s7 =	simm.s32 @p2 $0x1082  }
0x22: {  	[simem:s7], [sflag:s8] =	dma.local @!p0 [hbm:s6], $0xF7A  }
0x23: {  	s9 =	sor.u32 $0xD0000000, s2;
	s6 =	simm.s32 $0x108;
	_ =	swait.ge @!p0 [sflag:s8], $0x0  }
0x24: {  	s3 =	sadd.s32 $0x88, s3;
	s6 =	simm.s32 @!p1 $0x1082;
	[sflag:s4] =	ssyncset.s32 $0xFFFFF086  }
0x25: {  	[simem:s6], [sflag:s4] =	dma.local [hbm:s3], $0xF7A  }
0x26: {  	[smem:$0x3F9B] =	sst s1;
	(tag) =	ssettag s2;
	_ =	strace s9  }
0x27: {  	s1 =	sld [smem:$0x3FAB]  }
0x28: {  	s2 =	sld [smem:$0x3FAC]  }
0x29: {  	s4 =	sld [smem:$0x3FAE]  }
0x2a: {  	p0 =	seq.s32 s5, $0x0;
	s5 =	sld [smem:$0x3FAF]  }
0x2b: {  	s6 =	sld [smem:$0x3FB0]  }
0x2c: {  	s7 =	sld [smem:$0x3FB1]  }
0x2d: {  	s3 =	simm.s32 $0x108;
	s8 =	sld [smem:$0x3FB2]  }
0x2e: {  	s3 =	simm.s32 @!p0 $0x1082;
	s9 =	sld [smem:$0x3FB3]  }
0x2f: {  	lr =	sadd.s32 s0, s3;
	s0 =	sld [smem:$0x3FAA]  }
0x30: {  	s3 =	sld [smem:$0x3FAD]  }
0x31: {  	[smem:$0x3FB6] =	sst s10  }
0x32: {  	s10 =	sld [smem:$0x3FB4];
	_ =	sdelay $0x3  }
0x33: {  	p0 =	seq.s32 s10, $0x1;
	s10 =	sld [smem:$0x3FB6];
	_ =	sdelay $0x3  }
0x34: {  	[smem:$0x3FB6] =	sst s10  }
0x35: {  	s10 =	sld [smem:$0x3FB5];
	_ =	sdelay $0x3  }
0x36: {  	p1 =	seq.s32 s10, $0x1;
	s10 =	sld [smem:$0x3FB6];
	_ =	sdelay $0x3  }
0x37: {  	[smem:$0x3FB6] =	sst s10  }
0x38: {  	s10 =	sld [smem:$0x3FB7]  }
0x39: {  	_ = 	snop;
	(pc) =	sbr.ind lr, $3  }
0x3a: {  	_ = 	snop  }
0x3b: {  	_ = 	snop  }
0x3c: {  	p2 =	seq.s32 s10, $0x1;
	s10 =	sld [smem:$0x3FB6]  }
0x3d: {  	_ =	shalt  }
0x3e: {  	_ =	shalt  }
0x3f: {  	_ =	shalt  }
0x40: {  	_ =	shalt  }
0x41: {  	_ =	shalt  }
0x42: {  	_ =	shalt  }
0x43: {  	_ =	shalt  }
0x44: {  	_ =	shalt  }
0x45: {  	_ =	shalt  }
0x46: {  	_ =	shalt  }
0x47: {  	_ =	shalt  }
0x48: {  	_ =	shalt  }
0x49: {  	_ =	shalt  }
0x4a: {  	_ =	shalt  }
0x4b: {  	_ =	shalt  }
0x4c: {  	_ =	shalt  }
0x4d: {  	_ =	shalt  }
0x4e: {  	_ =	shalt  }
0x4f: {  	_ =	shalt  }
0x50: {  	_ =	shalt  }
0x51: {  	_ =	shalt  }
0x52: {  	_ =	shalt  }
0x53: {  	_ =	shalt  }
0x54: {  	_ =	shalt  }
0x55: {  	_ =	shalt  }
0x56: {  	_ =	shalt  }
0x57: {  	_ =	shalt  }
0x58: {  	_ =	shalt  }
0x59: {  	_ =	shalt  }
0x5a: {  	_ =	shalt  }
0x5b: {  	_ =	shalt  }
0x5c: {  	_ =	shalt  }
0x5d: {  	_ =	shalt  }
0x5e: {  	_ =	shalt  }
0x5f: {  	_ =	shalt  }
0x60: {  	_ =	shalt  }
0x61: {  	_ =	shalt  }
0x62: {  	_ =	shalt  }
0x63: {  	_ =	shalt  }
0x64: {  	_ =	shalt  }
0x65: {  	_ =	shalt  }
0x66: {  	_ =	shalt  }
0x67: {  	_ =	shalt  }
0x68: {  	_ =	shalt  }
0x69: {  	_ =	shalt  }
0x6a: {  	_ =	shalt  }
0x6b: {  	_ =	shalt  }
0x6c: {  	_ =	shalt  }
0x6d: {  	_ =	shalt  }
0x6e: {  	_ =	shalt  }
0x6f: {  	_ =	shalt  }
0x70: {  	_ =	shalt  }
0x71: {  	_ =	shalt  }
0x72: {  	_ =	shalt  }
0x73: {  	_ =	shalt  }
0x74: {  	_ =	shalt  }
0x75: {  	_ =	shalt  }
0x76: {  	_ =	shalt  }
0x77: {  	_ =	shalt  }
0x78: {  	_ =	shalt  }
0x79: {  	_ =	shalt  }
0x7a: {  	_ =	shalt  }
0x7b: {  	_ =	shalt  }
0x7c: {  	_ =	shalt  }
0x7d: {  	_ =	shalt  }
0x7e: {  	_ =	shalt  }
0x7f: {  	_ =	shalt  }
0x80: {  	_ =	shalt  }
0x81: {  	_ =	shalt  }
0x82: {  	_ =	shalt  }
0x83: {  	_ =	shalt  }
0x84: {  	_ =	shalt  }
0x85: {  	_ =	shalt  }
0x86: {  	_ =	shalt  }
0x87: {  	_ =	shalt  }
.Lfunc_end0:
.L_simem_size_0:
called_computation.4_lowered:
.L_overlay_start_0:
0x88: {  	s2 =	sld [smem:$0x3FD9]  }
0x89: {  	s3 =	sld [smem:$0x3FFE];
	_ =	sdelay $0x1  }
0x8a: {  	s1 =	srdreg.scid  }
0x8b: {  	s0 =	sand.u32 $0x1, s1  }
0x8c: {  	s14 =	sshll.u32 s0, $0xA;
	s2 =	sadd.s32 s3, s2  }
0x8d: {  	s2 =	sadd.s32 s2, s14  }
0x8e: {  	[smem:$0x3FC2] =	sst s2  }
0x8f: {  	_ = 	snop  }
0x90: {  	s2 =	sld [smem:$0x3FD0];
	_ =	sdelay $0x2  }
0x91: {  	s15 =	simm.s32 $0xB;
	s4 =	simm.s32 $0x10  }
0x92: {  	[smem:s4], [sflag:s15] =	dma.local [hbm:s2], $0x1  }
0x93: {  	_ =	swait.eq [sflag:s15], $0x1  }
0x94: {  	[sflag:s15] =	ssyncset.done $0x0  }
0x95: {  	[sflag:s15] =	ssyncadd.s32 $0xFFFFFFFF  }
0x96: {  	s16 =	sld [smem:$0x11];
	(tm) =	ssettm $0x1  }
0x97: {  	s17 =	sld [smem:$0x3FFB];
	_ =	sdelay $0x3  }
0x98: {  	_ =	strace s17  }
0x99: {  	s3 =	sld [smem:$0x3FFC];
	_ =	sdelay $0x3  }
0x9a: {  	_ =	strace s3  }
0x9b: {  	s3 =	sld [smem:$0x3FFD];
	_ =	sdelay $0x3  }
0x9c: {  	_ =	strace s3  }
0x9d: {  	_ =	strace $0x8FFFFFFF  }
0x9e: {  	s18 =	sld [smem:$0x3FDB];
	_ =	sdelay $0x1  }
0x9f: {  	s19 =	simm.s32 $_scs_section_size  }
0xa0: {  	s5 =	simm.s32 $_size__tile_overlayer_lowered;
	s6 =	simm.s32 $_tile_overlayer_lowered  }
0xa1: {  	s22 =	simm.s32 $0x1BFF;
	s21 =	sshll.u32 s6, $0x1;
	s3 =	sadd.s32 s19, s18  }
0xa2: {  	s7 =	simm.s32 $0x0;
	s20 =	sshll.u32 s5, $0x1;
	s5 =	sadd.s32 s21, s3  }
0xa3: {  	[timem:s7], [sflag:s22] =	dma.local [hbm:s5], s20  }
0xa4: {  	_ =	swait.ge [sflag:s22], s20  }
0xa5: {  	s4 =	ssub.s32 $0x0, s20;
	[sflag:s22] =	ssyncset.done $0x0  }
0xa6: {  	[sflag:s22] =	ssyncadd.s32 s4;
	_ =	sdelay $0x1  }
0xa7: {  	s23 =	simm.s32 $0x1B8B  }
0xa8: {  	_ =	swait.ge [sflag:s23], $0x1  }
0xa9: {  	[sflag:s23] =	ssyncset.done $0x0  }
0xaa: {  	s25 =	simm.s32 $0x1B8E;
	s24 =	sld [smem:$0x3FFE];
	[sflag:s23] =	ssyncadd.s32 $0xFFFFFFFF  }
0xab: {  	s26 =	simm.s32 $execute0_lowered;
	[smem:$0x3FD2] =	sst s25  }
0xac: {  	s5 =	sshll.u32 s26, $0x1;
	_ =	strace $0x80000052;
	[dreg:$0x1] =	wrdreg $0xFFFFFFFF  }
0xad: {  	s28 =	simm.s32 $_size_execute0_lowered;
	s3 =	sadd.s32 s3, s5;
	[dreg:$0x0] =	wrdreg $0x0  }
0xae: {  	s5 =	sshll.u32 s28, $0x1;
	[dreg:$0x2] =	wrdreg s3  }
0xaf: {  	[dreg:$0x3] =	wrdreg s5  }
0xb0: {  	[dreg:$0x4] =	wrdreg $0xC0  }
0xb1: {  	_ =	task [dreg:s7], $0x5FFFF  }
0xb2: {  	[dreg:$0x1] =	wrdreg $0xFFFFFFFF  }
0xb3: {  	[dreg:$0x0] =	wrdreg $0x60  }
0xb4: {  	[dreg:$0x2] =	wrdreg s16  }
0xb5: {  	[dreg:$0x3] =	wrdreg s24  }
0xb6: {  	[dreg:$0x4] =	wrdreg $0x91000  }
0xb7: {  	[dreg:$0x5] =	wrdreg $0x9  }
0xb8: {  	_ =	task.clear_ibuf [dreg:s7], $0x6FFFF;
	_ =	strace $0x90000052  }
0xb9: {  	s29 =	simm.s32 $0x9;
	_ =	strace $0x80000054  }
0xba: {  	_ =	swait.ge [sflag:s29], $0x1  }
0xbb: {  	[sflag:s29] =	ssyncadd.s32 $0xFFFFFFFF  }
0xbc: {  	_ =	strace $0x90000054  }
0xbd: {  	_ =	sfence  }
0xbe: {  	s30 =	sld [smem:$0x0];
	_ =	sdelay $0x2  }
0xbf: {  	s31 =	sshll.u32 s1, $0xD;
	s1 =	sshrl.u32 s1, $0x2  }
0xc0: {  	s3 =	sand.u32 $0x4000, s31;
	s1 =	sadd.s32 s1, s30  }
0xc1: {  	s0 =	sor.u32 s3, s0;
	s1 =	sshll.u32 s1, $0x11  }
0xc2: {  	s0 =	sor.u32 s1, s0  }
0xc3: {  	s0 =	sadd.s32 $0x8F2B, s0  }
0xc4: {  	[sflag:s0] =	ssyncadd.remote.s32 $0x1  }
0xc5: {  	_ =	sfence.sel $0xFFFF  }
0xc6: {  	[dreg:$0x0] =	wrdreg $0xFFFFFFFF;
	(pc) =	sbr.abs _section_cstart, $3  }
0xc7: {  	[dreg:$0x1] =	wrdreg $0xFFFFFFFF  }
0xc8: {  	_ =	task.clear_ibuf [dreg:s7], $0x2FFFF;
	_ =	strace $0x9FFFFFFF  }
0xc9: {  	(tm) =	ssettm $0x7FFFFFFF  }
tec
execute0_lowered:
.L_overlay_start_1:
0x0: {  	(tag) =	ssettag $0x1  }
0x1: {  	s1 =	rddreg [dreg:$0x0]  }
0x2: {  	s0 =	rddreg [dreg:$0x1]  }
0x3: {  	s3 =	rddreg [dreg:$0x2]  }
0x4: {  	s2 =	srdreg.scid;
	s10 =	stileid.u32;
	s4 =	simm.s32 $0x0  }
0x5: {  	s28 =	simm.s32 $0x4;
	s29 =	simm.s32 $0x1;
	s30 =	simm.s32 $0x3  }
0x6: {  	s31 =	simm.s32 $0x2;
	s2 =	sand.u32 $0x1, s2;
	s5 =	smul.u32 $0x280, s10  }
0x7: {  	[smem:$0x7FF] =	sst s4;
	s20 =	sshll.u32 s10, $0xE;
	s6 =	smul.u32 $0x2710, s2  }
0x8: {  	_ =	strace $0x80000053;
	s8 =	ssub.s32 $0x2, s2;
	s2 =	sshll.u32 s2, $0x12  }
0x9: {  	s7 =	smin.u32 s5, $0x2490;
	s5 =	sadd.s32 $0x2E00, s0;
	s9 =	sshrl.u32 s8, $0x1  }
0xa: {  	s2 =	sor.u32 s20, s2;
	s6 =	sadd.s32 s6, s7;
	s7 =	sshll.u32 s7, $0x7  }
0xb: {  	s8 =	ssub.s32 s8, s9;
	s12 =	sor.u32 $0x80000, s2;
	s2 =	sshrl.u32 s2, $0x3  }
0xc: {  	s6 =	sshll.u32 s6, $0x4;
	s26 =	sshrl.u32 s12, $0x3;
	s15 =	sadd.s32 s5, s2  }
0xd: {  	s19 =	smax.u32 s8, $0x1;
	s0 =	sadd.s32 s6, s0;
	s6 =	sadd.s32 s7, s3  }
0xe: {  	s2 =	simm.s32 $0x0;
	s16 =	sadd.s32 s5, s26;
	s7 =	sadd.s32 $0x2800, s6  }
0xf: {  	s17 =	sadd.s32 $0x10010, s15;
	s21 =	sadd.s32 $0x5000, s6;
	[dreg:$0x4] =	wrdreg s7  }
0x10: {  	s20 =	sadd.s32 $0x107C0, s15;
	s22 =	sadd.s32 $0x7800, s6;
	[dreg:$0x5] =	wrdreg s21  }
0x11: {  	s26 =	simm.s32 $0x4100;
	s23 =	sadd.s32 $0xA000, s6;
	[dreg:$0x6] =	wrdreg s22  }
0x12: {  	s24 =	sadd.s32 $0xC800, s6;
	s25 =	sadd.s32 $0xF000, s6;
	[dreg:$0x7] =	wrdreg s23  }
0x13: {  	s14 =	sadd.s32 $0x11800, s6;
	s18 =	sadd.s32 $0x22E00, s0;
	[dreg:$0x8] =	wrdreg s24  }
0x14: {  	[dreg:$0x9] =	wrdreg s25;
	s21 =	simm.s32 $0x6900;
	s22 =	simm.s32 $0x5  }
0x15: {  	v0 =	vimm.f32 $0.0e+00;
	s23 =	simm.s32 $0x4000;
	s24 =	simm.s32 $0x4080;
	s25 =	simm.s32 $0x50  }
.LBB2_1:
0x16: {  	s0 =	simm.s32 $0x0;
	s7 =	simm.s32 $0x200  }
.LBB2_2:
0x17: {  	p0 =	sne.s32 s7, $0x9E00;
	[tilespmem:s0+$0x6970] =	vst v0  }
0x18: {  	[tilespmem:s0+$0x6900] =	vst v0  }
0x19: {  	[tilespmem:s0+$0x6910] =	vst v0  }
.Ltmp0:
0x1a: {  	[tilespmem:s0+$0x6920] =	vst v0;
	(pc) =	sbr.rel @p0 .LBB2_2-.Ltmp0, $4  }
0x1b: {  	[tilespmem:s0+$0x6930] =	vst v0  }
0x1c: {  	[tilespmem:s0+$0x6940] =	vst v0  }
0x1d: {  	[tilespmem:s0+$0x6950] =	vst v0  }
0x1e: {  	[tilespmem:s0+$0x6960] =	vst v0;
	s0 =	sshra.s32 s7, $0x2;
	s7 =	sadd.s32 $0x200, s7  }
0x1f: {  	[tilespmem:s0+$0x6970] =	vst v0  }
0x20: {  	[tilespmem:s0+$0x6900] =	vst v0  }
0x21: {  	[tilespmem:s0+$0x6910] =	vst v0  }
0x22: {  	[tilespmem:s0+$0x6920] =	vst v0  }
0x23: {  	[tilespmem:s0+$0x6930] =	vst v0  }
0x24: {  	[tilespmem:s0+$0x6940] =	vst v0  }
0x25: {  	[tilespmem:s0+$0x6950] =	vst v0  }
0x26: {  	[tilespmem:s0+$0x6960] =	vst v0  }
0x27: {  	[spmem:s6] =	stream.linear.scatter [tilespmem:s21], [sflag:$0x4], $0x2800, $0x38;
	[tilespmem:$0x1C980] =	vst v63  }
0x28: {  	s8 =	rddreg [dreg:$0x4]  }
0x29: {  	[spmem:s8] =	stream.linear.scatter [tilespmem:s21], [sflag:$0x4], $0x2800, $0x38;
	[tilespmem:$0x1C980] =	vst v63  }
0x2a: {  	s9 =	rddreg [dreg:$0x5]  }
0x2b: {  	[spmem:s9] =	stream.linear.scatter [tilespmem:s21], [sflag:$0x4], $0x2800, $0x38;
	[tilespmem:$0x1C980] =	vst v63  }
0x2c: {  	s10 =	rddreg [dreg:$0x6]  }
0x2d: {  	[spmem:s10] =	stream.linear.scatter [tilespmem:s21], [sflag:$0x4], $0x2800, $0x38;
	[tilespmem:$0x1C980] =	vst v63  }
0x2e: {  	s11 =	rddreg [dreg:$0x7]  }
0x2f: {  	[spmem:s11] =	stream.linear.scatter [tilespmem:s21], [sflag:$0x4], $0x2800, $0x38;
	[tilespmem:$0x1C980] =	vst v63  }
0x30: {  	s13 =	rddreg [dreg:$0x8]  }
0x31: {  	[spmem:s13] =	stream.linear.scatter [tilespmem:s21], [sflag:$0x4], $0x2800, $0x38;
	[tilespmem:$0x1C980] =	vst v63  }
0x32: {  	s7 =	rddreg [dreg:$0x9]  }
0x33: {  	[spmem:s7] =	stream.linear.scatter [tilespmem:s21], [sflag:$0x4], $0x2800, $0x38;
	[tilespmem:$0x1C980] =	vst v63  }
0x34: {  	_ = 	snop  }
0x35: {  	[spmem:s14] =	stream.linear.scatter [tilespmem:s21], [sflag:$0x4], $0x2800, $0x38;
	[tilespmem:$0x1C980] =	vst v63  }
0x36: {  	_ = 	snop  }
0x37: {  	[tilespmem:s4], [sflag:$0x5] =	stream.linear.gather [hbm4b:s15+s4], $0x3E80, $0x38;
	[tilespmem:$0x1C980] =	vst v63  }
0x38: {  	_ =	swait.ge [sflag:s22], $0x3E80  }
0x39: {  	[sflag:s22] =	ssyncset.done $0x0  }
0x3a: {  	[sflag:s22] =	ssyncadd.s32 $0xFFFFC180  }
0x3b: {  	[tilespmem:s23], [sflag:$0x5] =	stream.linear.gather [hbm4b:s16+s4], $0x80, $0x38;
	[tilespmem:$0x1C980] =	vst v63  }
0x3c: {  	_ =	swait.ge [sflag:s22], $0x80  }
0x3d: {  	[sflag:s22] =	ssyncset.done $0x0  }
0x3e: {  	[sflag:s22] =	ssyncadd.s32 $0xFFFFFF80  }
0x3f: {  	[tilespmem:s24], [sflag:$0x5] =	stream.linear.gather [hbm4b:s17+s4], $0x80, $0x38;
	[tilespmem:$0x1C980] =	vst v63  }
0x40: {  	_ =	swait.ge [sflag:s22], $0x80  }
0x41: {  	[sflag:s22] =	ssyncset.done $0x0  }
0x42: {  	[sflag:s22] =	ssyncadd.s32 $0xFFFFFF80  }
0x43: {  	[tilespmem:s26], [sflag:$0x1] =	stream.indirect.gather [hbm4b:s1+s25], $0x80, s23, s25, $0xb8;
	[tilespmem:$0x1C980] =	vst v63  }
0x44: {  	_ =	swait.ge [sflag:s28], $0x2800  }
0x45: {  	[sflag:s28] =	ssyncset.done $0x0  }
0x46: {  	[sflag:s28] =	ssyncadd.s32 $0xFFFFD800  }
0x47: {  	_ =	swait.ge [sflag:s28], $0x2800  }
0x48: {  	[sflag:s28] =	ssyncset.done $0x0  }
0x49: {  	[sflag:s28] =	ssyncadd.s32 $0xFFFFD800  }
0x4a: {  	_ =	swait.ge [sflag:s28], $0x2800  }
0x4b: {  	[sflag:s28] =	ssyncset.done $0x0  }
0x4c: {  	[sflag:s28] =	ssyncadd.s32 $0xFFFFD800  }
0x4d: {  	_ =	swait.ge [sflag:s28], $0x2800  }
0x4e: {  	[sflag:s28] =	ssyncset.done $0x0  }
0x4f: {  	[sflag:s28] =	ssyncadd.s32 $0xFFFFD800  }
0x50: {  	_ =	swait.ge [sflag:s28], $0x2800  }
0x51: {  	[sflag:s28] =	ssyncset.done $0x0  }
0x52: {  	[sflag:s28] =	ssyncadd.s32 $0xFFFFD800  }
0x53: {  	_ =	swait.ge [sflag:s28], $0x2800  }
0x54: {  	[sflag:s28] =	ssyncset.done $0x0  }
0x55: {  	[sflag:s28] =	ssyncadd.s32 $0xFFFFD800  }
0x56: {  	_ =	swait.ge [sflag:s28], $0x2800  }
0x57: {  	[sflag:s28] =	ssyncset.done $0x0  }
0x58: {  	[sflag:s28] =	ssyncadd.s32 $0xFFFFD800  }
0x59: {  	_ =	swait.ge [sflag:s28], $0x2800  }
0x5a: {  	s8 =	simm.s32 $0x100;
	[sflag:s28] =	ssyncset.done $0x0  }
0x5b: {  	s7 =	sand.u32 $0x7C00, s8;
	[sflag:s28] =	ssyncadd.s32 $0xFFFFD800  }
0x5c: {  	[tilespmem:s21], [sflag:$0x2] =	stream.indirect.gather [hbm4b:s1+s25], $0x80, s24, s25, $0xb8;
	[tilespmem:$0x1C980] =	vst v63  }
0x5d: {  	s0 =	sand.u32 $0x300, s8;
	s7 =	sadd.s32 s12, s7;
	[bflag:$0x0] =	sbarrier.arrive $0xFFFF  }
0x5e: {  	s0 =	sor.u32 s0, s7;
	_ =	swait.ge [sflag:s29], $0x2800  }
0x5f: {  	s0 =	sshrl.u32 s0, $0x3;
	[sflag:s29] =	ssyncset.done $0x0  }
0x60: {  	s0 =	sadd.s32 s5, s0;
	[sflag:s29] =	ssyncadd.s32 $0xFFFFD800  }
0x61: {  	[tilespmem:s23], [sflag:$0x3] =	stream.linear.gather [hbm4b:s0+s4], $0x80, $0x38;
	[tilespmem:$0x1C980] =	vst v63  }
0x62: {  	s9 =	simm.s32 $0x0  }
0x63: {  	[spmem:s3] =	stream.indirect.scatter.add.f32 [tilespmem:s26], [sflag:$0x5], $0x80, s9, s25, $0xb8;
	[tilespmem:$0x1C980] =	vst v63  }
0x64: {  	_ =	swait.ge [sflag:s22], $0x2800  }
0x65: {  	[sflag:s22] =	ssyncset.done $0x0  }
0x66: {  	[sflag:s22] =	ssyncadd.s32 $0xFFFFD800  }
0x67: {  	s10 =	simm.s32 $0x180;
	_ =	swait.ge [sflag:s30], $0x80  }
0x68: {  	s11 =	sand.u32 $0x7C00, s10;
	[sflag:s30] =	ssyncset.done $0x0  }
0x69: {  	s7 =	sadd.s32 s12, s11;
	s0 =	sand.u32 $0x380, s10;
	[sflag:s30] =	ssyncadd.s32 $0xFFFFFF80  }
0x6a: {  	[tilespmem:s26], [sflag:$0x1] =	stream.indirect.gather [hbm4b:s1+s25], $0x80, s23, s25, $0xb8;
	[tilespmem:$0x1C980] =	vst v63  }
0x6b: {  	s0 =	sor.u32 s0, s7;
	_ =	swait.ge [sflag:s31], $0x2800  }
0x6c: {  	s0 =	sshrl.u32 s0, $0x3;
	[sflag:s31] =	ssyncset.done $0x0  }
0x6d: {  	s0 =	sadd.s32 s5, s0;
	[sflag:s31] =	ssyncadd.s32 $0xFFFFD800  }
0x6e: {  	[tilespmem:s24], [sflag:$0x4] =	stream.linear.gather [hbm4b:s0+s4], $0x80, $0x38;
	[tilespmem:$0x1C980] =	vst v63  }
0x6f: {  	s13 =	simm.s32 $0x80  }
0x70: {  	[spmem:s3] =	stream.indirect.scatter.add.f32 [tilespmem:s21], [sflag:$0x5], $0x80, s13, s25, $0xb8;
	[tilespmem:$0x1C980] =	vst v63  }
0x71: {  	s8 =	simm.s32 $0x380;
	s7 =	simm.s32 $0x280;
	_ =	swait.ge [sflag:s22], $0x2800  }
0x72: {  	s9 =	simm.s32 $0x200;
	s0 =	simm.s32 $0x180;
	[sflag:s22] =	ssyncset.done $0x0  }
.LBB2_4:
0x73: {  	s11 =	sand.u32 $0x7C00, s9  }
0x74: {  	[sflag:s22] =	ssyncadd.s32 $0xFFFFD800;
	s13 =	smov.u32 s8;
	s10 =	sadd.s32 $0x100, s8  }
0x75: {  	s9 =	sand.u32 $0x300, s9;
	s11 =	sadd.s32 s12, s11;
	_ =	swait.ge [sflag:s28], $0x80  }
0x76: {  	p0 =	sne.s32 s8, $0x3D80;
	s8 =	sor.u32 s9, s11;
	[sflag:s28] =	ssyncset.done $0x0  }
0x77: {  	s8 =	sshrl.u32 s8, $0x3;
	[sflag:s28] =	ssyncadd.s32 $0xFFFFFF80  }
0x78: {  	[tilespmem:s21], [sflag:$0x2] =	stream.indirect.gather [hbm4b:s1+s25], $0x80, s24, s25, $0xb8;
	[tilespmem:$0x1C980] =	vst v63  }
0x79: {  	_ =	swait.ge [sflag:s29], $0x2800  }
0x7a: {  	[sflag:s29] =	ssyncset.done $0x0  }
0x7b: {  	s8 =	sadd.s32 s5, s8;
	[sflag:s29] =	ssyncadd.s32 $0xFFFFD800  }
0x7c: {  	[tilespmem:s23], [sflag:$0x3] =	stream.linear.gather [hbm4b:s8+s4], $0x80, $0x38;
	[tilespmem:$0x1C980] =	vst v63  }
0x7d: {  	s8 =	sadd.s32 $0xFFFFFF80, s0  }
0x7e: {  	[spmem:s3] =	stream.indirect.scatter.add.f32 [tilespmem:s26], [sflag:$0x5], $0x80, s8, s25, $0xb8;
	[tilespmem:$0x1C980] =	vst v63  }
0x7f: {  	_ =	swait.ge [sflag:s22], $0x2800  }
0x80: {  	[sflag:s22] =	ssyncset.done $0x0  }
0x81: {  	[sflag:s22] =	ssyncadd.s32 $0xFFFFD800  }
0x82: {  	_ =	swait.ge [sflag:s30], $0x80  }
0x83: {  	[sflag:s30] =	ssyncset.done $0x0  }
0x84: {  	s8 =	sand.u32 $0x7C00, s7;
	[sflag:s30] =	ssyncadd.s32 $0xFFFFFF80  }
0x85: {  	[tilespmem:s26], [sflag:$0x1] =	stream.indirect.gather [hbm4b:s1+s25], $0x80, s23, s25, $0xb8;
	[tilespmem:$0x1C980] =	vst v63  }
0x86: {  	s9 =	sand.u32 $0x380, s7;
	s7 =	smov.u32 s13;
	s8 =	sadd.s32 s12, s8  }
0x87: {  	s8 =	sor.u32 s9, s8;
	_ =	swait.ge [sflag:s31], $0x2800  }
0x88: {  	s8 =	sshrl.u32 s8, $0x3;
	[sflag:s31] =	ssyncset.done $0x0  }
0x89: {  	s8 =	sadd.s32 s5, s8;
	[sflag:s31] =	ssyncadd.s32 $0xFFFFD800  }
0x8a: {  	[tilespmem:s24], [sflag:$0x4] =	stream.linear.gather [hbm4b:s8+s4], $0x80, $0x38;
	[tilespmem:$0x1C980] =	vst v63  }
.Ltmp1:
0x8b: {  	_ = 	snop;
	(pc) =	sbr.rel @p0 .LBB2_4-.Ltmp1, $4  }
0x8c: {  	_ = 	snop  }
0x8d: {  	[spmem:s3] =	stream.indirect.scatter.add.f32 [tilespmem:s21], [sflag:$0x5], $0x80, s0, s25, $0xb8;
	[tilespmem:$0x1C980] =	vst v63  }
0x8e: {  	s9 =	sadd.s32 $0xFFFFFF80, s7;
	_ =	swait.ge [sflag:s22], $0x2800  }
0x8f: {  	s8 =	smov.u32 s10;
	s0 =	sadd.s32 $0x100, s0;
	[sflag:s22] =	ssyncset.done $0x0  }
0x90: {  	[sflag:s22] =	ssyncadd.s32 $0xFFFFD800  }
0x91: {  	_ =	swait.ge [sflag:s28], $0x80  }
0x92: {  	s8 =	sand.u32 $0x7C00, s9;
	[sflag:s28] =	ssyncset.done $0x0  }
0x93: {  	s13 =	sand.u32 $0x300, s9;
	s8 =	sadd.s32 s12, s8;
	[sflag:s28] =	ssyncadd.s32 $0xFFFFFF80  }
0x94: {  	[tilespmem:s21], [sflag:$0x2] =	stream.indirect.gather [hbm4b:s1+s25], $0x80, s24, s25, $0xb8;
	[tilespmem:$0x1C980] =	vst v63  }
0x95: {  	s8 =	sor.u32 s13, s8;
	_ =	swait.ge [sflag:s29], $0x2800  }
0x96: {  	s8 =	sshrl.u32 s8, $0x3;
	[sflag:s29] =	ssyncset.done $0x0  }
0x97: {  	s8 =	sadd.s32 s5, s8;
	[sflag:s29] =	ssyncadd.s32 $0xFFFFD800  }
0x98: {  	[tilespmem:s23], [sflag:$0x3] =	stream.linear.gather [hbm4b:s8+s4], $0x80, $0x38;
	[tilespmem:$0x1C980] =	vst v63  }
0x99: {  	s10 =	sadd.s32 $0xFFFFFF80, s0  }
0x9a: {  	[spmem:s3] =	stream.indirect.scatter.add.f32 [tilespmem:s26], [sflag:$0x5], $0x80, s10, s25, $0xb8;
	[tilespmem:$0x1C980] =	vst v63  }
0x9b: {  	_ =	swait.ge [sflag:s22], $0x2800  }
0x9c: {  	[sflag:s22] =	ssyncset.done $0x0  }
0x9d: {  	[sflag:s22] =	ssyncadd.s32 $0xFFFFD800  }
0x9e: {  	_ =	swait.ge [sflag:s30], $0x80  }
0x9f: {  	s11 =	sand.u32 $0x7C00, s7;
	[sflag:s30] =	ssyncset.done $0x0  }
0xa0: {  	s13 =	sand.u32 $0x380, s7;
	s8 =	sadd.s32 s12, s11;
	[sflag:s30] =	ssyncadd.s32 $0xFFFFFF80  }
0xa1: {  	[tilespmem:s26], [sflag:$0x1] =	stream.indirect.gather [hbm4b:s1+s25], $0x80, s23, s25, $0xb8;
	[tilespmem:$0x1C980] =	vst v63  }
0xa2: {  	s7 =	sor.u32 s13, s8;
	_ =	swait.ge [sflag:s31], $0x2800  }
0xa3: {  	s7 =	sshrl.u32 s7, $0x3;
	[sflag:s31] =	ssyncset.done $0x0  }
0xa4: {  	s7 =	sadd.s32 s5, s7;
	[sflag:s31] =	ssyncadd.s32 $0xFFFFD800  }
0xa5: {  	[tilespmem:s24], [sflag:$0x4] =	stream.linear.gather [hbm4b:s7+s4], $0x80, $0x38;
	[tilespmem:$0x1C980] =	vst v63  }
0xa6: {  	_ = 	snop  }
0xa7: {  	[spmem:s3] =	stream.indirect.scatter.add.f32 [tilespmem:s21], [sflag:$0x5], $0x80, s0, s25, $0xb8;
	[tilespmem:$0x1C980] =	vst v63  }
0xa8: {  	_ =	swait.ge [sflag:s22], $0x2800  }
0xa9: {  	[sflag:s22] =	ssyncset.done $0x0  }
0xaa: {  	[sflag:s22] =	ssyncadd.s32 $0xFFFFD800  }
0xab: {  	_ =	swait.ge [sflag:s28], $0x80  }
0xac: {  	[sflag:s28] =	ssyncset.done $0x0  }
0xad: {  	[sflag:s28] =	ssyncadd.s32 $0xFFFFFF80  }
0xae: {  	[tilespmem:s21], [sflag:$0x2] =	stream.indirect.gather [hbm4b:s1+s25], $0x80, s24, s25, $0xb8;
	[tilespmem:$0x1C980] =	vst v63  }
0xaf: {  	_ =	swait.ge [sflag:s29], $0x2800  }
0xb0: {  	[sflag:s29] =	ssyncset.done $0x0  }
0xb1: {  	[sflag:s29] =	ssyncadd.s32 $0xFFFFD800  }
0xb2: {  	[tilespmem:s23], [sflag:$0x3] =	stream.linear.gather [hbm4b:s20+s4], $0x80, $0x38;
	[tilespmem:$0x1C980] =	vst v63  }
0xb3: {  	s8 =	simm.s32 $0x3D00  }
0xb4: {  	[spmem:s3] =	stream.indirect.scatter.add.f32 [tilespmem:s26], [sflag:$0x5], $0x80, s8, s25, $0xb8;
	[tilespmem:$0x1C980] =	vst v63  }
0xb5: {  	_ =	swait.ge [sflag:s22], $0x2800  }
0xb6: {  	[sflag:s22] =	ssyncset.done $0x0  }
0xb7: {  	[sflag:s22] =	ssyncadd.s32 $0xFFFFD800  }
0xb8: {  	_ =	swait.ge [sflag:s30], $0x80  }
0xb9: {  	[sflag:s30] =	ssyncset.done $0x0  }
0xba: {  	[sflag:s30] =	ssyncadd.s32 $0xFFFFFF80  }
0xbb: {  	[tilespmem:s26], [sflag:$0x1] =	stream.indirect.gather [hbm4b:s1+s25], $0x80, s23, s25, $0xb8;
	[tilespmem:$0x1C980] =	vst v63  }
0xbc: {  	_ =	swait.ge [sflag:s31], $0x2800  }
0xbd: {  	[sflag:s31] =	ssyncset.done $0x0  }
0xbe: {  	s9 =	simm.s32 $0x3D80;
	[sflag:s31] =	ssyncadd.s32 $0xFFFFD800  }
0xbf: {  	[spmem:s3] =	stream.indirect.scatter.add.f32 [tilespmem:s21], [sflag:$0x5], $0x80, s9, s25, $0xb8;
	[tilespmem:$0x1C980] =	vst v63  }
0xc0: {  	_ =	swait.ge [sflag:s22], $0x2800  }
0xc1: {  	[sflag:s22] =	ssyncset.done $0x0  }
0xc2: {  	[sflag:s22] =	ssyncadd.s32 $0xFFFFD800  }
0xc3: {  	_ =	swait.ge [sflag:s29], $0x2800  }
0xc4: {  	[sflag:s29] =	ssyncset.done $0x0  }
0xc5: {  	s10 =	simm.s32 $0x3E00;
	[sflag:s29] =	ssyncadd.s32 $0xFFFFD800  }
0xc6: {  	[spmem:s3] =	stream.indirect.scatter.add.f32 [tilespmem:s26], [sflag:$0x5], $0x80, s10, s25, $0xb8;
	[tilespmem:$0x1C980] =	vst v63  }
0xc7: {  	s2 =	sadd.s32 $0x1, s2;
	_ =	swait.ge [sflag:s22], $0x2800  }
0xc8: {  	p0 =	sne.s32 s2, s19;
	s11 =	stileid.u32;
	[sflag:s22] =	ssyncset.done $0x0  }
0xc9: {  	s13 =	sshrl.u32 s6, $0x3;
	s0 =	sshll.u32 s11, $0x6;
	[sflag:s22] =	ssyncadd.s32 $0xFFFFD800  }
.Ltmp2:
0xca: {  	s0 =	sor.u32 $0x1C05, s0;
	[bflag:$0x0] =	sbarrier.arrive $0xFFFF;
	(pc) =	sbr.rel @p0 .LBB2_1-.Ltmp2, $4  }
0xcb: {  	[hbm:s18], [sflag:s0] =	dma.local [spmem:s13], $0x2800  }
0xcc: {  	_ =	swait.ge [sflag:s22], $0x2800  }
0xcd: {  	[sflag:s22] =	ssyncset.done $0x0  }
0xce: {  	[sflag:s22] =	ssyncadd.s32 $0xFFFFD800  }
0xcf: {  	_ =	sfence.sel $0x180000  }
0xd0: {  	[bflag:$0x0] =	sbarrier.arrive $0xFFFF  }
0xd1: {  	_ =	strace $0x90000053  }
0xd2: {  	s0 =	stileid.u32;
	[bflag:$0x2] =	sbarrier.arrive $0xFFFF  }
0xd3: {  	p0 =	sne.s32 s0, $0x0;
	s0 =	rddreg [dreg:$0x3]  }
0xd4: {  	s0 =	sadd.s32 @!p0 $0x100000, s0  }
0xd5: {  	[sflag:s0] =	ssyncadd.tile.s32 @!p0 $0x1;
	_ =	shalt  }
.Lfunc_end2:
_tile_overlayer_lowered:
.L_overlay_start_2:
0xd6: {  	(tag) =	ssettag $0x2  }
0xd7: {  	s0 =	rddreg [dreg:$0x0];
	s2 =	stileid.u32  }
0xd8: {  	s1 =	rddreg [dreg:$0x1];
	p0 =	sne.s32 s2, $0x0  }
0xd9: {  	s3 =	rddreg [dreg:$0x2];
	[bflag:$0x3] =	sbarrier.arrive $0xFFFF;
	s2 =	simm.s32 @!p0 $0x1C05  }
0xda: {  	[timem:s3], [sflag:s2] =	dma.local @!p0 [hbm:s0], s1  }
0xdb: {  	s0 =	simm.s32 @!p0 $0x5  }
0xdc: {  	_ =	swait.ge @!p0 [sflag:s0], s1  }
0xdd: {  	s1 =	ssub.s32 @!p0 $0x0, s1;
	[sflag:s0] =	ssyncset.done @!p0 $0x0  }
0xde: {  	[sflag:s0] =	ssyncadd.s32 @!p0 s1  }
0xdf: {  	[bflag:$0x3] =	sbarrier.arrive $0xFFFF  }
0xe0: {  	_ =	shalt  }

</sc_bundles>
